<compile_context>
chip_gen: v7x
topology: tpu7x:2x2x1
jax: 0.10.2.dev20260603
libtpu: 0.0.44.dev20260713+nightly
codegen_flags: <defaults>
</compile_context>

<pallas_src>
import functools

import jax
import jax.numpy as jnp
from jax import lax
from jax.experimental import pallas as pl
from jax.experimental.pallas import tpu as pltpu
import jax.experimental.pallas.tpu_sc as plsc

NC = 2
NS = 16
CHUNK = 40
HW = 128


def _relu(v):
    return jnp.maximum(v, 0.0)


def _sigmoid(v):
    return 1.0 / (1.0 + jnp.exp(-v))


def _ewb_body(e_ref, w_ref, b_ref, out_ref):
    out_ref[...] = jnp.dot(e_ref[...], w_ref[...],
                           preferred_element_type=jnp.float32) + b_ref[...]


def _ewb(e, w0e, b0, eb):
    e_tot, fe = e.shape
    return pl.pallas_call(
        _ewb_body,
        grid=(e_tot // eb,),
        in_specs=[
            pl.BlockSpec((eb, fe), lambda j: (j, 0)),
            pl.BlockSpec((fe, 64), lambda j: (0, 0)),
            pl.BlockSpec((1, 64), lambda j: (0, 0)),
        ],
        out_specs=pl.BlockSpec((eb, 64), lambda j: (j, 0)),
        out_shape=jax.ShapeDtypeStruct((e_tot, 64), jnp.float32),
    )(e, w0e, b0)


def _pq_body(x_ref, u_ref, b_ref, wx_ref, wu_ref, pq_ref):
    nb = x_ref.shape[0]
    xw = jnp.dot(x_ref[...], wx_ref[...], preferred_element_type=jnp.float32)
    uw = jnp.dot(u_ref[...], wu_ref[...], preferred_element_type=jnp.float32)
    bvec = b_ref[0, 0]
    oh = (bvec.reshape(nb, 1) ==
          lax.broadcasted_iota(jnp.int32, (nb, 16), 1)).astype(jnp.float32)
    ug = jnp.dot(oh, uw, preferred_element_type=jnp.float32)
    pq_ref[...] = jnp.concatenate([xw, ug - xw], axis=1)


def _pq(x, u, batch_r, w0x, w0u, nb):
    n_tot, fx = x.shape
    return pl.pallas_call(
        _pq_body,
        grid=(n_tot // nb,),
        in_specs=[
            pl.BlockSpec((nb, fx), lambda j: (j, 0)),
            pl.BlockSpec((16, fx), lambda j: (0, 0)),
            pl.BlockSpec((1, 1, nb), lambda j: (j, 0, 0)),
            pl.BlockSpec((fx, 64), lambda j: (0, 0)),
            pl.BlockSpec((fx, 64), lambda j: (0, 0)),
        ],
        out_specs=pl.BlockSpec((nb, 128), lambda j: (j, 0)),
        out_shape=jax.ShapeDtypeStruct((n_tot, 128), jnp.float32),
    )(x, u, batch_r, w0x, w0u)


def _edge_sc_body(n_pad, n_edges,
                  pq_hbm, ewb_hbm, src_hbm, dst_hbm, z_hbm, out_hbm,
                  idx_s, idx_d, buf_d, buf_s, buf_e, buf_h, s_sh,
                  sem_p0, sem_q0, sem_e0, sem_p1, sem_q1, sem_e1):
    c = lax.axis_index("c")
    s = lax.axis_index("s")
    w = s * NC + c
    npart = n_pad // NS
    per_tile = n_edges // (NC * NS)
    nchunk = per_tile // CHUNK
    base0 = w * per_tile
    sems = ((sem_p0, sem_q0, sem_e0), (sem_p1, sem_q1, sem_e1))

    pltpu.sync_copy(z_hbm.at[pl.ds(s * npart, npart)],
                    s_sh.at[pl.ds(s * npart, npart)])

    def ones_row(r, carry):
        buf_h[r, pl.ds(64, 16)] = jnp.full((16,), 1.0, jnp.float32)
        for k in range(5, 8):
            buf_h[r, pl.ds(k * 16, 16)] = jnp.zeros((16,), jnp.float32)
        return carry
    lax.fori_loop(0, CHUNK, ones_row, 0)
    plsc.subcore_barrier()

    def fire(b, base):
        base = jnp.minimum(base, n_edges - CHUNK)
        sp, sq, se = sems[b]
        pltpu.sync_copy(src_hbm.at[pl.ds(base, CHUNK)], idx_s.at[b])
        pltpu.sync_copy(dst_hbm.at[pl.ds(base, CHUNK)], idx_d.at[b])
        pltpu.async_copy(pq_hbm.at[idx_d.at[b]], buf_d.at[b], sp)
        pltpu.async_copy(pq_hbm.at[idx_s.at[b]], buf_s.at[b], sq)
        pltpu.async_copy(ewb_hbm.at[pl.ds(base, CHUNK)], buf_e.at[b], se)

    def wait_all(b, base):
        sp, sq, se = sems[b]
        pltpu.make_async_copy(pq_hbm.at[idx_d.at[b]], buf_d.at[b], sp).wait()
        pltpu.make_async_copy(pq_hbm.at[idx_s.at[b]], buf_s.at[b], sq).wait()
        pltpu.make_async_copy(ewb_hbm.at[pl.ds(base, CHUNK)], buf_e.at[b],
                              se).wait()

    def consume(b, base):
        wait_all(b, base)
        bd = buf_d.at[b]
        bs = buf_s.at[b]
        be = buf_e.at[b]
        def rows4(rr, inner):
            r0 = rr * 4
            for dr in range(4):
                r = r0 + dr
                for k in range(4):
                    sl = pl.ds(k * 16, 16)
                    buf_h[r, sl] = _relu(bd[r, sl]
                                         + bs[r, pl.ds(64 + k * 16, 16)]
                                         + be[r, sl])
            return inner
        lax.fori_loop(0, CHUNK // 4, rows4, 0)
        pltpu.sync_copy(buf_h, s_sh.at[idx_d.at[b]], add=True)

    fire(0, base0)
    fire(1, base0 + CHUNK)

    def pair_body(j2, carry):
        j = j2 * 2
        for b in range(2):
            base = base0 + (j + b) * CHUNK
            consume(b, base)
            fire(b, base + 2 * CHUNK)
        return carry
    lax.fori_loop(0, nchunk // 2, pair_body, 0)

    wait_all(0, base0 + (nchunk - 1) * CHUNK)
    wait_all(1, base0 + (nchunk - 1) * CHUNK)

    plsc.subcore_barrier()
    pltpu.sync_copy(s_sh.at[pl.ds(s * npart, npart)],
                    out_hbm.at[c, pl.ds(s * npart, npart)])


def _edge_scatter(pq, ewb, src, dst, zeros):
    n_pad = zeros.shape[0]
    n_edges = src.shape[0]
    mesh = plsc.VectorSubcoreMesh(core_axis_name="c", subcore_axis_name="s",
                                  num_cores=NC, num_subcores=NS)
    kern = pl.kernel(
        functools.partial(_edge_sc_body, n_pad, n_edges),
        out_type=jax.ShapeDtypeStruct((NC, n_pad, HW), jnp.float32),
        mesh=mesh,
        scratch_types=[
            pltpu.VMEM((2, CHUNK), jnp.int32),
            pltpu.VMEM((2, CHUNK), jnp.int32),
            pltpu.VMEM((2, CHUNK, 128), jnp.float32),
            pltpu.VMEM((2, CHUNK, 128), jnp.float32),
            pltpu.VMEM((2, CHUNK, 64), jnp.float32),
            pltpu.VMEM((CHUNK, HW), jnp.float32),
            pltpu.VMEM_SHARED((n_pad, HW), jnp.float32),
        ] + [pltpu.SemaphoreType.DMA] * 6,
    )
    return kern(pq, ewb, src, dst, zeros)


def _node_body(x_ref, u_ref, b_ref, s_ref,
               w1e_ref, wn0x_ref, wn0a_ref, wn0u_ref, bn0_ref,
               wn1_ref, bn1_ref,
               wa0x_ref, wa0u_ref, ba0_ref, wa1_ref, ba1_ref,
               wv0x_ref, wv0u_ref, bv0_ref, wv1_ref, bv1_ref,
               b1_ref, out_ref):
    i = pl.program_id(0)
    nb = x_ref.shape[0]
    dot = functools.partial(jnp.dot, preferred_element_type=jnp.float32)

    ssum = s_ref[0] + s_ref[1]
    s64 = ssum[:, :64]
    deg = ssum[:, 64:65]
    x = x_ref[...]
    uu = u_ref[...]
    bvec = b_ref[0, 0]
    oh = (bvec.reshape(nb, 1) ==
          lax.broadcasted_iota(jnp.int32, (nb, 16), 1)).astype(jnp.float32)

    wf = dot(w1e_ref[...], wn0a_ref[...])
    bf = dot(b1_ref[...], wn0a_ref[...])

    z = _relu(dot(x, wn0x_ref[...]) + dot(s64, wf) + deg * bf
              + dot(oh, dot(uu, wn0u_ref[...])) + bn0_ref[...])
    x_h = dot(z, wn1_ref[...]) + bn1_ref[...]

    ga = _relu(dot(x_h, wa0x_ref[...]) + dot(oh, dot(uu, wa0u_ref[...]))
               + ba0_ref[...])
    attn = _sigmoid(dot(ga, wa1_ref[...]) + ba1_ref[...])
    gv = _relu(dot(x_h, wv0x_ref[...]) + dot(oh, dot(uu, wv0u_ref[...]))
               + bv0_ref[...])
    val = dot(gv, wv1_ref[...]) + bv1_ref[...]
    y = attn * val

    part = lax.dot_general(oh, y, (((0,), (0,)), ((), ())),
                           preferred_element_type=jnp.float32)

    @pl.when(i == 0)
    def _():
        out_ref[...] = part

    @pl.when(i > 0)
    def _():
        out_ref[...] += part


def _node_stage(x, u, batch_r, s, weights, nb):
    n_tot, fx = x.shape
    full = lambda shp: pl.BlockSpec(shp, lambda j: tuple(0 for _ in shp))
    in_specs = [
        pl.BlockSpec((nb, fx), lambda j: (j, 0)),
        pl.BlockSpec((16, fx), lambda j: (0, 0)),
        pl.BlockSpec((1, 1, nb), lambda j: (j, 0, 0)),
        pl.BlockSpec((NC, nb, HW), lambda j: (0, j, 0)),
    ] + [full(w.shape) for w in weights]
    return pl.pallas_call(
        _node_body,
        grid=(n_tot // nb,),
        in_specs=in_specs,
        out_specs=pl.BlockSpec((16, 64), lambda j: (0, 0)),
        out_shape=jax.ShapeDtypeStruct((16, 64), jnp.float32),
    )(x, u, batch_r, s, *weights)


def _final_body(u1_ref, u2_ref, w0_ref, b0_ref, w1_ref, b1_ref, out_ref):
    dot = functools.partial(jnp.dot, preferred_element_type=jnp.float32)
    uh = jnp.concatenate([u1_ref[...], u2_ref[...]], axis=1)
    h = _relu(dot(uh, w0_ref[...]) + b0_ref[...])
    out_ref[...] = dot(h, w1_ref[...]) + b1_ref[...]


def _final(u1_h, u2_h, w0, b0, w1, b1):
    return pl.pallas_call(
        _final_body,
        out_shape=jax.ShapeDtypeStruct((16, w1.shape[1]), jnp.float32),
    )(u1_h, u2_h, w0, b0, w1, b1)


def kernel(x1, edge_index1, e1, u1, batch1, x2, edge_index2, e2, u2, batch2,
           params):
    n = x1.shape[0]
    n_edges = e1.shape[0]
    fx = x1.shape[1]
    fe = e1.shape[1]
    nb = 2000
    eb = 8000

    (w0, b0), (w1, b1) = params['edge']
    (wn0, bn0), (wn1, bn1) = params['node']
    (wa0, ba0), (wa1, ba1) = params['glob_a']
    (wv0, bv0), (wv1, bv1) = params['glob_v']
    (wf0, bf0), (wf1, bf1) = params['final']

    w0x = w0[:fx]
    w0e = w0[fx:fx + fe]
    w0u = w0[fx + fe:]
    wn0x = wn0[:fx]
    wn0a = wn0[fx:fx + 64]
    wn0u = wn0[fx + 64:]
    wa0x, wa0u = wa0[:64], wa0[64:]
    wv0x, wv0u = wv0[:64], wv0[64:]
    row = lambda v: v.reshape(1, -1)

    batch_r1 = batch1.reshape(n // nb, 1, nb)
    batch_r2 = batch2.reshape(n // nb, 1, nb)

    n_pad = (-(-(n // NS) // 8) * 8) * NS
    zeros = jnp.zeros((n_pad, HW), jnp.float32)
    weights = [w1, wn0x, wn0a, wn0u, row(bn0), wn1, row(bn1),
               wa0x, wa0u, row(ba0), wa1, row(ba1),
               wv0x, wv0u, row(bv0), wv1, row(bv1), row(b1)]

    ewb1 = _ewb(e1, w0e, row(b0), eb)
    pq1 = _pq(x1, u1, batch_r1, w0x, w0u, nb)
    s1 = _edge_scatter(pq1, ewb1, edge_index1[0], edge_index1[1], zeros)

    ewb2 = _ewb(e2, w0e, row(b0), eb)
    pq2 = _pq(x2, u2, batch_r2, w0x, w0u, nb)
    s2 = _edge_scatter(pq2, ewb2, edge_index2[0], edge_index2[1], zeros)

    u1_h = _node_stage(x1, u1, batch_r1, s1, weights, nb)
    u2_h = _node_stage(x2, u2, batch_r2, s2, weights, nb)

    return _final(u1_h, u2_h, wf0, row(bf0), wf1, row(bf1))

# --- scband reference (transcript-rebuilt; emitter-appended) ---
"""Pipeline reference for scband-simplified-graph-embedding-46084999086133 (READ-ONLY COPY).

The authoritative reference and input builder live on the scoring server;
editing this copy changes nothing except your own understanding.
"""

import jax, jax.numpy as jnp
import numpy as np

N = 10000
E = 320000
B = 16
F_X = 128
F_E = 16
F_U = 128
F_OUT = 32
H = 64
HIDDEN = [64]


def init_mlp(key, sizes):
    params = []
    for i in range(len(sizes) - 1):
        key, k1 = jax.random.split(key)
        W = jax.random.normal(k1, (sizes[i], sizes[i + 1]), dtype=jnp.float32) / np.sqrt(sizes[i])
        b = jnp.zeros((sizes[i + 1],), dtype=jnp.float32)
        params.append((W, b))
    return params


def apply_mlp(params, x):
    n = len(params)
    for i, (W, b) in enumerate(params):
        x = x @ W + b
        if i < n - 1:
            x = jax.nn.relu(x)
    return x


def setup_inputs(seed: int = 0):
    key = jax.random.key(seed)
    ks = jax.random.split(key, 16)
    x1 = jax.random.normal(ks[0], (N, F_X), dtype=jnp.float32)
    edge_index1 = jax.random.randint(ks[1], (2, E), 0, N, dtype=jnp.int32)
    e1 = jax.random.normal(ks[2], (E, F_E), dtype=jnp.float32)
    u1 = jax.random.normal(ks[3], (B, F_U), dtype=jnp.float32)
    batch1 = jnp.sort(jax.random.randint(ks[4], (N,), 0, B, dtype=jnp.int32))
    x2 = jax.random.normal(ks[5], (N, F_X), dtype=jnp.float32)
    edge_index2 = jax.random.randint(ks[6], (2, E), 0, N, dtype=jnp.int32)
    e2 = jax.random.normal(ks[7], (E, F_E), dtype=jnp.float32)
    u2 = jax.random.normal(ks[8], (B, F_U), dtype=jnp.float32)
    batch2 = jnp.sort(jax.random.randint(ks[9], (N,), 0, B, dtype=jnp.int32))
    params = {
        'edge': init_mlp(ks[10], [F_X + F_E + F_U] + HIDDEN + [H]),
        'node': init_mlp(ks[11], [F_X + H + F_U] + HIDDEN + [H]),
        'glob_a': init_mlp(ks[12], [H + F_U] + HIDDEN + [H]),
        'glob_v': init_mlp(ks[13], [H + F_U] + HIDDEN + [H]),
        'final': init_mlp(ks[14], [2 * H] + HIDDEN + [F_OUT]),
    }
    return {
        'x1': x1, 'edge_index1': edge_index1, 'e1': e1, 'u1': u1, 'batch1': batch1,
        'x2': x2, 'edge_index2': edge_index2, 'e2': e2, 'u2': u2, 'batch2': batch2,
        'params': params,
    }


def graph_embedding(params, x, edge_index, e, u, batch):
    src = edge_index[0]
    dst = edge_index[1]
    edge_batch = batch[src]
    # EdgeModelDiff: phi_e([x_dst - x_src, e, u[batch_e]])
    e_in = jnp.concatenate([x[dst] - x[src], e, u[edge_batch]], axis=1)
    e_h = apply_mlp(params['edge'], e_in)
    # NodeModel: aggregate incoming edge messages per dst node (scatter-add)
    agg_e = jax.ops.segment_sum(e_h, dst, num_segments=x.shape[0])
    n_in = jnp.concatenate([x, agg_e, u[batch]], axis=1)
    x_h = apply_mlp(params['node'], n_in)
    # NodeGlobalModelAttention: attention-gated node aggregation per graph
    g_in = jnp.concatenate([x_h, u[batch]], axis=1)
    attn = jax.nn.sigmoid(apply_mlp(params['glob_a'], g_in))
    val = apply_mlp(params['glob_v'], g_in)
    u_h = jax.ops.segment_sum(attn * val, batch, num_segments=u.shape[0])
    return u_h


def reference(x1, edge_index1, e1, u1, batch1, x2, edge_index2, e2, u2, batch2, params):
    u1_h = graph_embedding(params, x1, edge_index1, e1, u1, batch1)
    u2_h = graph_embedding(params, x2, edge_index2, e2, u2, batch2)
    return apply_mlp(params['final'], jnp.concatenate([u1_h, u2_h], axis=1))

if __name__ == "__main__":
    import jax
    _d = setup_inputs()
    print(jax.jit(kernel)(*tuple(_d.values())))

</pallas_src>

<mosaic_0001>
#map = affine_map<(d0, d1) -> (0, 0)>
#map1 = affine_map<(d0, d1) -> (0)>
#map2 = affine_map<(d0, d1) -> (0, 0, 0)>
module attributes {stable_mosaic.version = 14 : i64} {
  func.func @_edge_sc_body(%arg0: i32, %arg1: i32, %arg2: memref<10000x128xf32, #tpu.memory_space<hbm>>, %arg3: memref<320000x64xf32, #tpu.memory_space<hbm>>, %arg4: memref<320000xi32, #tpu.memory_space<hbm>>, %arg5: memref<320000xi32, #tpu.memory_space<hbm>>, %arg6: memref<10112x128xf32, #tpu.memory_space<hbm>>, %arg7: memref<2x10112x128xf32, #tpu.memory_space<hbm>>, %arg8: memref<2x40xi32, #tpu.memory_space<vmem>>, %arg9: memref<2x40xi32, #tpu.memory_space<vmem>>, %arg10: memref<2x40x128xf32, #tpu.memory_space<vmem>>, %arg11: memref<2x40x128xf32, #tpu.memory_space<vmem>>, %arg12: memref<2x40x64xf32, #tpu.memory_space<vmem>>, %arg13: memref<40x128xf32, #tpu.memory_space<vmem>>, %arg14: memref<10112x128xf32, #tpu.memory_space<vmem_shared>>, %arg15: memref<!tpu.dma_semaphore, #tpu.memory_space<semaphore_mem>>, %arg16: memref<!tpu.dma_semaphore, #tpu.memory_space<semaphore_mem>>, %arg17: memref<!tpu.dma_semaphore, #tpu.memory_space<semaphore_mem>>, %arg18: memref<!tpu.dma_semaphore, #tpu.memory_space<semaphore_mem>>, %arg19: memref<!tpu.dma_semaphore, #tpu.memory_space<semaphore_mem>>, %arg20: memref<!tpu.dma_semaphore, #tpu.memory_space<semaphore_mem>>) attributes {dimension_semantics = [#tpu.dimension_semantics<core_parallel>, #tpu.dimension_semantics<subcore_parallel>], iteration_bounds = array<i64: 2, 16>, scalar_prefetch = 0 : i64, scratch_operands = 13 : i64, tpu.core_type = #tpu.core_type<sc_vector_subcore>, window_params = [{transform_indices = #map}, {transform_indices = #map}, {transform_indices = #map1}, {transform_indices = #map1}, {transform_indices = #map}, {transform_indices = #map2}]} {
    %mul3A = arith.constant 2 : i32
    %mul3A_0 = arith.muli %arg1, %mul3A : i32
    %add3A = arith.addi %mul3A_0, %arg0 : i32
    %mul3A_1 = arith.constant 10000 : i32
    %mul3A_2 = arith.muli %add3A, %mul3A_1 : i32
    %mul3A_3 = arith.constant 632 : i32
    %mul3A_4 = arith.muli %arg1, %mul3A_3 : i32
    %mul3A_5 = arith.constant 632 : i32
    %mul3A_6 = arith.muli %arg1, %mul3A_5 : i32
    "tpu.region"() ({
      %run_scoped3A_181 = tpu.sem_alloc : memref<!tpu.dma_semaphore, #tpu.memory_space<semaphore_mem>>
      %dma_start3A_182 = arith.constant 0 : i32
      %dma_start3A_183 = tpu.memref_slice %arg14[%mul3A_6, %dma_start3A_182] : memref<10112x128xf32, #tpu.memory_space<vmem_shared>> -> memref<632x128xf32, #tpu.memory_space<vmem_shared>>
      %dma_start3A_184 = arith.constant 0 : i32
      %dma_start3A_185 = tpu.memref_slice %arg6[%mul3A_4, %dma_start3A_184] : memref<10112x128xf32, #tpu.memory_space<hbm>> -> memref<632x128xf32, #tpu.memory_space<hbm>>
      tpu.enqueue_dma source(%dma_start3A_185 : memref<632x128xf32, #tpu.memory_space<hbm>>) target(%dma_start3A_183 : memref<632x128xf32, #tpu.memory_space<vmem_shared>>) target_semaphore(%run_scoped3A_181 : memref<!tpu.dma_semaphore, #tpu.memory_space<semaphore_mem>>)
      %dma_wait3A_186 = arith.constant 0 : i32
      %dma_wait3A_187 = tpu.memref_slice %arg14[%mul3A_6, %dma_wait3A_186] : memref<10112x128xf32, #tpu.memory_space<vmem_shared>> -> memref<632x128xf32, #tpu.memory_space<vmem_shared>>
      %dma_wait3A_188 = arith.constant 0 : i32
      %dma_wait3A_189 = tpu.memref_slice %arg6[%mul3A_4, %dma_wait3A_188] : memref<10112x128xf32, #tpu.memory_space<hbm>> -> memref<632x128xf32, #tpu.memory_space<hbm>>
      tpu.wait_dma2 semaphore(%run_scoped3A_181 : memref<!tpu.dma_semaphore, #tpu.memory_space<semaphore_mem>>) src(%dma_wait3A_189 : memref<632x128xf32, #tpu.memory_space<hbm>>) dst(%dma_wait3A_187 : memref<632x128xf32, #tpu.memory_space<vmem_shared>>)
      tpu.yield
    }) : () -> ()
    %scan3A = arith.constant 0 : i32
    %scan3A_7 = arith.constant 0 : i32
    %scan3A_8 = arith.constant 40 : i32
    %scan3A_9 = arith.addi %scan3A_7, %scan3A_8 : i32
    %scan3A_10 = arith.constant 1 : i32
    scf.for %scan3A_181 = %scan3A_7 to %scan3A_9 step %scan3A_10  : i32 {
      %broadcast_in_dim3A = arith.constant 1.000000e+00 : f32
      %broadcast_in_dim3A_182 = vector.broadcast %broadcast_in_dim3A : f32 to vector<16xf32>
      %swap3A = arith.index_cast %scan3A_181 : i32 to index
      %swap3A_183 = arith.constant 64 : index
      %swap3A_184 = tpu.vector_load %arg13[%swap3A, %swap3A_183] {strides = array<i32>} : memref<40x128xf32, #tpu.memory_space<vmem>>, vector<1x16xf32>,
      %swap3A_185 = vector.shape_cast %swap3A_184 : vector<1x16xf32> to vector<16xf32>
      %swap3A_186 = vector.shape_cast %broadcast_in_dim3A_182 : vector<16xf32> to vector<1x16xf32>
      tpu.vector_store %arg13[%swap3A, %swap3A_183], %swap3A_186 {strides = array<i32>} : memref<40x128xf32, #tpu.memory_space<vmem>>, vector<1x16xf32>,
      %broadcast_in_dim3A_187 = arith.constant 0.000000e+00 : f32
      %broadcast_in_dim3A_188 = vector.broadcast %broadcast_in_dim3A_187 : f32 to vector<16xf32>
      %swap3A_189 = arith.index_cast %scan3A_181 : i32 to index
      %swap3A_190 = arith.constant 80 : index
      %swap3A_191 = tpu.vector_load %arg13[%swap3A_189, %swap3A_190] {strides = array<i32>} : memref<40x128xf32, #tpu.memory_space<vmem>>, vector<1x16xf32>,
      %swap3A_192 = vector.shape_cast %swap3A_191 : vector<1x16xf32> to vector<16xf32>
      %swap3A_193 = vector.shape_cast %broadcast_in_dim3A_188 : vector<16xf32> to vector<1x16xf32>
      tpu.vector_store %arg13[%swap3A_189, %swap3A_190], %swap3A_193 {strides = array<i32>} : memref<40x128xf32, #tpu.memory_space<vmem>>, vector<1x16xf32>,
      %broadcast_in_dim3A_194 = arith.constant 0.000000e+00 : f32
      %broadcast_in_dim3A_195 = vector.broadcast %broadcast_in_dim3A_194 : f32 to vector<16xf32>
      %swap3A_196 = arith.index_cast %scan3A_181 : i32 to index
      %swap3A_197 = arith.constant 96 : index
      %swap3A_198 = tpu.vector_load %arg13[%swap3A_196, %swap3A_197] {strides = array<i32>} : memref<40x128xf32, #tpu.memory_space<vmem>>, vector<1x16xf32>,
      %swap3A_199 = vector.shape_cast %swap3A_198 : vector<1x16xf32> to vector<16xf32>
      %swap3A_200 = vector.shape_cast %broadcast_in_dim3A_195 : vector<16xf32> to vector<1x16xf32>
      tpu.vector_store %arg13[%swap3A_196, %swap3A_197], %swap3A_200 {strides = array<i32>} : memref<40x128xf32, #tpu.memory_space<vmem>>, vector<1x16xf32>,
      %broadcast_in_dim3A_201 = arith.constant 0.000000e+00 : f32
      %broadcast_in_dim3A_202 = vector.broadcast %broadcast_in_dim3A_201 : f32 to vector<16xf32>
      %swap3A_203 = arith.index_cast %scan3A_181 : i32 to index
      %swap3A_204 = arith.constant 112 : index
      %swap3A_205 = tpu.vector_load %arg13[%swap3A_203, %swap3A_204] {strides = array<i32>} : memref<40x128xf32, #tpu.memory_space<vmem>>, vector<1x16xf32>,
      %swap3A_206 = vector.shape_cast %swap3A_205 : vector<1x16xf32> to vector<16xf32>
      %swap3A_207 = vector.shape_cast %broadcast_in_dim3A_202 : vector<16xf32> to vector<1x16xf32>
      tpu.vector_store %arg13[%swap3A_203, %swap3A_204], %swap3A_207 {strides = array<i32>} : memref<40x128xf32, #tpu.memory_space<vmem>>, vector<1x16xf32>,
    }
    %scan3A_11 = arith.constant 40 : i32
    %barrier3A = arith.constant 0 : index
    tpu.barrier barrier_id(%barrier3A)
    %min3A = arith.constant 319960 : i32
    %min3A_12 = arith.minsi %mul3A_2, %min3A : i32
    %run_scoped3A = arith.constant 0 : i32
    "tpu.region"() ({
      %run_scoped3A_181 = tpu.sem_alloc : memref<!tpu.dma_semaphore, #tpu.memory_space<semaphore_mem>>
      %dma_start3A_182 = arith.constant 0 : i32
      %dma_start3A_183 = tpu.memref_slice %arg8[%run_scoped3A, %dma_start3A_182] : memref<2x40xi32, #tpu.memory_space<vmem>> -> memref<1x40xi32, #tpu.memory_space<vmem>>
      %dma_start3A_184 = tpu.memref_squeeze %dma_start3A_183 : memref<1x40xi32, #tpu.memory_space<vmem>> -> memref<40xi32, #tpu.memory_space<vmem>>
      %dma_start3A_185 = tpu.memref_slice %arg4[%min3A_12] : memref<320000xi32, #tpu.memory_space<hbm>> -> memref<40xi32, #tpu.memory_space<hbm>>
      %dma_start3A_186 = arith.constant 0 : i32
      %dma_start3A_187 = tpu.memref_slice %arg8[%run_scoped3A, %dma_start3A_186] : memref<2x40xi32, #tpu.memory_space<vmem>> -> memref<1x40xi32, #tpu.memory_space<vmem>>
      %dma_start3A_188 = tpu.memref_squeeze %dma_start3A_187 : memref<1x40xi32, #tpu.memory_space<vmem>> -> memref<40xi32, #tpu.memory_space<vmem>>
      %dma_start3A_189 = tpu.memref_slice %arg4[%min3A_12] : memref<320000xi32, #tpu.memory_space<hbm>> -> memref<40xi32, #tpu.memory_space<hbm>>
      tpu.enqueue_dma source(%dma_start3A_189 : memref<40xi32, #tpu.memory_space<hbm>>) target(%dma_start3A_188 : memref<40xi32, #tpu.memory_space<vmem>>) target_semaphore(%run_scoped3A_181 : memref<!tpu.dma_semaphore, #tpu.memory_space<semaphore_mem>>)
      %dma_wait3A_190 = arith.constant 0 : i32
      %dma_wait3A_191 = tpu.memref_slice %arg8[%run_scoped3A, %dma_wait3A_190] : memref<2x40xi32, #tpu.memory_space<vmem>> -> memref<1x40xi32, #tpu.memory_space<vmem>>
      %dma_wait3A_192 = tpu.memref_squeeze %dma_wait3A_191 : memref<1x40xi32, #tpu.memory_space<vmem>> -> memref<40xi32, #tpu.memory_space<vmem>>
      %dma_wait3A_193 = tpu.memref_slice %arg4[%min3A_12] : memref<320000xi32, #tpu.memory_space<hbm>> -> memref<40xi32, #tpu.memory_space<hbm>>
      %dma_wait3A_194 = arith.constant 0 : i32
      %dma_wait3A_195 = tpu.memref_slice %arg8[%run_scoped3A, %dma_wait3A_194] : memref<2x40xi32, #tpu.memory_space<vmem>> -> memref<1x40xi32, #tpu.memory_space<vmem>>
      %dma_wait3A_196 = tpu.memref_squeeze %dma_wait3A_195 : memref<1x40xi32, #tpu.memory_space<vmem>> -> memref<40xi32, #tpu.memory_space<vmem>>
      %dma_wait3A_197 = tpu.memref_slice %arg4[%min3A_12] : memref<320000xi32, #tpu.memory_space<hbm>> -> memref<40xi32, #tpu.memory_space<hbm>>
      tpu.wait_dma2 semaphore(%run_scoped3A_181 : memref<!tpu.dma_semaphore, #tpu.memory_space<semaphore_mem>>) src(%dma_wait3A_197 : memref<40xi32, #tpu.memory_space<hbm>>) dst(%dma_wait3A_196 : memref<40xi32, #tpu.memory_space<vmem>>)
      tpu.yield
    }) : () -> ()
    %run_scoped3A_13 = arith.constant 0 : i32
    "tpu.region"() ({
      %run_scoped3A_181 = tpu.sem_alloc : memref<!tpu.dma_semaphore, #tpu.memory_space<semaphore_mem>>
      %dma_start3A_182 = arith.constant 0 : i32
      %dma_start3A_183 = tpu.memref_slice %arg9[%run_scoped3A_13, %dma_start3A_182] : memref<2x40xi32, #tpu.memory_space<vmem>> -> memref<1x40xi32, #tpu.memory_space<vmem>>
      %dma_start3A_184 = tpu.memref_squeeze %dma_start3A_183 : memref<1x40xi32, #tpu.memory_space<vmem>> -> memref<40xi32, #tpu.memory_space<vmem>>
      %dma_start3A_185 = tpu.memref_slice %arg5[%min3A_12] : memref<320000xi32, #tpu.memory_space<hbm>> -> memref<40xi32, #tpu.memory_space<hbm>>
      %dma_start3A_186 = arith.constant 0 : i32
      %dma_start3A_187 = tpu.memref_slice %arg9[%run_scoped3A_13, %dma_start3A_186] : memref<2x40xi32, #tpu.memory_space<vmem>> -> memref<1x40xi32, #tpu.memory_space<vmem>>
      %dma_start3A_188 = tpu.memref_squeeze %dma_start3A_187 : memref<1x40xi32, #tpu.memory_space<vmem>> -> memref<40xi32, #tpu.memory_space<vmem>>
      %dma_start3A_189 = tpu.memref_slice %arg5[%min3A_12] : memref<320000xi32, #tpu.memory_space<hbm>> -> memref<40xi32, #tpu.memory_space<hbm>>
      tpu.enqueue_dma source(%dma_start3A_189 : memref<40xi32, #tpu.memory_space<hbm>>) target(%dma_start3A_188 : memref<40xi32, #tpu.memory_space<vmem>>) target_semaphore(%run_scoped3A_181 : memref<!tpu.dma_semaphore, #tpu.memory_space<semaphore_mem>>)
      %dma_wait3A_190 = arith.constant 0 : i32
      %dma_wait3A_191 = tpu.memref_slice %arg9[%run_scoped3A_13, %dma_wait3A_190] : memref<2x40xi32, #tpu.memory_space<vmem>> -> memref<1x40xi32, #tpu.memory_space<vmem>>
      %dma_wait3A_192 = tpu.memref_squeeze %dma_wait3A_191 : memref<1x40xi32, #tpu.memory_space<vmem>> -> memref<40xi32, #tpu.memory_space<vmem>>
      %dma_wait3A_193 = tpu.memref_slice %arg5[%min3A_12] : memref<320000xi32, #tpu.memory_space<hbm>> -> memref<40xi32, #tpu.memory_space<hbm>>
      %dma_wait3A_194 = arith.constant 0 : i32
      %dma_wait3A_195 = tpu.memref_slice %arg9[%run_scoped3A_13, %dma_wait3A_194] : memref<2x40xi32, #tpu.memory_space<vmem>> -> memref<1x40xi32, #tpu.memory_space<vmem>>
      %dma_wait3A_196 = tpu.memref_squeeze %dma_wait3A_195 : memref<1x40xi32, #tpu.memory_space<vmem>> -> memref<40xi32, #tpu.memory_space<vmem>>
      %dma_wait3A_197 = tpu.memref_slice %arg5[%min3A_12] : memref<320000xi32, #tpu.memory_space<hbm>> -> memref<40xi32, #tpu.memory_space<hbm>>
      tpu.wait_dma2 semaphore(%run_scoped3A_181 : memref<!tpu.dma_semaphore, #tpu.memory_space<semaphore_mem>>) src(%dma_wait3A_197 : memref<40xi32, #tpu.memory_space<hbm>>) dst(%dma_wait3A_196 : memref<40xi32, #tpu.memory_space<vmem>>)
      tpu.yield
    }) : () -> ()
    %dma_start3A = arith.constant 0 : i32
    %dma_start3A_14 = arith.constant 0 : i32
    %dma_start3A_15 = arith.constant 0 : i32
    %dma_start3A_16 = arith.constant 0 : i32
    %dma_start3A_17 = tpu.memref_slice %arg10[%dma_start3A_14, %dma_start3A_15, %dma_start3A_16] : memref<2x40x128xf32, #tpu.memory_space<vmem>> -> memref<1x40x128xf32, #tpu.memory_space<vmem>>
    %dma_start3A_18 = tpu.memref_squeeze %dma_start3A_17 : memref<1x40x128xf32, #tpu.memory_space<vmem>> -> memref<40x128xf32, #tpu.memory_space<vmem>>
    %dma_start3A_19 = arith.constant 0 : i32
    %dma_start3A_20 = tpu.memref_slice %arg9[%dma_start3A, %dma_start3A_19] : memref<2x40xi32, #tpu.memory_space<vmem>> -> memref<1x40xi32, #tpu.memory_space<vmem>>
    %dma_start3A_21 = tpu.memref_squeeze %dma_start3A_20 : memref<1x40xi32, #tpu.memory_space<vmem>> -> memref<40xi32, #tpu.memory_space<vmem>>
    %dma_start3A_22 = arith.constant 0 : i32
    %dma_start3A_23 = arith.constant 0 : i32
    %dma_start3A_24 = tpu.memref_slice %arg2[%dma_start3A_22, %dma_start3A_23] : memref<10000x128xf32, #tpu.memory_space<hbm>> -> memref<10000x128xf32, #tpu.memory_space<hbm>>
    tpu.enqueue_indirect_dma source(%dma_start3A_24 : memref<10000x128xf32, #tpu.memory_space<hbm>>) target(%dma_start3A_18 : memref<40x128xf32, #tpu.memory_space<vmem>>) offsets(%dma_start3A_21 : memref<40xi32, #tpu.memory_space<vmem>>) semaphore(%arg15 : memref<!tpu.dma_semaphore, #tpu.memory_space<semaphore_mem>>)
    %dma_start3A_25 = arith.constant 0 : i32
    %dma_start3A_26 = arith.constant 0 : i32
    %dma_start3A_27 = arith.constant 0 : i32
    %dma_start3A_28 = arith.constant 0 : i32
    %dma_start3A_29 = tpu.memref_slice %arg11[%dma_start3A_26, %dma_start3A_27, %dma_start3A_28] : memref<2x40x128xf32, #tpu.memory_space<vmem>> -> memref<1x40x128xf32, #tpu.memory_space<vmem>>
    %dma_start3A_30 = tpu.memref_squeeze %dma_start3A_29 : memref<1x40x128xf32, #tpu.memory_space<vmem>> -> memref<40x128xf32, #tpu.memory_space<vmem>>
    %dma_start3A_31 = arith.constant 0 : i32
    %dma_start3A_32 = tpu.memref_slice %arg8[%dma_start3A_25, %dma_start3A_31] : memref<2x40xi32, #tpu.memory_space<vmem>> -> memref<1x40xi32, #tpu.memory_space<vmem>>
    %dma_start3A_33 = tpu.memref_squeeze %dma_start3A_32 : memref<1x40xi32, #tpu.memory_space<vmem>> -> memref<40xi32, #tpu.memory_space<vmem>>
    %dma_start3A_34 = arith.constant 0 : i32
    %dma_start3A_35 = arith.constant 0 : i32
    %dma_start3A_36 = tpu.memref_slice %arg2[%dma_start3A_34, %dma_start3A_35] : memref<10000x128xf32, #tpu.memory_space<hbm>> -> memref<10000x128xf32, #tpu.memory_space<hbm>>
    tpu.enqueue_indirect_dma source(%dma_start3A_36 : memref<10000x128xf32, #tpu.memory_space<hbm>>) target(%dma_start3A_30 : memref<40x128xf32, #tpu.memory_space<vmem>>) offsets(%dma_start3A_33 : memref<40xi32, #tpu.memory_space<vmem>>) semaphore(%arg16 : memref<!tpu.dma_semaphore, #tpu.memory_space<semaphore_mem>>)
    %dma_start3A_37 = arith.constant 0 : i32
    %dma_start3A_38 = arith.constant 0 : i32
    %dma_start3A_39 = arith.constant 0 : i32
    %dma_start3A_40 = tpu.memref_slice %arg12[%dma_start3A_37, %dma_start3A_38, %dma_start3A_39] : memref<2x40x64xf32, #tpu.memory_space<vmem>> -> memref<1x40x64xf32, #tpu.memory_space<vmem>>
    %dma_start3A_41 = tpu.memref_squeeze %dma_start3A_40 : memref<1x40x64xf32, #tpu.memory_space<vmem>> -> memref<40x64xf32, #tpu.memory_space<vmem>>
    %dma_start3A_42 = arith.constant 0 : i32
    %dma_start3A_43 = tpu.memref_slice %arg3[%min3A_12, %dma_start3A_42] : memref<320000x64xf32, #tpu.memory_space<hbm>> -> memref<40x64xf32, #tpu.memory_space<hbm>>
    %dma_start3A_44 = arith.constant 0 : i32
    %dma_start3A_45 = arith.constant 0 : i32
    %dma_start3A_46 = tpu.memref_slice %arg12[%dma_start3A_37, %dma_start3A_44, %dma_start3A_45] : memref<2x40x64xf32, #tpu.memory_space<vmem>> -> memref<1x40x64xf32, #tpu.memory_space<vmem>>
    %dma_start3A_47 = tpu.memref_squeeze %dma_start3A_46 : memref<1x40x64xf32, #tpu.memory_space<vmem>> -> memref<40x64xf32, #tpu.memory_space<vmem>>
    %dma_start3A_48 = arith.constant 0 : i32
    %dma_start3A_49 = tpu.memref_slice %arg3[%min3A_12, %dma_start3A_48] : memref<320000x64xf32, #tpu.memory_space<hbm>> -> memref<40x64xf32, #tpu.memory_space<hbm>>
    tpu.enqueue_dma source(%dma_start3A_49 : memref<40x64xf32, #tpu.memory_space<hbm>>) target(%dma_start3A_47 : memref<40x64xf32, #tpu.memory_space<vmem>>) target_semaphore(%arg17 : memref<!tpu.dma_semaphore, #tpu.memory_space<semaphore_mem>>)
    %add3A_50 = arith.constant 40 : i32
    %add3A_51 = arith.addi %mul3A_2, %add3A_50 : i32
    %min3A_52 = arith.constant 319960 : i32
    %min3A_53 = arith.minsi %add3A_51, %min3A_52 : i32
    %run_scoped3A_54 = arith.constant 1 : i32
    "tpu.region"() ({
      %run_scoped3A_181 = tpu.sem_alloc : memref<!tpu.dma_semaphore, #tpu.memory_space<semaphore_mem>>
      %dma_start3A_182 = arith.constant 0 : i32
      %dma_start3A_183 = tpu.memref_slice %arg8[%run_scoped3A_54, %dma_start3A_182] : memref<2x40xi32, #tpu.memory_space<vmem>> -> memref<1x40xi32, #tpu.memory_space<vmem>>
      %dma_start3A_184 = tpu.memref_squeeze %dma_start3A_183 : memref<1x40xi32, #tpu.memory_space<vmem>> -> memref<40xi32, #tpu.memory_space<vmem>>
      %dma_start3A_185 = tpu.memref_slice %arg4[%min3A_53] : memref<320000xi32, #tpu.memory_space<hbm>> -> memref<40xi32, #tpu.memory_space<hbm>>
      %dma_start3A_186 = arith.constant 0 : i32
      %dma_start3A_187 = tpu.memref_slice %arg8[%run_scoped3A_54, %dma_start3A_186] : memref<2x40xi32, #tpu.memory_space<vmem>> -> memref<1x40xi32, #tpu.memory_space<vmem>>
      %dma_start3A_188 = tpu.memref_squeeze %dma_start3A_187 : memref<1x40xi32, #tpu.memory_space<vmem>> -> memref<40xi32, #tpu.memory_space<vmem>>
      %dma_start3A_189 = tpu.memref_slice %arg4[%min3A_53] : memref<320000xi32, #tpu.memory_space<hbm>> -> memref<40xi32, #tpu.memory_space<hbm>>
      tpu.enqueue_dma source(%dma_start3A_189 : memref<40xi32, #tpu.memory_space<hbm>>) target(%dma_start3A_188 : memref<40xi32, #tpu.memory_space<vmem>>) target_semaphore(%run_scoped3A_181 : memref<!tpu.dma_semaphore, #tpu.memory_space<semaphore_mem>>)
      %dma_wait3A_190 = arith.constant 0 : i32
      %dma_wait3A_191 = tpu.memref_slice %arg8[%run_scoped3A_54, %dma_wait3A_190] : memref<2x40xi32, #tpu.memory_space<vmem>> -> memref<1x40xi32, #tpu.memory_space<vmem>>
      %dma_wait3A_192 = tpu.memref_squeeze %dma_wait3A_191 : memref<1x40xi32, #tpu.memory_space<vmem>> -> memref<40xi32, #tpu.memory_space<vmem>>
      %dma_wait3A_193 = tpu.memref_slice %arg4[%min3A_53] : memref<320000xi32, #tpu.memory_space<hbm>> -> memref<40xi32, #tpu.memory_space<hbm>>
      %dma_wait3A_194 = arith.constant 0 : i32
      %dma_wait3A_195 = tpu.memref_slice %arg8[%run_scoped3A_54, %dma_wait3A_194] : memref<2x40xi32, #tpu.memory_space<vmem>> -> memref<1x40xi32, #tpu.memory_space<vmem>>
      %dma_wait3A_196 = tpu.memref_squeeze %dma_wait3A_195 : memref<1x40xi32, #tpu.memory_space<vmem>> -> memref<40xi32, #tpu.memory_space<vmem>>
      %dma_wait3A_197 = tpu.memref_slice %arg4[%min3A_53] : memref<320000xi32, #tpu.memory_space<hbm>> -> memref<40xi32, #tpu.memory_space<hbm>>
      tpu.wait_dma2 semaphore(%run_scoped3A_181 : memref<!tpu.dma_semaphore, #tpu.memory_space<semaphore_mem>>) src(%dma_wait3A_197 : memref<40xi32, #tpu.memory_space<hbm>>) dst(%dma_wait3A_196 : memref<40xi32, #tpu.memory_space<vmem>>)
      tpu.yield
    }) : () -> ()
    %run_scoped3A_55 = arith.constant 1 : i32
    "tpu.region"() ({
      %run_scoped3A_181 = tpu.sem_alloc : memref<!tpu.dma_semaphore, #tpu.memory_space<semaphore_mem>>
      %dma_start3A_182 = arith.constant 0 : i32
      %dma_start3A_183 = tpu.memref_slice %arg9[%run_scoped3A_55, %dma_start3A_182] : memref<2x40xi32, #tpu.memory_space<vmem>> -> memref<1x40xi32, #tpu.memory_space<vmem>>
      %dma_start3A_184 = tpu.memref_squeeze %dma_start3A_183 : memref<1x40xi32, #tpu.memory_space<vmem>> -> memref<40xi32, #tpu.memory_space<vmem>>
      %dma_start3A_185 = tpu.memref_slice %arg5[%min3A_53] : memref<320000xi32, #tpu.memory_space<hbm>> -> memref<40xi32, #tpu.memory_space<hbm>>
      %dma_start3A_186 = arith.constant 0 : i32
      %dma_start3A_187 = tpu.memref_slice %arg9[%run_scoped3A_55, %dma_start3A_186] : memref<2x40xi32, #tpu.memory_space<vmem>> -> memref<1x40xi32, #tpu.memory_space<vmem>>
      %dma_start3A_188 = tpu.memref_squeeze %dma_start3A_187 : memref<1x40xi32, #tpu.memory_space<vmem>> -> memref<40xi32, #tpu.memory_space<vmem>>
      %dma_start3A_189 = tpu.memref_slice %arg5[%min3A_53] : memref<320000xi32, #tpu.memory_space<hbm>> -> memref<40xi32, #tpu.memory_space<hbm>>
      tpu.enqueue_dma source(%dma_start3A_189 : memref<40xi32, #tpu.memory_space<hbm>>) target(%dma_start3A_188 : memref<40xi32, #tpu.memory_space<vmem>>) target_semaphore(%run_scoped3A_181 : memref<!tpu.dma_semaphore, #tpu.memory_space<semaphore_mem>>)
      %dma_wait3A_190 = arith.constant 0 : i32
      %dma_wait3A_191 = tpu.memref_slice %arg9[%run_scoped3A_55, %dma_wait3A_190] : memref<2x40xi32, #tpu.memory_space<vmem>> -> memref<1x40xi32, #tpu.memory_space<vmem>>
      %dma_wait3A_192 = tpu.memref_squeeze %dma_wait3A_191 : memref<1x40xi32, #tpu.memory_space<vmem>> -> memref<40xi32, #tpu.memory_space<vmem>>
      %dma_wait3A_193 = tpu.memref_slice %arg5[%min3A_53] : memref<320000xi32, #tpu.memory_space<hbm>> -> memref<40xi32, #tpu.memory_space<hbm>>
      %dma_wait3A_194 = arith.constant 0 : i32
      %dma_wait3A_195 = tpu.memref_slice %arg9[%run_scoped3A_55, %dma_wait3A_194] : memref<2x40xi32, #tpu.memory_space<vmem>> -> memref<1x40xi32, #tpu.memory_space<vmem>>
      %dma_wait3A_196 = tpu.memref_squeeze %dma_wait3A_195 : memref<1x40xi32, #tpu.memory_space<vmem>> -> memref<40xi32, #tpu.memory_space<vmem>>
      %dma_wait3A_197 = tpu.memref_slice %arg5[%min3A_53] : memref<320000xi32, #tpu.memory_space<hbm>> -> memref<40xi32, #tpu.memory_space<hbm>>
      tpu.wait_dma2 semaphore(%run_scoped3A_181 : memref<!tpu.dma_semaphore, #tpu.memory_space<semaphore_mem>>) src(%dma_wait3A_197 : memref<40xi32, #tpu.memory_space<hbm>>) dst(%dma_wait3A_196 : memref<40xi32, #tpu.memory_space<vmem>>)
      tpu.yield
    }) : () -> ()
    %dma_start3A_56 = arith.constant 1 : i32
    %dma_start3A_57 = arith.constant 1 : i32
    %dma_start3A_58 = arith.constant 0 : i32
    %dma_start3A_59 = arith.constant 0 : i32
    %dma_start3A_60 = tpu.memref_slice %arg10[%dma_start3A_57, %dma_start3A_58, %dma_start3A_59] : memref<2x40x128xf32, #tpu.memory_space<vmem>> -> memref<1x40x128xf32, #tpu.memory_space<vmem>>
    %dma_start3A_61 = tpu.memref_squeeze %dma_start3A_60 : memref<1x40x128xf32, #tpu.memory_space<vmem>> -> memref<40x128xf32, #tpu.memory_space<vmem>>
    %dma_start3A_62 = arith.constant 0 : i32
    %dma_start3A_63 = tpu.memref_slice %arg9[%dma_start3A_56, %dma_start3A_62] : memref<2x40xi32, #tpu.memory_space<vmem>> -> memref<1x40xi32, #tpu.memory_space<vmem>>
    %dma_start3A_64 = tpu.memref_squeeze %dma_start3A_63 : memref<1x40xi32, #tpu.memory_space<vmem>> -> memref<40xi32, #tpu.memory_space<vmem>>
    %dma_start3A_65 = arith.constant 0 : i32
    %dma_start3A_66 = arith.constant 0 : i32
    %dma_start3A_67 = tpu.memref_slice %arg2[%dma_start3A_65, %dma_start3A_66] : memref<10000x128xf32, #tpu.memory_space<hbm>> -> memref<10000x128xf32, #tpu.memory_space<hbm>>
    tpu.enqueue_indirect_dma source(%dma_start3A_67 : memref<10000x128xf32, #tpu.memory_space<hbm>>) target(%dma_start3A_61 : memref<40x128xf32, #tpu.memory_space<vmem>>) offsets(%dma_start3A_64 : memref<40xi32, #tpu.memory_space<vmem>>) semaphore(%arg18 : memref<!tpu.dma_semaphore, #tpu.memory_space<semaphore_mem>>)
    %dma_start3A_68 = arith.constant 1 : i32
    %dma_start3A_69 = arith.constant 1 : i32
    %dma_start3A_70 = arith.constant 0 : i32
    %dma_start3A_71 = arith.constant 0 : i32
    %dma_start3A_72 = tpu.memref_slice %arg11[%dma_start3A_69, %dma_start3A_70, %dma_start3A_71] : memref<2x40x128xf32, #tpu.memory_space<vmem>> -> memref<1x40x128xf32, #tpu.memory_space<vmem>>
    %dma_start3A_73 = tpu.memref_squeeze %dma_start3A_72 : memref<1x40x128xf32, #tpu.memory_space<vmem>> -> memref<40x128xf32, #tpu.memory_space<vmem>>
    %dma_start3A_74 = arith.constant 0 : i32
    %dma_start3A_75 = tpu.memref_slice %arg8[%dma_start3A_68, %dma_start3A_74] : memref<2x40xi32, #tpu.memory_space<vmem>> -> memref<1x40xi32, #tpu.memory_space<vmem>>
    %dma_start3A_76 = tpu.memref_squeeze %dma_start3A_75 : memref<1x40xi32, #tpu.memory_space<vmem>> -> memref<40xi32, #tpu.memory_space<vmem>>
    %dma_start3A_77 = arith.constant 0 : i32
    %dma_start3A_78 = arith.constant 0 : i32
    %dma_start3A_79 = tpu.memref_slice %arg2[%dma_start3A_77, %dma_start3A_78] : memref<10000x128xf32, #tpu.memory_space<hbm>> -> memref<10000x128xf32, #tpu.memory_space<hbm>>
    tpu.enqueue_indirect_dma source(%dma_start3A_79 : memref<10000x128xf32, #tpu.memory_space<hbm>>) target(%dma_start3A_73 : memref<40x128xf32, #tpu.memory_space<vmem>>) offsets(%dma_start3A_76 : memref<40xi32, #tpu.memory_space<vmem>>) semaphore(%arg19 : memref<!tpu.dma_semaphore, #tpu.memory_space<semaphore_mem>>)
    %dma_start3A_80 = arith.constant 1 : i32
    %dma_start3A_81 = arith.constant 0 : i32
    %dma_start3A_82 = arith.constant 0 : i32
    %dma_start3A_83 = tpu.memref_slice %arg12[%dma_start3A_80, %dma_start3A_81, %dma_start3A_82] : memref<2x40x64xf32, #tpu.memory_space<vmem>> -> memref<1x40x64xf32, #tpu.memory_space<vmem>>
    %dma_start3A_84 = tpu.memref_squeeze %dma_start3A_83 : memref<1x40x64xf32, #tpu.memory_space<vmem>> -> memref<40x64xf32, #tpu.memory_space<vmem>>
    %dma_start3A_85 = arith.constant 0 : i32
    %dma_start3A_86 = tpu.memref_slice %arg3[%min3A_53, %dma_start3A_85] : memref<320000x64xf32, #tpu.memory_space<hbm>> -> memref<40x64xf32, #tpu.memory_space<hbm>>
    %dma_start3A_87 = arith.constant 0 : i32
    %dma_start3A_88 = arith.constant 0 : i32
    %dma_start3A_89 = tpu.memref_slice %arg12[%dma_start3A_80, %dma_start3A_87, %dma_start3A_88] : memref<2x40x64xf32, #tpu.memory_space<vmem>> -> memref<1x40x64xf32, #tpu.memory_space<vmem>>
    %dma_start3A_90 = tpu.memref_squeeze %dma_start3A_89 : memref<1x40x64xf32, #tpu.memory_space<vmem>> -> memref<40x64xf32, #tpu.memory_space<vmem>>
    %dma_start3A_91 = arith.constant 0 : i32
    %dma_start3A_92 = tpu.memref_slice %arg3[%min3A_53, %dma_start3A_91] : memref<320000x64xf32, #tpu.memory_space<hbm>> -> memref<40x64xf32, #tpu.memory_space<hbm>>
    tpu.enqueue_dma source(%dma_start3A_92 : memref<40x64xf32, #tpu.memory_space<hbm>>) target(%dma_start3A_90 : memref<40x64xf32, #tpu.memory_space<vmem>>) target_semaphore(%arg20 : memref<!tpu.dma_semaphore, #tpu.memory_space<semaphore_mem>>)
    %scan3A_93 = arith.constant 0 : i32
    %scan3A_94 = arith.constant 0 : i32
    %scan3A_95 = arith.constant 125 : i32
    %scan3A_96 = arith.addi %scan3A_94, %scan3A_95 : i32
    %scan3A_97 = arith.constant 1 : i32
    scf.for %scan3A_181 = %scan3A_94 to %scan3A_96 step %scan3A_97  : i32 {
      %mul3A_182 = arith.constant 2 : i32
      %mul3A_183 = arith.muli %scan3A_181, %mul3A_182 : i32
      %add3A_184 = arith.constant 0 : i32
      %add3A_185 = arith.addi %mul3A_183, %add3A_184 : i32
      %mul3A_186 = arith.constant 40 : i32
      %mul3A_187 = arith.muli %add3A_185, %mul3A_186 : i32
      %add3A_188 = arith.addi %mul3A_2, %mul3A_187 : i32
      %dma_wait3A_189 = arith.constant 0 : i32
      %dma_wait3A_190 = arith.constant 0 : i32
      %dma_wait3A_191 = arith.constant 0 : i32
      %dma_wait3A_192 = arith.constant 0 : i32
      %dma_wait3A_193 = tpu.memref_slice %arg10[%dma_wait3A_190, %dma_wait3A_191, %dma_wait3A_192] : memref<2x40x128xf32, #tpu.memory_space<vmem>> -> memref<1x40x128xf32, #tpu.memory_space<vmem>>
      %dma_wait3A_194 = tpu.memref_squeeze %dma_wait3A_193 : memref<1x40x128xf32, #tpu.memory_space<vmem>> -> memref<40x128xf32, #tpu.memory_space<vmem>>
      %dma_wait3A_195 = arith.constant 0 : i32
      %dma_wait3A_196 = tpu.memref_slice %arg9[%dma_wait3A_189, %dma_wait3A_195] : memref<2x40xi32, #tpu.memory_space<vmem>> -> memref<1x40xi32, #tpu.memory_space<vmem>>
      %dma_wait3A_197 = tpu.memref_squeeze %dma_wait3A_196 : memref<1x40xi32, #tpu.memory_space<vmem>> -> memref<40xi32, #tpu.memory_space<vmem>>
      %dma_wait3A_198 = arith.constant 0 : i32
      %dma_wait3A_199 = arith.constant 0 : i32
      %dma_wait3A_200 = tpu.memref_slice %arg2[%dma_wait3A_198, %dma_wait3A_199] : memref<10000x128xf32, #tpu.memory_space<hbm>> -> memref<10000x128xf32, #tpu.memory_space<hbm>>
      tpu.wait_indirect_dma semaphore(%arg15 : memref<!tpu.dma_semaphore, #tpu.memory_space<semaphore_mem>>) src(%dma_wait3A_200 : memref<10000x128xf32, #tpu.memory_space<hbm>>) dst(%dma_wait3A_194 : memref<40x128xf32, #tpu.memory_space<vmem>>)
      %dma_wait3A_201 = arith.constant 0 : i32
      %dma_wait3A_202 = arith.constant 0 : i32
      %dma_wait3A_203 = arith.constant 0 : i32
      %dma_wait3A_204 = arith.constant 0 : i32
      %dma_wait3A_205 = tpu.memref_slice %arg11[%dma_wait3A_202, %dma_wait3A_203, %dma_wait3A_204] : memref<2x40x128xf32, #tpu.memory_space<vmem>> -> memref<1x40x128xf32, #tpu.memory_space<vmem>>
      %dma_wait3A_206 = tpu.memref_squeeze %dma_wait3A_205 : memref<1x40x128xf32, #tpu.memory_space<vmem>> -> memref<40x128xf32, #tpu.memory_space<vmem>>
      %dma_wait3A_207 = arith.constant 0 : i32
      %dma_wait3A_208 = tpu.memref_slice %arg8[%dma_wait3A_201, %dma_wait3A_207] : memref<2x40xi32, #tpu.memory_space<vmem>> -> memref<1x40xi32, #tpu.memory_space<vmem>>
      %dma_wait3A_209 = tpu.memref_squeeze %dma_wait3A_208 : memref<1x40xi32, #tpu.memory_space<vmem>> -> memref<40xi32, #tpu.memory_space<vmem>>
      %dma_wait3A_210 = arith.constant 0 : i32
      %dma_wait3A_211 = arith.constant 0 : i32
      %dma_wait3A_212 = tpu.memref_slice %arg2[%dma_wait3A_210, %dma_wait3A_211] : memref<10000x128xf32, #tpu.memory_space<hbm>> -> memref<10000x128xf32, #tpu.memory_space<hbm>>
      tpu.wait_indirect_dma semaphore(%arg16 : memref<!tpu.dma_semaphore, #tpu.memory_space<semaphore_mem>>) src(%dma_wait3A_212 : memref<10000x128xf32, #tpu.memory_space<hbm>>) dst(%dma_wait3A_206 : memref<40x128xf32, #tpu.memory_space<vmem>>)
      %dma_wait3A_213 = arith.constant 0 : i32
      %dma_wait3A_214 = arith.constant 0 : i32
      %dma_wait3A_215 = arith.constant 0 : i32
      %dma_wait3A_216 = tpu.memref_slice %arg12[%dma_wait3A_213, %dma_wait3A_214, %dma_wait3A_215] : memref<2x40x64xf32, #tpu.memory_space<vmem>> -> memref<1x40x64xf32, #tpu.memory_space<vmem>>
      %dma_wait3A_217 = tpu.memref_squeeze %dma_wait3A_216 : memref<1x40x64xf32, #tpu.memory_space<vmem>> -> memref<40x64xf32, #tpu.memory_space<vmem>>
      %dma_wait3A_218 = arith.constant 0 : i32
      %dma_wait3A_219 = tpu.memref_slice %arg3[%add3A_188, %dma_wait3A_218] : memref<320000x64xf32, #tpu.memory_space<hbm>> -> memref<40x64xf32, #tpu.memory_space<hbm>>
      %dma_wait3A_220 = arith.constant 0 : i32
      %dma_wait3A_221 = arith.constant 0 : i32
      %dma_wait3A_222 = tpu.memref_slice %arg12[%dma_wait3A_213, %dma_wait3A_220, %dma_wait3A_221] : memref<2x40x64xf32, #tpu.memory_space<vmem>> -> memref<1x40x64xf32, #tpu.memory_space<vmem>>
      %dma_wait3A_223 = tpu.memref_squeeze %dma_wait3A_222 : memref<1x40x64xf32, #tpu.memory_space<vmem>> -> memref<40x64xf32, #tpu.memory_space<vmem>>
      %dma_wait3A_224 = arith.constant 0 : i32
      %dma_wait3A_225 = tpu.memref_slice %arg3[%add3A_188, %dma_wait3A_224] : memref<320000x64xf32, #tpu.memory_space<hbm>> -> memref<40x64xf32, #tpu.memory_space<hbm>>
      tpu.wait_dma2 semaphore(%arg17 : memref<!tpu.dma_semaphore, #tpu.memory_space<semaphore_mem>>) src(%dma_wait3A_225 : memref<40x64xf32, #tpu.memory_space<hbm>>) dst(%dma_wait3A_223 : memref<40x64xf32, #tpu.memory_space<vmem>>)
      %scan3A_226 = arith.constant 0 : i32
      %scan3A_227 = arith.constant 0 : i32
      %scan3A_228 = arith.constant 0 : i32
      %scan3A_229 = arith.constant 0 : i32
      %scan3A_230 = arith.constant 0 : i32
      %scan3A_231 = arith.constant 10 : i32
      %scan3A_232 = arith.addi %scan3A_230, %scan3A_231 : i32
      %scan3A_233 = arith.constant 1 : i32
      scf.for %scan3A_374 = %scan3A_230 to %scan3A_232 step %scan3A_233  : i32 {
        %mul3A_375 = arith.constant 4 : i32
        %mul3A_376 = arith.muli %scan3A_374, %mul3A_375 : i32
        %add3A_377 = arith.constant 0 : i32
        %add3A_378 = arith.addi %mul3A_376, %add3A_377 : i32
        %get3A = arith.constant 0 : i32
        %get3A_379 = arith.constant 0 : i32
        %get3A_380 = tpu.memref_slice %arg10[%scan3A_227, %get3A, %get3A_379] : memref<2x40x128xf32, #tpu.memory_space<vmem>> -> memref<1x40x128xf32, #tpu.memory_space<vmem>>
        %get3A_381 = tpu.memref_squeeze %get3A_380 : memref<1x40x128xf32, #tpu.memory_space<vmem>> -> memref<40x128xf32, #tpu.memory_space<vmem>>
        %get3A_382 = arith.index_cast %add3A_378 : i32 to index
        %get3A_383 = arith.constant 0 : index
        %get3A_384 = tpu.vector_load %get3A_381[%get3A_382, %get3A_383] {strides = array<i32>} : memref<40x128xf32, #tpu.memory_space<vmem>>, vector<1x16xf32>,
        %get3A_385 = vector.shape_cast %get3A_384 : vector<1x16xf32> to vector<16xf32>
        %get3A_386 = arith.constant 0 : i32
        %get3A_387 = arith.constant 0 : i32
        %get3A_388 = tpu.memref_slice %arg11[%scan3A_228, %get3A_386, %get3A_387] : memref<2x40x128xf32, #tpu.memory_space<vmem>> -> memref<1x40x128xf32, #tpu.memory_space<vmem>>
        %get3A_389 = tpu.memref_squeeze %get3A_388 : memref<1x40x128xf32, #tpu.memory_space<vmem>> -> memref<40x128xf32, #tpu.memory_space<vmem>>
        %get3A_390 = arith.index_cast %add3A_378 : i32 to index
        %get3A_391 = arith.constant 64 : index
        %get3A_392 = tpu.vector_load %get3A_389[%get3A_390, %get3A_391] {strides = array<i32>} : memref<40x128xf32, #tpu.memory_space<vmem>>, vector<1x16xf32>,
        %get3A_393 = vector.shape_cast %get3A_392 : vector<1x16xf32> to vector<16xf32>
        %add3A_394 = arith.addf %get3A_385, %get3A_393 : vector<16xf32>
        %get3A_395 = arith.constant 0 : i32
        %get3A_396 = arith.constant 0 : i32
        %get3A_397 = tpu.memref_slice %arg12[%scan3A_229, %get3A_395, %get3A_396] : memref<2x40x64xf32, #tpu.memory_space<vmem>> -> memref<1x40x64xf32, #tpu.memory_space<vmem>>
        %get3A_398 = tpu.memref_squeeze %get3A_397 : memref<1x40x64xf32, #tpu.memory_space<vmem>> -> memref<40x64xf32, #tpu.memory_space<vmem>>
        %get3A_399 = arith.index_cast %add3A_378 : i32 to index
        %get3A_400 = arith.constant 0 : index
        %get3A_401 = tpu.vector_load %get3A_398[%get3A_399, %get3A_400] {strides = array<i32>} : memref<40x64xf32, #tpu.memory_space<vmem>>, vector<1x16xf32>,
        %get3A_402 = vector.shape_cast %get3A_401 : vector<1x16xf32> to vector<16xf32>
        %add3A_403 = arith.addf %add3A_394, %get3A_402 : vector<16xf32>
        %max3A = arith.constant 0.000000e+00 : f32
        %max3A_404 = vector.broadcast %max3A : f32 to vector<16xf32>
        %max3A_405 = arith.maximumf %add3A_403, %max3A_404 : vector<16xf32>
        %swap3A = arith.index_cast %add3A_378 : i32 to index
        %swap3A_406 = arith.constant 0 : index
        %swap3A_407 = tpu.vector_load %arg13[%swap3A, %swap3A_406] {strides = array<i32>} : memref<40x128xf32, #tpu.memory_space<vmem>>, vector<1x16xf32>,
        %swap3A_408 = vector.shape_cast %swap3A_407 : vector<1x16xf32> to vector<16xf32>
        %swap3A_409 = vector.shape_cast %max3A_405 : vector<16xf32> to vector<1x16xf32>
        tpu.vector_store %arg13[%swap3A, %swap3A_406], %swap3A_409 {strides = array<i32>} : memref<40x128xf32, #tpu.memory_space<vmem>>, vector<1x16xf32>,
        %get3A_410 = arith.constant 0 : i32
        %get3A_411 = arith.constant 0 : i32
        %get3A_412 = tpu.memref_slice %arg10[%scan3A_227, %get3A_410, %get3A_411] : memref<2x40x128xf32, #tpu.memory_space<vmem>> -> memref<1x40x128xf32, #tpu.memory_space<vmem>>
        %get3A_413 = tpu.memref_squeeze %get3A_412 : memref<1x40x128xf32, #tpu.memory_space<vmem>> -> memref<40x128xf32, #tpu.memory_space<vmem>>
        %get3A_414 = arith.index_cast %add3A_378 : i32 to index
        %get3A_415 = arith.constant 16 : index
        %get3A_416 = tpu.vector_load %get3A_413[%get3A_414, %get3A_415] {strides = array<i32>} : memref<40x128xf32, #tpu.memory_space<vmem>>, vector<1x16xf32>,
        %get3A_417 = vector.shape_cast %get3A_416 : vector<1x16xf32> to vector<16xf32>
        %get3A_418 = arith.constant 0 : i32
        %get3A_419 = arith.constant 0 : i32
        %get3A_420 = tpu.memref_slice %arg11[%scan3A_228, %get3A_418, %get3A_419] : memref<2x40x128xf32, #tpu.memory_space<vmem>> -> memref<1x40x128xf32, #tpu.memory_space<vmem>>
        %get3A_421 = tpu.memref_squeeze %get3A_420 : memref<1x40x128xf32, #tpu.memory_space<vmem>> -> memref<40x128xf32, #tpu.memory_space<vmem>>
        %get3A_422 = arith.index_cast %add3A_378 : i32 to index
        %get3A_423 = arith.constant 80 : index
        %get3A_424 = tpu.vector_load %get3A_421[%get3A_422, %get3A_423] {strides = array<i32>} : memref<40x128xf32, #tpu.memory_space<vmem>>, vector<1x16xf32>,
        %get3A_425 = vector.shape_cast %get3A_424 : vector<1x16xf32> to vector<16xf32>
        %add3A_426 = arith.addf %get3A_417, %get3A_425 : vector<16xf32>
        %get3A_427 = arith.constant 0 : i32
        %get3A_428 = arith.constant 0 : i32
        %get3A_429 = tpu.memref_slice %arg12[%scan3A_229, %get3A_427, %get3A_428] : memref<2x40x64xf32, #tpu.memory_space<vmem>> -> memref<1x40x64xf32, #tpu.memory_space<vmem>>
        %get3A_430 = tpu.memref_squeeze %get3A_429 : memref<1x40x64xf32, #tpu.memory_space<vmem>> -> memref<40x64xf32, #tpu.memory_space<vmem>>
        %get3A_431 = arith.index_cast %add3A_378 : i32 to index
        %get3A_432 = arith.constant 16 : index
        %get3A_433 = tpu.vector_load %get3A_430[%get3A_431, %get3A_432] {strides = array<i32>} : memref<40x64xf32, #tpu.memory_space<vmem>>, vector<1x16xf32>,
        %get3A_434 = vector.shape_cast %get3A_433 : vector<1x16xf32> to vector<16xf32>
        %add3A_435 = arith.addf %add3A_426, %get3A_434 : vector<16xf32>
        %max3A_436 = arith.constant 0.000000e+00 : f32
        %max3A_437 = vector.broadcast %max3A_436 : f32 to vector<16xf32>
        %max3A_438 = arith.maximumf %add3A_435, %max3A_437 : vector<16xf32>
        %swap3A_439 = arith.index_cast %add3A_378 : i32 to index
        %swap3A_440 = arith.constant 16 : index
        %swap3A_441 = tpu.vector_load %arg13[%swap3A_439, %swap3A_440] {strides = array<i32>} : memref<40x128xf32, #tpu.memory_space<vmem>>, vector<1x16xf32>,
        %swap3A_442 = vector.shape_cast %swap3A_441 : vector<1x16xf32> to vector<16xf32>
        %swap3A_443 = vector.shape_cast %max3A_438 : vector<16xf32> to vector<1x16xf32>
        tpu.vector_store %arg13[%swap3A_439, %swap3A_440], %swap3A_443 {strides = array<i32>} : memref<40x128xf32, #tpu.memory_space<vmem>>, vector<1x16xf32>,
        %get3A_444 = arith.constant 0 : i32
        %get3A_445 = arith.constant 0 : i32
        %get3A_446 = tpu.memref_slice %arg10[%scan3A_227, %get3A_444, %get3A_445] : memref<2x40x128xf32, #tpu.memory_space<vmem>> -> memref<1x40x128xf32, #tpu.memory_space<vmem>>
        %get3A_447 = tpu.memref_squeeze %get3A_446 : memref<1x40x128xf32, #tpu.memory_space<vmem>> -> memref<40x128xf32, #tpu.memory_space<vmem>>
        %get3A_448 = arith.index_cast %add3A_378 : i32 to index
        %get3A_449 = arith.constant 32 : index
        %get3A_450 = tpu.vector_load %get3A_447[%get3A_448, %get3A_449] {strides = array<i32>} : memref<40x128xf32, #tpu.memory_space<vmem>>, vector<1x16xf32>,
        %get3A_451 = vector.shape_cast %get3A_450 : vector<1x16xf32> to vector<16xf32>
        %get3A_452 = arith.constant 0 : i32
        %get3A_453 = arith.constant 0 : i32
        %get3A_454 = tpu.memref_slice %arg11[%scan3A_228, %get3A_452, %get3A_453] : memref<2x40x128xf32, #tpu.memory_space<vmem>> -> memref<1x40x128xf32, #tpu.memory_space<vmem>>
        %get3A_455 = tpu.memref_squeeze %get3A_454 : memref<1x40x128xf32, #tpu.memory_space<vmem>> -> memref<40x128xf32, #tpu.memory_space<vmem>>
        %get3A_456 = arith.index_cast %add3A_378 : i32 to index
        %get3A_457 = arith.constant 96 : index
        %get3A_458 = tpu.vector_load %get3A_455[%get3A_456, %get3A_457] {strides = array<i32>} : memref<40x128xf32, #tpu.memory_space<vmem>>, vector<1x16xf32>,
        %get3A_459 = vector.shape_cast %get3A_458 : vector<1x16xf32> to vector<16xf32>
        %add3A_460 = arith.addf %get3A_451, %get3A_459 : vector<16xf32>
        %get3A_461 = arith.constant 0 : i32
        %get3A_462 = arith.constant 0 : i32
        %get3A_463 = tpu.memref_slice %arg12[%scan3A_229, %get3A_461, %get3A_462] : memref<2x40x64xf32, #tpu.memory_space<vmem>> -> memref<1x40x64xf32, #tpu.memory_space<vmem>>
        %get3A_464 = tpu.memref_squeeze %get3A_463 : memref<1x40x64xf32, #tpu.memory_space<vmem>> -> memref<40x64xf32, #tpu.memory_space<vmem>>
        %get3A_465 = arith.index_cast %add3A_378 : i32 to index
        %get3A_466 = arith.constant 32 : index
        %get3A_467 = tpu.vector_load %get3A_464[%get3A_465, %get3A_466] {strides = array<i32>} : memref<40x64xf32, #tpu.memory_space<vmem>>, vector<1x16xf32>,
        %get3A_468 = vector.shape_cast %get3A_467 : vector<1x16xf32> to vector<16xf32>
        %add3A_469 = arith.addf %add3A_460, %get3A_468 : vector<16xf32>
        %max3A_470 = arith.constant 0.000000e+00 : f32
        %max3A_471 = vector.broadcast %max3A_470 : f32 to vector<16xf32>
        %max3A_472 = arith.maximumf %add3A_469, %max3A_471 : vector<16xf32>
        %swap3A_473 = arith.index_cast %add3A_378 : i32 to index
        %swap3A_474 = arith.constant 32 : index
        %swap3A_475 = tpu.vector_load %arg13[%swap3A_473, %swap3A_474] {strides = array<i32>} : memref<40x128xf32, #tpu.memory_space<vmem>>, vector<1x16xf32>,
        %swap3A_476 = vector.shape_cast %swap3A_475 : vector<1x16xf32> to vector<16xf32>
        %swap3A_477 = vector.shape_cast %max3A_472 : vector<16xf32> to vector<1x16xf32>
        tpu.vector_store %arg13[%swap3A_473, %swap3A_474], %swap3A_477 {strides = array<i32>} : memref<40x128xf32, #tpu.memory_space<vmem>>, vector<1x16xf32>,
        %get3A_478 = arith.constant 0 : i32
        %get3A_479 = arith.constant 0 : i32
        %get3A_480 = tpu.memref_slice %arg10[%scan3A_227, %get3A_478, %get3A_479] : memref<2x40x128xf32, #tpu.memory_space<vmem>> -> memref<1x40x128xf32, #tpu.memory_space<vmem>>
        %get3A_481 = tpu.memref_squeeze %get3A_480 : memref<1x40x128xf32, #tpu.memory_space<vmem>> -> memref<40x128xf32, #tpu.memory_space<vmem>>
        %get3A_482 = arith.index_cast %add3A_378 : i32 to index
        %get3A_483 = arith.constant 48 : index
        %get3A_484 = tpu.vector_load %get3A_481[%get3A_482, %get3A_483] {strides = array<i32>} : memref<40x128xf32, #tpu.memory_space<vmem>>, vector<1x16xf32>,
        %get3A_485 = vector.shape_cast %get3A_484 : vector<1x16xf32> to vector<16xf32>
        %get3A_486 = arith.constant 0 : i32
        %get3A_487 = arith.constant 0 : i32
        %get3A_488 = tpu.memref_slice %arg11[%scan3A_228, %get3A_486, %get3A_487] : memref<2x40x128xf32, #tpu.memory_space<vmem>> -> memref<1x40x128xf32, #tpu.memory_space<vmem>>
        %get3A_489 = tpu.memref_squeeze %get3A_488 : memref<1x40x128xf32, #tpu.memory_space<vmem>> -> memref<40x128xf32, #tpu.memory_space<vmem>>
        %get3A_490 = arith.index_cast %add3A_378 : i32 to index
        %get3A_491 = arith.constant 112 : index
        %get3A_492 = tpu.vector_load %get3A_489[%get3A_490, %get3A_491] {strides = array<i32>} : memref<40x128xf32, #tpu.memory_space<vmem>>, vector<1x16xf32>,
        %get3A_493 = vector.shape_cast %get3A_492 : vector<1x16xf32> to vector<16xf32>
        %add3A_494 = arith.addf %get3A_485, %get3A_493 : vector<16xf32>
        %get3A_495 = arith.constant 0 : i32
        %get3A_496 = arith.constant 0 : i32
        %get3A_497 = tpu.memref_slice %arg12[%scan3A_229, %get3A_495, %get3A_496] : memref<2x40x64xf32, #tpu.memory_space<vmem>> -> memref<1x40x64xf32, #tpu.memory_space<vmem>>
        %get3A_498 = tpu.memref_squeeze %get3A_497 : memref<1x40x64xf32, #tpu.memory_space<vmem>> -> memref<40x64xf32, #tpu.memory_space<vmem>>
        %get3A_499 = arith.index_cast %add3A_378 : i32 to index
        %get3A_500 = arith.constant 48 : index
        %get3A_501 = tpu.vector_load %get3A_498[%get3A_499, %get3A_500] {strides = array<i32>} : memref<40x64xf32, #tpu.memory_space<vmem>>, vector<1x16xf32>,
        %get3A_502 = vector.shape_cast %get3A_501 : vector<1x16xf32> to vector<16xf32>
        %add3A_503 = arith.addf %add3A_494, %get3A_502 : vector<16xf32>
        %max3A_504 = arith.constant 0.000000e+00 : f32
        %max3A_505 = vector.broadcast %max3A_504 : f32 to vector<16xf32>
        %max3A_506 = arith.maximumf %add3A_503, %max3A_505 : vector<16xf32>
        %swap3A_507 = arith.index_cast %add3A_378 : i32 to index
        %swap3A_508 = arith.constant 48 : index
        %swap3A_509 = tpu.vector_load %arg13[%swap3A_507, %swap3A_508] {strides = array<i32>} : memref<40x128xf32, #tpu.memory_space<vmem>>, vector<1x16xf32>,
        %swap3A_510 = vector.shape_cast %swap3A_509 : vector<1x16xf32> to vector<16xf32>
        %swap3A_511 = vector.shape_cast %max3A_506 : vector<16xf32> to vector<1x16xf32>
        tpu.vector_store %arg13[%swap3A_507, %swap3A_508], %swap3A_511 {strides = array<i32>} : memref<40x128xf32, #tpu.memory_space<vmem>>, vector<1x16xf32>,
        %add3A_512 = arith.constant 1 : i32
        %add3A_513 = arith.addi %mul3A_376, %add3A_512 : i32
        %get3A_514 = arith.constant 0 : i32
        %get3A_515 = arith.constant 0 : i32
        %get3A_516 = tpu.memref_slice %arg10[%scan3A_227, %get3A_514, %get3A_515] : memref<2x40x128xf32, #tpu.memory_space<vmem>> -> memref<1x40x128xf32, #tpu.memory_space<vmem>>
        %get3A_517 = tpu.memref_squeeze %get3A_516 : memref<1x40x128xf32, #tpu.memory_space<vmem>> -> memref<40x128xf32, #tpu.memory_space<vmem>>
        %get3A_518 = arith.index_cast %add3A_513 : i32 to index
        %get3A_519 = arith.constant 0 : index
        %get3A_520 = tpu.vector_load %get3A_517[%get3A_518, %get3A_519] {strides = array<i32>} : memref<40x128xf32, #tpu.memory_space<vmem>>, vector<1x16xf32>,
        %get3A_521 = vector.shape_cast %get3A_520 : vector<1x16xf32> to vector<16xf32>
        %get3A_522 = arith.constant 0 : i32
        %get3A_523 = arith.constant 0 : i32
        %get3A_524 = tpu.memref_slice %arg11[%scan3A_228, %get3A_522, %get3A_523] : memref<2x40x128xf32, #tpu.memory_space<vmem>> -> memref<1x40x128xf32, #tpu.memory_space<vmem>>
        %get3A_525 = tpu.memref_squeeze %get3A_524 : memref<1x40x128xf32, #tpu.memory_space<vmem>> -> memref<40x128xf32, #tpu.memory_space<vmem>>
        %get3A_526 = arith.index_cast %add3A_513 : i32 to index
        %get3A_527 = arith.constant 64 : index
        %get3A_528 = tpu.vector_load %get3A_525[%get3A_526, %get3A_527] {strides = array<i32>} : memref<40x128xf32, #tpu.memory_space<vmem>>, vector<1x16xf32>,
        %get3A_529 = vector.shape_cast %get3A_528 : vector<1x16xf32> to vector<16xf32>
        %add3A_530 = arith.addf %get3A_521, %get3A_529 : vector<16xf32>
        %get3A_531 = arith.constant 0 : i32
        %get3A_532 = arith.constant 0 : i32
        %get3A_533 = tpu.memref_slice %arg12[%scan3A_229, %get3A_531, %get3A_532] : memref<2x40x64xf32, #tpu.memory_space<vmem>> -> memref<1x40x64xf32, #tpu.memory_space<vmem>>
        %get3A_534 = tpu.memref_squeeze %get3A_533 : memref<1x40x64xf32, #tpu.memory_space<vmem>> -> memref<40x64xf32, #tpu.memory_space<vmem>>
        %get3A_535 = arith.index_cast %add3A_513 : i32 to index
        %get3A_536 = arith.constant 0 : index
        %get3A_537 = tpu.vector_load %get3A_534[%get3A_535, %get3A_536] {strides = array<i32>} : memref<40x64xf32, #tpu.memory_space<vmem>>, vector<1x16xf32>,
        %get3A_538 = vector.shape_cast %get3A_537 : vector<1x16xf32> to vector<16xf32>
        %add3A_539 = arith.addf %add3A_530, %get3A_538 : vector<16xf32>
        %max3A_540 = arith.constant 0.000000e+00 : f32
        %max3A_541 = vector.broadcast %max3A_540 : f32 to vector<16xf32>
        %max3A_542 = arith.maximumf %add3A_539, %max3A_541 : vector<16xf32>
        %swap3A_543 = arith.index_cast %add3A_513 : i32 to index
        %swap3A_544 = arith.constant 0 : index
        %swap3A_545 = tpu.vector_load %arg13[%swap3A_543, %swap3A_544] {strides = array<i32>} : memref<40x128xf32, #tpu.memory_space<vmem>>, vector<1x16xf32>,
        %swap3A_546 = vector.shape_cast %swap3A_545 : vector<1x16xf32> to vector<16xf32>
        %swap3A_547 = vector.shape_cast %max3A_542 : vector<16xf32> to vector<1x16xf32>
        tpu.vector_store %arg13[%swap3A_543, %swap3A_544], %swap3A_547 {strides = array<i32>} : memref<40x128xf32, #tpu.memory_space<vmem>>, vector<1x16xf32>,
        %get3A_548 = arith.constant 0 : i32
        %get3A_549 = arith.constant 0 : i32
        %get3A_550 = tpu.memref_slice %arg10[%scan3A_227, %get3A_548, %get3A_549] : memref<2x40x128xf32, #tpu.memory_space<vmem>> -> memref<1x40x128xf32, #tpu.memory_space<vmem>>
        %get3A_551 = tpu.memref_squeeze %get3A_550 : memref<1x40x128xf32, #tpu.memory_space<vmem>> -> memref<40x128xf32, #tpu.memory_space<vmem>>
        %get3A_552 = arith.index_cast %add3A_513 : i32 to index
        %get3A_553 = arith.constant 16 : index
        %get3A_554 = tpu.vector_load %get3A_551[%get3A_552, %get3A_553] {strides = array<i32>} : memref<40x128xf32, #tpu.memory_space<vmem>>, vector<1x16xf32>,
        %get3A_555 = vector.shape_cast %get3A_554 : vector<1x16xf32> to vector<16xf32>
        %get3A_556 = arith.constant 0 : i32
        %get3A_557 = arith.constant 0 : i32
        %get3A_558 = tpu.memref_slice %arg11[%scan3A_228, %get3A_556, %get3A_557] : memref<2x40x128xf32, #tpu.memory_space<vmem>> -> memref<1x40x128xf32, #tpu.memory_space<vmem>>
        %get3A_559 = tpu.memref_squeeze %get3A_558 : memref<1x40x128xf32, #tpu.memory_space<vmem>> -> memref<40x128xf32, #tpu.memory_space<vmem>>
        %get3A_560 = arith.index_cast %add3A_513 : i32 to index
        %get3A_561 = arith.constant 80 : index
        %get3A_562 = tpu.vector_load %get3A_559[%get3A_560, %get3A_561] {strides = array<i32>} : memref<40x128xf32, #tpu.memory_space<vmem>>, vector<1x16xf32>,
        %get3A_563 = vector.shape_cast %get3A_562 : vector<1x16xf32> to vector<16xf32>
        %add3A_564 = arith.addf %get3A_555, %get3A_563 : vector<16xf32>
        %get3A_565 = arith.constant 0 : i32
        %get3A_566 = arith.constant 0 : i32
        %get3A_567 = tpu.memref_slice %arg12[%scan3A_229, %get3A_565, %get3A_566] : memref<2x40x64xf32, #tpu.memory_space<vmem>> -> memref<1x40x64xf32, #tpu.memory_space<vmem>>
        %get3A_568 = tpu.memref_squeeze %get3A_567 : memref<1x40x64xf32, #tpu.memory_space<vmem>> -> memref<40x64xf32, #tpu.memory_space<vmem>>
        %get3A_569 = arith.index_cast %add3A_513 : i32 to index
        %get3A_570 = arith.constant 16 : index
        %get3A_571 = tpu.vector_load %get3A_568[%get3A_569, %get3A_570] {strides = array<i32>} : memref<40x64xf32, #tpu.memory_space<vmem>>, vector<1x16xf32>,
        %get3A_572 = vector.shape_cast %get3A_571 : vector<1x16xf32> to vector<16xf32>
        %add3A_573 = arith.addf %add3A_564, %get3A_572 : vector<16xf32>
        %max3A_574 = arith.constant 0.000000e+00 : f32
        %max3A_575 = vector.broadcast %max3A_574 : f32 to vector<16xf32>
        %max3A_576 = arith.maximumf %add3A_573, %max3A_575 : vector<16xf32>
        %swap3A_577 = arith.index_cast %add3A_513 : i32 to index
        %swap3A_578 = arith.constant 16 : index
        %swap3A_579 = tpu.vector_load %arg13[%swap3A_577, %swap3A_578] {strides = array<i32>} : memref<40x128xf32, #tpu.memory_space<vmem>>, vector<1x16xf32>,
        %swap3A_580 = vector.shape_cast %swap3A_579 : vector<1x16xf32> to vector<16xf32>
        %swap3A_581 = vector.shape_cast %max3A_576 : vector<16xf32> to vector<1x16xf32>
        tpu.vector_store %arg13[%swap3A_577, %swap3A_578], %swap3A_581 {strides = array<i32>} : memref<40x128xf32, #tpu.memory_space<vmem>>, vector<1x16xf32>,
        %get3A_582 = arith.constant 0 : i32
        %get3A_583 = arith.constant 0 : i32
        %get3A_584 = tpu.memref_slice %arg10[%scan3A_227, %get3A_582, %get3A_583] : memref<2x40x128xf32, #tpu.memory_space<vmem>> -> memref<1x40x128xf32, #tpu.memory_space<vmem>>
        %get3A_585 = tpu.memref_squeeze %get3A_584 : memref<1x40x128xf32, #tpu.memory_space<vmem>> -> memref<40x128xf32, #tpu.memory_space<vmem>>
        %get3A_586 = arith.index_cast %add3A_513 : i32 to index
        %get3A_587 = arith.constant 32 : index
        %get3A_588 = tpu.vector_load %get3A_585[%get3A_586, %get3A_587] {strides = array<i32>} : memref<40x128xf32, #tpu.memory_space<vmem>>, vector<1x16xf32>,
        %get3A_589 = vector.shape_cast %get3A_588 : vector<1x16xf32> to vector<16xf32>
        %get3A_590 = arith.constant 0 : i32
        %get3A_591 = arith.constant 0 : i32
        %get3A_592 = tpu.memref_slice %arg11[%scan3A_228, %get3A_590, %get3A_591] : memref<2x40x128xf32, #tpu.memory_space<vmem>> -> memref<1x40x128xf32, #tpu.memory_space<vmem>>
        %get3A_593 = tpu.memref_squeeze %get3A_592 : memref<1x40x128xf32, #tpu.memory_space<vmem>> -> memref<40x128xf32, #tpu.memory_space<vmem>>
        %get3A_594 = arith.index_cast %add3A_513 : i32 to index
        %get3A_595 = arith.constant 96 : index
        %get3A_596 = tpu.vector_load %get3A_593[%get3A_594, %get3A_595] {strides = array<i32>} : memref<40x128xf32, #tpu.memory_space<vmem>>, vector<1x16xf32>,
        %get3A_597 = vector.shape_cast %get3A_596 : vector<1x16xf32> to vector<16xf32>
        %add3A_598 = arith.addf %get3A_589, %get3A_597 : vector<16xf32>
        %get3A_599 = arith.constant 0 : i32
        %get3A_600 = arith.constant 0 : i32
        %get3A_601 = tpu.memref_slice %arg12[%scan3A_229, %get3A_599, %get3A_600] : memref<2x40x64xf32, #tpu.memory_space<vmem>> -> memref<1x40x64xf32, #tpu.memory_space<vmem>>
        %get3A_602 = tpu.memref_squeeze %get3A_601 : memref<1x40x64xf32, #tpu.memory_space<vmem>> -> memref<40x64xf32, #tpu.memory_space<vmem>>
        %get3A_603 = arith.index_cast %add3A_513 : i32 to index
        %get3A_604 = arith.constant 32 : index
        %get3A_605 = tpu.vector_load %get3A_602[%get3A_603, %get3A_604] {strides = array<i32>} : memref<40x64xf32, #tpu.memory_space<vmem>>, vector<1x16xf32>,
        %get3A_606 = vector.shape_cast %get3A_605 : vector<1x16xf32> to vector<16xf32>
        %add3A_607 = arith.addf %add3A_598, %get3A_606 : vector<16xf32>
        %max3A_608 = arith.constant 0.000000e+00 : f32
        %max3A_609 = vector.broadcast %max3A_608 : f32 to vector<16xf32>
        %max3A_610 = arith.maximumf %add3A_607, %max3A_609 : vector<16xf32>
        %swap3A_611 = arith.index_cast %add3A_513 : i32 to index
        %swap3A_612 = arith.constant 32 : index
        %swap3A_613 = tpu.vector_load %arg13[%swap3A_611, %swap3A_612] {strides = array<i32>} : memref<40x128xf32, #tpu.memory_space<vmem>>, vector<1x16xf32>,
        %swap3A_614 = vector.shape_cast %swap3A_613 : vector<1x16xf32> to vector<16xf32>
        %swap3A_615 = vector.shape_cast %max3A_610 : vector<16xf32> to vector<1x16xf32>
        tpu.vector_store %arg13[%swap3A_611, %swap3A_612], %swap3A_615 {strides = array<i32>} : memref<40x128xf32, #tpu.memory_space<vmem>>, vector<1x16xf32>,
        %get3A_616 = arith.constant 0 : i32
        %get3A_617 = arith.constant 0 : i32
        %get3A_618 = tpu.memref_slice %arg10[%scan3A_227, %get3A_616, %get3A_617] : memref<2x40x128xf32, #tpu.memory_space<vmem>> -> memref<1x40x128xf32, #tpu.memory_space<vmem>>
        %get3A_619 = tpu.memref_squeeze %get3A_618 : memref<1x40x128xf32, #tpu.memory_space<vmem>> -> memref<40x128xf32, #tpu.memory_space<vmem>>
        %get3A_620 = arith.index_cast %add3A_513 : i32 to index
        %get3A_621 = arith.constant 48 : index
        %get3A_622 = tpu.vector_load %get3A_619[%get3A_620, %get3A_621] {strides = array<i32>} : memref<40x128xf32, #tpu.memory_space<vmem>>, vector<1x16xf32>,
        %get3A_623 = vector.shape_cast %get3A_622 : vector<1x16xf32> to vector<16xf32>
        %get3A_624 = arith.constant 0 : i32
        %get3A_625 = arith.constant 0 : i32
        %get3A_626 = tpu.memref_slice %arg11[%scan3A_228, %get3A_624, %get3A_625] : memref<2x40x128xf32, #tpu.memory_space<vmem>> -> memref<1x40x128xf32, #tpu.memory_space<vmem>>
        %get3A_627 = tpu.memref_squeeze %get3A_626 : memref<1x40x128xf32, #tpu.memory_space<vmem>> -> memref<40x128xf32, #tpu.memory_space<vmem>>
        %get3A_628 = arith.index_cast %add3A_513 : i32 to index
        %get3A_629 = arith.constant 112 : index
        %get3A_630 = tpu.vector_load %get3A_627[%get3A_628, %get3A_629] {strides = array<i32>} : memref<40x128xf32, #tpu.memory_space<vmem>>, vector<1x16xf32>,
        %get3A_631 = vector.shape_cast %get3A_630 : vector<1x16xf32> to vector<16xf32>
        %add3A_632 = arith.addf %get3A_623, %get3A_631 : vector<16xf32>
        %get3A_633 = arith.constant 0 : i32
        %get3A_634 = arith.constant 0 : i32
        %get3A_635 = tpu.memref_slice %arg12[%scan3A_229, %get3A_633, %get3A_634] : memref<2x40x64xf32, #tpu.memory_space<vmem>> -> memref<1x40x64xf32, #tpu.memory_space<vmem>>
        %get3A_636 = tpu.memref_squeeze %get3A_635 : memref<1x40x64xf32, #tpu.memory_space<vmem>> -> memref<40x64xf32, #tpu.memory_space<vmem>>
        %get3A_637 = arith.index_cast %add3A_513 : i32 to index
        %get3A_638 = arith.constant 48 : index
        %get3A_639 = tpu.vector_load %get3A_636[%get3A_637, %get3A_638] {strides = array<i32>} : memref<40x64xf32, #tpu.memory_space<vmem>>, vector<1x16xf32>,
        %get3A_640 = vector.shape_cast %get3A_639 : vector<1x16xf32> to vector<16xf32>
        %add3A_641 = arith.addf %add3A_632, %get3A_640 : vector<16xf32>
        %max3A_642 = arith.constant 0.000000e+00 : f32
        %max3A_643 = vector.broadcast %max3A_642 : f32 to vector<16xf32>
        %max3A_644 = arith.maximumf %add3A_641, %max3A_643 : vector<16xf32>
        %swap3A_645 = arith.index_cast %add3A_513 : i32 to index
        %swap3A_646 = arith.constant 48 : index
        %swap3A_647 = tpu.vector_load %arg13[%swap3A_645, %swap3A_646] {strides = array<i32>} : memref<40x128xf32, #tpu.memory_space<vmem>>, vector<1x16xf32>,
        %swap3A_648 = vector.shape_cast %swap3A_647 : vector<1x16xf32> to vector<16xf32>
        %swap3A_649 = vector.shape_cast %max3A_644 : vector<16xf32> to vector<1x16xf32>
        tpu.vector_store %arg13[%swap3A_645, %swap3A_646], %swap3A_649 {strides = array<i32>} : memref<40x128xf32, #tpu.memory_space<vmem>>, vector<1x16xf32>,
        %add3A_650 = arith.constant 2 : i32
        %add3A_651 = arith.addi %mul3A_376, %add3A_650 : i32
        %get3A_652 = arith.constant 0 : i32
        %get3A_653 = arith.constant 0 : i32
        %get3A_654 = tpu.memref_slice %arg10[%scan3A_227, %get3A_652, %get3A_653] : memref<2x40x128xf32, #tpu.memory_space<vmem>> -> memref<1x40x128xf32, #tpu.memory_space<vmem>>
        %get3A_655 = tpu.memref_squeeze %get3A_654 : memref<1x40x128xf32, #tpu.memory_space<vmem>> -> memref<40x128xf32, #tpu.memory_space<vmem>>
        %get3A_656 = arith.index_cast %add3A_651 : i32 to index
        %get3A_657 = arith.constant 0 : index
        %get3A_658 = tpu.vector_load %get3A_655[%get3A_656, %get3A_657] {strides = array<i32>} : memref<40x128xf32, #tpu.memory_space<vmem>>, vector<1x16xf32>,
        %get3A_659 = vector.shape_cast %get3A_658 : vector<1x16xf32> to vector<16xf32>
        %get3A_660 = arith.constant 0 : i32
        %get3A_661 = arith.constant 0 : i32
        %get3A_662 = tpu.memref_slice %arg11[%scan3A_228, %get3A_660, %get3A_661] : memref<2x40x128xf32, #tpu.memory_space<vmem>> -> memref<1x40x128xf32, #tpu.memory_space<vmem>>
        %get3A_663 = tpu.memref_squeeze %get3A_662 : memref<1x40x128xf32, #tpu.memory_space<vmem>> -> memref<40x128xf32, #tpu.memory_space<vmem>>
        %get3A_664 = arith.index_cast %add3A_651 : i32 to index
        %get3A_665 = arith.constant 64 : index
        %get3A_666 = tpu.vector_load %get3A_663[%get3A_664, %get3A_665] {strides = array<i32>} : memref<40x128xf32, #tpu.memory_space<vmem>>, vector<1x16xf32>,
        %get3A_667 = vector.shape_cast %get3A_666 : vector<1x16xf32> to vector<16xf32>
        %add3A_668 = arith.addf %get3A_659, %get3A_667 : vector<16xf32>
        %get3A_669 = arith.constant 0 : i32
        %get3A_670 = arith.constant 0 : i32
        %get3A_671 = tpu.memref_slice %arg12[%scan3A_229, %get3A_669, %get3A_670] : memref<2x40x64xf32, #tpu.memory_space<vmem>> -> memref<1x40x64xf32, #tpu.memory_space<vmem>>
        %get3A_672 = tpu.memref_squeeze %get3A_671 : memref<1x40x64xf32, #tpu.memory_space<vmem>> -> memref<40x64xf32, #tpu.memory_space<vmem>>
        %get3A_673 = arith.index_cast %add3A_651 : i32 to index
        %get3A_674 = arith.constant 0 : index
        %get3A_675 = tpu.vector_load %get3A_672[%get3A_673, %get3A_674] {strides = array<i32>} : memref<40x64xf32, #tpu.memory_space<vmem>>, vector<1x16xf32>,
        %get3A_676 = vector.shape_cast %get3A_675 : vector<1x16xf32> to vector<16xf32>
        %add3A_677 = arith.addf %add3A_668, %get3A_676 : vector<16xf32>
        %max3A_678 = arith.constant 0.000000e+00 : f32
        %max3A_679 = vector.broadcast %max3A_678 : f32 to vector<16xf32>
        %max3A_680 = arith.maximumf %add3A_677, %max3A_679 : vector<16xf32>
        %swap3A_681 = arith.index_cast %add3A_651 : i32 to index
        %swap3A_682 = arith.constant 0 : index
        %swap3A_683 = tpu.vector_load %arg13[%swap3A_681, %swap3A_682] {strides = array<i32>} : memref<40x128xf32, #tpu.memory_space<vmem>>, vector<1x16xf32>,
        %swap3A_684 = vector.shape_cast %swap3A_683 : vector<1x16xf32> to vector<16xf32>
        %swap3A_685 = vector.shape_cast %max3A_680 : vector<16xf32> to vector<1x16xf32>
        tpu.vector_store %arg13[%swap3A_681, %swap3A_682], %swap3A_685 {strides = array<i32>} : memref<40x128xf32, #tpu.memory_space<vmem>>, vector<1x16xf32>,
        %get3A_686 = arith.constant 0 : i32
        %get3A_687 = arith.constant 0 : i32
        %get3A_688 = tpu.memref_slice %arg10[%scan3A_227, %get3A_686, %get3A_687] : memref<2x40x128xf32, #tpu.memory_space<vmem>> -> memref<1x40x128xf32, #tpu.memory_space<vmem>>
        %get3A_689 = tpu.memref_squeeze %get3A_688 : memref<1x40x128xf32, #tpu.memory_space<vmem>> -> memref<40x128xf32, #tpu.memory_space<vmem>>
        %get3A_690 = arith.index_cast %add3A_651 : i32 to index
        %get3A_691 = arith.constant 16 : index
        %get3A_692 = tpu.vector_load %get3A_689[%get3A_690, %get3A_691] {strides = array<i32>} : memref<40x128xf32, #tpu.memory_space<vmem>>, vector<1x16xf32>,
        %get3A_693 = vector.shape_cast %get3A_692 : vector<1x16xf32> to vector<16xf32>
        %get3A_694 = arith.constant 0 : i32
        %get3A_695 = arith.constant 0 : i32
        %get3A_696 = tpu.memref_slice %arg11[%scan3A_228, %get3A_694, %get3A_695] : memref<2x40x128xf32, #tpu.memory_space<vmem>> -> memref<1x40x128xf32, #tpu.memory_space<vmem>>
        %get3A_697 = tpu.memref_squeeze %get3A_696 : memref<1x40x128xf32, #tpu.memory_space<vmem>> -> memref<40x128xf32, #tpu.memory_space<vmem>>
        %get3A_698 = arith.index_cast %add3A_651 : i32 to index
        %get3A_699 = arith.constant 80 : index
        %get3A_700 = tpu.vector_load %get3A_697[%get3A_698, %get3A_699] {strides = array<i32>} : memref<40x128xf32, #tpu.memory_space<vmem>>, vector<1x16xf32>,
        %get3A_701 = vector.shape_cast %get3A_700 : vector<1x16xf32> to vector<16xf32>
        %add3A_702 = arith.addf %get3A_693, %get3A_701 : vector<16xf32>
        %get3A_703 = arith.constant 0 : i32
        %get3A_704 = arith.constant 0 : i32
        %get3A_705 = tpu.memref_slice %arg12[%scan3A_229, %get3A_703, %get3A_704] : memref<2x40x64xf32, #tpu.memory_space<vmem>> -> memref<1x40x64xf32, #tpu.memory_space<vmem>>
        %get3A_706 = tpu.memref_squeeze %get3A_705 : memref<1x40x64xf32, #tpu.memory_space<vmem>> -> memref<40x64xf32, #tpu.memory_space<vmem>>
        %get3A_707 = arith.index_cast %add3A_651 : i32 to index
        %get3A_708 = arith.constant 16 : index
        %get3A_709 = tpu.vector_load %get3A_706[%get3A_707, %get3A_708] {strides = array<i32>} : memref<40x64xf32, #tpu.memory_space<vmem>>, vector<1x16xf32>,
        %get3A_710 = vector.shape_cast %get3A_709 : vector<1x16xf32> to vector<16xf32>
        %add3A_711 = arith.addf %add3A_702, %get3A_710 : vector<16xf32>
        %max3A_712 = arith.constant 0.000000e+00 : f32
        %max3A_713 = vector.broadcast %max3A_712 : f32 to vector<16xf32>
        %max3A_714 = arith.maximumf %add3A_711, %max3A_713 : vector<16xf32>
        %swap3A_715 = arith.index_cast %add3A_651 : i32 to index
        %swap3A_716 = arith.constant 16 : index
        %swap3A_717 = tpu.vector_load %arg13[%swap3A_715, %swap3A_716] {strides = array<i32>} : memref<40x128xf32, #tpu.memory_space<vmem>>, vector<1x16xf32>,
        %swap3A_718 = vector.shape_cast %swap3A_717 : vector<1x16xf32> to vector<16xf32>
        %swap3A_719 = vector.shape_cast %max3A_714 : vector<16xf32> to vector<1x16xf32>
        tpu.vector_store %arg13[%swap3A_715, %swap3A_716], %swap3A_719 {strides = array<i32>} : memref<40x128xf32, #tpu.memory_space<vmem>>, vector<1x16xf32>,
        %get3A_720 = arith.constant 0 : i32
        %get3A_721 = arith.constant 0 : i32
        %get3A_722 = tpu.memref_slice %arg10[%scan3A_227, %get3A_720, %get3A_721] : memref<2x40x128xf32, #tpu.memory_space<vmem>> -> memref<1x40x128xf32, #tpu.memory_space<vmem>>
        %get3A_723 = tpu.memref_squeeze %get3A_722 : memref<1x40x128xf32, #tpu.memory_space<vmem>> -> memref<40x128xf32, #tpu.memory_space<vmem>>
        %get3A_724 = arith.index_cast %add3A_651 : i32 to index
        %get3A_725 = arith.constant 32 : index
        %get3A_726 = tpu.vector_load %get3A_723[%get3A_724, %get3A_725] {strides = array<i32>} : memref<40x128xf32, #tpu.memory_space<vmem>>, vector<1x16xf32>,
        %get3A_727 = vector.shape_cast %get3A_726 : vector<1x16xf32> to vector<16xf32>
        %get3A_728 = arith.constant 0 : i32
        %get3A_729 = arith.constant 0 : i32
        %get3A_730 = tpu.memref_slice %arg11[%scan3A_228, %get3A_728, %get3A_729] : memref<2x40x128xf32, #tpu.memory_space<vmem>> -> memref<1x40x128xf32, #tpu.memory_space<vmem>>
        %get3A_731 = tpu.memref_squeeze %get3A_730 : memref<1x40x128xf32, #tpu.memory_space<vmem>> -> memref<40x128xf32, #tpu.memory_space<vmem>>
        %get3A_732 = arith.index_cast %add3A_651 : i32 to index
        %get3A_733 = arith.constant 96 : index
        %get3A_734 = tpu.vector_load %get3A_731[%get3A_732, %get3A_733] {strides = array<i32>} : memref<40x128xf32, #tpu.memory_space<vmem>>, vector<1x16xf32>,
        %get3A_735 = vector.shape_cast %get3A_734 : vector<1x16xf32> to vector<16xf32>
        %add3A_736 = arith.addf %get3A_727, %get3A_735 : vector<16xf32>
        %get3A_737 = arith.constant 0 : i32
        %get3A_738 = arith.constant 0 : i32
        %get3A_739 = tpu.memref_slice %arg12[%scan3A_229, %get3A_737, %get3A_738] : memref<2x40x64xf32, #tpu.memory_space<vmem>> -> memref<1x40x64xf32, #tpu.memory_space<vmem>>
        %get3A_740 = tpu.memref_squeeze %get3A_739 : memref<1x40x64xf32, #tpu.memory_space<vmem>> -> memref<40x64xf32, #tpu.memory_space<vmem>>
        %get3A_741 = arith.index_cast %add3A_651 : i32 to index
        %get3A_742 = arith.constant 32 : index
        %get3A_743 = tpu.vector_load %get3A_740[%get3A_741, %get3A_742] {strides = array<i32>} : memref<40x64xf32, #tpu.memory_space<vmem>>, vector<1x16xf32>,
        %get3A_744 = vector.shape_cast %get3A_743 : vector<1x16xf32> to vector<16xf32>
        %add3A_745 = arith.addf %add3A_736, %get3A_744 : vector<16xf32>
        %max3A_746 = arith.constant 0.000000e+00 : f32
        %max3A_747 = vector.broadcast %max3A_746 : f32 to vector<16xf32>
        %max3A_748 = arith.maximumf %add3A_745, %max3A_747 : vector<16xf32>
        %swap3A_749 = arith.index_cast %add3A_651 : i32 to index
        %swap3A_750 = arith.constant 32 : index
        %swap3A_751 = tpu.vector_load %arg13[%swap3A_749, %swap3A_750] {strides = array<i32>} : memref<40x128xf32, #tpu.memory_space<vmem>>, vector<1x16xf32>,
        %swap3A_752 = vector.shape_cast %swap3A_751 : vector<1x16xf32> to vector<16xf32>
        %swap3A_753 = vector.shape_cast %max3A_748 : vector<16xf32> to vector<1x16xf32>
        tpu.vector_store %arg13[%swap3A_749, %swap3A_750], %swap3A_753 {strides = array<i32>} : memref<40x128xf32, #tpu.memory_space<vmem>>, vector<1x16xf32>,
        %get3A_754 = arith.constant 0 : i32
        %get3A_755 = arith.constant 0 : i32
        %get3A_756 = tpu.memref_slice %arg10[%scan3A_227, %get3A_754, %get3A_755] : memref<2x40x128xf32, #tpu.memory_space<vmem>> -> memref<1x40x128xf32, #tpu.memory_space<vmem>>
        %get3A_757 = tpu.memref_squeeze %get3A_756 : memref<1x40x128xf32, #tpu.memory_space<vmem>> -> memref<40x128xf32, #tpu.memory_space<vmem>>
        %get3A_758 = arith.index_cast %add3A_651 : i32 to index
        %get3A_759 = arith.constant 48 : index
        %get3A_760 = tpu.vector_load %get3A_757[%get3A_758, %get3A_759] {strides = array<i32>} : memref<40x128xf32, #tpu.memory_space<vmem>>, vector<1x16xf32>,
        %get3A_761 = vector.shape_cast %get3A_760 : vector<1x16xf32> to vector<16xf32>
        %get3A_762 = arith.constant 0 : i32
        %get3A_763 = arith.constant 0 : i32
        %get3A_764 = tpu.memref_slice %arg11[%scan3A_228, %get3A_762, %get3A_763] : memref<2x40x128xf32, #tpu.memory_space<vmem>> -> memref<1x40x128xf32, #tpu.memory_space<vmem>>
        %get3A_765 = tpu.memref_squeeze %get3A_764 : memref<1x40x128xf32, #tpu.memory_space<vmem>> -> memref<40x128xf32, #tpu.memory_space<vmem>>
        %get3A_766 = arith.index_cast %add3A_651 : i32 to index
        %get3A_767 = arith.constant 112 : index
        %get3A_768 = tpu.vector_load %get3A_765[%get3A_766, %get3A_767] {strides = array<i32>} : memref<40x128xf32, #tpu.memory_space<vmem>>, vector<1x16xf32>,
        %get3A_769 = vector.shape_cast %get3A_768 : vector<1x16xf32> to vector<16xf32>
        %add3A_770 = arith.addf %get3A_761, %get3A_769 : vector<16xf32>
        %get3A_771 = arith.constant 0 : i32
        %get3A_772 = arith.constant 0 : i32
        %get3A_773 = tpu.memref_slice %arg12[%scan3A_229, %get3A_771, %get3A_772] : memref<2x40x64xf32, #tpu.memory_space<vmem>> -> memref<1x40x64xf32, #tpu.memory_space<vmem>>
        %get3A_774 = tpu.memref_squeeze %get3A_773 : memref<1x40x64xf32, #tpu.memory_space<vmem>> -> memref<40x64xf32, #tpu.memory_space<vmem>>
        %get3A_775 = arith.index_cast %add3A_651 : i32 to index
        %get3A_776 = arith.constant 48 : index
        %get3A_777 = tpu.vector_load %get3A_774[%get3A_775, %get3A_776] {strides = array<i32>} : memref<40x64xf32, #tpu.memory_space<vmem>>, vector<1x16xf32>,
        %get3A_778 = vector.shape_cast %get3A_777 : vector<1x16xf32> to vector<16xf32>
        %add3A_779 = arith.addf %add3A_770, %get3A_778 : vector<16xf32>
        %max3A_780 = arith.constant 0.000000e+00 : f32
        %max3A_781 = vector.broadcast %max3A_780 : f32 to vector<16xf32>
        %max3A_782 = arith.maximumf %add3A_779, %max3A_781 : vector<16xf32>
        %swap3A_783 = arith.index_cast %add3A_651 : i32 to index
        %swap3A_784 = arith.constant 48 : index
        %swap3A_785 = tpu.vector_load %arg13[%swap3A_783, %swap3A_784] {strides = array<i32>} : memref<40x128xf32, #tpu.memory_space<vmem>>, vector<1x16xf32>,
        %swap3A_786 = vector.shape_cast %swap3A_785 : vector<1x16xf32> to vector<16xf32>
        %swap3A_787 = vector.shape_cast %max3A_782 : vector<16xf32> to vector<1x16xf32>
        tpu.vector_store %arg13[%swap3A_783, %swap3A_784], %swap3A_787 {strides = array<i32>} : memref<40x128xf32, #tpu.memory_space<vmem>>, vector<1x16xf32>,
        %add3A_788 = arith.constant 3 : i32
        %add3A_789 = arith.addi %mul3A_376, %add3A_788 : i32
        %get3A_790 = arith.constant 0 : i32
        %get3A_791 = arith.constant 0 : i32
        %get3A_792 = tpu.memref_slice %arg10[%scan3A_227, %get3A_790, %get3A_791] : memref<2x40x128xf32, #tpu.memory_space<vmem>> -> memref<1x40x128xf32, #tpu.memory_space<vmem>>
        %get3A_793 = tpu.memref_squeeze %get3A_792 : memref<1x40x128xf32, #tpu.memory_space<vmem>> -> memref<40x128xf32, #tpu.memory_space<vmem>>
        %get3A_794 = arith.index_cast %add3A_789 : i32 to index
        %get3A_795 = arith.constant 0 : index
        %get3A_796 = tpu.vector_load %get3A_793[%get3A_794, %get3A_795] {strides = array<i32>} : memref<40x128xf32, #tpu.memory_space<vmem>>, vector<1x16xf32>,
        %get3A_797 = vector.shape_cast %get3A_796 : vector<1x16xf32> to vector<16xf32>
        %get3A_798 = arith.constant 0 : i32
        %get3A_799 = arith.constant 0 : i32
        %get3A_800 = tpu.memref_slice %arg11[%scan3A_228, %get3A_798, %get3A_799] : memref<2x40x128xf32, #tpu.memory_space<vmem>> -> memref<1x40x128xf32, #tpu.memory_space<vmem>>
        %get3A_801 = tpu.memref_squeeze %get3A_800 : memref<1x40x128xf32, #tpu.memory_space<vmem>> -> memref<40x128xf32, #tpu.memory_space<vmem>>
        %get3A_802 = arith.index_cast %add3A_789 : i32 to index
        %get3A_803 = arith.constant 64 : index
        %get3A_804 = tpu.vector_load %get3A_801[%get3A_802, %get3A_803] {strides = array<i32>} : memref<40x128xf32, #tpu.memory_space<vmem>>, vector<1x16xf32>,
        %get3A_805 = vector.shape_cast %get3A_804 : vector<1x16xf32> to vector<16xf32>
        %add3A_806 = arith.addf %get3A_797, %get3A_805 : vector<16xf32>
        %get3A_807 = arith.constant 0 : i32
        %get3A_808 = arith.constant 0 : i32
        %get3A_809 = tpu.memref_slice %arg12[%scan3A_229, %get3A_807, %get3A_808] : memref<2x40x64xf32, #tpu.memory_space<vmem>> -> memref<1x40x64xf32, #tpu.memory_space<vmem>>
        %get3A_810 = tpu.memref_squeeze %get3A_809 : memref<1x40x64xf32, #tpu.memory_space<vmem>> -> memref<40x64xf32, #tpu.memory_space<vmem>>
        %get3A_811 = arith.index_cast %add3A_789 : i32 to index
        %get3A_812 = arith.constant 0 : index
        %get3A_813 = tpu.vector_load %get3A_810[%get3A_811, %get3A_812] {strides = array<i32>} : memref<40x64xf32, #tpu.memory_space<vmem>>, vector<1x16xf32>,
        %get3A_814 = vector.shape_cast %get3A_813 : vector<1x16xf32> to vector<16xf32>
        %add3A_815 = arith.addf %add3A_806, %get3A_814 : vector<16xf32>
        %max3A_816 = arith.constant 0.000000e+00 : f32
        %max3A_817 = vector.broadcast %max3A_816 : f32 to vector<16xf32>
        %max3A_818 = arith.maximumf %add3A_815, %max3A_817 : vector<16xf32>
        %swap3A_819 = arith.index_cast %add3A_789 : i32 to index
        %swap3A_820 = arith.constant 0 : index
        %swap3A_821 = tpu.vector_load %arg13[%swap3A_819, %swap3A_820] {strides = array<i32>} : memref<40x128xf32, #tpu.memory_space<vmem>>, vector<1x16xf32>,
        %swap3A_822 = vector.shape_cast %swap3A_821 : vector<1x16xf32> to vector<16xf32>
        %swap3A_823 = vector.shape_cast %max3A_818 : vector<16xf32> to vector<1x16xf32>
        tpu.vector_store %arg13[%swap3A_819, %swap3A_820], %swap3A_823 {strides = array<i32>} : memref<40x128xf32, #tpu.memory_space<vmem>>, vector<1x16xf32>,
        %get3A_824 = arith.constant 0 : i32
        %get3A_825 = arith.constant 0 : i32
        %get3A_826 = tpu.memref_slice %arg10[%scan3A_227, %get3A_824, %get3A_825] : memref<2x40x128xf32, #tpu.memory_space<vmem>> -> memref<1x40x128xf32, #tpu.memory_space<vmem>>
        %get3A_827 = tpu.memref_squeeze %get3A_826 : memref<1x40x128xf32, #tpu.memory_space<vmem>> -> memref<40x128xf32, #tpu.memory_space<vmem>>
        %get3A_828 = arith.index_cast %add3A_789 : i32 to index
        %get3A_829 = arith.constant 16 : index
        %get3A_830 = tpu.vector_load %get3A_827[%get3A_828, %get3A_829] {strides = array<i32>} : memref<40x128xf32, #tpu.memory_space<vmem>>, vector<1x16xf32>,
        %get3A_831 = vector.shape_cast %get3A_830 : vector<1x16xf32> to vector<16xf32>
        %get3A_832 = arith.constant 0 : i32
        %get3A_833 = arith.constant 0 : i32
        %get3A_834 = tpu.memref_slice %arg11[%scan3A_228, %get3A_832, %get3A_833] : memref<2x40x128xf32, #tpu.memory_space<vmem>> -> memref<1x40x128xf32, #tpu.memory_space<vmem>>
        %get3A_835 = tpu.memref_squeeze %get3A_834 : memref<1x40x128xf32, #tpu.memory_space<vmem>> -> memref<40x128xf32, #tpu.memory_space<vmem>>
        %get3A_836 = arith.index_cast %add3A_789 : i32 to index
        %get3A_837 = arith.constant 80 : index
        %get3A_838 = tpu.vector_load %get3A_835[%get3A_836, %get3A_837] {strides = array<i32>} : memref<40x128xf32, #tpu.memory_space<vmem>>, vector<1x16xf32>,
        %get3A_839 = vector.shape_cast %get3A_838 : vector<1x16xf32> to vector<16xf32>
        %add3A_840 = arith.addf %get3A_831, %get3A_839 : vector<16xf32>
        %get3A_841 = arith.constant 0 : i32
        %get3A_842 = arith.constant 0 : i32
        %get3A_843 = tpu.memref_slice %arg12[%scan3A_229, %get3A_841, %get3A_842] : memref<2x40x64xf32, #tpu.memory_space<vmem>> -> memref<1x40x64xf32, #tpu.memory_space<vmem>>
        %get3A_844 = tpu.memref_squeeze %get3A_843 : memref<1x40x64xf32, #tpu.memory_space<vmem>> -> memref<40x64xf32, #tpu.memory_space<vmem>>
        %get3A_845 = arith.index_cast %add3A_789 : i32 to index
        %get3A_846 = arith.constant 16 : index
        %get3A_847 = tpu.vector_load %get3A_844[%get3A_845, %get3A_846] {strides = array<i32>} : memref<40x64xf32, #tpu.memory_space<vmem>>, vector<1x16xf32>,
        %get3A_848 = vector.shape_cast %get3A_847 : vector<1x16xf32> to vector<16xf32>
        %add3A_849 = arith.addf %add3A_840, %get3A_848 : vector<16xf32>
        %max3A_850 = arith.constant 0.000000e+00 : f32
        %max3A_851 = vector.broadcast %max3A_850 : f32 to vector<16xf32>
        %max3A_852 = arith.maximumf %add3A_849, %max3A_851 : vector<16xf32>
        %swap3A_853 = arith.index_cast %add3A_789 : i32 to index
        %swap3A_854 = arith.constant 16 : index
        %swap3A_855 = tpu.vector_load %arg13[%swap3A_853, %swap3A_854] {strides = array<i32>} : memref<40x128xf32, #tpu.memory_space<vmem>>, vector<1x16xf32>,
        %swap3A_856 = vector.shape_cast %swap3A_855 : vector<1x16xf32> to vector<16xf32>
        %swap3A_857 = vector.shape_cast %max3A_852 : vector<16xf32> to vector<1x16xf32>
        tpu.vector_store %arg13[%swap3A_853, %swap3A_854], %swap3A_857 {strides = array<i32>} : memref<40x128xf32, #tpu.memory_space<vmem>>, vector<1x16xf32>,
        %get3A_858 = arith.constant 0 : i32
        %get3A_859 = arith.constant 0 : i32
        %get3A_860 = tpu.memref_slice %arg10[%scan3A_227, %get3A_858, %get3A_859] : memref<2x40x128xf32, #tpu.memory_space<vmem>> -> memref<1x40x128xf32, #tpu.memory_space<vmem>>
        %get3A_861 = tpu.memref_squeeze %get3A_860 : memref<1x40x128xf32, #tpu.memory_space<vmem>> -> memref<40x128xf32, #tpu.memory_space<vmem>>
        %get3A_862 = arith.index_cast %add3A_789 : i32 to index
        %get3A_863 = arith.constant 32 : index
        %get3A_864 = tpu.vector_load %get3A_861[%get3A_862, %get3A_863] {strides = array<i32>} : memref<40x128xf32, #tpu.memory_space<vmem>>, vector<1x16xf32>,
        %get3A_865 = vector.shape_cast %get3A_864 : vector<1x16xf32> to vector<16xf32>
        %get3A_866 = arith.constant 0 : i32
        %get3A_867 = arith.constant 0 : i32
        %get3A_868 = tpu.memref_slice %arg11[%scan3A_228, %get3A_866, %get3A_867] : memref<2x40x128xf32, #tpu.memory_space<vmem>> -> memref<1x40x128xf32, #tpu.memory_space<vmem>>
        %get3A_869 = tpu.memref_squeeze %get3A_868 : memref<1x40x128xf32, #tpu.memory_space<vmem>> -> memref<40x128xf32, #tpu.memory_space<vmem>>
        %get3A_870 = arith.index_cast %add3A_789 : i32 to index
        %get3A_871 = arith.constant 96 : index
        %get3A_872 = tpu.vector_load %get3A_869[%get3A_870, %get3A_871] {strides = array<i32>} : memref<40x128xf32, #tpu.memory_space<vmem>>, vector<1x16xf32>,
        %get3A_873 = vector.shape_cast %get3A_872 : vector<1x16xf32> to vector<16xf32>
        %add3A_874 = arith.addf %get3A_865, %get3A_873 : vector<16xf32>
        %get3A_875 = arith.constant 0 : i32
        %get3A_876 = arith.constant 0 : i32
        %get3A_877 = tpu.memref_slice %arg12[%scan3A_229, %get3A_875, %get3A_876] : memref<2x40x64xf32, #tpu.memory_space<vmem>> -> memref<1x40x64xf32, #tpu.memory_space<vmem>>
        %get3A_878 = tpu.memref_squeeze %get3A_877 : memref<1x40x64xf32, #tpu.memory_space<vmem>> -> memref<40x64xf32, #tpu.memory_space<vmem>>
        %get3A_879 = arith.index_cast %add3A_789 : i32 to index
        %get3A_880 = arith.constant 32 : index
        %get3A_881 = tpu.vector_load %get3A_878[%get3A_879, %get3A_880] {strides = array<i32>} : memref<40x64xf32, #tpu.memory_space<vmem>>, vector<1x16xf32>,
        %get3A_882 = vector.shape_cast %get3A_881 : vector<1x16xf32> to vector<16xf32>
        %add3A_883 = arith.addf %add3A_874, %get3A_882 : vector<16xf32>
        %max3A_884 = arith.constant 0.000000e+00 : f32
        %max3A_885 = vector.broadcast %max3A_884 : f32 to vector<16xf32>
        %max3A_886 = arith.maximumf %add3A_883, %max3A_885 : vector<16xf32>
        %swap3A_887 = arith.index_cast %add3A_789 : i32 to index
        %swap3A_888 = arith.constant 32 : index
        %swap3A_889 = tpu.vector_load %arg13[%swap3A_887, %swap3A_888] {strides = array<i32>} : memref<40x128xf32, #tpu.memory_space<vmem>>, vector<1x16xf32>,
        %swap3A_890 = vector.shape_cast %swap3A_889 : vector<1x16xf32> to vector<16xf32>
        %swap3A_891 = vector.shape_cast %max3A_886 : vector<16xf32> to vector<1x16xf32>
        tpu.vector_store %arg13[%swap3A_887, %swap3A_888], %swap3A_891 {strides = array<i32>} : memref<40x128xf32, #tpu.memory_space<vmem>>, vector<1x16xf32>,
        %get3A_892 = arith.constant 0 : i32
        %get3A_893 = arith.constant 0 : i32
        %get3A_894 = tpu.memref_slice %arg10[%scan3A_227, %get3A_892, %get3A_893] : memref<2x40x128xf32, #tpu.memory_space<vmem>> -> memref<1x40x128xf32, #tpu.memory_space<vmem>>
        %get3A_895 = tpu.memref_squeeze %get3A_894 : memref<1x40x128xf32, #tpu.memory_space<vmem>> -> memref<40x128xf32, #tpu.memory_space<vmem>>
        %get3A_896 = arith.index_cast %add3A_789 : i32 to index
        %get3A_897 = arith.constant 48 : index
        %get3A_898 = tpu.vector_load %get3A_895[%get3A_896, %get3A_897] {strides = array<i32>} : memref<40x128xf32, #tpu.memory_space<vmem>>, vector<1x16xf32>,
        %get3A_899 = vector.shape_cast %get3A_898 : vector<1x16xf32> to vector<16xf32>
        %get3A_900 = arith.constant 0 : i32
        %get3A_901 = arith.constant 0 : i32
        %get3A_902 = tpu.memref_slice %arg11[%scan3A_228, %get3A_900, %get3A_901] : memref<2x40x128xf32, #tpu.memory_space<vmem>> -> memref<1x40x128xf32, #tpu.memory_space<vmem>>
        %get3A_903 = tpu.memref_squeeze %get3A_902 : memref<1x40x128xf32, #tpu.memory_space<vmem>> -> memref<40x128xf32, #tpu.memory_space<vmem>>
        %get3A_904 = arith.index_cast %add3A_789 : i32 to index
        %get3A_905 = arith.constant 112 : index
        %get3A_906 = tpu.vector_load %get3A_903[%get3A_904, %get3A_905] {strides = array<i32>} : memref<40x128xf32, #tpu.memory_space<vmem>>, vector<1x16xf32>,
        %get3A_907 = vector.shape_cast %get3A_906 : vector<1x16xf32> to vector<16xf32>
        %add3A_908 = arith.addf %get3A_899, %get3A_907 : vector<16xf32>
        %get3A_909 = arith.constant 0 : i32
        %get3A_910 = arith.constant 0 : i32
        %get3A_911 = tpu.memref_slice %arg12[%scan3A_229, %get3A_909, %get3A_910] : memref<2x40x64xf32, #tpu.memory_space<vmem>> -> memref<1x40x64xf32, #tpu.memory_space<vmem>>
        %get3A_912 = tpu.memref_squeeze %get3A_911 : memref<1x40x64xf32, #tpu.memory_space<vmem>> -> memref<40x64xf32, #tpu.memory_space<vmem>>
        %get3A_913 = arith.index_cast %add3A_789 : i32 to index
        %get3A_914 = arith.constant 48 : index
        %get3A_915 = tpu.vector_load %get3A_912[%get3A_913, %get3A_914] {strides = array<i32>} : memref<40x64xf32, #tpu.memory_space<vmem>>, vector<1x16xf32>,
        %get3A_916 = vector.shape_cast %get3A_915 : vector<1x16xf32> to vector<16xf32>
        %add3A_917 = arith.addf %add3A_908, %get3A_916 : vector<16xf32>
        %max3A_918 = arith.constant 0.000000e+00 : f32
        %max3A_919 = vector.broadcast %max3A_918 : f32 to vector<16xf32>
        %max3A_920 = arith.maximumf %add3A_917, %max3A_919 : vector<16xf32>
        %swap3A_921 = arith.index_cast %add3A_789 : i32 to index
        %swap3A_922 = arith.constant 48 : index
        %swap3A_923 = tpu.vector_load %arg13[%swap3A_921, %swap3A_922] {strides = array<i32>} : memref<40x128xf32, #tpu.memory_space<vmem>>, vector<1x16xf32>,
        %swap3A_924 = vector.shape_cast %swap3A_923 : vector<1x16xf32> to vector<16xf32>
        %swap3A_925 = vector.shape_cast %max3A_920 : vector<16xf32> to vector<1x16xf32>
        tpu.vector_store %arg13[%swap3A_921, %swap3A_922], %swap3A_925 {strides = array<i32>} : memref<40x128xf32, #tpu.memory_space<vmem>>, vector<1x16xf32>,
      }
      %scan3A_234 = arith.constant 10 : i32
      %run_scoped3A_235 = arith.constant 0 : i32
      "tpu.region"() ({
        %run_scoped3A_374 = tpu.sem_alloc : memref<!tpu.dma_semaphore, #tpu.memory_space<semaphore_mem>>
        %dma_start3A_375 = arith.constant 0 : i32
        %dma_start3A_376 = tpu.memref_slice %arg9[%run_scoped3A_235, %dma_start3A_375] : memref<2x40xi32, #tpu.memory_space<vmem>> -> memref<1x40xi32, #tpu.memory_space<vmem>>
        %dma_start3A_377 = tpu.memref_squeeze %dma_start3A_376 : memref<1x40xi32, #tpu.memory_space<vmem>> -> memref<40xi32, #tpu.memory_space<vmem>>
        %dma_start3A_378 = arith.constant 0 : i32
        %dma_start3A_379 = arith.constant 0 : i32
        %dma_start3A_380 = tpu.memref_slice %arg14[%dma_start3A_378, %dma_start3A_379] : memref<10112x128xf32, #tpu.memory_space<vmem_shared>> -> memref<10112x128xf32, #tpu.memory_space<vmem_shared>>
        tpu.enqueue_indirect_dma source(%arg13 : memref<40x128xf32, #tpu.memory_space<vmem>>) target(%dma_start3A_380 : memref<10112x128xf32, #tpu.memory_space<vmem_shared>>) offsets(%dma_start3A_377 : memref<40xi32, #tpu.memory_space<vmem>>) semaphore(%run_scoped3A_374 : memref<!tpu.dma_semaphore, #tpu.memory_space<semaphore_mem>>) {add = true}
        %dma_wait3A_381 = arith.constant 0 : i32
        %dma_wait3A_382 = tpu.memref_slice %arg9[%run_scoped3A_235, %dma_wait3A_381] : memref<2x40xi32, #tpu.memory_space<vmem>> -> memref<1x40xi32, #tpu.memory_space<vmem>>
        %dma_wait3A_383 = tpu.memref_squeeze %dma_wait3A_382 : memref<1x40xi32, #tpu.memory_space<vmem>> -> memref<40xi32, #tpu.memory_space<vmem>>
        %dma_wait3A_384 = arith.constant 0 : i32
        %dma_wait3A_385 = arith.constant 0 : i32
        %dma_wait3A_386 = tpu.memref_slice %arg14[%dma_wait3A_384, %dma_wait3A_385] : memref<10112x128xf32, #tpu.memory_space<vmem_shared>> -> memref<10112x128xf32, #tpu.memory_space<vmem_shared>>
        tpu.wait_indirect_dma semaphore(%run_scoped3A_374 : memref<!tpu.dma_semaphore, #tpu.memory_space<semaphore_mem>>) src(%arg13 : memref<40x128xf32, #tpu.memory_space<vmem>>) dst(%dma_wait3A_386 : memref<10112x128xf32, #tpu.memory_space<vmem_shared>>)
        tpu.yield
      }) : () -> ()
      %add3A_236 = arith.constant 80 : i32
      %add3A_237 = arith.addi %add3A_188, %add3A_236 : i32
      %min3A_238 = arith.constant 319960 : i32
      %min3A_239 = arith.minsi %add3A_237, %min3A_238 : i32
      %run_scoped3A_240 = arith.constant 0 : i32
      "tpu.region"() ({
        %run_scoped3A_374 = tpu.sem_alloc : memref<!tpu.dma_semaphore, #tpu.memory_space<semaphore_mem>>
        %dma_start3A_375 = arith.constant 0 : i32
        %dma_start3A_376 = tpu.memref_slice %arg8[%run_scoped3A_240, %dma_start3A_375] : memref<2x40xi32, #tpu.memory_space<vmem>> -> memref<1x40xi32, #tpu.memory_space<vmem>>
        %dma_start3A_377 = tpu.memref_squeeze %dma_start3A_376 : memref<1x40xi32, #tpu.memory_space<vmem>> -> memref<40xi32, #tpu.memory_space<vmem>>
        %dma_start3A_378 = tpu.memref_slice %arg4[%min3A_239] : memref<320000xi32, #tpu.memory_space<hbm>> -> memref<40xi32, #tpu.memory_space<hbm>>
        %dma_start3A_379 = arith.constant 0 : i32
        %dma_start3A_380 = tpu.memref_slice %arg8[%run_scoped3A_240, %dma_start3A_379] : memref<2x40xi32, #tpu.memory_space<vmem>> -> memref<1x40xi32, #tpu.memory_space<vmem>>
        %dma_start3A_381 = tpu.memref_squeeze %dma_start3A_380 : memref<1x40xi32, #tpu.memory_space<vmem>> -> memref<40xi32, #tpu.memory_space<vmem>>
        %dma_start3A_382 = tpu.memref_slice %arg4[%min3A_239] : memref<320000xi32, #tpu.memory_space<hbm>> -> memref<40xi32, #tpu.memory_space<hbm>>
        tpu.enqueue_dma source(%dma_start3A_382 : memref<40xi32, #tpu.memory_space<hbm>>) target(%dma_start3A_381 : memref<40xi32, #tpu.memory_space<vmem>>) target_semaphore(%run_scoped3A_374 : memref<!tpu.dma_semaphore, #tpu.memory_space<semaphore_mem>>)
        %dma_wait3A_383 = arith.constant 0 : i32
        %dma_wait3A_384 = tpu.memref_slice %arg8[%run_scoped3A_240, %dma_wait3A_383] : memref<2x40xi32, #tpu.memory_space<vmem>> -> memref<1x40xi32, #tpu.memory_space<vmem>>
        %dma_wait3A_385 = tpu.memref_squeeze %dma_wait3A_384 : memref<1x40xi32, #tpu.memory_space<vmem>> -> memref<40xi32, #tpu.memory_space<vmem>>
        %dma_wait3A_386 = tpu.memref_slice %arg4[%min3A_239] : memref<320000xi32, #tpu.memory_space<hbm>> -> memref<40xi32, #tpu.memory_space<hbm>>
        %dma_wait3A_387 = arith.constant 0 : i32
        %dma_wait3A_388 = tpu.memref_slice %arg8[%run_scoped3A_240, %dma_wait3A_387] : memref<2x40xi32, #tpu.memory_space<vmem>> -> memref<1x40xi32, #tpu.memory_space<vmem>>
        %dma_wait3A_389 = tpu.memref_squeeze %dma_wait3A_388 : memref<1x40xi32, #tpu.memory_space<vmem>> -> memref<40xi32, #tpu.memory_space<vmem>>
        %dma_wait3A_390 = tpu.memref_slice %arg4[%min3A_239] : memref<320000xi32, #tpu.memory_space<hbm>> -> memref<40xi32, #tpu.memory_space<hbm>>
        tpu.wait_dma2 semaphore(%run_scoped3A_374 : memref<!tpu.dma_semaphore, #tpu.memory_space<semaphore_mem>>) src(%dma_wait3A_390 : memref<40xi32, #tpu.memory_space<hbm>>) dst(%dma_wait3A_389 : memref<40xi32, #tpu.memory_space<vmem>>)
        tpu.yield
      }) : () -> ()
      %run_scoped3A_241 = arith.constant 0 : i32
      "tpu.region"() ({
        %run_scoped3A_374 = tpu.sem_alloc : memref<!tpu.dma_semaphore, #tpu.memory_space<semaphore_mem>>
        %dma_start3A_375 = arith.constant 0 : i32
        %dma_start3A_376 = tpu.memref_slice %arg9[%run_scoped3A_241, %dma_start3A_375] : memref<2x40xi32, #tpu.memory_space<vmem>> -> memref<1x40xi32, #tpu.memory_space<vmem>>
        %dma_start3A_377 = tpu.memref_squeeze %dma_start3A_376 : memref<1x40xi32, #tpu.memory_space<vmem>> -> memref<40xi32, #tpu.memory_space<vmem>>
        %dma_start3A_378 = tpu.memref_slice %arg5[%min3A_239] : memref<320000xi32, #tpu.memory_space<hbm>> -> memref<40xi32, #tpu.memory_space<hbm>>
        %dma_start3A_379 = arith.constant 0 : i32
        %dma_start3A_380 = tpu.memref_slice %arg9[%run_scoped3A_241, %dma_start3A_379] : memref<2x40xi32, #tpu.memory_space<vmem>> -> memref<1x40xi32, #tpu.memory_space<vmem>>
        %dma_start3A_381 = tpu.memref_squeeze %dma_start3A_380 : memref<1x40xi32, #tpu.memory_space<vmem>> -> memref<40xi32, #tpu.memory_space<vmem>>
        %dma_start3A_382 = tpu.memref_slice %arg5[%min3A_239] : memref<320000xi32, #tpu.memory_space<hbm>> -> memref<40xi32, #tpu.memory_space<hbm>>
        tpu.enqueue_dma source(%dma_start3A_382 : memref<40xi32, #tpu.memory_space<hbm>>) target(%dma_start3A_381 : memref<40xi32, #tpu.memory_space<vmem>>) target_semaphore(%run_scoped3A_374 : memref<!tpu.dma_semaphore, #tpu.memory_space<semaphore_mem>>)
        %dma_wait3A_383 = arith.constant 0 : i32
        %dma_wait3A_384 = tpu.memref_slice %arg9[%run_scoped3A_241, %dma_wait3A_383] : memref<2x40xi32, #tpu.memory_space<vmem>> -> memref<1x40xi32, #tpu.memory_space<vmem>>
        %dma_wait3A_385 = tpu.memref_squeeze %dma_wait3A_384 : memref<1x40xi32, #tpu.memory_space<vmem>> -> memref<40xi32, #tpu.memory_space<vmem>>
        %dma_wait3A_386 = tpu.memref_slice %arg5[%min3A_239] : memref<320000xi32, #tpu.memory_space<hbm>> -> memref<40xi32, #tpu.memory_space<hbm>>
        %dma_wait3A_387 = arith.constant 0 : i32
        %dma_wait3A_388 = tpu.memref_slice %arg9[%run_scoped3A_241, %dma_wait3A_387] : memref<2x40xi32, #tpu.memory_space<vmem>> -> memref<1x40xi32, #tpu.memory_space<vmem>>
        %dma_wait3A_389 = tpu.memref_squeeze %dma_wait3A_388 : memref<1x40xi32, #tpu.memory_space<vmem>> -> memref<40xi32, #tpu.memory_space<vmem>>
        %dma_wait3A_390 = tpu.memref_slice %arg5[%min3A_239] : memref<320000xi32, #tpu.memory_space<hbm>> -> memref<40xi32, #tpu.memory_space<hbm>>
        tpu.wait_dma2 semaphore(%run_scoped3A_374 : memref<!tpu.dma_semaphore, #tpu.memory_space<semaphore_mem>>) src(%dma_wait3A_390 : memref<40xi32, #tpu.memory_space<hbm>>) dst(%dma_wait3A_389 : memref<40xi32, #tpu.memory_space<vmem>>)
        tpu.yield
      }) : () -> ()
      %dma_start3A_242 = arith.constant 0 : i32
      %dma_start3A_243 = arith.constant 0 : i32
      %dma_start3A_244 = arith.constant 0 : i32
      %dma_start3A_245 = arith.constant 0 : i32
      %dma_start3A_246 = tpu.memref_slice %arg10[%dma_start3A_243, %dma_start3A_244, %dma_start3A_245] : memref<2x40x128xf32, #tpu.memory_space<vmem>> -> memref<1x40x128xf32, #tpu.memory_space<vmem>>
      %dma_start3A_247 = tpu.memref_squeeze %dma_start3A_246 : memref<1x40x128xf32, #tpu.memory_space<vmem>> -> memref<40x128xf32, #tpu.memory_space<vmem>>
      %dma_start3A_248 = arith.constant 0 : i32
      %dma_start3A_249 = tpu.memref_slice %arg9[%dma_start3A_242, %dma_start3A_248] : memref<2x40xi32, #tpu.memory_space<vmem>> -> memref<1x40xi32, #tpu.memory_space<vmem>>
      %dma_start3A_250 = tpu.memref_squeeze %dma_start3A_249 : memref<1x40xi32, #tpu.memory_space<vmem>> -> memref<40xi32, #tpu.memory_space<vmem>>
      %dma_start3A_251 = arith.constant 0 : i32
      %dma_start3A_252 = arith.constant 0 : i32
      %dma_start3A_253 = tpu.memref_slice %arg2[%dma_start3A_251, %dma_start3A_252] : memref<10000x128xf32, #tpu.memory_space<hbm>> -> memref<10000x128xf32, #tpu.memory_space<hbm>>
      tpu.enqueue_indirect_dma source(%dma_start3A_253 : memref<10000x128xf32, #tpu.memory_space<hbm>>) target(%dma_start3A_247 : memref<40x128xf32, #tpu.memory_space<vmem>>) offsets(%dma_start3A_250 : memref<40xi32, #tpu.memory_space<vmem>>) semaphore(%arg15 : memref<!tpu.dma_semaphore, #tpu.memory_space<semaphore_mem>>)
      %dma_start3A_254 = arith.constant 0 : i32
      %dma_start3A_255 = arith.constant 0 : i32
      %dma_start3A_256 = arith.constant 0 : i32
      %dma_start3A_257 = arith.constant 0 : i32
      %dma_start3A_258 = tpu.memref_slice %arg11[%dma_start3A_255, %dma_start3A_256, %dma_start3A_257] : memref<2x40x128xf32, #tpu.memory_space<vmem>> -> memref<1x40x128xf32, #tpu.memory_space<vmem>>
      %dma_start3A_259 = tpu.memref_squeeze %dma_start3A_258 : memref<1x40x128xf32, #tpu.memory_space<vmem>> -> memref<40x128xf32, #tpu.memory_space<vmem>>
      %dma_start3A_260 = arith.constant 0 : i32
      %dma_start3A_261 = tpu.memref_slice %arg8[%dma_start3A_254, %dma_start3A_260] : memref<2x40xi32, #tpu.memory_space<vmem>> -> memref<1x40xi32, #tpu.memory_space<vmem>>
      %dma_start3A_262 = tpu.memref_squeeze %dma_start3A_261 : memref<1x40xi32, #tpu.memory_space<vmem>> -> memref<40xi32, #tpu.memory_space<vmem>>
      %dma_start3A_263 = arith.constant 0 : i32
      %dma_start3A_264 = arith.constant 0 : i32
      %dma_start3A_265 = tpu.memref_slice %arg2[%dma_start3A_263, %dma_start3A_264] : memref<10000x128xf32, #tpu.memory_space<hbm>> -> memref<10000x128xf32, #tpu.memory_space<hbm>>
      tpu.enqueue_indirect_dma source(%dma_start3A_265 : memref<10000x128xf32, #tpu.memory_space<hbm>>) target(%dma_start3A_259 : memref<40x128xf32, #tpu.memory_space<vmem>>) offsets(%dma_start3A_262 : memref<40xi32, #tpu.memory_space<vmem>>) semaphore(%arg16 : memref<!tpu.dma_semaphore, #tpu.memory_space<semaphore_mem>>)
      %dma_start3A_266 = arith.constant 0 : i32
      %dma_start3A_267 = arith.constant 0 : i32
      %dma_start3A_268 = arith.constant 0 : i32
      %dma_start3A_269 = tpu.memref_slice %arg12[%dma_start3A_266, %dma_start3A_267, %dma_start3A_268] : memref<2x40x64xf32, #tpu.memory_space<vmem>> -> memref<1x40x64xf32, #tpu.memory_space<vmem>>
      %dma_start3A_270 = tpu.memref_squeeze %dma_start3A_269 : memref<1x40x64xf32, #tpu.memory_space<vmem>> -> memref<40x64xf32, #tpu.memory_space<vmem>>
      %dma_start3A_271 = arith.constant 0 : i32
      %dma_start3A_272 = tpu.memref_slice %arg3[%min3A_239, %dma_start3A_271] : memref<320000x64xf32, #tpu.memory_space<hbm>> -> memref<40x64xf32, #tpu.memory_space<hbm>>
      %dma_start3A_273 = arith.constant 0 : i32
      %dma_start3A_274 = arith.constant 0 : i32
      %dma_start3A_275 = tpu.memref_slice %arg12[%dma_start3A_266, %dma_start3A_273, %dma_start3A_274] : memref<2x40x64xf32, #tpu.memory_space<vmem>> -> memref<1x40x64xf32, #tpu.memory_space<vmem>>
      %dma_start3A_276 = tpu.memref_squeeze %dma_start3A_275 : memref<1x40x64xf32, #tpu.memory_space<vmem>> -> memref<40x64xf32, #tpu.memory_space<vmem>>
      %dma_start3A_277 = arith.constant 0 : i32
      %dma_start3A_278 = tpu.memref_slice %arg3[%min3A_239, %dma_start3A_277] : memref<320000x64xf32, #tpu.memory_space<hbm>> -> memref<40x64xf32, #tpu.memory_space<hbm>>
      tpu.enqueue_dma source(%dma_start3A_278 : memref<40x64xf32, #tpu.memory_space<hbm>>) target(%dma_start3A_276 : memref<40x64xf32, #tpu.memory_space<vmem>>) target_semaphore(%arg17 : memref<!tpu.dma_semaphore, #tpu.memory_space<semaphore_mem>>)
      %add3A_279 = arith.constant 1 : i32
      %add3A_280 = arith.addi %mul3A_183, %add3A_279 : i32
      %mul3A_281 = arith.constant 40 : i32
      %mul3A_282 = arith.muli %add3A_280, %mul3A_281 : i32
      %add3A_283 = arith.addi %mul3A_2, %mul3A_282 : i32
      %dma_wait3A_284 = arith.constant 1 : i32
      %dma_wait3A_285 = arith.constant 1 : i32
      %dma_wait3A_286 = arith.constant 0 : i32
      %dma_wait3A_287 = arith.constant 0 : i32
      %dma_wait3A_288 = tpu.memref_slice %arg10[%dma_wait3A_285, %dma_wait3A_286, %dma_wait3A_287] : memref<2x40x128xf32, #tpu.memory_space<vmem>> -> memref<1x40x128xf32, #tpu.memory_space<vmem>>
      %dma_wait3A_289 = tpu.memref_squeeze %dma_wait3A_288 : memref<1x40x128xf32, #tpu.memory_space<vmem>> -> memref<40x128xf32, #tpu.memory_space<vmem>>
      %dma_wait3A_290 = arith.constant 0 : i32
      %dma_wait3A_291 = tpu.memref_slice %arg9[%dma_wait3A_284, %dma_wait3A_290] : memref<2x40xi32, #tpu.memory_space<vmem>> -> memref<1x40xi32, #tpu.memory_space<vmem>>
      %dma_wait3A_292 = tpu.memref_squeeze %dma_wait3A_291 : memref<1x40xi32, #tpu.memory_space<vmem>> -> memref<40xi32, #tpu.memory_space<vmem>>
      %dma_wait3A_293 = arith.constant 0 : i32
      %dma_wait3A_294 = arith.constant 0 : i32
      %dma_wait3A_295 = tpu.memref_slice %arg2[%dma_wait3A_293, %dma_wait3A_294] : memref<10000x128xf32, #tpu.memory_space<hbm>> -> memref<10000x128xf32, #tpu.memory_space<hbm>>
      tpu.wait_indirect_dma semaphore(%arg18 : memref<!tpu.dma_semaphore, #tpu.memory_space<semaphore_mem>>) src(%dma_wait3A_295 : memref<10000x128xf32, #tpu.memory_space<hbm>>) dst(%dma_wait3A_289 : memref<40x128xf32, #tpu.memory_space<vmem>>)
      %dma_wait3A_296 = arith.constant 1 : i32
      %dma_wait3A_297 = arith.constant 1 : i32
      %dma_wait3A_298 = arith.constant 0 : i32
      %dma_wait3A_299 = arith.constant 0 : i32
      %dma_wait3A_300 = tpu.memref_slice %arg11[%dma_wait3A_297, %dma_wait3A_298, %dma_wait3A_299] : memref<2x40x128xf32, #tpu.memory_space<vmem>> -> memref<1x40x128xf32, #tpu.memory_space<vmem>>
      %dma_wait3A_301 = tpu.memref_squeeze %dma_wait3A_300 : memref<1x40x128xf32, #tpu.memory_space<vmem>> -> memref<40x128xf32, #tpu.memory_space<vmem>>
      %dma_wait3A_302 = arith.constant 0 : i32
      %dma_wait3A_303 = tpu.memref_slice %arg8[%dma_wait3A_296, %dma_wait3A_302] : memref<2x40xi32, #tpu.memory_space<vmem>> -> memref<1x40xi32, #tpu.memory_space<vmem>>
      %dma_wait3A_304 = tpu.memref_squeeze %dma_wait3A_303 : memref<1x40xi32, #tpu.memory_space<vmem>> -> memref<40xi32, #tpu.memory_space<vmem>>
      %dma_wait3A_305 = arith.constant 0 : i32
      %dma_wait3A_306 = arith.constant 0 : i32
      %dma_wait3A_307 = tpu.memref_slice %arg2[%dma_wait3A_305, %dma_wait3A_306] : memref<10000x128xf32, #tpu.memory_space<hbm>> -> memref<10000x128xf32, #tpu.memory_space<hbm>>
      tpu.wait_indirect_dma semaphore(%arg19 : memref<!tpu.dma_semaphore, #tpu.memory_space<semaphore_mem>>) src(%dma_wait3A_307 : memref<10000x128xf32, #tpu.memory_space<hbm>>) dst(%dma_wait3A_301 : memref<40x128xf32, #tpu.memory_space<vmem>>)
      %dma_wait3A_308 = arith.constant 1 : i32
      %dma_wait3A_309 = arith.constant 0 : i32
      %dma_wait3A_310 = arith.constant 0 : i32
      %dma_wait3A_311 = tpu.memref_slice %arg12[%dma_wait3A_308, %dma_wait3A_309, %dma_wait3A_310] : memref<2x40x64xf32, #tpu.memory_space<vmem>> -> memref<1x40x64xf32, #tpu.memory_space<vmem>>
      %dma_wait3A_312 = tpu.memref_squeeze %dma_wait3A_311 : memref<1x40x64xf32, #tpu.memory_space<vmem>> -> memref<40x64xf32, #tpu.memory_space<vmem>>
      %dma_wait3A_313 = arith.constant 0 : i32
      %dma_wait3A_314 = tpu.memref_slice %arg3[%add3A_283, %dma_wait3A_313] : memref<320000x64xf32, #tpu.memory_space<hbm>> -> memref<40x64xf32, #tpu.memory_space<hbm>>
      %dma_wait3A_315 = arith.constant 0 : i32
      %dma_wait3A_316 = arith.constant 0 : i32
      %dma_wait3A_317 = tpu.memref_slice %arg12[%dma_wait3A_308, %dma_wait3A_315, %dma_wait3A_316] : memref<2x40x64xf32, #tpu.memory_space<vmem>> -> memref<1x40x64xf32, #tpu.memory_space<vmem>>
      %dma_wait3A_318 = tpu.memref_squeeze %dma_wait3A_317 : memref<1x40x64xf32, #tpu.memory_space<vmem>> -> memref<40x64xf32, #tpu.memory_space<vmem>>
      %dma_wait3A_319 = arith.constant 0 : i32
      %dma_wait3A_320 = tpu.memref_slice %arg3[%add3A_283, %dma_wait3A_319] : memref<320000x64xf32, #tpu.memory_space<hbm>> -> memref<40x64xf32, #tpu.memory_space<hbm>>
      tpu.wait_dma2 semaphore(%arg20 : memref<!tpu.dma_semaphore, #tpu.memory_space<semaphore_mem>>) src(%dma_wait3A_320 : memref<40x64xf32, #tpu.memory_space<hbm>>) dst(%dma_wait3A_318 : memref<40x64xf32, #tpu.memory_space<vmem>>)
      %scan3A_321 = arith.constant 0 : i32
      %scan3A_322 = arith.constant 1 : i32
      %scan3A_323 = arith.constant 1 : i32
      %scan3A_324 = arith.constant 1 : i32
      %scan3A_325 = arith.constant 0 : i32
      %scan3A_326 = arith.constant 10 : i32
      %scan3A_327 = arith.addi %scan3A_325, %scan3A_326 : i32
      %scan3A_328 = arith.constant 1 : i32
      scf.for %scan3A_374 = %scan3A_325 to %scan3A_327 step %scan3A_328  : i32 {
        %mul3A_375 = arith.constant 4 : i32
        %mul3A_376 = arith.muli %scan3A_374, %mul3A_375 : i32
        %add3A_377 = arith.constant 0 : i32
        %add3A_378 = arith.addi %mul3A_376, %add3A_377 : i32
        %get3A = arith.constant 0 : i32
        %get3A_379 = arith.constant 0 : i32
        %get3A_380 = tpu.memref_slice %arg10[%scan3A_322, %get3A, %get3A_379] : memref<2x40x128xf32, #tpu.memory_space<vmem>> -> memref<1x40x128xf32, #tpu.memory_space<vmem>>
        %get3A_381 = tpu.memref_squeeze %get3A_380 : memref<1x40x128xf32, #tpu.memory_space<vmem>> -> memref<40x128xf32, #tpu.memory_space<vmem>>
        %get3A_382 = arith.index_cast %add3A_378 : i32 to index
        %get3A_383 = arith.constant 0 : index
        %get3A_384 = tpu.vector_load %get3A_381[%get3A_382, %get3A_383] {strides = array<i32>} : memref<40x128xf32, #tpu.memory_space<vmem>>, vector<1x16xf32>,
        %get3A_385 = vector.shape_cast %get3A_384 : vector<1x16xf32> to vector<16xf32>
        %get3A_386 = arith.constant 0 : i32
        %get3A_387 = arith.constant 0 : i32
        %get3A_388 = tpu.memref_slice %arg11[%scan3A_323, %get3A_386, %get3A_387] : memref<2x40x128xf32, #tpu.memory_space<vmem>> -> memref<1x40x128xf32, #tpu.memory_space<vmem>>
        %get3A_389 = tpu.memref_squeeze %get3A_388 : memref<1x40x128xf32, #tpu.memory_space<vmem>> -> memref<40x128xf32, #tpu.memory_space<vmem>>
        %get3A_390 = arith.index_cast %add3A_378 : i32 to index
        %get3A_391 = arith.constant 64 : index
        %get3A_392 = tpu.vector_load %get3A_389[%get3A_390, %get3A_391] {strides = array<i32>} : memref<40x128xf32, #tpu.memory_space<vmem>>, vector<1x16xf32>,
        %get3A_393 = vector.shape_cast %get3A_392 : vector<1x16xf32> to vector<16xf32>
        %add3A_394 = arith.addf %get3A_385, %get3A_393 : vector<16xf32>
        %get3A_395 = arith.constant 0 : i32
        %get3A_396 = arith.constant 0 : i32
        %get3A_397 = tpu.memref_slice %arg12[%scan3A_324, %get3A_395, %get3A_396] : memref<2x40x64xf32, #tpu.memory_space<vmem>> -> memref<1x40x64xf32, #tpu.memory_space<vmem>>
        %get3A_398 = tpu.memref_squeeze %get3A_397 : memref<1x40x64xf32, #tpu.memory_space<vmem>> -> memref<40x64xf32, #tpu.memory_space<vmem>>
        %get3A_399 = arith.index_cast %add3A_378 : i32 to index
        %get3A_400 = arith.constant 0 : index
        %get3A_401 = tpu.vector_load %get3A_398[%get3A_399, %get3A_400] {strides = array<i32>} : memref<40x64xf32, #tpu.memory_space<vmem>>, vector<1x16xf32>,
        %get3A_402 = vector.shape_cast %get3A_401 : vector<1x16xf32> to vector<16xf32>
        %add3A_403 = arith.addf %add3A_394, %get3A_402 : vector<16xf32>
        %max3A = arith.constant 0.000000e+00 : f32
        %max3A_404 = vector.broadcast %max3A : f32 to vector<16xf32>
        %max3A_405 = arith.maximumf %add3A_403, %max3A_404 : vector<16xf32>
        %swap3A = arith.index_cast %add3A_378 : i32 to index
        %swap3A_406 = arith.constant 0 : index
        %swap3A_407 = tpu.vector_load %arg13[%swap3A, %swap3A_406] {strides = array<i32>} : memref<40x128xf32, #tpu.memory_space<vmem>>, vector<1x16xf32>,
        %swap3A_408 = vector.shape_cast %swap3A_407 : vector<1x16xf32> to vector<16xf32>
        %swap3A_409 = vector.shape_cast %max3A_405 : vector<16xf32> to vector<1x16xf32>
        tpu.vector_store %arg13[%swap3A, %swap3A_406], %swap3A_409 {strides = array<i32>} : memref<40x128xf32, #tpu.memory_space<vmem>>, vector<1x16xf32>,
        %get3A_410 = arith.constant 0 : i32
        %get3A_411 = arith.constant 0 : i32
        %get3A_412 = tpu.memref_slice %arg10[%scan3A_322, %get3A_410, %get3A_411] : memref<2x40x128xf32, #tpu.memory_space<vmem>> -> memref<1x40x128xf32, #tpu.memory_space<vmem>>
        %get3A_413 = tpu.memref_squeeze %get3A_412 : memref<1x40x128xf32, #tpu.memory_space<vmem>> -> memref<40x128xf32, #tpu.memory_space<vmem>>
        %get3A_414 = arith.index_cast %add3A_378 : i32 to index
        %get3A_415 = arith.constant 16 : index
        %get3A_416 = tpu.vector_load %get3A_413[%get3A_414, %get3A_415] {strides = array<i32>} : memref<40x128xf32, #tpu.memory_space<vmem>>, vector<1x16xf32>,
        %get3A_417 = vector.shape_cast %get3A_416 : vector<1x16xf32> to vector<16xf32>
        %get3A_418 = arith.constant 0 : i32
        %get3A_419 = arith.constant 0 : i32
        %get3A_420 = tpu.memref_slice %arg11[%scan3A_323, %get3A_418, %get3A_419] : memref<2x40x128xf32, #tpu.memory_space<vmem>> -> memref<1x40x128xf32, #tpu.memory_space<vmem>>
        %get3A_421 = tpu.memref_squeeze %get3A_420 : memref<1x40x128xf32, #tpu.memory_space<vmem>> -> memref<40x128xf32, #tpu.memory_space<vmem>>
        %get3A_422 = arith.index_cast %add3A_378 : i32 to index
        %get3A_423 = arith.constant 80 : index
        %get3A_424 = tpu.vector_load %get3A_421[%get3A_422, %get3A_423] {strides = array<i32>} : memref<40x128xf32, #tpu.memory_space<vmem>>, vector<1x16xf32>,
        %get3A_425 = vector.shape_cast %get3A_424 : vector<1x16xf32> to vector<16xf32>
        %add3A_426 = arith.addf %get3A_417, %get3A_425 : vector<16xf32>
        %get3A_427 = arith.constant 0 : i32
        %get3A_428 = arith.constant 0 : i32
        %get3A_429 = tpu.memref_slice %arg12[%scan3A_324, %get3A_427, %get3A_428] : memref<2x40x64xf32, #tpu.memory_space<vmem>> -> memref<1x40x64xf32, #tpu.memory_space<vmem>>
        %get3A_430 = tpu.memref_squeeze %get3A_429 : memref<1x40x64xf32, #tpu.memory_space<vmem>> -> memref<40x64xf32, #tpu.memory_space<vmem>>
        %get3A_431 = arith.index_cast %add3A_378 : i32 to index
        %get3A_432 = arith.constant 16 : index
        %get3A_433 = tpu.vector_load %get3A_430[%get3A_431, %get3A_432] {strides = array<i32>} : memref<40x64xf32, #tpu.memory_space<vmem>>, vector<1x16xf32>,
        %get3A_434 = vector.shape_cast %get3A_433 : vector<1x16xf32> to vector<16xf32>
        %add3A_435 = arith.addf %add3A_426, %get3A_434 : vector<16xf32>
        %max3A_436 = arith.constant 0.000000e+00 : f32
        %max3A_437 = vector.broadcast %max3A_436 : f32 to vector<16xf32>
        %max3A_438 = arith.maximumf %add3A_435, %max3A_437 : vector<16xf32>
        %swap3A_439 = arith.index_cast %add3A_378 : i32 to index
        %swap3A_440 = arith.constant 16 : index
        %swap3A_441 = tpu.vector_load %arg13[%swap3A_439, %swap3A_440] {strides = array<i32>} : memref<40x128xf32, #tpu.memory_space<vmem>>, vector<1x16xf32>,
        %swap3A_442 = vector.shape_cast %swap3A_441 : vector<1x16xf32> to vector<16xf32>
        %swap3A_443 = vector.shape_cast %max3A_438 : vector<16xf32> to vector<1x16xf32>
        tpu.vector_store %arg13[%swap3A_439, %swap3A_440], %swap3A_443 {strides = array<i32>} : memref<40x128xf32, #tpu.memory_space<vmem>>, vector<1x16xf32>,
        %get3A_444 = arith.constant 0 : i32
        %get3A_445 = arith.constant 0 : i32
        %get3A_446 = tpu.memref_slice %arg10[%scan3A_322, %get3A_444, %get3A_445] : memref<2x40x128xf32, #tpu.memory_space<vmem>> -> memref<1x40x128xf32, #tpu.memory_space<vmem>>
        %get3A_447 = tpu.memref_squeeze %get3A_446 : memref<1x40x128xf32, #tpu.memory_space<vmem>> -> memref<40x128xf32, #tpu.memory_space<vmem>>
        %get3A_448 = arith.index_cast %add3A_378 : i32 to index
        %get3A_449 = arith.constant 32 : index
        %get3A_450 = tpu.vector_load %get3A_447[%get3A_448, %get3A_449] {strides = array<i32>} : memref<40x128xf32, #tpu.memory_space<vmem>>, vector<1x16xf32>,
        %get3A_451 = vector.shape_cast %get3A_450 : vector<1x16xf32> to vector<16xf32>
        %get3A_452 = arith.constant 0 : i32
        %get3A_453 = arith.constant 0 : i32
        %get3A_454 = tpu.memref_slice %arg11[%scan3A_323, %get3A_452, %get3A_453] : memref<2x40x128xf32, #tpu.memory_space<vmem>> -> memref<1x40x128xf32, #tpu.memory_space<vmem>>
        %get3A_455 = tpu.memref_squeeze %get3A_454 : memref<1x40x128xf32, #tpu.memory_space<vmem>> -> memref<40x128xf32, #tpu.memory_space<vmem>>
        %get3A_456 = arith.index_cast %add3A_378 : i32 to index
        %get3A_457 = arith.constant 96 : index
        %get3A_458 = tpu.vector_load %get3A_455[%get3A_456, %get3A_457] {strides = array<i32>} : memref<40x128xf32, #tpu.memory_space<vmem>>, vector<1x16xf32>,
        %get3A_459 = vector.shape_cast %get3A_458 : vector<1x16xf32> to vector<16xf32>
        %add3A_460 = arith.addf %get3A_451, %get3A_459 : vector<16xf32>
        %get3A_461 = arith.constant 0 : i32
        %get3A_462 = arith.constant 0 : i32
        %get3A_463 = tpu.memref_slice %arg12[%scan3A_324, %get3A_461, %get3A_462] : memref<2x40x64xf32, #tpu.memory_space<vmem>> -> memref<1x40x64xf32, #tpu.memory_space<vmem>>
        %get3A_464 = tpu.memref_squeeze %get3A_463 : memref<1x40x64xf32, #tpu.memory_space<vmem>> -> memref<40x64xf32, #tpu.memory_space<vmem>>
        %get3A_465 = arith.index_cast %add3A_378 : i32 to index
        %get3A_466 = arith.constant 32 : index
        %get3A_467 = tpu.vector_load %get3A_464[%get3A_465, %get3A_466] {strides = array<i32>} : memref<40x64xf32, #tpu.memory_space<vmem>>, vector<1x16xf32>,
        %get3A_468 = vector.shape_cast %get3A_467 : vector<1x16xf32> to vector<16xf32>
        %add3A_469 = arith.addf %add3A_460, %get3A_468 : vector<16xf32>
        %max3A_470 = arith.constant 0.000000e+00 : f32
        %max3A_471 = vector.broadcast %max3A_470 : f32 to vector<16xf32>
        %max3A_472 = arith.maximumf %add3A_469, %max3A_471 : vector<16xf32>
        %swap3A_473 = arith.index_cast %add3A_378 : i32 to index
        %swap3A_474 = arith.constant 32 : index
        %swap3A_475 = tpu.vector_load %arg13[%swap3A_473, %swap3A_474] {strides = array<i32>} : memref<40x128xf32, #tpu.memory_space<vmem>>, vector<1x16xf32>,
        %swap3A_476 = vector.shape_cast %swap3A_475 : vector<1x16xf32> to vector<16xf32>
        %swap3A_477 = vector.shape_cast %max3A_472 : vector<16xf32> to vector<1x16xf32>
        tpu.vector_store %arg13[%swap3A_473, %swap3A_474], %swap3A_477 {strides = array<i32>} : memref<40x128xf32, #tpu.memory_space<vmem>>, vector<1x16xf32>,
        %get3A_478 = arith.constant 0 : i32
        %get3A_479 = arith.constant 0 : i32
        %get3A_480 = tpu.memref_slice %arg10[%scan3A_322, %get3A_478, %get3A_479] : memref<2x40x128xf32, #tpu.memory_space<vmem>> -> memref<1x40x128xf32, #tpu.memory_space<vmem>>
        %get3A_481 = tpu.memref_squeeze %get3A_480 : memref<1x40x128xf32, #tpu.memory_space<vmem>> -> memref<40x128xf32, #tpu.memory_space<vmem>>
        %get3A_482 = arith.index_cast %add3A_378 : i32 to index
        %get3A_483 = arith.constant 48 : index
        %get3A_484 = tpu.vector_load %get3A_481[%get3A_482, %get3A_483] {strides = array<i32>} : memref<40x128xf32, #tpu.memory_space<vmem>>, vector<1x16xf32>,
        %get3A_485 = vector.shape_cast %get3A_484 : vector<1x16xf32> to vector<16xf32>
        %get3A_486 = arith.constant 0 : i32
        %get3A_487 = arith.constant 0 : i32
        %get3A_488 = tpu.memref_slice %arg11[%scan3A_323, %get3A_486, %get3A_487] : memref<2x40x128xf32, #tpu.memory_space<vmem>> -> memref<1x40x128xf32, #tpu.memory_space<vmem>>
        %get3A_489 = tpu.memref_squeeze %get3A_488 : memref<1x40x128xf32, #tpu.memory_space<vmem>> -> memref<40x128xf32, #tpu.memory_space<vmem>>
        %get3A_490 = arith.index_cast %add3A_378 : i32 to index
        %get3A_491 = arith.constant 112 : index
        %get3A_492 = tpu.vector_load %get3A_489[%get3A_490, %get3A_491] {strides = array<i32>} : memref<40x128xf32, #tpu.memory_space<vmem>>, vector<1x16xf32>,
        %get3A_493 = vector.shape_cast %get3A_492 : vector<1x16xf32> to vector<16xf32>
        %add3A_494 = arith.addf %get3A_485, %get3A_493 : vector<16xf32>
        %get3A_495 = arith.constant 0 : i32
        %get3A_496 = arith.constant 0 : i32
        %get3A_497 = tpu.memref_slice %arg12[%scan3A_324, %get3A_495, %get3A_496] : memref<2x40x64xf32, #tpu.memory_space<vmem>> -> memref<1x40x64xf32, #tpu.memory_space<vmem>>
        %get3A_498 = tpu.memref_squeeze %get3A_497 : memref<1x40x64xf32, #tpu.memory_space<vmem>> -> memref<40x64xf32, #tpu.memory_space<vmem>>
        %get3A_499 = arith.index_cast %add3A_378 : i32 to index
        %get3A_500 = arith.constant 48 : index
        %get3A_501 = tpu.vector_load %get3A_498[%get3A_499, %get3A_500] {strides = array<i32>} : memref<40x64xf32, #tpu.memory_space<vmem>>, vector<1x16xf32>,
        %get3A_502 = vector.shape_cast %get3A_501 : vector<1x16xf32> to vector<16xf32>
        %add3A_503 = arith.addf %add3A_494, %get3A_502 : vector<16xf32>
        %max3A_504 = arith.constant 0.000000e+00 : f32
        %max3A_505 = vector.broadcast %max3A_504 : f32 to vector<16xf32>
        %max3A_506 = arith.maximumf %add3A_503, %max3A_505 : vector<16xf32>
        %swap3A_507 = arith.index_cast %add3A_378 : i32 to index
        %swap3A_508 = arith.constant 48 : index
        %swap3A_509 = tpu.vector_load %arg13[%swap3A_507, %swap3A_508] {strides = array<i32>} : memref<40x128xf32, #tpu.memory_space<vmem>>, vector<1x16xf32>,
        %swap3A_510 = vector.shape_cast %swap3A_509 : vector<1x16xf32> to vector<16xf32>
        %swap3A_511 = vector.shape_cast %max3A_506 : vector<16xf32> to vector<1x16xf32>
        tpu.vector_store %arg13[%swap3A_507, %swap3A_508], %swap3A_511 {strides = array<i32>} : memref<40x128xf32, #tpu.memory_space<vmem>>, vector<1x16xf32>,
        %add3A_512 = arith.constant 1 : i32
        %add3A_513 = arith.addi %mul3A_376, %add3A_512 : i32
        %get3A_514 = arith.constant 0 : i32
        %get3A_515 = arith.constant 0 : i32
        %get3A_516 = tpu.memref_slice %arg10[%scan3A_322, %get3A_514, %get3A_515] : memref<2x40x128xf32, #tpu.memory_space<vmem>> -> memref<1x40x128xf32, #tpu.memory_space<vmem>>
        %get3A_517 = tpu.memref_squeeze %get3A_516 : memref<1x40x128xf32, #tpu.memory_space<vmem>> -> memref<40x128xf32, #tpu.memory_space<vmem>>
        %get3A_518 = arith.index_cast %add3A_513 : i32 to index
        %get3A_519 = arith.constant 0 : index
        %get3A_520 = tpu.vector_load %get3A_517[%get3A_518, %get3A_519] {strides = array<i32>} : memref<40x128xf32, #tpu.memory_space<vmem>>, vector<1x16xf32>,
        %get3A_521 = vector.shape_cast %get3A_520 : vector<1x16xf32> to vector<16xf32>
        %get3A_522 = arith.constant 0 : i32
        %get3A_523 = arith.constant 0 : i32
        %get3A_524 = tpu.memref_slice %arg11[%scan3A_323, %get3A_522, %get3A_523] : memref<2x40x128xf32, #tpu.memory_space<vmem>> -> memref<1x40x128xf32, #tpu.memory_space<vmem>>
        %get3A_525 = tpu.memref_squeeze %get3A_524 : memref<1x40x128xf32, #tpu.memory_space<vmem>> -> memref<40x128xf32, #tpu.memory_space<vmem>>
        %get3A_526 = arith.index_cast %add3A_513 : i32 to index
        %get3A_527 = arith.constant 64 : index
        %get3A_528 = tpu.vector_load %get3A_525[%get3A_526, %get3A_527] {strides = array<i32>} : memref<40x128xf32, #tpu.memory_space<vmem>>, vector<1x16xf32>,
        %get3A_529 = vector.shape_cast %get3A_528 : vector<1x16xf32> to vector<16xf32>
        %add3A_530 = arith.addf %get3A_521, %get3A_529 : vector<16xf32>
        %get3A_531 = arith.constant 0 : i32
        %get3A_532 = arith.constant 0 : i32
        %get3A_533 = tpu.memref_slice %arg12[%scan3A_324, %get3A_531, %get3A_532] : memref<2x40x64xf32, #tpu.memory_space<vmem>> -> memref<1x40x64xf32, #tpu.memory_space<vmem>>
        %get3A_534 = tpu.memref_squeeze %get3A_533 : memref<1x40x64xf32, #tpu.memory_space<vmem>> -> memref<40x64xf32, #tpu.memory_space<vmem>>
        %get3A_535 = arith.index_cast %add3A_513 : i32 to index
        %get3A_536 = arith.constant 0 : index
        %get3A_537 = tpu.vector_load %get3A_534[%get3A_535, %get3A_536] {strides = array<i32>} : memref<40x64xf32, #tpu.memory_space<vmem>>, vector<1x16xf32>,
        %get3A_538 = vector.shape_cast %get3A_537 : vector<1x16xf32> to vector<16xf32>
        %add3A_539 = arith.addf %add3A_530, %get3A_538 : vector<16xf32>
        %max3A_540 = arith.constant 0.000000e+00 : f32
        %max3A_541 = vector.broadcast %max3A_540 : f32 to vector<16xf32>
        %max3A_542 = arith.maximumf %add3A_539, %max3A_541 : vector<16xf32>
        %swap3A_543 = arith.index_cast %add3A_513 : i32 to index
        %swap3A_544 = arith.constant 0 : index
        %swap3A_545 = tpu.vector_load %arg13[%swap3A_543, %swap3A_544] {strides = array<i32>} : memref<40x128xf32, #tpu.memory_space<vmem>>, vector<1x16xf32>,
        %swap3A_546 = vector.shape_cast %swap3A_545 : vector<1x16xf32> to vector<16xf32>
        %swap3A_547 = vector.shape_cast %max3A_542 : vector<16xf32> to vector<1x16xf32>
        tpu.vector_store %arg13[%swap3A_543, %swap3A_544], %swap3A_547 {strides = array<i32>} : memref<40x128xf32, #tpu.memory_space<vmem>>, vector<1x16xf32>,
        %get3A_548 = arith.constant 0 : i32
        %get3A_549 = arith.constant 0 : i32
        %get3A_550 = tpu.memref_slice %arg10[%scan3A_322, %get3A_548, %get3A_549] : memref<2x40x128xf32, #tpu.memory_space<vmem>> -> memref<1x40x128xf32, #tpu.memory_space<vmem>>
        %get3A_551 = tpu.memref_squeeze %get3A_550 : memref<1x40x128xf32, #tpu.memory_space<vmem>> -> memref<40x128xf32, #tpu.memory_space<vmem>>
        %get3A_552 = arith.index_cast %add3A_513 : i32 to index
        %get3A_553 = arith.constant 16 : index
        %get3A_554 = tpu.vector_load %get3A_551[%get3A_552, %get3A_553] {strides = array<i32>} : memref<40x128xf32, #tpu.memory_space<vmem>>, vector<1x16xf32>,
        %get3A_555 = vector.shape_cast %get3A_554 : vector<1x16xf32> to vector<16xf32>
        %get3A_556 = arith.constant 0 : i32
        %get3A_557 = arith.constant 0 : i32
        %get3A_558 = tpu.memref_slice %arg11[%scan3A_323, %get3A_556, %get3A_557] : memref<2x40x128xf32, #tpu.memory_space<vmem>> -> memref<1x40x128xf32, #tpu.memory_space<vmem>>
        %get3A_559 = tpu.memref_squeeze %get3A_558 : memref<1x40x128xf32, #tpu.memory_space<vmem>> -> memref<40x128xf32, #tpu.memory_space<vmem>>
        %get3A_560 = arith.index_cast %add3A_513 : i32 to index
        %get3A_561 = arith.constant 80 : index
        %get3A_562 = tpu.vector_load %get3A_559[%get3A_560, %get3A_561] {strides = array<i32>} : memref<40x128xf32, #tpu.memory_space<vmem>>, vector<1x16xf32>,
        %get3A_563 = vector.shape_cast %get3A_562 : vector<1x16xf32> to vector<16xf32>
        %add3A_564 = arith.addf %get3A_555, %get3A_563 : vector<16xf32>
        %get3A_565 = arith.constant 0 : i32
        %get3A_566 = arith.constant 0 : i32
        %get3A_567 = tpu.memref_slice %arg12[%scan3A_324, %get3A_565, %get3A_566] : memref<2x40x64xf32, #tpu.memory_space<vmem>> -> memref<1x40x64xf32, #tpu.memory_space<vmem>>
        %get3A_568 = tpu.memref_squeeze %get3A_567 : memref<1x40x64xf32, #tpu.memory_space<vmem>> -> memref<40x64xf32, #tpu.memory_space<vmem>>
        %get3A_569 = arith.index_cast %add3A_513 : i32 to index
        %get3A_570 = arith.constant 16 : index
        %get3A_571 = tpu.vector_load %get3A_568[%get3A_569, %get3A_570] {strides = array<i32>} : memref<40x64xf32, #tpu.memory_space<vmem>>, vector<1x16xf32>,
        %get3A_572 = vector.shape_cast %get3A_571 : vector<1x16xf32> to vector<16xf32>
        %add3A_573 = arith.addf %add3A_564, %get3A_572 : vector<16xf32>
        %max3A_574 = arith.constant 0.000000e+00 : f32
        %max3A_575 = vector.broadcast %max3A_574 : f32 to vector<16xf32>
        %max3A_576 = arith.maximumf %add3A_573, %max3A_575 : vector<16xf32>
        %swap3A_577 = arith.index_cast %add3A_513 : i32 to index
        %swap3A_578 = arith.constant 16 : index
        %swap3A_579 = tpu.vector_load %arg13[%swap3A_577, %swap3A_578] {strides = array<i32>} : memref<40x128xf32, #tpu.memory_space<vmem>>, vector<1x16xf32>,
        %swap3A_580 = vector.shape_cast %swap3A_579 : vector<1x16xf32> to vector<16xf32>
        %swap3A_581 = vector.shape_cast %max3A_576 : vector<16xf32> to vector<1x16xf32>
        tpu.vector_store %arg13[%swap3A_577, %swap3A_578], %swap3A_581 {strides = array<i32>} : memref<40x128xf32, #tpu.memory_space<vmem>>, vector<1x16xf32>,
        %get3A_582 = arith.constant 0 : i32
        %get3A_583 = arith.constant 0 : i32
        %get3A_584 = tpu.memref_slice %arg10[%scan3A_322, %get3A_582, %get3A_583] : memref<2x40x128xf32, #tpu.memory_space<vmem>> -> memref<1x40x128xf32, #tpu.memory_space<vmem>>
        %get3A_585 = tpu.memref_squeeze %get3A_584 : memref<1x40x128xf32, #tpu.memory_space<vmem>> -> memref<40x128xf32, #tpu.memory_space<vmem>>
        %get3A_586 = arith.index_cast %add3A_513 : i32 to index
        %get3A_587 = arith.constant 32 : index
        %get3A_588 = tpu.vector_load %get3A_585[%get3A_586, %get3A_587] {strides = array<i32>} : memref<40x128xf32, #tpu.memory_space<vmem>>, vector<1x16xf32>,
        %get3A_589 = vector.shape_cast %get3A_588 : vector<1x16xf32> to vector<16xf32>
        %get3A_590 = arith.constant 0 : i32
        %get3A_591 = arith.constant 0 : i32
        %get3A_592 = tpu.memref_slice %arg11[%scan3A_323, %get3A_590, %get3A_591] : memref<2x40x128xf32, #tpu.memory_space<vmem>> -> memref<1x40x128xf32, #tpu.memory_space<vmem>>
        %get3A_593 = tpu.memref_squeeze %get3A_592 : memref<1x40x128xf32, #tpu.memory_space<vmem>> -> memref<40x128xf32, #tpu.memory_space<vmem>>
        %get3A_594 = arith.index_cast %add3A_513 : i32 to index
        %get3A_595 = arith.constant 96 : index
        %get3A_596 = tpu.vector_load %get3A_593[%get3A_594, %get3A_595] {strides = array<i32>} : memref<40x128xf32, #tpu.memory_space<vmem>>, vector<1x16xf32>,
        %get3A_597 = vector.shape_cast %get3A_596 : vector<1x16xf32> to vector<16xf32>
        %add3A_598 = arith.addf %get3A_589, %get3A_597 : vector<16xf32>
        %get3A_599 = arith.constant 0 : i32
        %get3A_600 = arith.constant 0 : i32
        %get3A_601 = tpu.memref_slice %arg12[%scan3A_324, %get3A_599, %get3A_600] : memref<2x40x64xf32, #tpu.memory_space<vmem>> -> memref<1x40x64xf32, #tpu.memory_space<vmem>>
        %get3A_602 = tpu.memref_squeeze %get3A_601 : memref<1x40x64xf32, #tpu.memory_space<vmem>> -> memref<40x64xf32, #tpu.memory_space<vmem>>
        %get3A_603 = arith.index_cast %add3A_513 : i32 to index
        %get3A_604 = arith.constant 32 : index
        %get3A_605 = tpu.vector_load %get3A_602[%get3A_603, %get3A_604] {strides = array<i32>} : memref<40x64xf32, #tpu.memory_space<vmem>>, vector<1x16xf32>,
        %get3A_606 = vector.shape_cast %get3A_605 : vector<1x16xf32> to vector<16xf32>
        %add3A_607 = arith.addf %add3A_598, %get3A_606 : vector<16xf32>
        %max3A_608 = arith.constant 0.000000e+00 : f32
        %max3A_609 = vector.broadcast %max3A_608 : f32 to vector<16xf32>
        %max3A_610 = arith.maximumf %add3A_607, %max3A_609 : vector<16xf32>
        %swap3A_611 = arith.index_cast %add3A_513 : i32 to index
        %swap3A_612 = arith.constant 32 : index
        %swap3A_613 = tpu.vector_load %arg13[%swap3A_611, %swap3A_612] {strides = array<i32>} : memref<40x128xf32, #tpu.memory_space<vmem>>, vector<1x16xf32>,
        %swap3A_614 = vector.shape_cast %swap3A_613 : vector<1x16xf32> to vector<16xf32>
        %swap3A_615 = vector.shape_cast %max3A_610 : vector<16xf32> to vector<1x16xf32>
        tpu.vector_store %arg13[%swap3A_611, %swap3A_612], %swap3A_615 {strides = array<i32>} : memref<40x128xf32, #tpu.memory_space<vmem>>, vector<1x16xf32>,
        %get3A_616 = arith.constant 0 : i32
        %get3A_617 = arith.constant 0 : i32
        %get3A_618 = tpu.memref_slice %arg10[%scan3A_322, %get3A_616, %get3A_617] : memref<2x40x128xf32, #tpu.memory_space<vmem>> -> memref<1x40x128xf32, #tpu.memory_space<vmem>>
        %get3A_619 = tpu.memref_squeeze %get3A_618 : memref<1x40x128xf32, #tpu.memory_space<vmem>> -> memref<40x128xf32, #tpu.memory_space<vmem>>
        %get3A_620 = arith.index_cast %add3A_513 : i32 to index
        %get3A_621 = arith.constant 48 : index
        %get3A_622 = tpu.vector_load %get3A_619[%get3A_620, %get3A_621] {strides = array<i32>} : memref<40x128xf32, #tpu.memory_space<vmem>>, vector<1x16xf32>,
        %get3A_623 = vector.shape_cast %get3A_622 : vector<1x16xf32> to vector<16xf32>
        %get3A_624 = arith.constant 0 : i32
        %get3A_625 = arith.constant 0 : i32
        %get3A_626 = tpu.memref_slice %arg11[%scan3A_323, %get3A_624, %get3A_625] : memref<2x40x128xf32, #tpu.memory_space<vmem>> -> memref<1x40x128xf32, #tpu.memory_space<vmem>>
        %get3A_627 = tpu.memref_squeeze %get3A_626 : memref<1x40x128xf32, #tpu.memory_space<vmem>> -> memref<40x128xf32, #tpu.memory_space<vmem>>
        %get3A_628 = arith.index_cast %add3A_513 : i32 to index
        %get3A_629 = arith.constant 112 : index
        %get3A_630 = tpu.vector_load %get3A_627[%get3A_628, %get3A_629] {strides = array<i32>} : memref<40x128xf32, #tpu.memory_space<vmem>>, vector<1x16xf32>,
        %get3A_631 = vector.shape_cast %get3A_630 : vector<1x16xf32> to vector<16xf32>
        %add3A_632 = arith.addf %get3A_623, %get3A_631 : vector<16xf32>
        %get3A_633 = arith.constant 0 : i32
        %get3A_634 = arith.constant 0 : i32
        %get3A_635 = tpu.memref_slice %arg12[%scan3A_324, %get3A_633, %get3A_634] : memref<2x40x64xf32, #tpu.memory_space<vmem>> -> memref<1x40x64xf32, #tpu.memory_space<vmem>>
        %get3A_636 = tpu.memref_squeeze %get3A_635 : memref<1x40x64xf32, #tpu.memory_space<vmem>> -> memref<40x64xf32, #tpu.memory_space<vmem>>
        %get3A_637 = arith.index_cast %add3A_513 : i32 to index
        %get3A_638 = arith.constant 48 : index
        %get3A_639 = tpu.vector_load %get3A_636[%get3A_637, %get3A_638] {strides = array<i32>} : memref<40x64xf32, #tpu.memory_space<vmem>>, vector<1x16xf32>,
        %get3A_640 = vector.shape_cast %get3A_639 : vector<1x16xf32> to vector<16xf32>
        %add3A_641 = arith.addf %add3A_632, %get3A_640 : vector<16xf32>
        %max3A_642 = arith.constant 0.000000e+00 : f32
        %max3A_643 = vector.broadcast %max3A_642 : f32 to vector<16xf32>
        %max3A_644 = arith.maximumf %add3A_641, %max3A_643 : vector<16xf32>
        %swap3A_645 = arith.index_cast %add3A_513 : i32 to index
        %swap3A_646 = arith.constant 48 : index
        %swap3A_647 = tpu.vector_load %arg13[%swap3A_645, %swap3A_646] {strides = array<i32>} : memref<40x128xf32, #tpu.memory_space<vmem>>, vector<1x16xf32>,
        %swap3A_648 = vector.shape_cast %swap3A_647 : vector<1x16xf32> to vector<16xf32>
        %swap3A_649 = vector.shape_cast %max3A_644 : vector<16xf32> to vector<1x16xf32>
        tpu.vector_store %arg13[%swap3A_645, %swap3A_646], %swap3A_649 {strides = array<i32>} : memref<40x128xf32, #tpu.memory_space<vmem>>, vector<1x16xf32>,
        %add3A_650 = arith.constant 2 : i32
        %add3A_651 = arith.addi %mul3A_376, %add3A_650 : i32
        %get3A_652 = arith.constant 0 : i32
        %get3A_653 = arith.constant 0 : i32
        %get3A_654 = tpu.memref_slice %arg10[%scan3A_322, %get3A_652, %get3A_653] : memref<2x40x128xf32, #tpu.memory_space<vmem>> -> memref<1x40x128xf32, #tpu.memory_space<vmem>>
        %get3A_655 = tpu.memref_squeeze %get3A_654 : memref<1x40x128xf32, #tpu.memory_space<vmem>> -> memref<40x128xf32, #tpu.memory_space<vmem>>
        %get3A_656 = arith.index_cast %add3A_651 : i32 to index
        %get3A_657 = arith.constant 0 : index
        %get3A_658 = tpu.vector_load %get3A_655[%get3A_656, %get3A_657] {strides = array<i32>} : memref<40x128xf32, #tpu.memory_space<vmem>>, vector<1x16xf32>,
        %get3A_659 = vector.shape_cast %get3A_658 : vector<1x16xf32> to vector<16xf32>
        %get3A_660 = arith.constant 0 : i32
        %get3A_661 = arith.constant 0 : i32
        %get3A_662 = tpu.memref_slice %arg11[%scan3A_323, %get3A_660, %get3A_661] : memref<2x40x128xf32, #tpu.memory_space<vmem>> -> memref<1x40x128xf32, #tpu.memory_space<vmem>>
        %get3A_663 = tpu.memref_squeeze %get3A_662 : memref<1x40x128xf32, #tpu.memory_space<vmem>> -> memref<40x128xf32, #tpu.memory_space<vmem>>
        %get3A_664 = arith.index_cast %add3A_651 : i32 to index
        %get3A_665 = arith.constant 64 : index
        %get3A_666 = tpu.vector_load %get3A_663[%get3A_664, %get3A_665] {strides = array<i32>} : memref<40x128xf32, #tpu.memory_space<vmem>>, vector<1x16xf32>,
        %get3A_667 = vector.shape_cast %get3A_666 : vector<1x16xf32> to vector<16xf32>
        %add3A_668 = arith.addf %get3A_659, %get3A_667 : vector<16xf32>
        %get3A_669 = arith.constant 0 : i32
        %get3A_670 = arith.constant 0 : i32
        %get3A_671 = tpu.memref_slice %arg12[%scan3A_324, %get3A_669, %get3A_670] : memref<2x40x64xf32, #tpu.memory_space<vmem>> -> memref<1x40x64xf32, #tpu.memory_space<vmem>>
        %get3A_672 = tpu.memref_squeeze %get3A_671 : memref<1x40x64xf32, #tpu.memory_space<vmem>> -> memref<40x64xf32, #tpu.memory_space<vmem>>
        %get3A_673 = arith.index_cast %add3A_651 : i32 to index
        %get3A_674 = arith.constant 0 : index
        %get3A_675 = tpu.vector_load %get3A_672[%get3A_673, %get3A_674] {strides = array<i32>} : memref<40x64xf32, #tpu.memory_space<vmem>>, vector<1x16xf32>,
        %get3A_676 = vector.shape_cast %get3A_675 : vector<1x16xf32> to vector<16xf32>
        %add3A_677 = arith.addf %add3A_668, %get3A_676 : vector<16xf32>
        %max3A_678 = arith.constant 0.000000e+00 : f32
        %max3A_679 = vector.broadcast %max3A_678 : f32 to vector<16xf32>
        %max3A_680 = arith.maximumf %add3A_677, %max3A_679 : vector<16xf32>
        %swap3A_681 = arith.index_cast %add3A_651 : i32 to index
        %swap3A_682 = arith.constant 0 : index
        %swap3A_683 = tpu.vector_load %arg13[%swap3A_681, %swap3A_682] {strides = array<i32>} : memref<40x128xf32, #tpu.memory_space<vmem>>, vector<1x16xf32>,
        %swap3A_684 = vector.shape_cast %swap3A_683 : vector<1x16xf32> to vector<16xf32>
        %swap3A_685 = vector.shape_cast %max3A_680 : vector<16xf32> to vector<1x16xf32>
        tpu.vector_store %arg13[%swap3A_681, %swap3A_682], %swap3A_685 {strides = array<i32>} : memref<40x128xf32, #tpu.memory_space<vmem>>, vector<1x16xf32>,
        %get3A_686 = arith.constant 0 : i32
        %get3A_687 = arith.constant 0 : i32
        %get3A_688 = tpu.memref_slice %arg10[%scan3A_322, %get3A_686, %get3A_687] : memref<2x40x128xf32, #tpu.memory_space<vmem>> -> memref<1x40x128xf32, #tpu.memory_space<vmem>>
        %get3A_689 = tpu.memref_squeeze %get3A_688 : memref<1x40x128xf32, #tpu.memory_space<vmem>> -> memref<40x128xf32, #tpu.memory_space<vmem>>
        %get3A_690 = arith.index_cast %add3A_651 : i32 to index
        %get3A_691 = arith.constant 16 : index
        %get3A_692 = tpu.vector_load %get3A_689[%get3A_690, %get3A_691] {strides = array<i32>} : memref<40x128xf32, #tpu.memory_space<vmem>>, vector<1x16xf32>,
        %get3A_693 = vector.shape_cast %get3A_692 : vector<1x16xf32> to vector<16xf32>
        %get3A_694 = arith.constant 0 : i32
        %get3A_695 = arith.constant 0 : i32
        %get3A_696 = tpu.memref_slice %arg11[%scan3A_323, %get3A_694, %get3A_695] : memref<2x40x128xf32, #tpu.memory_space<vmem>> -> memref<1x40x128xf32, #tpu.memory_space<vmem>>
        %get3A_697 = tpu.memref_squeeze %get3A_696 : memref<1x40x128xf32, #tpu.memory_space<vmem>> -> memref<40x128xf32, #tpu.memory_space<vmem>>
        %get3A_698 = arith.index_cast %add3A_651 : i32 to index
        %get3A_699 = arith.constant 80 : index
        %get3A_700 = tpu.vector_load %get3A_697[%get3A_698, %get3A_699] {strides = array<i32>} : memref<40x128xf32, #tpu.memory_space<vmem>>, vector<1x16xf32>,
        %get3A_701 = vector.shape_cast %get3A_700 : vector<1x16xf32> to vector<16xf32>
        %add3A_702 = arith.addf %get3A_693, %get3A_701 : vector<16xf32>
        %get3A_703 = arith.constant 0 : i32
        %get3A_704 = arith.constant 0 : i32
        %get3A_705 = tpu.memref_slice %arg12[%scan3A_324, %get3A_703, %get3A_704] : memref<2x40x64xf32, #tpu.memory_space<vmem>> -> memref<1x40x64xf32, #tpu.memory_space<vmem>>
        %get3A_706 = tpu.memref_squeeze %get3A_705 : memref<1x40x64xf32, #tpu.memory_space<vmem>> -> memref<40x64xf32, #tpu.memory_space<vmem>>
        %get3A_707 = arith.index_cast %add3A_651 : i32 to index
        %get3A_708 = arith.constant 16 : index
        %get3A_709 = tpu.vector_load %get3A_706[%get3A_707, %get3A_708] {strides = array<i32>} : memref<40x64xf32, #tpu.memory_space<vmem>>, vector<1x16xf32>,
        %get3A_710 = vector.shape_cast %get3A_709 : vector<1x16xf32> to vector<16xf32>
        %add3A_711 = arith.addf %add3A_702, %get3A_710 : vector<16xf32>
        %max3A_712 = arith.constant 0.000000e+00 : f32
        %max3A_713 = vector.broadcast %max3A_712 : f32 to vector<16xf32>
        %max3A_714 = arith.maximumf %add3A_711, %max3A_713 : vector<16xf32>
        %swap3A_715 = arith.index_cast %add3A_651 : i32 to index
        %swap3A_716 = arith.constant 16 : index
        %swap3A_717 = tpu.vector_load %arg13[%swap3A_715, %swap3A_716] {strides = array<i32>} : memref<40x128xf32, #tpu.memory_space<vmem>>, vector<1x16xf32>,
        %swap3A_718 = vector.shape_cast %swap3A_717 : vector<1x16xf32> to vector<16xf32>
        %swap3A_719 = vector.shape_cast %max3A_714 : vector<16xf32> to vector<1x16xf32>
        tpu.vector_store %arg13[%swap3A_715, %swap3A_716], %swap3A_719 {strides = array<i32>} : memref<40x128xf32, #tpu.memory_space<vmem>>, vector<1x16xf32>,
        %get3A_720 = arith.constant 0 : i32
        %get3A_721 = arith.constant 0 : i32
        %get3A_722 = tpu.memref_slice %arg10[%scan3A_322, %get3A_720, %get3A_721] : memref<2x40x128xf32, #tpu.memory_space<vmem>> -> memref<1x40x128xf32, #tpu.memory_space<vmem>>
        %get3A_723 = tpu.memref_squeeze %get3A_722 : memref<1x40x128xf32, #tpu.memory_space<vmem>> -> memref<40x128xf32, #tpu.memory_space<vmem>>
        %get3A_724 = arith.index_cast %add3A_651 : i32 to index
        %get3A_725 = arith.constant 32 : index
        %get3A_726 = tpu.vector_load %get3A_723[%get3A_724, %get3A_725] {strides = array<i32>} : memref<40x128xf32, #tpu.memory_space<vmem>>, vector<1x16xf32>,
        %get3A_727 = vector.shape_cast %get3A_726 : vector<1x16xf32> to vector<16xf32>
        %get3A_728 = arith.constant 0 : i32
        %get3A_729 = arith.constant 0 : i32
        %get3A_730 = tpu.memref_slice %arg11[%scan3A_323, %get3A_728, %get3A_729] : memref<2x40x128xf32, #tpu.memory_space<vmem>> -> memref<1x40x128xf32, #tpu.memory_space<vmem>>
        %get3A_731 = tpu.memref_squeeze %get3A_730 : memref<1x40x128xf32, #tpu.memory_space<vmem>> -> memref<40x128xf32, #tpu.memory_space<vmem>>
        %get3A_732 = arith.index_cast %add3A_651 : i32 to index
        %get3A_733 = arith.constant 96 : index
        %get3A_734 = tpu.vector_load %get3A_731[%get3A_732, %get3A_733] {strides = array<i32>} : memref<40x128xf32, #tpu.memory_space<vmem>>, vector<1x16xf32>,
        %get3A_735 = vector.shape_cast %get3A_734 : vector<1x16xf32> to vector<16xf32>
        %add3A_736 = arith.addf %get3A_727, %get3A_735 : vector<16xf32>
        %get3A_737 = arith.constant 0 : i32
        %get3A_738 = arith.constant 0 : i32
        %get3A_739 = tpu.memref_slice %arg12[%scan3A_324, %get3A_737, %get3A_738] : memref<2x40x64xf32, #tpu.memory_space<vmem>> -> memref<1x40x64xf32, #tpu.memory_space<vmem>>
        %get3A_740 = tpu.memref_squeeze %get3A_739 : memref<1x40x64xf32, #tpu.memory_space<vmem>> -> memref<40x64xf32, #tpu.memory_space<vmem>>
        %get3A_741 = arith.index_cast %add3A_651 : i32 to index
        %get3A_742 = arith.constant 32 : index
        %get3A_743 = tpu.vector_load %get3A_740[%get3A_741, %get3A_742] {strides = array<i32>} : memref<40x64xf32, #tpu.memory_space<vmem>>, vector<1x16xf32>,
        %get3A_744 = vector.shape_cast %get3A_743 : vector<1x16xf32> to vector<16xf32>
        %add3A_745 = arith.addf %add3A_736, %get3A_744 : vector<16xf32>
        %max3A_746 = arith.constant 0.000000e+00 : f32
        %max3A_747 = vector.broadcast %max3A_746 : f32 to vector<16xf32>
        %max3A_748 = arith.maximumf %add3A_745, %max3A_747 : vector<16xf32>
        %swap3A_749 = arith.index_cast %add3A_651 : i32 to index
        %swap3A_750 = arith.constant 32 : index
        %swap3A_751 = tpu.vector_load %arg13[%swap3A_749, %swap3A_750] {strides = array<i32>} : memref<40x128xf32, #tpu.memory_space<vmem>>, vector<1x16xf32>,
        %swap3A_752 = vector.shape_cast %swap3A_751 : vector<1x16xf32> to vector<16xf32>
        %swap3A_753 = vector.shape_cast %max3A_748 : vector<16xf32> to vector<1x16xf32>
        tpu.vector_store %arg13[%swap3A_749, %swap3A_750], %swap3A_753 {strides = array<i32>} : memref<40x128xf32, #tpu.memory_space<vmem>>, vector<1x16xf32>,
        %get3A_754 = arith.constant 0 : i32
        %get3A_755 = arith.constant 0 : i32
        %get3A_756 = tpu.memref_slice %arg10[%scan3A_322, %get3A_754, %get3A_755] : memref<2x40x128xf32, #tpu.memory_space<vmem>> -> memref<1x40x128xf32, #tpu.memory_space<vmem>>
        %get3A_757 = tpu.memref_squeeze %get3A_756 : memref<1x40x128xf32, #tpu.memory_space<vmem>> -> memref<40x128xf32, #tpu.memory_space<vmem>>
        %get3A_758 = arith.index_cast %add3A_651 : i32 to index
        %get3A_759 = arith.constant 48 : index
        %get3A_760 = tpu.vector_load %get3A_757[%get3A_758, %get3A_759] {strides = array<i32>} : memref<40x128xf32, #tpu.memory_space<vmem>>, vector<1x16xf32>,
        %get3A_761 = vector.shape_cast %get3A_760 : vector<1x16xf32> to vector<16xf32>
        %get3A_762 = arith.constant 0 : i32
        %get3A_763 = arith.constant 0 : i32
        %get3A_764 = tpu.memref_slice %arg11[%scan3A_323, %get3A_762, %get3A_763] : memref<2x40x128xf32, #tpu.memory_space<vmem>> -> memref<1x40x128xf32, #tpu.memory_space<vmem>>
        %get3A_765 = tpu.memref_squeeze %get3A_764 : memref<1x40x128xf32, #tpu.memory_space<vmem>> -> memref<40x128xf32, #tpu.memory_space<vmem>>
        %get3A_766 = arith.index_cast %add3A_651 : i32 to index
        %get3A_767 = arith.constant 112 : index
        %get3A_768 = tpu.vector_load %get3A_765[%get3A_766, %get3A_767] {strides = array<i32>} : memref<40x128xf32, #tpu.memory_space<vmem>>, vector<1x16xf32>,
        %get3A_769 = vector.shape_cast %get3A_768 : vector<1x16xf32> to vector<16xf32>
        %add3A_770 = arith.addf %get3A_761, %get3A_769 : vector<16xf32>
        %get3A_771 = arith.constant 0 : i32
        %get3A_772 = arith.constant 0 : i32
        %get3A_773 = tpu.memref_slice %arg12[%scan3A_324, %get3A_771, %get3A_772] : memref<2x40x64xf32, #tpu.memory_space<vmem>> -> memref<1x40x64xf32, #tpu.memory_space<vmem>>
        %get3A_774 = tpu.memref_squeeze %get3A_773 : memref<1x40x64xf32, #tpu.memory_space<vmem>> -> memref<40x64xf32, #tpu.memory_space<vmem>>
        %get3A_775 = arith.index_cast %add3A_651 : i32 to index
        %get3A_776 = arith.constant 48 : index
        %get3A_777 = tpu.vector_load %get3A_774[%get3A_775, %get3A_776] {strides = array<i32>} : memref<40x64xf32, #tpu.memory_space<vmem>>, vector<1x16xf32>,
        %get3A_778 = vector.shape_cast %get3A_777 : vector<1x16xf32> to vector<16xf32>
        %add3A_779 = arith.addf %add3A_770, %get3A_778 : vector<16xf32>
        %max3A_780 = arith.constant 0.000000e+00 : f32
        %max3A_781 = vector.broadcast %max3A_780 : f32 to vector<16xf32>
        %max3A_782 = arith.maximumf %add3A_779, %max3A_781 : vector<16xf32>
        %swap3A_783 = arith.index_cast %add3A_651 : i32 to index
        %swap3A_784 = arith.constant 48 : index
        %swap3A_785 = tpu.vector_load %arg13[%swap3A_783, %swap3A_784] {strides = array<i32>} : memref<40x128xf32, #tpu.memory_space<vmem>>, vector<1x16xf32>,
        %swap3A_786 = vector.shape_cast %swap3A_785 : vector<1x16xf32> to vector<16xf32>
        %swap3A_787 = vector.shape_cast %max3A_782 : vector<16xf32> to vector<1x16xf32>
        tpu.vector_store %arg13[%swap3A_783, %swap3A_784], %swap3A_787 {strides = array<i32>} : memref<40x128xf32, #tpu.memory_space<vmem>>, vector<1x16xf32>,
        %add3A_788 = arith.constant 3 : i32
        %add3A_789 = arith.addi %mul3A_376, %add3A_788 : i32
        %get3A_790 = arith.constant 0 : i32
        %get3A_791 = arith.constant 0 : i32
        %get3A_792 = tpu.memref_slice %arg10[%scan3A_322, %get3A_790, %get3A_791] : memref<2x40x128xf32, #tpu.memory_space<vmem>> -> memref<1x40x128xf32, #tpu.memory_space<vmem>>
        %get3A_793 = tpu.memref_squeeze %get3A_792 : memref<1x40x128xf32, #tpu.memory_space<vmem>> -> memref<40x128xf32, #tpu.memory_space<vmem>>
        %get3A_794 = arith.index_cast %add3A_789 : i32 to index
        %get3A_795 = arith.constant 0 : index
        %get3A_796 = tpu.vector_load %get3A_793[%get3A_794, %get3A_795] {strides = array<i32>} : memref<40x128xf32, #tpu.memory_space<vmem>>, vector<1x16xf32>,
        %get3A_797 = vector.shape_cast %get3A_796 : vector<1x16xf32> to vector<16xf32>
        %get3A_798 = arith.constant 0 : i32
        %get3A_799 = arith.constant 0 : i32
        %get3A_800 = tpu.memref_slice %arg11[%scan3A_323, %get3A_798, %get3A_799] : memref<2x40x128xf32, #tpu.memory_space<vmem>> -> memref<1x40x128xf32, #tpu.memory_space<vmem>>
        %get3A_801 = tpu.memref_squeeze %get3A_800 : memref<1x40x128xf32, #tpu.memory_space<vmem>> -> memref<40x128xf32, #tpu.memory_space<vmem>>
        %get3A_802 = arith.index_cast %add3A_789 : i32 to index
        %get3A_803 = arith.constant 64 : index
        %get3A_804 = tpu.vector_load %get3A_801[%get3A_802, %get3A_803] {strides = array<i32>} : memref<40x128xf32, #tpu.memory_space<vmem>>, vector<1x16xf32>,
        %get3A_805 = vector.shape_cast %get3A_804 : vector<1x16xf32> to vector<16xf32>
        %add3A_806 = arith.addf %get3A_797, %get3A_805 : vector<16xf32>
        %get3A_807 = arith.constant 0 : i32
        %get3A_808 = arith.constant 0 : i32
        %get3A_809 = tpu.memref_slice %arg12[%scan3A_324, %get3A_807, %get3A_808] : memref<2x40x64xf32, #tpu.memory_space<vmem>> -> memref<1x40x64xf32, #tpu.memory_space<vmem>>
        %get3A_810 = tpu.memref_squeeze %get3A_809 : memref<1x40x64xf32, #tpu.memory_space<vmem>> -> memref<40x64xf32, #tpu.memory_space<vmem>>
        %get3A_811 = arith.index_cast %add3A_789 : i32 to index
        %get3A_812 = arith.constant 0 : index
        %get3A_813 = tpu.vector_load %get3A_810[%get3A_811, %get3A_812] {strides = array<i32>} : memref<40x64xf32, #tpu.memory_space<vmem>>, vector<1x16xf32>,
        %get3A_814 = vector.shape_cast %get3A_813 : vector<1x16xf32> to vector<16xf32>
        %add3A_815 = arith.addf %add3A_806, %get3A_814 : vector<16xf32>
        %max3A_816 = arith.constant 0.000000e+00 : f32
        %max3A_817 = vector.broadcast %max3A_816 : f32 to vector<16xf32>
        %max3A_818 = arith.maximumf %add3A_815, %max3A_817 : vector<16xf32>
        %swap3A_819 = arith.index_cast %add3A_789 : i32 to index
        %swap3A_820 = arith.constant 0 : index
        %swap3A_821 = tpu.vector_load %arg13[%swap3A_819, %swap3A_820] {strides = array<i32>} : memref<40x128xf32, #tpu.memory_space<vmem>>, vector<1x16xf32>,
        %swap3A_822 = vector.shape_cast %swap3A_821 : vector<1x16xf32> to vector<16xf32>
        %swap3A_823 = vector.shape_cast %max3A_818 : vector<16xf32> to vector<1x16xf32>
        tpu.vector_store %arg13[%swap3A_819, %swap3A_820], %swap3A_823 {strides = array<i32>} : memref<40x128xf32, #tpu.memory_space<vmem>>, vector<1x16xf32>,
        %get3A_824 = arith.constant 0 : i32
        %get3A_825 = arith.constant 0 : i32
        %get3A_826 = tpu.memref_slice %arg10[%scan3A_322, %get3A_824, %get3A_825] : memref<2x40x128xf32, #tpu.memory_space<vmem>> -> memref<1x40x128xf32, #tpu.memory_space<vmem>>
        %get3A_827 = tpu.memref_squeeze %get3A_826 : memref<1x40x128xf32, #tpu.memory_space<vmem>> -> memref<40x128xf32, #tpu.memory_space<vmem>>
        %get3A_828 = arith.index_cast %add3A_789 : i32 to index
        %get3A_829 = arith.constant 16 : index
        %get3A_830 = tpu.vector_load %get3A_827[%get3A_828, %get3A_829] {strides = array<i32>} : memref<40x128xf32, #tpu.memory_space<vmem>>, vector<1x16xf32>,
        %get3A_831 = vector.shape_cast %get3A_830 : vector<1x16xf32> to vector<16xf32>
        %get3A_832 = arith.constant 0 : i32
        %get3A_833 = arith.constant 0 : i32
        %get3A_834 = tpu.memref_slice %arg11[%scan3A_323, %get3A_832, %get3A_833] : memref<2x40x128xf32, #tpu.memory_space<vmem>> -> memref<1x40x128xf32, #tpu.memory_space<vmem>>
        %get3A_835 = tpu.memref_squeeze %get3A_834 : memref<1x40x128xf32, #tpu.memory_space<vmem>> -> memref<40x128xf32, #tpu.memory_space<vmem>>
        %get3A_836 = arith.index_cast %add3A_789 : i32 to index
        %get3A_837 = arith.constant 80 : index
        %get3A_838 = tpu.vector_load %get3A_835[%get3A_836, %get3A_837] {strides = array<i32>} : memref<40x128xf32, #tpu.memory_space<vmem>>, vector<1x16xf32>,
        %get3A_839 = vector.shape_cast %get3A_838 : vector<1x16xf32> to vector<16xf32>
        %add3A_840 = arith.addf %get3A_831, %get3A_839 : vector<16xf32>
        %get3A_841 = arith.constant 0 : i32
        %get3A_842 = arith.constant 0 : i32
        %get3A_843 = tpu.memref_slice %arg12[%scan3A_324, %get3A_841, %get3A_842] : memref<2x40x64xf32, #tpu.memory_space<vmem>> -> memref<1x40x64xf32, #tpu.memory_space<vmem>>
        %get3A_844 = tpu.memref_squeeze %get3A_843 : memref<1x40x64xf32, #tpu.memory_space<vmem>> -> memref<40x64xf32, #tpu.memory_space<vmem>>
        %get3A_845 = arith.index_cast %add3A_789 : i32 to index
        %get3A_846 = arith.constant 16 : index
        %get3A_847 = tpu.vector_load %get3A_844[%get3A_845, %get3A_846] {strides = array<i32>} : memref<40x64xf32, #tpu.memory_space<vmem>>, vector<1x16xf32>,
        %get3A_848 = vector.shape_cast %get3A_847 : vector<1x16xf32> to vector<16xf32>
        %add3A_849 = arith.addf %add3A_840, %get3A_848 : vector<16xf32>
        %max3A_850 = arith.constant 0.000000e+00 : f32
        %max3A_851 = vector.broadcast %max3A_850 : f32 to vector<16xf32>
        %max3A_852 = arith.maximumf %add3A_849, %max3A_851 : vector<16xf32>
        %swap3A_853 = arith.index_cast %add3A_789 : i32 to index
        %swap3A_854 = arith.constant 16 : index
        %swap3A_855 = tpu.vector_load %arg13[%swap3A_853, %swap3A_854] {strides = array<i32>} : memref<40x128xf32, #tpu.memory_space<vmem>>, vector<1x16xf32>,
        %swap3A_856 = vector.shape_cast %swap3A_855 : vector<1x16xf32> to vector<16xf32>
        %swap3A_857 = vector.shape_cast %max3A_852 : vector<16xf32> to vector<1x16xf32>
        tpu.vector_store %arg13[%swap3A_853, %swap3A_854], %swap3A_857 {strides = array<i32>} : memref<40x128xf32, #tpu.memory_space<vmem>>, vector<1x16xf32>,
        %get3A_858 = arith.constant 0 : i32
        %get3A_859 = arith.constant 0 : i32
        %get3A_860 = tpu.memref_slice %arg10[%scan3A_322, %get3A_858, %get3A_859] : memref<2x40x128xf32, #tpu.memory_space<vmem>> -> memref<1x40x128xf32, #tpu.memory_space<vmem>>
        %get3A_861 = tpu.memref_squeeze %get3A_860 : memref<1x40x128xf32, #tpu.memory_space<vmem>> -> memref<40x128xf32, #tpu.memory_space<vmem>>
        %get3A_862 = arith.index_cast %add3A_789 : i32 to index
        %get3A_863 = arith.constant 32 : index
        %get3A_864 = tpu.vector_load %get3A_861[%get3A_862, %get3A_863] {strides = array<i32>} : memref<40x128xf32, #tpu.memory_space<vmem>>, vector<1x16xf32>,
        %get3A_865 = vector.shape_cast %get3A_864 : vector<1x16xf32> to vector<16xf32>
        %get3A_866 = arith.constant 0 : i32
        %get3A_867 = arith.constant 0 : i32
        %get3A_868 = tpu.memref_slice %arg11[%scan3A_323, %get3A_866, %get3A_867] : memref<2x40x128xf32, #tpu.memory_space<vmem>> -> memref<1x40x128xf32, #tpu.memory_space<vmem>>
        %get3A_869 = tpu.memref_squeeze %get3A_868 : memref<1x40x128xf32, #tpu.memory_space<vmem>> -> memref<40x128xf32, #tpu.memory_space<vmem>>
        %get3A_870 = arith.index_cast %add3A_789 : i32 to index
        %get3A_871 = arith.constant 96 : index
        %get3A_872 = tpu.vector_load %get3A_869[%get3A_870, %get3A_871] {strides = array<i32>} : memref<40x128xf32, #tpu.memory_space<vmem>>, vector<1x16xf32>,
        %get3A_873 = vector.shape_cast %get3A_872 : vector<1x16xf32> to vector<16xf32>
        %add3A_874 = arith.addf %get3A_865, %get3A_873 : vector<16xf32>
        %get3A_875 = arith.constant 0 : i32
        %get3A_876 = arith.constant 0 : i32
        %get3A_877 = tpu.memref_slice %arg12[%scan3A_324, %get3A_875, %get3A_876] : memref<2x40x64xf32, #tpu.memory_space<vmem>> -> memref<1x40x64xf32, #tpu.memory_space<vmem>>
        %get3A_878 = tpu.memref_squeeze %get3A_877 : memref<1x40x64xf32, #tpu.memory_space<vmem>> -> memref<40x64xf32, #tpu.memory_space<vmem>>
        %get3A_879 = arith.index_cast %add3A_789 : i32 to index
        %get3A_880 = arith.constant 32 : index
        %get3A_881 = tpu.vector_load %get3A_878[%get3A_879, %get3A_880] {strides = array<i32>} : memref<40x64xf32, #tpu.memory_space<vmem>>, vector<1x16xf32>,
        %get3A_882 = vector.shape_cast %get3A_881 : vector<1x16xf32> to vector<16xf32>
        %add3A_883 = arith.addf %add3A_874, %get3A_882 : vector<16xf32>
        %max3A_884 = arith.constant 0.000000e+00 : f32
        %max3A_885 = vector.broadcast %max3A_884 : f32 to vector<16xf32>
        %max3A_886 = arith.maximumf %add3A_883, %max3A_885 : vector<16xf32>
        %swap3A_887 = arith.index_cast %add3A_789 : i32 to index
        %swap3A_888 = arith.constant 32 : index
        %swap3A_889 = tpu.vector_load %arg13[%swap3A_887, %swap3A_888] {strides = array<i32>} : memref<40x128xf32, #tpu.memory_space<vmem>>, vector<1x16xf32>,
        %swap3A_890 = vector.shape_cast %swap3A_889 : vector<1x16xf32> to vector<16xf32>
        %swap3A_891 = vector.shape_cast %max3A_886 : vector<16xf32> to vector<1x16xf32>
        tpu.vector_store %arg13[%swap3A_887, %swap3A_888], %swap3A_891 {strides = array<i32>} : memref<40x128xf32, #tpu.memory_space<vmem>>, vector<1x16xf32>,
        %get3A_892 = arith.constant 0 : i32
        %get3A_893 = arith.constant 0 : i32
        %get3A_894 = tpu.memref_slice %arg10[%scan3A_322, %get3A_892, %get3A_893] : memref<2x40x128xf32, #tpu.memory_space<vmem>> -> memref<1x40x128xf32, #tpu.memory_space<vmem>>
        %get3A_895 = tpu.memref_squeeze %get3A_894 : memref<1x40x128xf32, #tpu.memory_space<vmem>> -> memref<40x128xf32, #tpu.memory_space<vmem>>
        %get3A_896 = arith.index_cast %add3A_789 : i32 to index
        %get3A_897 = arith.constant 48 : index
        %get3A_898 = tpu.vector_load %get3A_895[%get3A_896, %get3A_897] {strides = array<i32>} : memref<40x128xf32, #tpu.memory_space<vmem>>, vector<1x16xf32>,
        %get3A_899 = vector.shape_cast %get3A_898 : vector<1x16xf32> to vector<16xf32>
        %get3A_900 = arith.constant 0 : i32
        %get3A_901 = arith.constant 0 : i32
        %get3A_902 = tpu.memref_slice %arg11[%scan3A_323, %get3A_900, %get3A_901] : memref<2x40x128xf32, #tpu.memory_space<vmem>> -> memref<1x40x128xf32, #tpu.memory_space<vmem>>
        %get3A_903 = tpu.memref_squeeze %get3A_902 : memref<1x40x128xf32, #tpu.memory_space<vmem>> -> memref<40x128xf32, #tpu.memory_space<vmem>>
        %get3A_904 = arith.index_cast %add3A_789 : i32 to index
        %get3A_905 = arith.constant 112 : index
        %get3A_906 = tpu.vector_load %get3A_903[%get3A_904, %get3A_905] {strides = array<i32>} : memref<40x128xf32, #tpu.memory_space<vmem>>, vector<1x16xf32>,
        %get3A_907 = vector.shape_cast %get3A_906 : vector<1x16xf32> to vector<16xf32>
        %add3A_908 = arith.addf %get3A_899, %get3A_907 : vector<16xf32>
        %get3A_909 = arith.constant 0 : i32
        %get3A_910 = arith.constant 0 : i32
        %get3A_911 = tpu.memref_slice %arg12[%scan3A_324, %get3A_909, %get3A_910] : memref<2x40x64xf32, #tpu.memory_space<vmem>> -> memref<1x40x64xf32, #tpu.memory_space<vmem>>
        %get3A_912 = tpu.memref_squeeze %get3A_911 : memref<1x40x64xf32, #tpu.memory_space<vmem>> -> memref<40x64xf32, #tpu.memory_space<vmem>>
        %get3A_913 = arith.index_cast %add3A_789 : i32 to index
        %get3A_914 = arith.constant 48 : index
        %get3A_915 = tpu.vector_load %get3A_912[%get3A_913, %get3A_914] {strides = array<i32>} : memref<40x64xf32, #tpu.memory_space<vmem>>, vector<1x16xf32>,
        %get3A_916 = vector.shape_cast %get3A_915 : vector<1x16xf32> to vector<16xf32>
        %add3A_917 = arith.addf %add3A_908, %get3A_916 : vector<16xf32>
        %max3A_918 = arith.constant 0.000000e+00 : f32
        %max3A_919 = vector.broadcast %max3A_918 : f32 to vector<16xf32>
        %max3A_920 = arith.maximumf %add3A_917, %max3A_919 : vector<16xf32>
        %swap3A_921 = arith.index_cast %add3A_789 : i32 to index
        %swap3A_922 = arith.constant 48 : index
        %swap3A_923 = tpu.vector_load %arg13[%swap3A_921, %swap3A_922] {strides = array<i32>} : memref<40x128xf32, #tpu.memory_space<vmem>>, vector<1x16xf32>,
        %swap3A_924 = vector.shape_cast %swap3A_923 : vector<1x16xf32> to vector<16xf32>
        %swap3A_925 = vector.shape_cast %max3A_920 : vector<16xf32> to vector<1x16xf32>
        tpu.vector_store %arg13[%swap3A_921, %swap3A_922], %swap3A_925 {strides = array<i32>} : memref<40x128xf32, #tpu.memory_space<vmem>>, vector<1x16xf32>,
      }
      %scan3A_329 = arith.constant 10 : i32
      %run_scoped3A_330 = arith.constant 1 : i32
      "tpu.region"() ({
        %run_scoped3A_374 = tpu.sem_alloc : memref<!tpu.dma_semaphore, #tpu.memory_space<semaphore_mem>>
        %dma_start3A_375 = arith.constant 0 : i32
        %dma_start3A_376 = tpu.memref_slice %arg9[%run_scoped3A_330, %dma_start3A_375] : memref<2x40xi32, #tpu.memory_space<vmem>> -> memref<1x40xi32, #tpu.memory_space<vmem>>
        %dma_start3A_377 = tpu.memref_squeeze %dma_start3A_376 : memref<1x40xi32, #tpu.memory_space<vmem>> -> memref<40xi32, #tpu.memory_space<vmem>>
        %dma_start3A_378 = arith.constant 0 : i32
        %dma_start3A_379 = arith.constant 0 : i32
        %dma_start3A_380 = tpu.memref_slice %arg14[%dma_start3A_378, %dma_start3A_379] : memref<10112x128xf32, #tpu.memory_space<vmem_shared>> -> memref<10112x128xf32, #tpu.memory_space<vmem_shared>>
        tpu.enqueue_indirect_dma source(%arg13 : memref<40x128xf32, #tpu.memory_space<vmem>>) target(%dma_start3A_380 : memref<10112x128xf32, #tpu.memory_space<vmem_shared>>) offsets(%dma_start3A_377 : memref<40xi32, #tpu.memory_space<vmem>>) semaphore(%run_scoped3A_374 : memref<!tpu.dma_semaphore, #tpu.memory_space<semaphore_mem>>) {add = true}
        %dma_wait3A_381 = arith.constant 0 : i32
        %dma_wait3A_382 = tpu.memref_slice %arg9[%run_scoped3A_330, %dma_wait3A_381] : memref<2x40xi32, #tpu.memory_space<vmem>> -> memref<1x40xi32, #tpu.memory_space<vmem>>
        %dma_wait3A_383 = tpu.memref_squeeze %dma_wait3A_382 : memref<1x40xi32, #tpu.memory_space<vmem>> -> memref<40xi32, #tpu.memory_space<vmem>>
        %dma_wait3A_384 = arith.constant 0 : i32
        %dma_wait3A_385 = arith.constant 0 : i32
        %dma_wait3A_386 = tpu.memref_slice %arg14[%dma_wait3A_384, %dma_wait3A_385] : memref<10112x128xf32, #tpu.memory_space<vmem_shared>> -> memref<10112x128xf32, #tpu.memory_space<vmem_shared>>
        tpu.wait_indirect_dma semaphore(%run_scoped3A_374 : memref<!tpu.dma_semaphore, #tpu.memory_space<semaphore_mem>>) src(%arg13 : memref<40x128xf32, #tpu.memory_space<vmem>>) dst(%dma_wait3A_386 : memref<10112x128xf32, #tpu.memory_space<vmem_shared>>)
        tpu.yield
      }) : () -> ()
      %add3A_331 = arith.constant 80 : i32
      %add3A_332 = arith.addi %add3A_283, %add3A_331 : i32
      %min3A_333 = arith.constant 319960 : i32
      %min3A_334 = arith.minsi %add3A_332, %min3A_333 : i32
      %run_scoped3A_335 = arith.constant 1 : i32
      "tpu.region"() ({
        %run_scoped3A_374 = tpu.sem_alloc : memref<!tpu.dma_semaphore, #tpu.memory_space<semaphore_mem>>
        %dma_start3A_375 = arith.constant 0 : i32
        %dma_start3A_376 = tpu.memref_slice %arg8[%run_scoped3A_335, %dma_start3A_375] : memref<2x40xi32, #tpu.memory_space<vmem>> -> memref<1x40xi32, #tpu.memory_space<vmem>>
        %dma_start3A_377 = tpu.memref_squeeze %dma_start3A_376 : memref<1x40xi32, #tpu.memory_space<vmem>> -> memref<40xi32, #tpu.memory_space<vmem>>
        %dma_start3A_378 = tpu.memref_slice %arg4[%min3A_334] : memref<320000xi32, #tpu.memory_space<hbm>> -> memref<40xi32, #tpu.memory_space<hbm>>
        %dma_start3A_379 = arith.constant 0 : i32
        %dma_start3A_380 = tpu.memref_slice %arg8[%run_scoped3A_335, %dma_start3A_379] : memref<2x40xi32, #tpu.memory_space<vmem>> -> memref<1x40xi32, #tpu.memory_space<vmem>>
        %dma_start3A_381 = tpu.memref_squeeze %dma_start3A_380 : memref<1x40xi32, #tpu.memory_space<vmem>> -> memref<40xi32, #tpu.memory_space<vmem>>
        %dma_start3A_382 = tpu.memref_slice %arg4[%min3A_334] : memref<320000xi32, #tpu.memory_space<hbm>> -> memref<40xi32, #tpu.memory_space<hbm>>
        tpu.enqueue_dma source(%dma_start3A_382 : memref<40xi32, #tpu.memory_space<hbm>>) target(%dma_start3A_381 : memref<40xi32, #tpu.memory_space<vmem>>) target_semaphore(%run_scoped3A_374 : memref<!tpu.dma_semaphore, #tpu.memory_space<semaphore_mem>>)
        %dma_wait3A_383 = arith.constant 0 : i32
        %dma_wait3A_384 = tpu.memref_slice %arg8[%run_scoped3A_335, %dma_wait3A_383] : memref<2x40xi32, #tpu.memory_space<vmem>> -> memref<1x40xi32, #tpu.memory_space<vmem>>
        %dma_wait3A_385 = tpu.memref_squeeze %dma_wait3A_384 : memref<1x40xi32, #tpu.memory_space<vmem>> -> memref<40xi32, #tpu.memory_space<vmem>>
        %dma_wait3A_386 = tpu.memref_slice %arg4[%min3A_334] : memref<320000xi32, #tpu.memory_space<hbm>> -> memref<40xi32, #tpu.memory_space<hbm>>
        %dma_wait3A_387 = arith.constant 0 : i32
        %dma_wait3A_388 = tpu.memref_slice %arg8[%run_scoped3A_335, %dma_wait3A_387] : memref<2x40xi32, #tpu.memory_space<vmem>> -> memref<1x40xi32, #tpu.memory_space<vmem>>
        %dma_wait3A_389 = tpu.memref_squeeze %dma_wait3A_388 : memref<1x40xi32, #tpu.memory_space<vmem>> -> memref<40xi32, #tpu.memory_space<vmem>>
        %dma_wait3A_390 = tpu.memref_slice %arg4[%min3A_334] : memref<320000xi32, #tpu.memory_space<hbm>> -> memref<40xi32, #tpu.memory_space<hbm>>
        tpu.wait_dma2 semaphore(%run_scoped3A_374 : memref<!tpu.dma_semaphore, #tpu.memory_space<semaphore_mem>>) src(%dma_wait3A_390 : memref<40xi32, #tpu.memory_space<hbm>>) dst(%dma_wait3A_389 : memref<40xi32, #tpu.memory_space<vmem>>)
        tpu.yield
      }) : () -> ()
      %run_scoped3A_336 = arith.constant 1 : i32
      "tpu.region"() ({
        %run_scoped3A_374 = tpu.sem_alloc : memref<!tpu.dma_semaphore, #tpu.memory_space<semaphore_mem>>
        %dma_start3A_375 = arith.constant 0 : i32
        %dma_start3A_376 = tpu.memref_slice %arg9[%run_scoped3A_336, %dma_start3A_375] : memref<2x40xi32, #tpu.memory_space<vmem>> -> memref<1x40xi32, #tpu.memory_space<vmem>>
        %dma_start3A_377 = tpu.memref_squeeze %dma_start3A_376 : memref<1x40xi32, #tpu.memory_space<vmem>> -> memref<40xi32, #tpu.memory_space<vmem>>
        %dma_start3A_378 = tpu.memref_slice %arg5[%min3A_334] : memref<320000xi32, #tpu.memory_space<hbm>> -> memref<40xi32, #tpu.memory_space<hbm>>
        %dma_start3A_379 = arith.constant 0 : i32
        %dma_start3A_380 = tpu.memref_slice %arg9[%run_scoped3A_336, %dma_start3A_379] : memref<2x40xi32, #tpu.memory_space<vmem>> -> memref<1x40xi32, #tpu.memory_space<vmem>>
        %dma_start3A_381 = tpu.memref_squeeze %dma_start3A_380 : memref<1x40xi32, #tpu.memory_space<vmem>> -> memref<40xi32, #tpu.memory_space<vmem>>
        %dma_start3A_382 = tpu.memref_slice %arg5[%min3A_334] : memref<320000xi32, #tpu.memory_space<hbm>> -> memref<40xi32, #tpu.memory_space<hbm>>
        tpu.enqueue_dma source(%dma_start3A_382 : memref<40xi32, #tpu.memory_space<hbm>>) target(%dma_start3A_381 : memref<40xi32, #tpu.memory_space<vmem>>) target_semaphore(%run_scoped3A_374 : memref<!tpu.dma_semaphore, #tpu.memory_space<semaphore_mem>>)
        %dma_wait3A_383 = arith.constant 0 : i32
        %dma_wait3A_384 = tpu.memref_slice %arg9[%run_scoped3A_336, %dma_wait3A_383] : memref<2x40xi32, #tpu.memory_space<vmem>> -> memref<1x40xi32, #tpu.memory_space<vmem>>
        %dma_wait3A_385 = tpu.memref_squeeze %dma_wait3A_384 : memref<1x40xi32, #tpu.memory_space<vmem>> -> memref<40xi32, #tpu.memory_space<vmem>>
        %dma_wait3A_386 = tpu.memref_slice %arg5[%min3A_334] : memref<320000xi32, #tpu.memory_space<hbm>> -> memref<40xi32, #tpu.memory_space<hbm>>
        %dma_wait3A_387 = arith.constant 0 : i32
        %dma_wait3A_388 = tpu.memref_slice %arg9[%run_scoped3A_336, %dma_wait3A_387] : memref<2x40xi32, #tpu.memory_space<vmem>> -> memref<1x40xi32, #tpu.memory_space<vmem>>
        %dma_wait3A_389 = tpu.memref_squeeze %dma_wait3A_388 : memref<1x40xi32, #tpu.memory_space<vmem>> -> memref<40xi32, #tpu.memory_space<vmem>>
        %dma_wait3A_390 = tpu.memref_slice %arg5[%min3A_334] : memref<320000xi32, #tpu.memory_space<hbm>> -> memref<40xi32, #tpu.memory_space<hbm>>
        tpu.wait_dma2 semaphore(%run_scoped3A_374 : memref<!tpu.dma_semaphore, #tpu.memory_space<semaphore_mem>>) src(%dma_wait3A_390 : memref<40xi32, #tpu.memory_space<hbm>>) dst(%dma_wait3A_389 : memref<40xi32, #tpu.memory_space<vmem>>)
        tpu.yield
      }) : () -> ()
      %dma_start3A_337 = arith.constant 1 : i32
      %dma_start3A_338 = arith.constant 1 : i32
      %dma_start3A_339 = arith.constant 0 : i32
      %dma_start3A_340 = arith.constant 0 : i32
      %dma_start3A_341 = tpu.memref_slice %arg10[%dma_start3A_338, %dma_start3A_339, %dma_start3A_340] : memref<2x40x128xf32, #tpu.memory_space<vmem>> -> memref<1x40x128xf32, #tpu.memory_space<vmem>>
      %dma_start3A_342 = tpu.memref_squeeze %dma_start3A_341 : memref<1x40x128xf32, #tpu.memory_space<vmem>> -> memref<40x128xf32, #tpu.memory_space<vmem>>
      %dma_start3A_343 = arith.constant 0 : i32
      %dma_start3A_344 = tpu.memref_slice %arg9[%dma_start3A_337, %dma_start3A_343] : memref<2x40xi32, #tpu.memory_space<vmem>> -> memref<1x40xi32, #tpu.memory_space<vmem>>
      %dma_start3A_345 = tpu.memref_squeeze %dma_start3A_344 : memref<1x40xi32, #tpu.memory_space<vmem>> -> memref<40xi32, #tpu.memory_space<vmem>>
      %dma_start3A_346 = arith.constant 0 : i32
      %dma_start3A_347 = arith.constant 0 : i32
      %dma_start3A_348 = tpu.memref_slice %arg2[%dma_start3A_346, %dma_start3A_347] : memref<10000x128xf32, #tpu.memory_space<hbm>> -> memref<10000x128xf32, #tpu.memory_space<hbm>>
      tpu.enqueue_indirect_dma source(%dma_start3A_348 : memref<10000x128xf32, #tpu.memory_space<hbm>>) target(%dma_start3A_342 : memref<40x128xf32, #tpu.memory_space<vmem>>) offsets(%dma_start3A_345 : memref<40xi32, #tpu.memory_space<vmem>>) semaphore(%arg18 : memref<!tpu.dma_semaphore, #tpu.memory_space<semaphore_mem>>)
      %dma_start3A_349 = arith.constant 1 : i32
      %dma_start3A_350 = arith.constant 1 : i32
      %dma_start3A_351 = arith.constant 0 : i32
      %dma_start3A_352 = arith.constant 0 : i32
      %dma_start3A_353 = tpu.memref_slice %arg11[%dma_start3A_350, %dma_start3A_351, %dma_start3A_352] : memref<2x40x128xf32, #tpu.memory_space<vmem>> -> memref<1x40x128xf32, #tpu.memory_space<vmem>>
      %dma_start3A_354 = tpu.memref_squeeze %dma_start3A_353 : memref<1x40x128xf32, #tpu.memory_space<vmem>> -> memref<40x128xf32, #tpu.memory_space<vmem>>
      %dma_start3A_355 = arith.constant 0 : i32
      %dma_start3A_356 = tpu.memref_slice %arg8[%dma_start3A_349, %dma_start3A_355] : memref<2x40xi32, #tpu.memory_space<vmem>> -> memref<1x40xi32, #tpu.memory_space<vmem>>
      %dma_start3A_357 = tpu.memref_squeeze %dma_start3A_356 : memref<1x40xi32, #tpu.memory_space<vmem>> -> memref<40xi32, #tpu.memory_space<vmem>>
      %dma_start3A_358 = arith.constant 0 : i32
      %dma_start3A_359 = arith.constant 0 : i32
      %dma_start3A_360 = tpu.memref_slice %arg2[%dma_start3A_358, %dma_start3A_359] : memref<10000x128xf32, #tpu.memory_space<hbm>> -> memref<10000x128xf32, #tpu.memory_space<hbm>>
      tpu.enqueue_indirect_dma source(%dma_start3A_360 : memref<10000x128xf32, #tpu.memory_space<hbm>>) target(%dma_start3A_354 : memref<40x128xf32, #tpu.memory_space<vmem>>) offsets(%dma_start3A_357 : memref<40xi32, #tpu.memory_space<vmem>>) semaphore(%arg19 : memref<!tpu.dma_semaphore, #tpu.memory_space<semaphore_mem>>)
      %dma_start3A_361 = arith.constant 1 : i32
      %dma_start3A_362 = arith.constant 0 : i32
      %dma_start3A_363 = arith.constant 0 : i32
      %dma_start3A_364 = tpu.memref_slice %arg12[%dma_start3A_361, %dma_start3A_362, %dma_start3A_363] : memref<2x40x64xf32, #tpu.memory_space<vmem>> -> memref<1x40x64xf32, #tpu.memory_space<vmem>>
      %dma_start3A_365 = tpu.memref_squeeze %dma_start3A_364 : memref<1x40x64xf32, #tpu.memory_space<vmem>> -> memref<40x64xf32, #tpu.memory_space<vmem>>
      %dma_start3A_366 = arith.constant 0 : i32
      %dma_start3A_367 = tpu.memref_slice %arg3[%min3A_334, %dma_start3A_366] : memref<320000x64xf32, #tpu.memory_space<hbm>> -> memref<40x64xf32, #tpu.memory_space<hbm>>
      %dma_start3A_368 = arith.constant 0 : i32
      %dma_start3A_369 = arith.constant 0 : i32
      %dma_start3A_370 = tpu.memref_slice %arg12[%dma_start3A_361, %dma_start3A_368, %dma_start3A_369] : memref<2x40x64xf32, #tpu.memory_space<vmem>> -> memref<1x40x64xf32, #tpu.memory_space<vmem>>
      %dma_start3A_371 = tpu.memref_squeeze %dma_start3A_370 : memref<1x40x64xf32, #tpu.memory_space<vmem>> -> memref<40x64xf32, #tpu.memory_space<vmem>>
      %dma_start3A_372 = arith.constant 0 : i32
      %dma_start3A_373 = tpu.memref_slice %arg3[%min3A_334, %dma_start3A_372] : memref<320000x64xf32, #tpu.memory_space<hbm>> -> memref<40x64xf32, #tpu.memory_space<hbm>>
      tpu.enqueue_dma source(%dma_start3A_373 : memref<40x64xf32, #tpu.memory_space<hbm>>) target(%dma_start3A_371 : memref<40x64xf32, #tpu.memory_space<vmem>>) target_semaphore(%arg20 : memref<!tpu.dma_semaphore, #tpu.memory_space<semaphore_mem>>)
    }
    %scan3A_98 = arith.constant 125 : i32
    %add3A_99 = arith.constant 9960 : i32
    %add3A_100 = arith.addi %mul3A_2, %add3A_99 : i32
    %dma_wait3A = arith.constant 0 : i32
    %dma_wait3A_101 = arith.constant 0 : i32
    %dma_wait3A_102 = arith.constant 0 : i32
    %dma_wait3A_103 = arith.constant 0 : i32
    %dma_wait3A_104 = tpu.memref_slice %arg10[%dma_wait3A_101, %dma_wait3A_102, %dma_wait3A_103] : memref<2x40x128xf32, #tpu.memory_space<vmem>> -> memref<1x40x128xf32, #tpu.memory_space<vmem>>
    %dma_wait3A_105 = tpu.memref_squeeze %dma_wait3A_104 : memref<1x40x128xf32, #tpu.memory_space<vmem>> -> memref<40x128xf32, #tpu.memory_space<vmem>>
    %dma_wait3A_106 = arith.constant 0 : i32
    %dma_wait3A_107 = tpu.memref_slice %arg9[%dma_wait3A, %dma_wait3A_106] : memref<2x40xi32, #tpu.memory_space<vmem>> -> memref<1x40xi32, #tpu.memory_space<vmem>>
    %dma_wait3A_108 = tpu.memref_squeeze %dma_wait3A_107 : memref<1x40xi32, #tpu.memory_space<vmem>> -> memref<40xi32, #tpu.memory_space<vmem>>
    %dma_wait3A_109 = arith.constant 0 : i32
    %dma_wait3A_110 = arith.constant 0 : i32
    %dma_wait3A_111 = tpu.memref_slice %arg2[%dma_wait3A_109, %dma_wait3A_110] : memref<10000x128xf32, #tpu.memory_space<hbm>> -> memref<10000x128xf32, #tpu.memory_space<hbm>>
    tpu.wait_indirect_dma semaphore(%arg15 : memref<!tpu.dma_semaphore, #tpu.memory_space<semaphore_mem>>) src(%dma_wait3A_111 : memref<10000x128xf32, #tpu.memory_space<hbm>>) dst(%dma_wait3A_105 : memref<40x128xf32, #tpu.memory_space<vmem>>)
    %dma_wait3A_112 = arith.constant 0 : i32
    %dma_wait3A_113 = arith.constant 0 : i32
    %dma_wait3A_114 = arith.constant 0 : i32
    %dma_wait3A_115 = arith.constant 0 : i32
    %dma_wait3A_116 = tpu.memref_slice %arg11[%dma_wait3A_113, %dma_wait3A_114, %dma_wait3A_115] : memref<2x40x128xf32, #tpu.memory_space<vmem>> -> memref<1x40x128xf32, #tpu.memory_space<vmem>>
    %dma_wait3A_117 = tpu.memref_squeeze %dma_wait3A_116 : memref<1x40x128xf32, #tpu.memory_space<vmem>> -> memref<40x128xf32, #tpu.memory_space<vmem>>
    %dma_wait3A_118 = arith.constant 0 : i32
    %dma_wait3A_119 = tpu.memref_slice %arg8[%dma_wait3A_112, %dma_wait3A_118] : memref<2x40xi32, #tpu.memory_space<vmem>> -> memref<1x40xi32, #tpu.memory_space<vmem>>
    %dma_wait3A_120 = tpu.memref_squeeze %dma_wait3A_119 : memref<1x40xi32, #tpu.memory_space<vmem>> -> memref<40xi32, #tpu.memory_space<vmem>>
    %dma_wait3A_121 = arith.constant 0 : i32
    %dma_wait3A_122 = arith.constant 0 : i32
    %dma_wait3A_123 = tpu.memref_slice %arg2[%dma_wait3A_121, %dma_wait3A_122] : memref<10000x128xf32, #tpu.memory_space<hbm>> -> memref<10000x128xf32, #tpu.memory_space<hbm>>
    tpu.wait_indirect_dma semaphore(%arg16 : memref<!tpu.dma_semaphore, #tpu.memory_space<semaphore_mem>>) src(%dma_wait3A_123 : memref<10000x128xf32, #tpu.memory_space<hbm>>) dst(%dma_wait3A_117 : memref<40x128xf32, #tpu.memory_space<vmem>>)
    %dma_wait3A_124 = arith.constant 0 : i32
    %dma_wait3A_125 = arith.constant 0 : i32
    %dma_wait3A_126 = arith.constant 0 : i32
    %dma_wait3A_127 = tpu.memref_slice %arg12[%dma_wait3A_124, %dma_wait3A_125, %dma_wait3A_126] : memref<2x40x64xf32, #tpu.memory_space<vmem>> -> memref<1x40x64xf32, #tpu.memory_space<vmem>>
    %dma_wait3A_128 = tpu.memref_squeeze %dma_wait3A_127 : memref<1x40x64xf32, #tpu.memory_space<vmem>> -> memref<40x64xf32, #tpu.memory_space<vmem>>
    %dma_wait3A_129 = arith.constant 0 : i32
    %dma_wait3A_130 = tpu.memref_slice %arg3[%add3A_100, %dma_wait3A_129] : memref<320000x64xf32, #tpu.memory_space<hbm>> -> memref<40x64xf32, #tpu.memory_space<hbm>>
    %dma_wait3A_131 = arith.constant 0 : i32
    %dma_wait3A_132 = arith.constant 0 : i32
    %dma_wait3A_133 = tpu.memref_slice %arg12[%dma_wait3A_124, %dma_wait3A_131, %dma_wait3A_132] : memref<2x40x64xf32, #tpu.memory_space<vmem>> -> memref<1x40x64xf32, #tpu.memory_space<vmem>>
    %dma_wait3A_134 = tpu.memref_squeeze %dma_wait3A_133 : memref<1x40x64xf32, #tpu.memory_space<vmem>> -> memref<40x64xf32, #tpu.memory_space<vmem>>
    %dma_wait3A_135 = arith.constant 0 : i32
    %dma_wait3A_136 = tpu.memref_slice %arg3[%add3A_100, %dma_wait3A_135] : memref<320000x64xf32, #tpu.memory_space<hbm>> -> memref<40x64xf32, #tpu.memory_space<hbm>>
    tpu.wait_dma2 semaphore(%arg17 : memref<!tpu.dma_semaphore, #tpu.memory_space<semaphore_mem>>) src(%dma_wait3A_136 : memref<40x64xf32, #tpu.memory_space<hbm>>) dst(%dma_wait3A_134 : memref<40x64xf32, #tpu.memory_space<vmem>>)
    %add3A_137 = arith.constant 9960 : i32
    %add3A_138 = arith.addi %mul3A_2, %add3A_137 : i32
    %dma_wait3A_139 = arith.constant 1 : i32
    %dma_wait3A_140 = arith.constant 1 : i32
    %dma_wait3A_141 = arith.constant 0 : i32
    %dma_wait3A_142 = arith.constant 0 : i32
    %dma_wait3A_143 = tpu.memref_slice %arg10[%dma_wait3A_140, %dma_wait3A_141, %dma_wait3A_142] : memref<2x40x128xf32, #tpu.memory_space<vmem>> -> memref<1x40x128xf32, #tpu.memory_space<vmem>>
    %dma_wait3A_144 = tpu.memref_squeeze %dma_wait3A_143 : memref<1x40x128xf32, #tpu.memory_space<vmem>> -> memref<40x128xf32, #tpu.memory_space<vmem>>
    %dma_wait3A_145 = arith.constant 0 : i32
    %dma_wait3A_146 = tpu.memref_slice %arg9[%dma_wait3A_139, %dma_wait3A_145] : memref<2x40xi32, #tpu.memory_space<vmem>> -> memref<1x40xi32, #tpu.memory_space<vmem>>
    %dma_wait3A_147 = tpu.memref_squeeze %dma_wait3A_146 : memref<1x40xi32, #tpu.memory_space<vmem>> -> memref<40xi32, #tpu.memory_space<vmem>>
    %dma_wait3A_148 = arith.constant 0 : i32
    %dma_wait3A_149 = arith.constant 0 : i32
    %dma_wait3A_150 = tpu.memref_slice %arg2[%dma_wait3A_148, %dma_wait3A_149] : memref<10000x128xf32, #tpu.memory_space<hbm>> -> memref<10000x128xf32, #tpu.memory_space<hbm>>
    tpu.wait_indirect_dma semaphore(%arg18 : memref<!tpu.dma_semaphore, #tpu.memory_space<semaphore_mem>>) src(%dma_wait3A_150 : memref<10000x128xf32, #tpu.memory_space<hbm>>) dst(%dma_wait3A_144 : memref<40x128xf32, #tpu.memory_space<vmem>>)
    %dma_wait3A_151 = arith.constant 1 : i32
    %dma_wait3A_152 = arith.constant 1 : i32
    %dma_wait3A_153 = arith.constant 0 : i32
    %dma_wait3A_154 = arith.constant 0 : i32
    %dma_wait3A_155 = tpu.memref_slice %arg11[%dma_wait3A_152, %dma_wait3A_153, %dma_wait3A_154] : memref<2x40x128xf32, #tpu.memory_space<vmem>> -> memref<1x40x128xf32, #tpu.memory_space<vmem>>
    %dma_wait3A_156 = tpu.memref_squeeze %dma_wait3A_155 : memref<1x40x128xf32, #tpu.memory_space<vmem>> -> memref<40x128xf32, #tpu.memory_space<vmem>>
    %dma_wait3A_157 = arith.constant 0 : i32
    %dma_wait3A_158 = tpu.memref_slice %arg8[%dma_wait3A_151, %dma_wait3A_157] : memref<2x40xi32, #tpu.memory_space<vmem>> -> memref<1x40xi32, #tpu.memory_space<vmem>>
    %dma_wait3A_159 = tpu.memref_squeeze %dma_wait3A_158 : memref<1x40xi32, #tpu.memory_space<vmem>> -> memref<40xi32, #tpu.memory_space<vmem>>
    %dma_wait3A_160 = arith.constant 0 : i32
    %dma_wait3A_161 = arith.constant 0 : i32
    %dma_wait3A_162 = tpu.memref_slice %arg2[%dma_wait3A_160, %dma_wait3A_161] : memref<10000x128xf32, #tpu.memory_space<hbm>> -> memref<10000x128xf32, #tpu.memory_space<hbm>>
    tpu.wait_indirect_dma semaphore(%arg19 : memref<!tpu.dma_semaphore, #tpu.memory_space<semaphore_mem>>) src(%dma_wait3A_162 : memref<10000x128xf32, #tpu.memory_space<hbm>>) dst(%dma_wait3A_156 : memref<40x128xf32, #tpu.memory_space<vmem>>)
    %dma_wait3A_163 = arith.constant 1 : i32
    %dma_wait3A_164 = arith.constant 0 : i32
    %dma_wait3A_165 = arith.constant 0 : i32
    %dma_wait3A_166 = tpu.memref_slice %arg12[%dma_wait3A_163, %dma_wait3A_164, %dma_wait3A_165] : memref<2x40x64xf32, #tpu.memory_space<vmem>> -> memref<1x40x64xf32, #tpu.memory_space<vmem>>
    %dma_wait3A_167 = tpu.memref_squeeze %dma_wait3A_166 : memref<1x40x64xf32, #tpu.memory_space<vmem>> -> memref<40x64xf32, #tpu.memory_space<vmem>>
    %dma_wait3A_168 = arith.constant 0 : i32
    %dma_wait3A_169 = tpu.memref_slice %arg3[%add3A_138, %dma_wait3A_168] : memref<320000x64xf32, #tpu.memory_space<hbm>> -> memref<40x64xf32, #tpu.memory_space<hbm>>
    %dma_wait3A_170 = arith.constant 0 : i32
    %dma_wait3A_171 = arith.constant 0 : i32
    %dma_wait3A_172 = tpu.memref_slice %arg12[%dma_wait3A_163, %dma_wait3A_170, %dma_wait3A_171] : memref<2x40x64xf32, #tpu.memory_space<vmem>> -> memref<1x40x64xf32, #tpu.memory_space<vmem>>
    %dma_wait3A_173 = tpu.memref_squeeze %dma_wait3A_172 : memref<1x40x64xf32, #tpu.memory_space<vmem>> -> memref<40x64xf32, #tpu.memory_space<vmem>>
    %dma_wait3A_174 = arith.constant 0 : i32
    %dma_wait3A_175 = tpu.memref_slice %arg3[%add3A_138, %dma_wait3A_174] : memref<320000x64xf32, #tpu.memory_space<hbm>> -> memref<40x64xf32, #tpu.memory_space<hbm>>
    tpu.wait_dma2 semaphore(%arg20 : memref<!tpu.dma_semaphore, #tpu.memory_space<semaphore_mem>>) src(%dma_wait3A_175 : memref<40x64xf32, #tpu.memory_space<hbm>>) dst(%dma_wait3A_173 : memref<40x64xf32, #tpu.memory_space<vmem>>)
    %barrier3A_176 = arith.constant 0 : index
    tpu.barrier barrier_id(%barrier3A_176)
    %mul3A_177 = arith.constant 632 : i32
    %mul3A_178 = arith.muli %arg1, %mul3A_177 : i32
    %mul3A_179 = arith.constant 632 : i32
    %mul3A_180 = arith.muli %arg1, %mul3A_179 : i32
    "tpu.region"() ({
      %run_scoped3A_181 = tpu.sem_alloc : memref<!tpu.dma_semaphore, #tpu.memory_space<semaphore_mem>>
      %dma_start3A_182 = arith.constant 0 : i32
      %dma_start3A_183 = tpu.memref_slice %arg7[%arg0, %mul3A_180, %dma_start3A_182] : memref<2x10112x128xf32, #tpu.memory_space<hbm>> -> memref<1x632x128xf32, #tpu.memory_space<hbm>>
      %dma_start3A_184 = tpu.memref_squeeze %dma_start3A_183 : memref<1x632x128xf32, #tpu.memory_space<hbm>> -> memref<632x128xf32, #tpu.memory_space<hbm>>
      %dma_start3A_185 = arith.constant 0 : i32
      %dma_start3A_186 = tpu.memref_slice %arg14[%mul3A_178, %dma_start3A_185] : memref<10112x128xf32, #tpu.memory_space<vmem_shared>> -> memref<632x128xf32, #tpu.memory_space<vmem_shared>>
      tpu.enqueue_dma source(%dma_start3A_186 : memref<632x128xf32, #tpu.memory_space<vmem_shared>>) target(%dma_start3A_184 : memref<632x128xf32, #tpu.memory_space<hbm>>) target_semaphore(%run_scoped3A_181 : memref<!tpu.dma_semaphore, #tpu.memory_space<semaphore_mem>>)
      %dma_wait3A_187 = arith.constant 0 : i32
      %dma_wait3A_188 = tpu.memref_slice %arg7[%arg0, %mul3A_180, %dma_wait3A_187] : memref<2x10112x128xf32, #tpu.memory_space<hbm>> -> memref<1x632x128xf32, #tpu.memory_space<hbm>>
      %dma_wait3A_189 = tpu.memref_squeeze %dma_wait3A_188 : memref<1x632x128xf32, #tpu.memory_space<hbm>> -> memref<632x128xf32, #tpu.memory_space<hbm>>
      %dma_wait3A_190 = arith.constant 0 : i32
      %dma_wait3A_191 = tpu.memref_slice %arg14[%mul3A_178, %dma_wait3A_190] : memref<10112x128xf32, #tpu.memory_space<vmem_shared>> -> memref<632x128xf32, #tpu.memory_space<vmem_shared>>
      tpu.wait_dma2 semaphore(%run_scoped3A_181 : memref<!tpu.dma_semaphore, #tpu.memory_space<semaphore_mem>>) src(%dma_wait3A_191 : memref<632x128xf32, #tpu.memory_space<vmem_shared>>) dst(%dma_wait3A_189 : memref<632x128xf32, #tpu.memory_space<hbm>>)
      tpu.yield
    }) : () -> ()
    return
  }
}

#map = affine_map<(d0, d1) -> (0, 0)>
#map1 = affine_map<(d0, d1) -> (0)>
#map2 = affine_map<(d0, d1) -> (0, 0, 0)>
module attributes {stable_mosaic.version = 14 : i64} {
  func.func @_edge_sc_body(%arg0: i32, %arg1: i32, %arg2: memref<10000x128xf32, #tpu.memory_space<hbm>>, %arg3: memref<320000x64xf32, #tpu.memory_space<hbm>>, %arg4: memref<320000xi32, #tpu.memory_space<hbm>>, %arg5: memref<320000xi32, #tpu.memory_space<hbm>>, %arg6: memref<10112x128xf32, #tpu.memory_space<hbm>>, %arg7: memref<2x10112x128xf32, #tpu.memory_space<hbm>>, %arg8: memref<2x40xi32, #tpu.memory_space<vmem>>, %arg9: memref<2x40xi32, #tpu.memory_space<vmem>>, %arg10: memref<2x40x128xf32, #tpu.memory_space<vmem>>, %arg11: memref<2x40x128xf32, #tpu.memory_space<vmem>>, %arg12: memref<2x40x64xf32, #tpu.memory_space<vmem>>, %arg13: memref<40x128xf32, #tpu.memory_space<vmem>>, %arg14: memref<10112x128xf32, #tpu.memory_space<vmem_shared>>, %arg15: memref<!tpu.dma_semaphore, #tpu.memory_space<semaphore_mem>>, %arg16: memref<!tpu.dma_semaphore, #tpu.memory_space<semaphore_mem>>, %arg17: memref<!tpu.dma_semaphore, #tpu.memory_space<semaphore_mem>>, %arg18: memref<!tpu.dma_semaphore, #tpu.memory_space<semaphore_mem>>, %arg19: memref<!tpu.dma_semaphore, #tpu.memory_space<semaphore_mem>>, %arg20: memref<!tpu.dma_semaphore, #tpu.memory_space<semaphore_mem>>) attributes {dimension_semantics = [#tpu.dimension_semantics<core_parallel>, #tpu.dimension_semantics<subcore_parallel>], iteration_bounds = array<i64: 2, 16>, scalar_prefetch = 0 : i64, scratch_operands = 13 : i64, tpu.core_type = #tpu.core_type<sc_vector_subcore>, window_params = [{transform_indices = #map}, {transform_indices = #map}, {transform_indices = #map1}, {transform_indices = #map1}, {transform_indices = #map}, {transform_indices = #map2}]} {
    %mul3A = arith.constant 2 : i32
    %mul3A_0 = arith.muli %arg1, %mul3A : i32
    %add3A = arith.addi %mul3A_0, %arg0 : i32
    %mul3A_1 = arith.constant 10000 : i32
    %mul3A_2 = arith.muli %add3A, %mul3A_1 : i32
    %mul3A_3 = arith.constant 632 : i32
    %mul3A_4 = arith.muli %arg1, %mul3A_3 : i32
    %mul3A_5 = arith.constant 632 : i32
    %mul3A_6 = arith.muli %arg1, %mul3A_5 : i32
    "tpu.region"() ({
      %run_scoped3A_181 = tpu.sem_alloc : memref<!tpu.dma_semaphore, #tpu.memory_space<semaphore_mem>>
      %dma_start3A_182 = arith.constant 0 : i32
      %dma_start3A_183 = tpu.memref_slice %arg14[%mul3A_6, %dma_start3A_182] : memref<10112x128xf32, #tpu.memory_space<vmem_shared>> -> memref<632x128xf32, #tpu.memory_space<vmem_shared>>
      %dma_start3A_184 = arith.constant 0 : i32
      %dma_start3A_185 = tpu.memref_slice %arg6[%mul3A_4, %dma_start3A_184] : memref<10112x128xf32, #tpu.memory_space<hbm>> -> memref<632x128xf32, #tpu.memory_space<hbm>>
      tpu.enqueue_dma source(%dma_start3A_185 : memref<632x128xf32, #tpu.memory_space<hbm>>) target(%dma_start3A_183 : memref<632x128xf32, #tpu.memory_space<vmem_shared>>) target_semaphore(%run_scoped3A_181 : memref<!tpu.dma_semaphore, #tpu.memory_space<semaphore_mem>>)
      %dma_wait3A_186 = arith.constant 0 : i32
      %dma_wait3A_187 = tpu.memref_slice %arg14[%mul3A_6, %dma_wait3A_186] : memref<10112x128xf32, #tpu.memory_space<vmem_shared>> -> memref<632x128xf32, #tpu.memory_space<vmem_shared>>
      %dma_wait3A_188 = arith.constant 0 : i32
      %dma_wait3A_189 = tpu.memref_slice %arg6[%mul3A_4, %dma_wait3A_188] : memref<10112x128xf32, #tpu.memory_space<hbm>> -> memref<632x128xf32, #tpu.memory_space<hbm>>
      tpu.wait_dma2 semaphore(%run_scoped3A_181 : memref<!tpu.dma_semaphore, #tpu.memory_space<semaphore_mem>>) src(%dma_wait3A_189 : memref<632x128xf32, #tpu.memory_space<hbm>>) dst(%dma_wait3A_187 : memref<632x128xf32, #tpu.memory_space<vmem_shared>>)
      tpu.yield
    }) : () -> ()
    %scan3A = arith.constant 0 : i32
    %scan3A_7 = arith.constant 0 : i32
    %scan3A_8 = arith.constant 40 : i32
    %scan3A_9 = arith.addi %scan3A_7, %scan3A_8 : i32
    %scan3A_10 = arith.constant 1 : i32
    scf.for %scan3A_181 = %scan3A_7 to %scan3A_9 step %scan3A_10  : i32 {
      %broadcast_in_dim3A = arith.constant 1.000000e+00 : f32
      %broadcast_in_dim3A_182 = vector.broadcast %broadcast_in_dim3A : f32 to vector<16xf32>
      %swap3A = arith.index_cast %scan3A_181 : i32 to index
      %swap3A_183 = arith.constant 64 : index
      %swap3A_184 = tpu.vector_load %arg13[%swap3A, %swap3A_183] {strides = array<i32>} : memref<40x128xf32, #tpu.memory_space<vmem>>, vector<1x16xf32>,
      %swap3A_185 = vector.shape_cast %swap3A_184 : vector<1x16xf32> to vector<16xf32>
      %swap3A_186 = vector.shape_cast %broadcast_in_dim3A_182 : vector<16xf32> to vector<1x16xf32>
      tpu.vector_store %arg13[%swap3A, %swap3A_183], %swap3A_186 {strides = array<i32>} : memref<40x128xf32, #tpu.memory_space<vmem>>, vector<1x16xf32>,
      %broadcast_in_dim3A_187 = arith.constant 0.000000e+00 : f32
      %broadcast_in_dim3A_188 = vector.broadcast %broadcast_in_dim3A_187 : f32 to vector<16xf32>
      %swap3A_189 = arith.index_cast %scan3A_181 : i32 to index
      %swap3A_190 = arith.constant 80 : index
      %swap3A_191 = tpu.vector_load %arg13[%swap3A_189, %swap3A_190] {strides = array<i32>} : memref<40x128xf32, #tpu.memory_space<vmem>>, vector<1x16xf32>,
      %swap3A_192 = vector.shape_cast %swap3A_191 : vector<1x16xf32> to vector<16xf32>
      %swap3A_193 = vector.shape_cast %broadcast_in_dim3A_188 : vector<16xf32> to vector<1x16xf32>
      tpu.vector_store %arg13[%swap3A_189, %swap3A_190], %swap3A_193 {strides = array<i32>} : memref<40x128xf32, #tpu.memory_space<vmem>>, vector<1x16xf32>,
      %broadcast_in_dim3A_194 = arith.constant 0.000000e+00 : f32
      %broadcast_in_dim3A_195 = vector.broadcast %broadcast_in_dim3A_194 : f32 to vector<16xf32>
      %swap3A_196 = arith.index_cast %scan3A_181 : i32 to index
      %swap3A_197 = arith.constant 96 : index
      %swap3A_198 = tpu.vector_load %arg13[%swap3A_196, %swap3A_197] {strides = array<i32>} : memref<40x128xf32, #tpu.memory_space<vmem>>, vector<1x16xf32>,
      %swap3A_199 = vector.shape_cast %swap3A_198 : vector<1x16xf32> to vector<16xf32>
      %swap3A_200 = vector.shape_cast %broadcast_in_dim3A_195 : vector<16xf32> to vector<1x16xf32>
      tpu.vector_store %arg13[%swap3A_196, %swap3A_197], %swap3A_200 {strides = array<i32>} : memref<40x128xf32, #tpu.memory_space<vmem>>, vector<1x16xf32>,
      %broadcast_in_dim3A_201 = arith.constant 0.000000e+00 : f32
      %broadcast_in_dim3A_202 = vector.broadcast %broadcast_in_dim3A_201 : f32 to vector<16xf32>
      %swap3A_203 = arith.index_cast %scan3A_181 : i32 to index
      %swap3A_204 = arith.constant 112 : index
      %swap3A_205 = tpu.vector_load %arg13[%swap3A_203, %swap3A_204] {strides = array<i32>} : memref<40x128xf32, #tpu.memory_space<vmem>>, vector<1x16xf32>,
      %swap3A_206 = vector.shape_cast %swap3A_205 : vector<1x16xf32> to vector<16xf32>
      %swap3A_207 = vector.shape_cast %broadcast_in_dim3A_202 : vector<16xf32> to vector<1x16xf32>
      tpu.vector_store %arg13[%swap3A_203, %swap3A_204], %swap3A_207 {strides = array<i32>} : memref<40x128xf32, #tpu.memory_space<vmem>>, vector<1x16xf32>,
    }
    %scan3A_11 = arith.constant 40 : i32
    %barrier3A = arith.constant 0 : index
    tpu.barrier barrier_id(%barrier3A)
    %min3A = arith.constant 319960 : i32
    %min3A_12 = arith.minsi %mul3A_2, %min3A : i32
    %run_scoped3A = arith.constant 0 : i32
    "tpu.region"() ({
      %run_scoped3A_181 = tpu.sem_alloc : memref<!tpu.dma_semaphore, #tpu.memory_space<semaphore_mem>>
      %dma_start3A_182 = arith.constant 0 : i32
      %dma_start3A_183 = tpu.memref_slice %arg8[%run_scoped3A, %dma_start3A_182] : memref<2x40xi32, #tpu.memory_space<vmem>> -> memref<1x40xi32, #tpu.memory_space<vmem>>
      %dma_start3A_184 = tpu.memref_squeeze %dma_start3A_183 : memref<1x40xi32, #tpu.memory_space<vmem>> -> memref<40xi32, #tpu.memory_space<vmem>>
      %dma_start3A_185 = tpu.memref_slice %arg4[%min3A_12] : memref<320000xi32, #tpu.memory_space<hbm>> -> memref<40xi32, #tpu.memory_space<hbm>>
      %dma_start3A_186 = arith.constant 0 : i32
      %dma_start3A_187 = tpu.memref_slice %arg8[%run_scoped3A, %dma_start3A_186] : memref<2x40xi32, #tpu.memory_space<vmem>> -> memref<1x40xi32, #tpu.memory_space<vmem>>
      %dma_start3A_188 = tpu.memref_squeeze %dma_start3A_187 : memref<1x40xi32, #tpu.memory_space<vmem>> -> memref<40xi32, #tpu.memory_space<vmem>>
      %dma_start3A_189 = tpu.memref_slice %arg4[%min3A_12] : memref<320000xi32, #tpu.memory_space<hbm>> -> memref<40xi32, #tpu.memory_space<hbm>>
      tpu.enqueue_dma source(%dma_start3A_189 : memref<40xi32, #tpu.memory_space<hbm>>) target(%dma_start3A_188 : memref<40xi32, #tpu.memory_space<vmem>>) target_semaphore(%run_scoped3A_181 : memref<!tpu.dma_semaphore, #tpu.memory_space<semaphore_mem>>)
      %dma_wait3A_190 = arith.constant 0 : i32
      %dma_wait3A_191 = tpu.memref_slice %arg8[%run_scoped3A, %dma_wait3A_190] : memref<2x40xi32, #tpu.memory_space<vmem>> -> memref<1x40xi32, #tpu.memory_space<vmem>>
      %dma_wait3A_192 = tpu.memref_squeeze %dma_wait3A_191 : memref<1x40xi32, #tpu.memory_space<vmem>> -> memref<40xi32, #tpu.memory_space<vmem>>
      %dma_wait3A_193 = tpu.memref_slice %arg4[%min3A_12] : memref<320000xi32, #tpu.memory_space<hbm>> -> memref<40xi32, #tpu.memory_space<hbm>>
      %dma_wait3A_194 = arith.constant 0 : i32
      %dma_wait3A_195 = tpu.memref_slice %arg8[%run_scoped3A, %dma_wait3A_194] : memref<2x40xi32, #tpu.memory_space<vmem>> -> memref<1x40xi32, #tpu.memory_space<vmem>>
      %dma_wait3A_196 = tpu.memref_squeeze %dma_wait3A_195 : memref<1x40xi32, #tpu.memory_space<vmem>> -> memref<40xi32, #tpu.memory_space<vmem>>
      %dma_wait3A_197 = tpu.memref_slice %arg4[%min3A_12] : memref<320000xi32, #tpu.memory_space<hbm>> -> memref<40xi32, #tpu.memory_space<hbm>>
      tpu.wait_dma2 semaphore(%run_scoped3A_181 : memref<!tpu.dma_semaphore, #tpu.memory_space<semaphore_mem>>) src(%dma_wait3A_197 : memref<40xi32, #tpu.memory_space<hbm>>) dst(%dma_wait3A_196 : memref<40xi32, #tpu.memory_space<vmem>>)
      tpu.yield
    }) : () -> ()
    %run_scoped3A_13 = arith.constant 0 : i32
    "tpu.region"() ({
      %run_scoped3A_181 = tpu.sem_alloc : memref<!tpu.dma_semaphore, #tpu.memory_space<semaphore_mem>>
      %dma_start3A_182 = arith.constant 0 : i32
      %dma_start3A_183 = tpu.memref_slice %arg9[%run_scoped3A_13, %dma_start3A_182] : memref<2x40xi32, #tpu.memory_space<vmem>> -> memref<1x40xi32, #tpu.memory_space<vmem>>
      %dma_start3A_184 = tpu.memref_squeeze %dma_start3A_183 : memref<1x40xi32, #tpu.memory_space<vmem>> -> memref<40xi32, #tpu.memory_space<vmem>>
      %dma_start3A_185 = tpu.memref_slice %arg5[%min3A_12] : memref<320000xi32, #tpu.memory_space<hbm>> -> memref<40xi32, #tpu.memory_space<hbm>>
      %dma_start3A_186 = arith.constant 0 : i32
      %dma_start3A_187 = tpu.memref_slice %arg9[%run_scoped3A_13, %dma_start3A_186] : memref<2x40xi32, #tpu.memory_space<vmem>> -> memref<1x40xi32, #tpu.memory_space<vmem>>
      %dma_start3A_188 = tpu.memref_squeeze %dma_start3A_187 : memref<1x40xi32, #tpu.memory_space<vmem>> -> memref<40xi32, #tpu.memory_space<vmem>>
      %dma_start3A_189 = tpu.memref_slice %arg5[%min3A_12] : memref<320000xi32, #tpu.memory_space<hbm>> -> memref<40xi32, #tpu.memory_space<hbm>>
      tpu.enqueue_dma source(%dma_start3A_189 : memref<40xi32, #tpu.memory_space<hbm>>) target(%dma_start3A_188 : memref<40xi32, #tpu.memory_space<vmem>>) target_semaphore(%run_scoped3A_181 : memref<!tpu.dma_semaphore, #tpu.memory_space<semaphore_mem>>)
      %dma_wait3A_190 = arith.constant 0 : i32
      %dma_wait3A_191 = tpu.memref_slice %arg9[%run_scoped3A_13, %dma_wait3A_190] : memref<2x40xi32, #tpu.memory_space<vmem>> -> memref<1x40xi32, #tpu.memory_space<vmem>>
      %dma_wait3A_192 = tpu.memref_squeeze %dma_wait3A_191 : memref<1x40xi32, #tpu.memory_space<vmem>> -> memref<40xi32, #tpu.memory_space<vmem>>
      %dma_wait3A_193 = tpu.memref_slice %arg5[%min3A_12] : memref<320000xi32, #tpu.memory_space<hbm>> -> memref<40xi32, #tpu.memory_space<hbm>>
      %dma_wait3A_194 = arith.constant 0 : i32
      %dma_wait3A_195 = tpu.memref_slice %arg9[%run_scoped3A_13, %dma_wait3A_194] : memref<2x40xi32, #tpu.memory_space<vmem>> -> memref<1x40xi32, #tpu.memory_space<vmem>>
      %dma_wait3A_196 = tpu.memref_squeeze %dma_wait3A_195 : memref<1x40xi32, #tpu.memory_space<vmem>> -> memref<40xi32, #tpu.memory_space<vmem>>
      %dma_wait3A_197 = tpu.memref_slice %arg5[%min3A_12] : memref<320000xi32, #tpu.memory_space<hbm>> -> memref<40xi32, #tpu.memory_space<hbm>>
      tpu.wait_dma2 semaphore(%run_scoped3A_181 : memref<!tpu.dma_semaphore, #tpu.memory_space<semaphore_mem>>) src(%dma_wait3A_197 : memref<40xi32, #tpu.memory_space<hbm>>) dst(%dma_wait3A_196 : memref<40xi32, #tpu.memory_space<vmem>>)
      tpu.yield
    }) : () -> ()
    %dma_start3A = arith.constant 0 : i32
    %dma_start3A_14 = arith.constant 0 : i32
    %dma_start3A_15 = arith.constant 0 : i32
    %dma_start3A_16 = arith.constant 0 : i32
    %dma_start3A_17 = tpu.memref_slice %arg10[%dma_start3A_14, %dma_start3A_15, %dma_start3A_16] : memref<2x40x128xf32, #tpu.memory_space<vmem>> -> memref<1x40x128xf32, #tpu.memory_space<vmem>>
    %dma_start3A_18 = tpu.memref_squeeze %dma_start3A_17 : memref<1x40x128xf32, #tpu.memory_space<vmem>> -> memref<40x128xf32, #tpu.memory_space<vmem>>
    %dma_start3A_19 = arith.constant 0 : i32
    %dma_start3A_20 = tpu.memref_slice %arg9[%dma_start3A, %dma_start3A_19] : memref<2x40xi32, #tpu.memory_space<vmem>> -> memref<1x40xi32, #tpu.memory_space<vmem>>
    %dma_start3A_21 = tpu.memref_squeeze %dma_start3A_20 : memref<1x40xi32, #tpu.memory_space<vmem>> -> memref<40xi32, #tpu.memory_space<vmem>>
    %dma_start3A_22 = arith.constant 0 : i32
    %dma_start3A_23 = arith.constant 0 : i32
    %dma_start3A_24 = tpu.memref_slice %arg2[%dma_start3A_22, %dma_start3A_23] : memref<10000x128xf32, #tpu.memory_space<hbm>> -> memref<10000x128xf32, #tpu.memory_space<hbm>>
    tpu.enqueue_indirect_dma source(%dma_start3A_24 : memref<10000x128xf32, #tpu.memory_space<hbm>>) target(%dma_start3A_18 : memref<40x128xf32, #tpu.memory_space<vmem>>) offsets(%dma_start3A_21 : memref<40xi32, #tpu.memory_space<vmem>>) semaphore(%arg15 : memref<!tpu.dma_semaphore, #tpu.memory_space<semaphore_mem>>)
    %dma_start3A_25 = arith.constant 0 : i32
    %dma_start3A_26 = arith.constant 0 : i32
    %dma_start3A_27 = arith.constant 0 : i32
    %dma_start3A_28 = arith.constant 0 : i32
    %dma_start3A_29 = tpu.memref_slice %arg11[%dma_start3A_26, %dma_start3A_27, %dma_start3A_28] : memref<2x40x128xf32, #tpu.memory_space<vmem>> -> memref<1x40x128xf32, #tpu.memory_space<vmem>>
    %dma_start3A_30 = tpu.memref_squeeze %dma_start3A_29 : memref<1x40x128xf32, #tpu.memory_space<vmem>> -> memref<40x128xf32, #tpu.memory_space<vmem>>
    %dma_start3A_31 = arith.constant 0 : i32
    %dma_start3A_32 = tpu.memref_slice %arg8[%dma_start3A_25, %dma_start3A_31] : memref<2x40xi32, #tpu.memory_space<vmem>> -> memref<1x40xi32, #tpu.memory_space<vmem>>
    %dma_start3A_33 = tpu.memref_squeeze %dma_start3A_32 : memref<1x40xi32, #tpu.memory_space<vmem>> -> memref<40xi32, #tpu.memory_space<vmem>>
    %dma_start3A_34 = arith.constant 0 : i32
    %dma_start3A_35 = arith.constant 0 : i32
    %dma_start3A_36 = tpu.memref_slice %arg2[%dma_start3A_34, %dma_start3A_35] : memref<10000x128xf32, #tpu.memory_space<hbm>> -> memref<10000x128xf32, #tpu.memory_space<hbm>>
    tpu.enqueue_indirect_dma source(%dma_start3A_36 : memref<10000x128xf32, #tpu.memory_space<hbm>>) target(%dma_start3A_30 : memref<40x128xf32, #tpu.memory_space<vmem>>) offsets(%dma_start3A_33 : memref<40xi32, #tpu.memory_space<vmem>>) semaphore(%arg16 : memref<!tpu.dma_semaphore, #tpu.memory_space<semaphore_mem>>)
    %dma_start3A_37 = arith.constant 0 : i32
    %dma_start3A_38 = arith.constant 0 : i32
    %dma_start3A_39 = arith.constant 0 : i32
    %dma_start3A_40 = tpu.memref_slice %arg12[%dma_start3A_37, %dma_start3A_38, %dma_start3A_39] : memref<2x40x64xf32, #tpu.memory_space<vmem>> -> memref<1x40x64xf32, #tpu.memory_space<vmem>>
    %dma_start3A_41 = tpu.memref_squeeze %dma_start3A_40 : memref<1x40x64xf32, #tpu.memory_space<vmem>> -> memref<40x64xf32, #tpu.memory_space<vmem>>
    %dma_start3A_42 = arith.constant 0 : i32
    %dma_start3A_43 = tpu.memref_slice %arg3[%min3A_12, %dma_start3A_42] : memref<320000x64xf32, #tpu.memory_space<hbm>> -> memref<40x64xf32, #tpu.memory_space<hbm>>
    %dma_start3A_44 = arith.constant 0 : i32
    %dma_start3A_45 = arith.constant 0 : i32
    %dma_start3A_46 = tpu.memref_slice %arg12[%dma_start3A_37, %dma_start3A_44, %dma_start3A_45] : memref<2x40x64xf32, #tpu.memory_space<vmem>> -> memref<1x40x64xf32, #tpu.memory_space<vmem>>
    %dma_start3A_47 = tpu.memref_squeeze %dma_start3A_46 : memref<1x40x64xf32, #tpu.memory_space<vmem>> -> memref<40x64xf32, #tpu.memory_space<vmem>>
    %dma_start3A_48 = arith.constant 0 : i32
    %dma_start3A_49 = tpu.memref_slice %arg3[%min3A_12, %dma_start3A_48] : memref<320000x64xf32, #tpu.memory_space<hbm>> -> memref<40x64xf32, #tpu.memory_space<hbm>>
    tpu.enqueue_dma source(%dma_start3A_49 : memref<40x64xf32, #tpu.memory_space<hbm>>) target(%dma_start3A_47 : memref<40x64xf32, #tpu.memory_space<vmem>>) target_semaphore(%arg17 : memref<!tpu.dma_semaphore, #tpu.memory_space<semaphore_mem>>)
    %add3A_50 = arith.constant 40 : i32
    %add3A_51 = arith.addi %mul3A_2, %add3A_50 : i32
    %min3A_52 = arith.constant 319960 : i32
    %min3A_53 = arith.minsi %add3A_51, %min3A_52 : i32
    %run_scoped3A_54 = arith.constant 1 : i32
    "tpu.region"() ({
      %run_scoped3A_181 = tpu.sem_alloc : memref<!tpu.dma_semaphore, #tpu.memory_space<semaphore_mem>>
      %dma_start3A_182 = arith.constant 0 : i32
      %dma_start3A_183 = tpu.memref_slice %arg8[%run_scoped3A_54, %dma_start3A_182] : memref<2x40xi32, #tpu.memory_space<vmem>> -> memref<1x40xi32, #tpu.memory_space<vmem>>
      %dma_start3A_184 = tpu.memref_squeeze %dma_start3A_183 : memref<1x40xi32, #tpu.memory_space<vmem>> -> memref<40xi32, #tpu.memory_space<vmem>>
      %dma_start3A_185 = tpu.memref_slice %arg4[%min3A_53] : memref<320000xi32, #tpu.memory_space<hbm>> -> memref<40xi32, #tpu.memory_space<hbm>>
      %dma_start3A_186 = arith.constant 0 : i32
      %dma_start3A_187 = tpu.memref_slice %arg8[%run_scoped3A_54, %dma_start3A_186] : memref<2x40xi32, #tpu.memory_space<vmem>> -> memref<1x40xi32, #tpu.memory_space<vmem>>
      %dma_start3A_188 = tpu.memref_squeeze %dma_start3A_187 : memref<1x40xi32, #tpu.memory_space<vmem>> -> memref<40xi32, #tpu.memory_space<vmem>>
      %dma_start3A_189 = tpu.memref_slice %arg4[%min3A_53] : memref<320000xi32, #tpu.memory_space<hbm>> -> memref<40xi32, #tpu.memory_space<hbm>>
      tpu.enqueue_dma source(%dma_start3A_189 : memref<40xi32, #tpu.memory_space<hbm>>) target(%dma_start3A_188 : memref<40xi32, #tpu.memory_space<vmem>>) target_semaphore(%run_scoped3A_181 : memref<!tpu.dma_semaphore, #tpu.memory_space<semaphore_mem>>)
      %dma_wait3A_190 = arith.constant 0 : i32
      %dma_wait3A_191 = tpu.memref_slice %arg8[%run_scoped3A_54, %dma_wait3A_190] : memref<2x40xi32, #tpu.memory_space<vmem>> -> memref<1x40xi32, #tpu.memory_space<vmem>>
      %dma_wait3A_192 = tpu.memref_squeeze %dma_wait3A_191 : memref<1x40xi32, #tpu.memory_space<vmem>> -> memref<40xi32, #tpu.memory_space<vmem>>
      %dma_wait3A_193 = tpu.memref_slice %arg4[%min3A_53] : memref<320000xi32, #tpu.memory_space<hbm>> -> memref<40xi32, #tpu.memory_space<hbm>>
      %dma_wait3A_194 = arith.constant 0 : i32
      %dma_wait3A_195 = tpu.memref_slice %arg8[%run_scoped3A_54, %dma_wait3A_194] : memref<2x40xi32, #tpu.memory_space<vmem>> -> memref<1x40xi32, #tpu.memory_space<vmem>>
      %dma_wait3A_196 = tpu.memref_squeeze %dma_wait3A_195 : memref<1x40xi32, #tpu.memory_space<vmem>> -> memref<40xi32, #tpu.memory_space<vmem>>
      %dma_wait3A_197 = tpu.memref_slice %arg4[%min3A_53] : memref<320000xi32, #tpu.memory_space<hbm>> -> memref<40xi32, #tpu.memory_space<hbm>>
      tpu.wait_dma2 semaphore(%run_scoped3A_181 : memref<!tpu.dma_semaphore, #tpu.memory_space<semaphore_mem>>) src(%dma_wait3A_197 : memref<40xi32, #tpu.memory_space<hbm>>) dst(%dma_wait3A_196 : memref<40xi32, #tpu.memory_space<vmem>>)
      tpu.yield
    }) : () -> ()
    %run_scoped3A_55 = arith.constant 1 : i32
    "tpu.region"() ({
      %run_scoped3A_181 = tpu.sem_alloc : memref<!tpu.dma_semaphore, #tpu.memory_space<semaphore_mem>>
      %dma_start3A_182 = arith.constant 0 : i32
      %dma_start3A_183 = tpu.memref_slice %arg9[%run_scoped3A_55, %dma_start3A_182] : memref<2x40xi32, #tpu.memory_space<vmem>> -> memref<1x40xi32, #tpu.memory_space<vmem>>
      %dma_start3A_184 = tpu.memref_squeeze %dma_start3A_183 : memref<1x40xi32, #tpu.memory_space<vmem>> -> memref<40xi32, #tpu.memory_space<vmem>>
      %dma_start3A_185 = tpu.memref_slice %arg5[%min3A_53] : memref<320000xi32, #tpu.memory_space<hbm>> -> memref<40xi32, #tpu.memory_space<hbm>>
      %dma_start3A_186 = arith.constant 0 : i32
      %dma_start3A_187 = tpu.memref_slice %arg9[%run_scoped3A_55, %dma_start3A_186] : memref<2x40xi32, #tpu.memory_space<vmem>> -> memref<1x40xi32, #tpu.memory_space<vmem>>
      %dma_start3A_188 = tpu.memref_squeeze %dma_start3A_187 : memref<1x40xi32, #tpu.memory_space<vmem>> -> memref<40xi32, #tpu.memory_space<vmem>>
      %dma_start3A_189 = tpu.memref_slice %arg5[%min3A_53] : memref<320000xi32, #tpu.memory_space<hbm>> -> memref<40xi32, #tpu.memory_space<hbm>>
      tpu.enqueue_dma source(%dma_start3A_189 : memref<40xi32, #tpu.memory_space<hbm>>) target(%dma_start3A_188 : memref<40xi32, #tpu.memory_space<vmem>>) target_semaphore(%run_scoped3A_181 : memref<!tpu.dma_semaphore, #tpu.memory_space<semaphore_mem>>)
      %dma_wait3A_190 = arith.constant 0 : i32
      %dma_wait3A_191 = tpu.memref_slice %arg9[%run_scoped3A_55, %dma_wait3A_190] : memref<2x40xi32, #tpu.memory_space<vmem>> -> memref<1x40xi32, #tpu.memory_space<vmem>>
      %dma_wait3A_192 = tpu.memref_squeeze %dma_wait3A_191 : memref<1x40xi32, #tpu.memory_space<vmem>> -> memref<40xi32, #tpu.memory_space<vmem>>
      %dma_wait3A_193 = tpu.memref_slice %arg5[%min3A_53] : memref<320000xi32, #tpu.memory_space<hbm>> -> memref<40xi32, #tpu.memory_space<hbm>>
      %dma_wait3A_194 = arith.constant 0 : i32
      %dma_wait3A_195 = tpu.memref_slice %arg9[%run_scoped3A_55, %dma_wait3A_194] : memref<2x40xi32, #tpu.memory_space<vmem>> -> memref<1x40xi32, #tpu.memory_space<vmem>>
      %dma_wait3A_196 = tpu.memref_squeeze %dma_wait3A_195 : memref<1x40xi32, #tpu.memory_space<vmem>> -> memref<40xi32, #tpu.memory_space<vmem>>
      %dma_wait3A_197 = tpu.memref_slice %arg5[%min3A_53] : memref<320000xi32, #tpu.memory_space<hbm>> -> memref<40xi32, #tpu.memory_space<hbm>>
      tpu.wait_dma2 semaphore(%run_scoped3A_181 : memref<!tpu.dma_semaphore, #tpu.memory_space<semaphore_mem>>) src(%dma_wait3A_197 : memref<40xi32, #tpu.memory_space<hbm>>) dst(%dma_wait3A_196 : memref<40xi32, #tpu.memory_space<vmem>>)
      tpu.yield
    }) : () -> ()
    %dma_start3A_56 = arith.constant 1 : i32
    %dma_start3A_57 = arith.constant 1 : i32
    %dma_start3A_58 = arith.constant 0 : i32
    %dma_start3A_59 = arith.constant 0 : i32
    %dma_start3A_60 = tpu.memref_slice %arg10[%dma_start3A_57, %dma_start3A_58, %dma_start3A_59] : memref<2x40x128xf32, #tpu.memory_space<vmem>> -> memref<1x40x128xf32, #tpu.memory_space<vmem>>
    %dma_start3A_61 = tpu.memref_squeeze %dma_start3A_60 : memref<1x40x128xf32, #tpu.memory_space<vmem>> -> memref<40x128xf32, #tpu.memory_space<vmem>>
    %dma_start3A_62 = arith.constant 0 : i32
    %dma_start3A_63 = tpu.memref_slice %arg9[%dma_start3A_56, %dma_start3A_62] : memref<2x40xi32, #tpu.memory_space<vmem>> -> memref<1x40xi32, #tpu.memory_space<vmem>>
    %dma_start3A_64 = tpu.memref_squeeze %dma_start3A_63 : memref<1x40xi32, #tpu.memory_space<vmem>> -> memref<40xi32, #tpu.memory_space<vmem>>
    %dma_start3A_65 = arith.constant 0 : i32
    %dma_start3A_66 = arith.constant 0 : i32
    %dma_start3A_67 = tpu.memref_slice %arg2[%dma_start3A_65, %dma_start3A_66] : memref<10000x128xf32, #tpu.memory_space<hbm>> -> memref<10000x128xf32, #tpu.memory_space<hbm>>
    tpu.enqueue_indirect_dma source(%dma_start3A_67 : memref<10000x128xf32, #tpu.memory_space<hbm>>) target(%dma_start3A_61 : memref<40x128xf32, #tpu.memory_space<vmem>>) offsets(%dma_start3A_64 : memref<40xi32, #tpu.memory_space<vmem>>) semaphore(%arg18 : memref<!tpu.dma_semaphore, #tpu.memory_space<semaphore_mem>>)
    %dma_start3A_68 = arith.constant 1 : i32
    %dma_start3A_69 = arith.constant 1 : i32
    %dma_start3A_70 = arith.constant 0 : i32
    %dma_start3A_71 = arith.constant 0 : i32
    %dma_start3A_72 = tpu.memref_slice %arg11[%dma_start3A_69, %dma_start3A_70, %dma_start3A_71] : memref<2x40x128xf32, #tpu.memory_space<vmem>> -> memref<1x40x128xf32, #tpu.memory_space<vmem>>
    %dma_start3A_73 = tpu.memref_squeeze %dma_start3A_72 : memref<1x40x128xf32, #tpu.memory_space<vmem>> -> memref<40x128xf32, #tpu.memory_space<vmem>>
    %dma_start3A_74 = arith.constant 0 : i32
    %dma_start3A_75 = tpu.memref_slice %arg8[%dma_start3A_68, %dma_start3A_74] : memref<2x40xi32, #tpu.memory_space<vmem>> -> memref<1x40xi32, #tpu.memory_space<vmem>>
    %dma_start3A_76 = tpu.memref_squeeze %dma_start3A_75 : memref<1x40xi32, #tpu.memory_space<vmem>> -> memref<40xi32, #tpu.memory_space<vmem>>
    %dma_start3A_77 = arith.constant 0 : i32
    %dma_start3A_78 = arith.constant 0 : i32
    %dma_start3A_79 = tpu.memref_slice %arg2[%dma_start3A_77, %dma_start3A_78] : memref<10000x128xf32, #tpu.memory_space<hbm>> -> memref<10000x128xf32, #tpu.memory_space<hbm>>
    tpu.enqueue_indirect_dma source(%dma_start3A_79 : memref<10000x128xf32, #tpu.memory_space<hbm>>) target(%dma_start3A_73 : memref<40x128xf32, #tpu.memory_space<vmem>>) offsets(%dma_start3A_76 : memref<40xi32, #tpu.memory_space<vmem>>) semaphore(%arg19 : memref<!tpu.dma_semaphore, #tpu.memory_space<semaphore_mem>>)
    %dma_start3A_80 = arith.constant 1 : i32
    %dma_start3A_81 = arith.constant 0 : i32
    %dma_start3A_82 = arith.constant 0 : i32
    %dma_start3A_83 = tpu.memref_slice %arg12[%dma_start3A_80, %dma_start3A_81, %dma_start3A_82] : memref<2x40x64xf32, #tpu.memory_space<vmem>> -> memref<1x40x64xf32, #tpu.memory_space<vmem>>
    %dma_start3A_84 = tpu.memref_squeeze %dma_start3A_83 : memref<1x40x64xf32, #tpu.memory_space<vmem>> -> memref<40x64xf32, #tpu.memory_space<vmem>>
    %dma_start3A_85 = arith.constant 0 : i32
    %dma_start3A_86 = tpu.memref_slice %arg3[%min3A_53, %dma_start3A_85] : memref<320000x64xf32, #tpu.memory_space<hbm>> -> memref<40x64xf32, #tpu.memory_space<hbm>>
    %dma_start3A_87 = arith.constant 0 : i32
    %dma_start3A_88 = arith.constant 0 : i32
    %dma_start3A_89 = tpu.memref_slice %arg12[%dma_start3A_80, %dma_start3A_87, %dma_start3A_88] : memref<2x40x64xf32, #tpu.memory_space<vmem>> -> memref<1x40x64xf32, #tpu.memory_space<vmem>>
    %dma_start3A_90 = tpu.memref_squeeze %dma_start3A_89 : memref<1x40x64xf32, #tpu.memory_space<vmem>> -> memref<40x64xf32, #tpu.memory_space<vmem>>
    %dma_start3A_91 = arith.constant 0 : i32
    %dma_start3A_92 = tpu.memref_slice %arg3[%min3A_53, %dma_start3A_91] : memref<320000x64xf32, #tpu.memory_space<hbm>> -> memref<40x64xf32, #tpu.memory_space<hbm>>
    tpu.enqueue_dma source(%dma_start3A_92 : memref<40x64xf32, #tpu.memory_space<hbm>>) target(%dma_start3A_90 : memref<40x64xf32, #tpu.memory_space<vmem>>) target_semaphore(%arg20 : memref<!tpu.dma_semaphore, #tpu.memory_space<semaphore_mem>>)
    %scan3A_93 = arith.constant 0 : i32
    %scan3A_94 = arith.constant 0 : i32
    %scan3A_95 = arith.constant 125 : i32
    %scan3A_96 = arith.addi %scan3A_94, %scan3A_95 : i32
    %scan3A_97 = arith.constant 1 : i32
    scf.for %scan3A_181 = %scan3A_94 to %scan3A_96 step %scan3A_97  : i32 {
      %mul3A_182 = arith.constant 2 : i32
      %mul3A_183 = arith.muli %scan3A_181, %mul3A_182 : i32
      %add3A_184 = arith.constant 0 : i32
      %add3A_185 = arith.addi %mul3A_183, %add3A_184 : i32
      %mul3A_186 = arith.constant 40 : i32
      %mul3A_187 = arith.muli %add3A_185, %mul3A_186 : i32
      %add3A_188 = arith.addi %mul3A_2, %mul3A_187 : i32
      %dma_wait3A_189 = arith.constant 0 : i32
      %dma_wait3A_190 = arith.constant 0 : i32
      %dma_wait3A_191 = arith.constant 0 : i32
      %dma_wait3A_192 = arith.constant 0 : i32
      %dma_wait3A_193 = tpu.memref_slice %arg10[%dma_wait3A_190, %dma_wait3A_191, %dma_wait3A_192] : memref<2x40x128xf32, #tpu.memory_space<vmem>> -> memref<1x40x128xf32, #tpu.memory_space<vmem>>
      %dma_wait3A_194 = tpu.memref_squeeze %dma_wait3A_193 : memref<1x40x128xf32, #tpu.memory_space<vmem>> -> memref<40x128xf32, #tpu.memory_space<vmem>>
      %dma_wait3A_195 = arith.constant 0 : i32
      %dma_wait3A_196 = tpu.memref_slice %arg9[%dma_wait3A_189, %dma_wait3A_195] : memref<2x40xi32, #tpu.memory_space<vmem>> -> memref<1x40xi32, #tpu.memory_space<vmem>>
      %dma_wait3A_197 = tpu.memref_squeeze %dma_wait3A_196 : memref<1x40xi32, #tpu.memory_space<vmem>> -> memref<40xi32, #tpu.memory_space<vmem>>
      %dma_wait3A_198 = arith.constant 0 : i32
      %dma_wait3A_199 = arith.constant 0 : i32
      %dma_wait3A_200 = tpu.memref_slice %arg2[%dma_wait3A_198, %dma_wait3A_199] : memref<10000x128xf32, #tpu.memory_space<hbm>> -> memref<10000x128xf32, #tpu.memory_space<hbm>>
      tpu.wait_indirect_dma semaphore(%arg15 : memref<!tpu.dma_semaphore, #tpu.memory_space<semaphore_mem>>) src(%dma_wait3A_200 : memref<10000x128xf32, #tpu.memory_space<hbm>>) dst(%dma_wait3A_194 : memref<40x128xf32, #tpu.memory_space<vmem>>)
      %dma_wait3A_201 = arith.constant 0 : i32
      %dma_wait3A_202 = arith.constant 0 : i32
      %dma_wait3A_203 = arith.constant 0 : i32
      %dma_wait3A_204 = arith.constant 0 : i32
      %dma_wait3A_205 = tpu.memref_slice %arg11[%dma_wait3A_202, %dma_wait3A_203, %dma_wait3A_204] : memref<2x40x128xf32, #tpu.memory_space<vmem>> -> memref<1x40x128xf32, #tpu.memory_space<vmem>>
      %dma_wait3A_206 = tpu.memref_squeeze %dma_wait3A_205 : memref<1x40x128xf32, #tpu.memory_space<vmem>> -> memref<40x128xf32, #tpu.memory_space<vmem>>
      %dma_wait3A_207 = arith.constant 0 : i32
      %dma_wait3A_208 = tpu.memref_slice %arg8[%dma_wait3A_201, %dma_wait3A_207] : memref<2x40xi32, #tpu.memory_space<vmem>> -> memref<1x40xi32, #tpu.memory_space<vmem>>
      %dma_wait3A_209 = tpu.memref_squeeze %dma_wait3A_208 : memref<1x40xi32, #tpu.memory_space<vmem>> -> memref<40xi32, #tpu.memory_space<vmem>>
      %dma_wait3A_210 = arith.constant 0 : i32
      %dma_wait3A_211 = arith.constant 0 : i32
      %dma_wait3A_212 = tpu.memref_slice %arg2[%dma_wait3A_210, %dma_wait3A_211] : memref<10000x128xf32, #tpu.memory_space<hbm>> -> memref<10000x128xf32, #tpu.memory_space<hbm>>
      tpu.wait_indirect_dma semaphore(%arg16 : memref<!tpu.dma_semaphore, #tpu.memory_space<semaphore_mem>>) src(%dma_wait3A_212 : memref<10000x128xf32, #tpu.memory_space<hbm>>) dst(%dma_wait3A_206 : memref<40x128xf32, #tpu.memory_space<vmem>>)
      %dma_wait3A_213 = arith.constant 0 : i32
      %dma_wait3A_214 = arith.constant 0 : i32
      %dma_wait3A_215 = arith.constant 0 : i32
      %dma_wait3A_216 = tpu.memref_slice %arg12[%dma_wait3A_213, %dma_wait3A_214, %dma_wait3A_215] : memref<2x40x64xf32, #tpu.memory_space<vmem>> -> memref<1x40x64xf32, #tpu.memory_space<vmem>>
      %dma_wait3A_217 = tpu.memref_squeeze %dma_wait3A_216 : memref<1x40x64xf32, #tpu.memory_space<vmem>> -> memref<40x64xf32, #tpu.memory_space<vmem>>
      %dma_wait3A_218 = arith.constant 0 : i32
      %dma_wait3A_219 = tpu.memref_slice %arg3[%add3A_188, %dma_wait3A_218] : memref<320000x64xf32, #tpu.memory_space<hbm>> -> memref<40x64xf32, #tpu.memory_space<hbm>>
      %dma_wait3A_220 = arith.constant 0 : i32
      %dma_wait3A_221 = arith.constant 0 : i32
      %dma_wait3A_222 = tpu.memref_slice %arg12[%dma_wait3A_213, %dma_wait3A_220, %dma_wait3A_221] : memref<2x40x64xf32, #tpu.memory_space<vmem>> -> memref<1x40x64xf32, #tpu.memory_space<vmem>>
      %dma_wait3A_223 = tpu.memref_squeeze %dma_wait3A_222 : memref<1x40x64xf32, #tpu.memory_space<vmem>> -> memref<40x64xf32, #tpu.memory_space<vmem>>
      %dma_wait3A_224 = arith.constant 0 : i32
      %dma_wait3A_225 = tpu.memref_slice %arg3[%add3A_188, %dma_wait3A_224] : memref<320000x64xf32, #tpu.memory_space<hbm>> -> memref<40x64xf32, #tpu.memory_space<hbm>>
      tpu.wait_dma2 semaphore(%arg17 : memref<!tpu.dma_semaphore, #tpu.memory_space<semaphore_mem>>) src(%dma_wait3A_225 : memref<40x64xf32, #tpu.memory_space<hbm>>) dst(%dma_wait3A_223 : memref<40x64xf32, #tpu.memory_space<vmem>>)
      %scan3A_226 = arith.constant 0 : i32
      %scan3A_227 = arith.constant 0 : i32
      %scan3A_228 = arith.constant 0 : i32
      %scan3A_229 = arith.constant 0 : i32
      %scan3A_230 = arith.constant 0 : i32
      %scan3A_231 = arith.constant 10 : i32
      %scan3A_232 = arith.addi %scan3A_230, %scan3A_231 : i32
      %scan3A_233 = arith.constant 1 : i32
      scf.for %scan3A_374 = %scan3A_230 to %scan3A_232 step %scan3A_233  : i32 {
        %mul3A_375 = arith.constant 4 : i32
        %mul3A_376 = arith.muli %scan3A_374, %mul3A_375 : i32
        %add3A_377 = arith.constant 0 : i32
        %add3A_378 = arith.addi %mul3A_376, %add3A_377 : i32
        %get3A = arith.constant 0 : i32
        %get3A_379 = arith.constant 0 : i32
        %get3A_380 = tpu.memref_slice %arg10[%scan3A_227, %get3A, %get3A_379] : memref<2x40x128xf32, #tpu.memory_space<vmem>> -> memref<1x40x128xf32, #tpu.memory_space<vmem>>
        %get3A_381 = tpu.memref_squeeze %get3A_380 : memref<1x40x128xf32, #tpu.memory_space<vmem>> -> memref<40x128xf32, #tpu.memory_space<vmem>>
        %get3A_382 = arith.index_cast %add3A_378 : i32 to index
        %get3A_383 = arith.constant 0 : index
        %get3A_384 = tpu.vector_load %get3A_381[%get3A_382, %get3A_383] {strides = array<i32>} : memref<40x128xf32, #tpu.memory_space<vmem>>, vector<1x16xf32>,
        %get3A_385 = vector.shape_cast %get3A_384 : vector<1x16xf32> to vector<16xf32>
        %get3A_386 = arith.constant 0 : i32
        %get3A_387 = arith.constant 0 : i32
        %get3A_388 = tpu.memref_slice %arg11[%scan3A_228, %get3A_386, %get3A_387] : memref<2x40x128xf32, #tpu.memory_space<vmem>> -> memref<1x40x128xf32, #tpu.memory_space<vmem>>
        %get3A_389 = tpu.memref_squeeze %get3A_388 : memref<1x40x128xf32, #tpu.memory_space<vmem>> -> memref<40x128xf32, #tpu.memory_space<vmem>>
        %get3A_390 = arith.index_cast %add3A_378 : i32 to index
        %get3A_391 = arith.constant 64 : index
        %get3A_392 = tpu.vector_load %get3A_389[%get3A_390, %get3A_391] {strides = array<i32>} : memref<40x128xf32, #tpu.memory_space<vmem>>, vector<1x16xf32>,
        %get3A_393 = vector.shape_cast %get3A_392 : vector<1x16xf32> to vector<16xf32>
        %add3A_394 = arith.addf %get3A_385, %get3A_393 : vector<16xf32>
        %get3A_395 = arith.constant 0 : i32
        %get3A_396 = arith.constant 0 : i32
        %get3A_397 = tpu.memref_slice %arg12[%scan3A_229, %get3A_395, %get3A_396] : memref<2x40x64xf32, #tpu.memory_space<vmem>> -> memref<1x40x64xf32, #tpu.memory_space<vmem>>
        %get3A_398 = tpu.memref_squeeze %get3A_397 : memref<1x40x64xf32, #tpu.memory_space<vmem>> -> memref<40x64xf32, #tpu.memory_space<vmem>>
        %get3A_399 = arith.index_cast %add3A_378 : i32 to index
        %get3A_400 = arith.constant 0 : index
        %get3A_401 = tpu.vector_load %get3A_398[%get3A_399, %get3A_400] {strides = array<i32>} : memref<40x64xf32, #tpu.memory_space<vmem>>, vector<1x16xf32>,
        %get3A_402 = vector.shape_cast %get3A_401 : vector<1x16xf32> to vector<16xf32>
        %add3A_403 = arith.addf %add3A_394, %get3A_402 : vector<16xf32>
        %max3A = arith.constant 0.000000e+00 : f32
        %max3A_404 = vector.broadcast %max3A : f32 to vector<16xf32>
        %max3A_405 = arith.maximumf %add3A_403, %max3A_404 : vector<16xf32>
        %swap3A = arith.index_cast %add3A_378 : i32 to index
        %swap3A_406 = arith.constant 0 : index
        %swap3A_407 = tpu.vector_load %arg13[%swap3A, %swap3A_406] {strides = array<i32>} : memref<40x128xf32, #tpu.memory_space<vmem>>, vector<1x16xf32>,
        %swap3A_408 = vector.shape_cast %swap3A_407 : vector<1x16xf32> to vector<16xf32>
        %swap3A_409 = vector.shape_cast %max3A_405 : vector<16xf32> to vector<1x16xf32>
        tpu.vector_store %arg13[%swap3A, %swap3A_406], %swap3A_409 {strides = array<i32>} : memref<40x128xf32, #tpu.memory_space<vmem>>, vector<1x16xf32>,
        %get3A_410 = arith.constant 0 : i32
        %get3A_411 = arith.constant 0 : i32
        %get3A_412 = tpu.memref_slice %arg10[%scan3A_227, %get3A_410, %get3A_411] : memref<2x40x128xf32, #tpu.memory_space<vmem>> -> memref<1x40x128xf32, #tpu.memory_space<vmem>>
        %get3A_413 = tpu.memref_squeeze %get3A_412 : memref<1x40x128xf32, #tpu.memory_space<vmem>> -> memref<40x128xf32, #tpu.memory_space<vmem>>
        %get3A_414 = arith.index_cast %add3A_378 : i32 to index
        %get3A_415 = arith.constant 16 : index
        %get3A_416 = tpu.vector_load %get3A_413[%get3A_414, %get3A_415] {strides = array<i32>} : memref<40x128xf32, #tpu.memory_space<vmem>>, vector<1x16xf32>,
        %get3A_417 = vector.shape_cast %get3A_416 : vector<1x16xf32> to vector<16xf32>
        %get3A_418 = arith.constant 0 : i32
        %get3A_419 = arith.constant 0 : i32
        %get3A_420 = tpu.memref_slice %arg11[%scan3A_228, %get3A_418, %get3A_419] : memref<2x40x128xf32, #tpu.memory_space<vmem>> -> memref<1x40x128xf32, #tpu.memory_space<vmem>>
        %get3A_421 = tpu.memref_squeeze %get3A_420 : memref<1x40x128xf32, #tpu.memory_space<vmem>> -> memref<40x128xf32, #tpu.memory_space<vmem>>
        %get3A_422 = arith.index_cast %add3A_378 : i32 to index
        %get3A_423 = arith.constant 80 : index
        %get3A_424 = tpu.vector_load %get3A_421[%get3A_422, %get3A_423] {strides = array<i32>} : memref<40x128xf32, #tpu.memory_space<vmem>>, vector<1x16xf32>,
        %get3A_425 = vector.shape_cast %get3A_424 : vector<1x16xf32> to vector<16xf32>
        %add3A_426 = arith.addf %get3A_417, %get3A_425 : vector<16xf32>
        %get3A_427 = arith.constant 0 : i32
        %get3A_428 = arith.constant 0 : i32
        %get3A_429 = tpu.memref_slice %arg12[%scan3A_229, %get3A_427, %get3A_428] : memref<2x40x64xf32, #tpu.memory_space<vmem>> -> memref<1x40x64xf32, #tpu.memory_space<vmem>>
        %get3A_430 = tpu.memref_squeeze %get3A_429 : memref<1x40x64xf32, #tpu.memory_space<vmem>> -> memref<40x64xf32, #tpu.memory_space<vmem>>
        %get3A_431 = arith.index_cast %add3A_378 : i32 to index
        %get3A_432 = arith.constant 16 : index
        %get3A_433 = tpu.vector_load %get3A_430[%get3A_431, %get3A_432] {strides = array<i32>} : memref<40x64xf32, #tpu.memory_space<vmem>>, vector<1x16xf32>,
        %get3A_434 = vector.shape_cast %get3A_433 : vector<1x16xf32> to vector<16xf32>
        %add3A_435 = arith.addf %add3A_426, %get3A_434 : vector<16xf32>
        %max3A_436 = arith.constant 0.000000e+00 : f32
        %max3A_437 = vector.broadcast %max3A_436 : f32 to vector<16xf32>
        %max3A_438 = arith.maximumf %add3A_435, %max3A_437 : vector<16xf32>
        %swap3A_439 = arith.index_cast %add3A_378 : i32 to index
        %swap3A_440 = arith.constant 16 : index
        %swap3A_441 = tpu.vector_load %arg13[%swap3A_439, %swap3A_440] {strides = array<i32>} : memref<40x128xf32, #tpu.memory_space<vmem>>, vector<1x16xf32>,
        %swap3A_442 = vector.shape_cast %swap3A_441 : vector<1x16xf32> to vector<16xf32>
        %swap3A_443 = vector.shape_cast %max3A_438 : vector<16xf32> to vector<1x16xf32>
        tpu.vector_store %arg13[%swap3A_439, %swap3A_440], %swap3A_443 {strides = array<i32>} : memref<40x128xf32, #tpu.memory_space<vmem>>, vector<1x16xf32>,
        %get3A_444 = arith.constant 0 : i32
        %get3A_445 = arith.constant 0 : i32
        %get3A_446 = tpu.memref_slice %arg10[%scan3A_227, %get3A_444, %get3A_445] : memref<2x40x128xf32, #tpu.memory_space<vmem>> -> memref<1x40x128xf32, #tpu.memory_space<vmem>>
        %get3A_447 = tpu.memref_squeeze %get3A_446 : memref<1x40x128xf32, #tpu.memory_space<vmem>> -> memref<40x128xf32, #tpu.memory_space<vmem>>
        %get3A_448 = arith.index_cast %add3A_378 : i32 to index
        %get3A_449 = arith.constant 32 : index
        %get3A_450 = tpu.vector_load %get3A_447[%get3A_448, %get3A_449] {strides = array<i32>} : memref<40x128xf32, #tpu.memory_space<vmem>>, vector<1x16xf32>,
        %get3A_451 = vector.shape_cast %get3A_450 : vector<1x16xf32> to vector<16xf32>
        %get3A_452 = arith.constant 0 : i32
        %get3A_453 = arith.constant 0 : i32
        %get3A_454 = tpu.memref_slice %arg11[%scan3A_228, %get3A_452, %get3A_453] : memref<2x40x128xf32, #tpu.memory_space<vmem>> -> memref<1x40x128xf32, #tpu.memory_space<vmem>>
        %get3A_455 = tpu.memref_squeeze %get3A_454 : memref<1x40x128xf32, #tpu.memory_space<vmem>> -> memref<40x128xf32, #tpu.memory_space<vmem>>
        %get3A_456 = arith.index_cast %add3A_378 : i32 to index
        %get3A_457 = arith.constant 96 : index
        %get3A_458 = tpu.vector_load %get3A_455[%get3A_456, %get3A_457] {strides = array<i32>} : memref<40x128xf32, #tpu.memory_space<vmem>>, vector<1x16xf32>,
        %get3A_459 = vector.shape_cast %get3A_458 : vector<1x16xf32> to vector<16xf32>
        %add3A_460 = arith.addf %get3A_451, %get3A_459 : vector<16xf32>
        %get3A_461 = arith.constant 0 : i32
        %get3A_462 = arith.constant 0 : i32
        %get3A_463 = tpu.memref_slice %arg12[%scan3A_229, %get3A_461, %get3A_462] : memref<2x40x64xf32, #tpu.memory_space<vmem>> -> memref<1x40x64xf32, #tpu.memory_space<vmem>>
        %get3A_464 = tpu.memref_squeeze %get3A_463 : memref<1x40x64xf32, #tpu.memory_space<vmem>> -> memref<40x64xf32, #tpu.memory_space<vmem>>
        %get3A_465 = arith.index_cast %add3A_378 : i32 to index
        %get3A_466 = arith.constant 32 : index
        %get3A_467 = tpu.vector_load %get3A_464[%get3A_465, %get3A_466] {strides = array<i32>} : memref<40x64xf32, #tpu.memory_space<vmem>>, vector<1x16xf32>,
        %get3A_468 = vector.shape_cast %get3A_467 : vector<1x16xf32> to vector<16xf32>
        %add3A_469 = arith.addf %add3A_460, %get3A_468 : vector<16xf32>
        %max3A_470 = arith.constant 0.000000e+00 : f32
        %max3A_471 = vector.broadcast %max3A_470 : f32 to vector<16xf32>
        %max3A_472 = arith.maximumf %add3A_469, %max3A_471 : vector<16xf32>
        %swap3A_473 = arith.index_cast %add3A_378 : i32 to index
        %swap3A_474 = arith.constant 32 : index
        %swap3A_475 = tpu.vector_load %arg13[%swap3A_473, %swap3A_474] {strides = array<i32>} : memref<40x128xf32, #tpu.memory_space<vmem>>, vector<1x16xf32>,
        %swap3A_476 = vector.shape_cast %swap3A_475 : vector<1x16xf32> to vector<16xf32>
        %swap3A_477 = vector.shape_cast %max3A_472 : vector<16xf32> to vector<1x16xf32>
        tpu.vector_store %arg13[%swap3A_473, %swap3A_474], %swap3A_477 {strides = array<i32>} : memref<40x128xf32, #tpu.memory_space<vmem>>, vector<1x16xf32>,
        %get3A_478 = arith.constant 0 : i32
        %get3A_479 = arith.constant 0 : i32
        %get3A_480 = tpu.memref_slice %arg10[%scan3A_227, %get3A_478, %get3A_479] : memref<2x40x128xf32, #tpu.memory_space<vmem>> -> memref<1x40x128xf32, #tpu.memory_space<vmem>>
        %get3A_481 = tpu.memref_squeeze %get3A_480 : memref<1x40x128xf32, #tpu.memory_space<vmem>> -> memref<40x128xf32, #tpu.memory_space<vmem>>
        %get3A_482 = arith.index_cast %add3A_378 : i32 to index
        %get3A_483 = arith.constant 48 : index
        %get3A_484 = tpu.vector_load %get3A_481[%get3A_482, %get3A_483] {strides = array<i32>} : memref<40x128xf32, #tpu.memory_space<vmem>>, vector<1x16xf32>,
        %get3A_485 = vector.shape_cast %get3A_484 : vector<1x16xf32> to vector<16xf32>
        %get3A_486 = arith.constant 0 : i32
        %get3A_487 = arith.constant 0 : i32
        %get3A_488 = tpu.memref_slice %arg11[%scan3A_228, %get3A_486, %get3A_487] : memref<2x40x128xf32, #tpu.memory_space<vmem>> -> memref<1x40x128xf32, #tpu.memory_space<vmem>>
        %get3A_489 = tpu.memref_squeeze %get3A_488 : memref<1x40x128xf32, #tpu.memory_space<vmem>> -> memref<40x128xf32, #tpu.memory_space<vmem>>
        %get3A_490 = arith.index_cast %add3A_378 : i32 to index
        %get3A_491 = arith.constant 112 : index
        %get3A_492 = tpu.vector_load %get3A_489[%get3A_490, %get3A_491] {strides = array<i32>} : memref<40x128xf32, #tpu.memory_space<vmem>>, vector<1x16xf32>,
        %get3A_493 = vector.shape_cast %get3A_492 : vector<1x16xf32> to vector<16xf32>
        %add3A_494 = arith.addf %get3A_485, %get3A_493 : vector<16xf32>
        %get3A_495 = arith.constant 0 : i32
        %get3A_496 = arith.constant 0 : i32
        %get3A_497 = tpu.memref_slice %arg12[%scan3A_229, %get3A_495, %get3A_496] : memref<2x40x64xf32, #tpu.memory_space<vmem>> -> memref<1x40x64xf32, #tpu.memory_space<vmem>>
        %get3A_498 = tpu.memref_squeeze %get3A_497 : memref<1x40x64xf32, #tpu.memory_space<vmem>> -> memref<40x64xf32, #tpu.memory_space<vmem>>
        %get3A_499 = arith.index_cast %add3A_378 : i32 to index
        %get3A_500 = arith.constant 48 : index
        %get3A_501 = tpu.vector_load %get3A_498[%get3A_499, %get3A_500] {strides = array<i32>} : memref<40x64xf32, #tpu.memory_space<vmem>>, vector<1x16xf32>,
        %get3A_502 = vector.shape_cast %get3A_501 : vector<1x16xf32> to vector<16xf32>
        %add3A_503 = arith.addf %add3A_494, %get3A_502 : vector<16xf32>
        %max3A_504 = arith.constant 0.000000e+00 : f32
        %max3A_505 = vector.broadcast %max3A_504 : f32 to vector<16xf32>
        %max3A_506 = arith.maximumf %add3A_503, %max3A_505 : vector<16xf32>
        %swap3A_507 = arith.index_cast %add3A_378 : i32 to index
        %swap3A_508 = arith.constant 48 : index
        %swap3A_509 = tpu.vector_load %arg13[%swap3A_507, %swap3A_508] {strides = array<i32>} : memref<40x128xf32, #tpu.memory_space<vmem>>, vector<1x16xf32>,
        %swap3A_510 = vector.shape_cast %swap3A_509 : vector<1x16xf32> to vector<16xf32>
        %swap3A_511 = vector.shape_cast %max3A_506 : vector<16xf32> to vector<1x16xf32>
        tpu.vector_store %arg13[%swap3A_507, %swap3A_508], %swap3A_511 {strides = array<i32>} : memref<40x128xf32, #tpu.memory_space<vmem>>, vector<1x16xf32>,
        %add3A_512 = arith.constant 1 : i32
        %add3A_513 = arith.addi %mul3A_376, %add3A_512 : i32
        %get3A_514 = arith.constant 0 : i32
        %get3A_515 = arith.constant 0 : i32
        %get3A_516 = tpu.memref_slice %arg10[%scan3A_227, %get3A_514, %get3A_515] : memref<2x40x128xf32, #tpu.memory_space<vmem>> -> memref<1x40x128xf32, #tpu.memory_space<vmem>>
        %get3A_517 = tpu.memref_squeeze %get3A_516 : memref<1x40x128xf32, #tpu.memory_space<vmem>> -> memref<40x128xf32, #tpu.memory_space<vmem>>
        %get3A_518 = arith.index_cast %add3A_513 : i32 to index
        %get3A_519 = arith.constant 0 : index
        %get3A_520 = tpu.vector_load %get3A_517[%get3A_518, %get3A_519] {strides = array<i32>} : memref<40x128xf32, #tpu.memory_space<vmem>>, vector<1x16xf32>,
        %get3A_521 = vector.shape_cast %get3A_520 : vector<1x16xf32> to vector<16xf32>
        %get3A_522 = arith.constant 0 : i32
        %get3A_523 = arith.constant 0 : i32
        %get3A_524 = tpu.memref_slice %arg11[%scan3A_228, %get3A_522, %get3A_523] : memref<2x40x128xf32, #tpu.memory_space<vmem>> -> memref<1x40x128xf32, #tpu.memory_space<vmem>>
        %get3A_525 = tpu.memref_squeeze %get3A_524 : memref<1x40x128xf32, #tpu.memory_space<vmem>> -> memref<40x128xf32, #tpu.memory_space<vmem>>
        %get3A_526 = arith.index_cast %add3A_513 : i32 to index
        %get3A_527 = arith.constant 64 : index
        %get3A_528 = tpu.vector_load %get3A_525[%get3A_526, %get3A_527] {strides = array<i32>} : memref<40x128xf32, #tpu.memory_space<vmem>>, vector<1x16xf32>,
        %get3A_529 = vector.shape_cast %get3A_528 : vector<1x16xf32> to vector<16xf32>
        %add3A_530 = arith.addf %get3A_521, %get3A_529 : vector<16xf32>
        %get3A_531 = arith.constant 0 : i32
        %get3A_532 = arith.constant 0 : i32
        %get3A_533 = tpu.memref_slice %arg12[%scan3A_229, %get3A_531, %get3A_532] : memref<2x40x64xf32, #tpu.memory_space<vmem>> -> memref<1x40x64xf32, #tpu.memory_space<vmem>>
        %get3A_534 = tpu.memref_squeeze %get3A_533 : memref<1x40x64xf32, #tpu.memory_space<vmem>> -> memref<40x64xf32, #tpu.memory_space<vmem>>
        %get3A_535 = arith.index_cast %add3A_513 : i32 to index
        %get3A_536 = arith.constant 0 : index
        %get3A_537 = tpu.vector_load %get3A_534[%get3A_535, %get3A_536] {strides = array<i32>} : memref<40x64xf32, #tpu.memory_space<vmem>>, vector<1x16xf32>,
        %get3A_538 = vector.shape_cast %get3A_537 : vector<1x16xf32> to vector<16xf32>
        %add3A_539 = arith.addf %add3A_530, %get3A_538 : vector<16xf32>
        %max3A_540 = arith.constant 0.000000e+00 : f32
        %max3A_541 = vector.broadcast %max3A_540 : f32 to vector<16xf32>
        %max3A_542 = arith.maximumf %add3A_539, %max3A_541 : vector<16xf32>
        %swap3A_543 = arith.index_cast %add3A_513 : i32 to index
        %swap3A_544 = arith.constant 0 : index
        %swap3A_545 = tpu.vector_load %arg13[%swap3A_543, %swap3A_544] {strides = array<i32>} : memref<40x128xf32, #tpu.memory_space<vmem>>, vector<1x16xf32>,
        %swap3A_546 = vector.shape_cast %swap3A_545 : vector<1x16xf32> to vector<16xf32>
        %swap3A_547 = vector.shape_cast %max3A_542 : vector<16xf32> to vector<1x16xf32>
        tpu.vector_store %arg13[%swap3A_543, %swap3A_544], %swap3A_547 {strides = array<i32>} : memref<40x128xf32, #tpu.memory_space<vmem>>, vector<1x16xf32>,
        %get3A_548 = arith.constant 0 : i32
        %get3A_549 = arith.constant 0 : i32
        %get3A_550 = tpu.memref_slice %arg10[%scan3A_227, %get3A_548, %get3A_549] : memref<2x40x128xf32, #tpu.memory_space<vmem>> -> memref<1x40x128xf32, #tpu.memory_space<vmem>>
        %get3A_551 = tpu.memref_squeeze %get3A_550 : memref<1x40x128xf32, #tpu.memory_space<vmem>> -> memref<40x128xf32, #tpu.memory_space<vmem>>
        %get3A_552 = arith.index_cast %add3A_513 : i32 to index
        %get3A_553 = arith.constant 16 : index
        %get3A_554 = tpu.vector_load %get3A_551[%get3A_552, %get3A_553] {strides = array<i32>} : memref<40x128xf32, #tpu.memory_space<vmem>>, vector<1x16xf32>,
        %get3A_555 = vector.shape_cast %get3A_554 : vector<1x16xf32> to vector<16xf32>
        %get3A_556 = arith.constant 0 : i32
        %get3A_557 = arith.constant 0 : i32
        %get3A_558 = tpu.memref_slice %arg11[%scan3A_228, %get3A_556, %get3A_557] : memref<2x40x128xf32, #tpu.memory_space<vmem>> -> memref<1x40x128xf32, #tpu.memory_space<vmem>>
        %get3A_559 = tpu.memref_squeeze %get3A_558 : memref<1x40x128xf32, #tpu.memory_space<vmem>> -> memref<40x128xf32, #tpu.memory_space<vmem>>
        %get3A_560 = arith.index_cast %add3A_513 : i32 to index
        %get3A_561 = arith.constant 80 : index
        %get3A_562 = tpu.vector_load %get3A_559[%get3A_560, %get3A_561] {strides = array<i32>} : memref<40x128xf32, #tpu.memory_space<vmem>>, vector<1x16xf32>,
        %get3A_563 = vector.shape_cast %get3A_562 : vector<1x16xf32> to vector<16xf32>
        %add3A_564 = arith.addf %get3A_555, %get3A_563 : vector<16xf32>
        %get3A_565 = arith.constant 0 : i32
        %get3A_566 = arith.constant 0 : i32
        %get3A_567 = tpu.memref_slice %arg12[%scan3A_229, %get3A_565, %get3A_566] : memref<2x40x64xf32, #tpu.memory_space<vmem>> -> memref<1x40x64xf32, #tpu.memory_space<vmem>>
        %get3A_568 = tpu.memref_squeeze %get3A_567 : memref<1x40x64xf32, #tpu.memory_space<vmem>> -> memref<40x64xf32, #tpu.memory_space<vmem>>
        %get3A_569 = arith.index_cast %add3A_513 : i32 to index
        %get3A_570 = arith.constant 16 : index
        %get3A_571 = tpu.vector_load %get3A_568[%get3A_569, %get3A_570] {strides = array<i32>} : memref<40x64xf32, #tpu.memory_space<vmem>>, vector<1x16xf32>,
        %get3A_572 = vector.shape_cast %get3A_571 : vector<1x16xf32> to vector<16xf32>
        %add3A_573 = arith.addf %add3A_564, %get3A_572 : vector<16xf32>
        %max3A_574 = arith.constant 0.000000e+00 : f32
        %max3A_575 = vector.broadcast %max3A_574 : f32 to vector<16xf32>
        %max3A_576 = arith.maximumf %add3A_573, %max3A_575 : vector<16xf32>
        %swap3A_577 = arith.index_cast %add3A_513 : i32 to index
        %swap3A_578 = arith.constant 16 : index
        %swap3A_579 = tpu.vector_load %arg13[%swap3A_577, %swap3A_578] {strides = array<i32>} : memref<40x128xf32, #tpu.memory_space<vmem>>, vector<1x16xf32>,
        %swap3A_580 = vector.shape_cast %swap3A_579 : vector<1x16xf32> to vector<16xf32>
        %swap3A_581 = vector.shape_cast %max3A_576 : vector<16xf32> to vector<1x16xf32>
        tpu.vector_store %arg13[%swap3A_577, %swap3A_578], %swap3A_581 {strides = array<i32>} : memref<40x128xf32, #tpu.memory_space<vmem>>, vector<1x16xf32>,
        %get3A_582 = arith.constant 0 : i32
        %get3A_583 = arith.constant 0 : i32
        %get3A_584 = tpu.memref_slice %arg10[%scan3A_227, %get3A_582, %get3A_583] : memref<2x40x128xf32, #tpu.memory_space<vmem>> -> memref<1x40x128xf32, #tpu.memory_space<vmem>>
        %get3A_585 = tpu.memref_squeeze %get3A_584 : memref<1x40x128xf32, #tpu.memory_space<vmem>> -> memref<40x128xf32, #tpu.memory_space<vmem>>
        %get3A_586 = arith.index_cast %add3A_513 : i32 to index
        %get3A_587 = arith.constant 32 : index
        %get3A_588 = tpu.vector_load %get3A_585[%get3A_586, %get3A_587] {strides = array<i32>} : memref<40x128xf32, #tpu.memory_space<vmem>>, vector<1x16xf32>,
        %get3A_589 = vector.shape_cast %get3A_588 : vector<1x16xf32> to vector<16xf32>
        %get3A_590 = arith.constant 0 : i32
        %get3A_591 = arith.constant 0 : i32
        %get3A_592 = tpu.memref_slice %arg11[%scan3A_228, %get3A_590, %get3A_591] : memref<2x40x128xf32, #tpu.memory_space<vmem>> -> memref<1x40x128xf32, #tpu.memory_space<vmem>>
        %get3A_593 = tpu.memref_squeeze %get3A_592 : memref<1x40x128xf32, #tpu.memory_space<vmem>> -> memref<40x128xf32, #tpu.memory_space<vmem>>
        %get3A_594 = arith.index_cast %add3A_513 : i32 to index
        %get3A_595 = arith.constant 96 : index
        %get3A_596 = tpu.vector_load %get3A_593[%get3A_594, %get3A_595] {strides = array<i32>} : memref<40x128xf32, #tpu.memory_space<vmem>>, vector<1x16xf32>,
        %get3A_597 = vector.shape_cast %get3A_596 : vector<1x16xf32> to vector<16xf32>
        %add3A_598 = arith.addf %get3A_589, %get3A_597 : vector<16xf32>
        %get3A_599 = arith.constant 0 : i32
        %get3A_600 = arith.constant 0 : i32
        %get3A_601 = tpu.memref_slice %arg12[%scan3A_229, %get3A_599, %get3A_600] : memref<2x40x64xf32, #tpu.memory_space<vmem>> -> memref<1x40x64xf32, #tpu.memory_space<vmem>>
        %get3A_602 = tpu.memref_squeeze %get3A_601 : memref<1x40x64xf32, #tpu.memory_space<vmem>> -> memref<40x64xf32, #tpu.memory_space<vmem>>
        %get3A_603 = arith.index_cast %add3A_513 : i32 to index
        %get3A_604 = arith.constant 32 : index
        %get3A_605 = tpu.vector_load %get3A_602[%get3A_603, %get3A_604] {strides = array<i32>} : memref<40x64xf32, #tpu.memory_space<vmem>>, vector<1x16xf32>,
        %get3A_606 = vector.shape_cast %get3A_605 : vector<1x16xf32> to vector<16xf32>
        %add3A_607 = arith.addf %add3A_598, %get3A_606 : vector<16xf32>
        %max3A_608 = arith.constant 0.000000e+00 : f32
        %max3A_609 = vector.broadcast %max3A_608 : f32 to vector<16xf32>
        %max3A_610 = arith.maximumf %add3A_607, %max3A_609 : vector<16xf32>
        %swap3A_611 = arith.index_cast %add3A_513 : i32 to index
        %swap3A_612 = arith.constant 32 : index
        %swap3A_613 = tpu.vector_load %arg13[%swap3A_611, %swap3A_612] {strides = array<i32>} : memref<40x128xf32, #tpu.memory_space<vmem>>, vector<1x16xf32>,
        %swap3A_614 = vector.shape_cast %swap3A_613 : vector<1x16xf32> to vector<16xf32>
        %swap3A_615 = vector.shape_cast %max3A_610 : vector<16xf32> to vector<1x16xf32>
        tpu.vector_store %arg13[%swap3A_611, %swap3A_612], %swap3A_615 {strides = array<i32>} : memref<40x128xf32, #tpu.memory_space<vmem>>, vector<1x16xf32>,
        %get3A_616 = arith.constant 0 : i32
        %get3A_617 = arith.constant 0 : i32
        %get3A_618 = tpu.memref_slice %arg10[%scan3A_227, %get3A_616, %get3A_617] : memref<2x40x128xf32, #tpu.memory_space<vmem>> -> memref<1x40x128xf32, #tpu.memory_space<vmem>>
        %get3A_619 = tpu.memref_squeeze %get3A_618 : memref<1x40x128xf32, #tpu.memory_space<vmem>> -> memref<40x128xf32, #tpu.memory_space<vmem>>
        %get3A_620 = arith.index_cast %add3A_513 : i32 to index
        %get3A_621 = arith.constant 48 : index
        %get3A_622 = tpu.vector_load %get3A_619[%get3A_620, %get3A_621] {strides = array<i32>} : memref<40x128xf32, #tpu.memory_space<vmem>>, vector<1x16xf32>,
        %get3A_623 = vector.shape_cast %get3A_622 : vector<1x16xf32> to vector<16xf32>
        %get3A_624 = arith.constant 0 : i32
        %get3A_625 = arith.constant 0 : i32
        %get3A_626 = tpu.memref_slice %arg11[%scan3A_228, %get3A_624, %get3A_625] : memref<2x40x128xf32, #tpu.memory_space<vmem>> -> memref<1x40x128xf32, #tpu.memory_space<vmem>>
        %get3A_627 = tpu.memref_squeeze %get3A_626 : memref<1x40x128xf32, #tpu.memory_space<vmem>> -> memref<40x128xf32, #tpu.memory_space<vmem>>
        %get3A_628 = arith.index_cast %add3A_513 : i32 to index
        %get3A_629 = arith.constant 112 : index
        %get3A_630 = tpu.vector_load %get3A_627[%get3A_628, %get3A_629] {strides = array<i32>} : memref<40x128xf32, #tpu.memory_space<vmem>>, vector<1x16xf32>,
        %get3A_631 = vector.shape_cast %get3A_630 : vector<1x16xf32> to vector<16xf32>
        %add3A_632 = arith.addf %get3A_623, %get3A_631 : vector<16xf32>
        %get3A_633 = arith.constant 0 : i32
        %get3A_634 = arith.constant 0 : i32
        %get3A_635 = tpu.memref_slice %arg12[%scan3A_229, %get3A_633, %get3A_634] : memref<2x40x64xf32, #tpu.memory_space<vmem>> -> memref<1x40x64xf32, #tpu.memory_space<vmem>>
        %get3A_636 = tpu.memref_squeeze %get3A_635 : memref<1x40x64xf32, #tpu.memory_space<vmem>> -> memref<40x64xf32, #tpu.memory_space<vmem>>
        %get3A_637 = arith.index_cast %add3A_513 : i32 to index
        %get3A_638 = arith.constant 48 : index
        %get3A_639 = tpu.vector_load %get3A_636[%get3A_637, %get3A_638] {strides = array<i32>} : memref<40x64xf32, #tpu.memory_space<vmem>>, vector<1x16xf32>,
        %get3A_640 = vector.shape_cast %get3A_639 : vector<1x16xf32> to vector<16xf32>
        %add3A_641 = arith.addf %add3A_632, %get3A_640 : vector<16xf32>
        %max3A_642 = arith.constant 0.000000e+00 : f32
        %max3A_643 = vector.broadcast %max3A_642 : f32 to vector<16xf32>
        %max3A_644 = arith.maximumf %add3A_641, %max3A_643 : vector<16xf32>
        %swap3A_645 = arith.index_cast %add3A_513 : i32 to index
        %swap3A_646 = arith.constant 48 : index
        %swap3A_647 = tpu.vector_load %arg13[%swap3A_645, %swap3A_646] {strides = array<i32>} : memref<40x128xf32, #tpu.memory_space<vmem>>, vector<1x16xf32>,
        %swap3A_648 = vector.shape_cast %swap3A_647 : vector<1x16xf32> to vector<16xf32>
        %swap3A_649 = vector.shape_cast %max3A_644 : vector<16xf32> to vector<1x16xf32>
        tpu.vector_store %arg13[%swap3A_645, %swap3A_646], %swap3A_649 {strides = array<i32>} : memref<40x128xf32, #tpu.memory_space<vmem>>, vector<1x16xf32>,
        %add3A_650 = arith.constant 2 : i32
        %add3A_651 = arith.addi %mul3A_376, %add3A_650 : i32
        %get3A_652 = arith.constant 0 : i32
        %get3A_653 = arith.constant 0 : i32
        %get3A_654 = tpu.memref_slice %arg10[%scan3A_227, %get3A_652, %get3A_653] : memref<2x40x128xf32, #tpu.memory_space<vmem>> -> memref<1x40x128xf32, #tpu.memory_space<vmem>>
        %get3A_655 = tpu.memref_squeeze %get3A_654 : memref<1x40x128xf32, #tpu.memory_space<vmem>> -> memref<40x128xf32, #tpu.memory_space<vmem>>
        %get3A_656 = arith.index_cast %add3A_651 : i32 to index
        %get3A_657 = arith.constant 0 : index
        %get3A_658 = tpu.vector_load %get3A_655[%get3A_656, %get3A_657] {strides = array<i32>} : memref<40x128xf32, #tpu.memory_space<vmem>>, vector<1x16xf32>,
        %get3A_659 = vector.shape_cast %get3A_658 : vector<1x16xf32> to vector<16xf32>
        %get3A_660 = arith.constant 0 : i32
        %get3A_661 = arith.constant 0 : i32
        %get3A_662 = tpu.memref_slice %arg11[%scan3A_228, %get3A_660, %get3A_661] : memref<2x40x128xf32, #tpu.memory_space<vmem>> -> memref<1x40x128xf32, #tpu.memory_space<vmem>>
        %get3A_663 = tpu.memref_squeeze %get3A_662 : memref<1x40x128xf32, #tpu.memory_space<vmem>> -> memref<40x128xf32, #tpu.memory_space<vmem>>
        %get3A_664 = arith.index_cast %add3A_651 : i32 to index
        %get3A_665 = arith.constant 64 : index
        %get3A_666 = tpu.vector_load %get3A_663[%get3A_664, %get3A_665] {strides = array<i32>} : memref<40x128xf32, #tpu.memory_space<vmem>>, vector<1x16xf32>,
        %get3A_667 = vector.shape_cast %get3A_666 : vector<1x16xf32> to vector<16xf32>
        %add3A_668 = arith.addf %get3A_659, %get3A_667 : vector<16xf32>
        %get3A_669 = arith.constant 0 : i32
        %get3A_670 = arith.constant 0 : i32
        %get3A_671 = tpu.memref_slice %arg12[%scan3A_229, %get3A_669, %get3A_670] : memref<2x40x64xf32, #tpu.memory_space<vmem>> -> memref<1x40x64xf32, #tpu.memory_space<vmem>>
        %get3A_672 = tpu.memref_squeeze %get3A_671 : memref<1x40x64xf32, #tpu.memory_space<vmem>> -> memref<40x64xf32, #tpu.memory_space<vmem>>
        %get3A_673 = arith.index_cast %add3A_651 : i32 to index
        %get3A_674 = arith.constant 0 : index
        %get3A_675 = tpu.vector_load %get3A_672[%get3A_673, %get3A_674] {strides = array<i32>} : memref<40x64xf32, #tpu.memory_space<vmem>>, vector<1x16xf32>,
        %get3A_676 = vector.shape_cast %get3A_675 : vector<1x16xf32> to vector<16xf32>
        %add3A_677 = arith.addf %add3A_668, %get3A_676 : vector<16xf32>
        %max3A_678 = arith.constant 0.000000e+00 : f32
        %max3A_679 = vector.broadcast %max3A_678 : f32 to vector<16xf32>
        %max3A_680 = arith.maximumf %add3A_677, %max3A_679 : vector<16xf32>
        %swap3A_681 = arith.index_cast %add3A_651 : i32 to index
        %swap3A_682 = arith.constant 0 : index
        %swap3A_683 = tpu.vector_load %arg13[%swap3A_681, %swap3A_682] {strides = array<i32>} : memref<40x128xf32, #tpu.memory_space<vmem>>, vector<1x16xf32>,
        %swap3A_684 = vector.shape_cast %swap3A_683 : vector<1x16xf32> to vector<16xf32>
        %swap3A_685 = vector.shape_cast %max3A_680 : vector<16xf32> to vector<1x16xf32>
        tpu.vector_store %arg13[%swap3A_681, %swap3A_682], %swap3A_685 {strides = array<i32>} : memref<40x128xf32, #tpu.memory_space<vmem>>, vector<1x16xf32>,
        %get3A_686 = arith.constant 0 : i32
        %get3A_687 = arith.constant 0 : i32
        %get3A_688 = tpu.memref_slice %arg10[%scan3A_227, %get3A_686, %get3A_687] : memref<2x40x128xf32, #tpu.memory_space<vmem>> -> memref<1x40x128xf32, #tpu.memory_space<vmem>>
        %get3A_689 = tpu.memref_squeeze %get3A_688 : memref<1x40x128xf32, #tpu.memory_space<vmem>> -> memref<40x128xf32, #tpu.memory_space<vmem>>
        %get3A_690 = arith.index_cast %add3A_651 : i32 to index
        %get3A_691 = arith.constant 16 : index
        %get3A_692 = tpu.vector_load %get3A_689[%get3A_690, %get3A_691] {strides = array<i32>} : memref<40x128xf32, #tpu.memory_space<vmem>>, vector<1x16xf32>,
        %get3A_693 = vector.shape_cast %get3A_692 : vector<1x16xf32> to vector<16xf32>
        %get3A_694 = arith.constant 0 : i32
        %get3A_695 = arith.constant 0 : i32
        %get3A_696 = tpu.memref_slice %arg11[%scan3A_228, %get3A_694, %get3A_695] : memref<2x40x128xf32, #tpu.memory_space<vmem>> -> memref<1x40x128xf32, #tpu.memory_space<vmem>>
        %get3A_697 = tpu.memref_squeeze %get3A_696 : memref<1x40x128xf32, #tpu.memory_space<vmem>> -> memref<40x128xf32, #tpu.memory_space<vmem>>
        %get3A_698 = arith.index_cast %add3A_651 : i32 to index
        %get3A_699 = arith.constant 80 : index
        %get3A_700 = tpu.vector_load %get3A_697[%get3A_698, %get3A_699] {strides = array<i32>} : memref<40x128xf32, #tpu.memory_space<vmem>>, vector<1x16xf32>,
        %get3A_701 = vector.shape_cast %get3A_700 : vector<1x16xf32> to vector<16xf32>
        %add3A_702 = arith.addf %get3A_693, %get3A_701 : vector<16xf32>
        %get3A_703 = arith.constant 0 : i32
        %get3A_704 = arith.constant 0 : i32
        %get3A_705 = tpu.memref_slice %arg12[%scan3A_229, %get3A_703, %get3A_704] : memref<2x40x64xf32, #tpu.memory_space<vmem>> -> memref<1x40x64xf32, #tpu.memory_space<vmem>>
        %get3A_706 = tpu.memref_squeeze %get3A_705 : memref<1x40x64xf32, #tpu.memory_space<vmem>> -> memref<40x64xf32, #tpu.memory_space<vmem>>
        %get3A_707 = arith.index_cast %add3A_651 : i32 to index
        %get3A_708 = arith.constant 16 : index
        %get3A_709 = tpu.vector_load %get3A_706[%get3A_707, %get3A_708] {strides = array<i32>} : memref<40x64xf32, #tpu.memory_space<vmem>>, vector<1x16xf32>,
        %get3A_710 = vector.shape_cast %get3A_709 : vector<1x16xf32> to vector<16xf32>
        %add3A_711 = arith.addf %add3A_702, %get3A_710 : vector<16xf32>
        %max3A_712 = arith.constant 0.000000e+00 : f32
        %max3A_713 = vector.broadcast %max3A_712 : f32 to vector<16xf32>
        %max3A_714 = arith.maximumf %add3A_711, %max3A_713 : vector<16xf32>
        %swap3A_715 = arith.index_cast %add3A_651 : i32 to index
        %swap3A_716 = arith.constant 16 : index
        %swap3A_717 = tpu.vector_load %arg13[%swap3A_715, %swap3A_716] {strides = array<i32>} : memref<40x128xf32, #tpu.memory_space<vmem>>, vector<1x16xf32>,
        %swap3A_718 = vector.shape_cast %swap3A_717 : vector<1x16xf32> to vector<16xf32>
        %swap3A_719 = vector.shape_cast %max3A_714 : vector<16xf32> to vector<1x16xf32>
        tpu.vector_store %arg13[%swap3A_715, %swap3A_716], %swap3A_719 {strides = array<i32>} : memref<40x128xf32, #tpu.memory_space<vmem>>, vector<1x16xf32>,
        %get3A_720 = arith.constant 0 : i32
        %get3A_721 = arith.constant 0 : i32
        %get3A_722 = tpu.memref_slice %arg10[%scan3A_227, %get3A_720, %get3A_721] : memref<2x40x128xf32, #tpu.memory_space<vmem>> -> memref<1x40x128xf32, #tpu.memory_space<vmem>>
        %get3A_723 = tpu.memref_squeeze %get3A_722 : memref<1x40x128xf32, #tpu.memory_space<vmem>> -> memref<40x128xf32, #tpu.memory_space<vmem>>
        %get3A_724 = arith.index_cast %add3A_651 : i32 to index
        %get3A_725 = arith.constant 32 : index
        %get3A_726 = tpu.vector_load %get3A_723[%get3A_724, %get3A_725] {strides = array<i32>} : memref<40x128xf32, #tpu.memory_space<vmem>>, vector<1x16xf32>,
        %get3A_727 = vector.shape_cast %get3A_726 : vector<1x16xf32> to vector<16xf32>
        %get3A_728 = arith.constant 0 : i32
        %get3A_729 = arith.constant 0 : i32
        %get3A_730 = tpu.memref_slice %arg11[%scan3A_228, %get3A_728, %get3A_729] : memref<2x40x128xf32, #tpu.memory_space<vmem>> -> memref<1x40x128xf32, #tpu.memory_space<vmem>>
        %get3A_731 = tpu.memref_squeeze %get3A_730 : memref<1x40x128xf32, #tpu.memory_space<vmem>> -> memref<40x128xf32, #tpu.memory_space<vmem>>
        %get3A_732 = arith.index_cast %add3A_651 : i32 to index
        %get3A_733 = arith.constant 96 : index
        %get3A_734 = tpu.vector_load %get3A_731[%get3A_732, %get3A_733] {strides = array<i32>} : memref<40x128xf32, #tpu.memory_space<vmem>>, vector<1x16xf32>,
        %get3A_735 = vector.shape_cast %get3A_734 : vector<1x16xf32> to vector<16xf32>
        %add3A_736 = arith.addf %get3A_727, %get3A_735 : vector<16xf32>
        %get3A_737 = arith.constant 0 : i32
        %get3A_738 = arith.constant 0 : i32
        %get3A_739 = tpu.memref_slice %arg12[%scan3A_229, %get3A_737, %get3A_738] : memref<2x40x64xf32, #tpu.memory_space<vmem>> -> memref<1x40x64xf32, #tpu.memory_space<vmem>>
        %get3A_740 = tpu.memref_squeeze %get3A_739 : memref<1x40x64xf32, #tpu.memory_space<vmem>> -> memref<40x64xf32, #tpu.memory_space<vmem>>
        %get3A_741 = arith.index_cast %add3A_651 : i32 to index
        %get3A_742 = arith.constant 32 : index
        %get3A_743 = tpu.vector_load %get3A_740[%get3A_741, %get3A_742] {strides = array<i32>} : memref<40x64xf32, #tpu.memory_space<vmem>>, vector<1x16xf32>,
        %get3A_744 = vector.shape_cast %get3A_743 : vector<1x16xf32> to vector<16xf32>
        %add3A_745 = arith.addf %add3A_736, %get3A_744 : vector<16xf32>
        %max3A_746 = arith.constant 0.000000e+00 : f32
        %max3A_747 = vector.broadcast %max3A_746 : f32 to vector<16xf32>
        %max3A_748 = arith.maximumf %add3A_745, %max3A_747 : vector<16xf32>
        %swap3A_749 = arith.index_cast %add3A_651 : i32 to index
        %swap3A_750 = arith.constant 32 : index
        %swap3A_751 = tpu.vector_load %arg13[%swap3A_749, %swap3A_750] {strides = array<i32>} : memref<40x128xf32, #tpu.memory_space<vmem>>, vector<1x16xf32>,
        %swap3A_752 = vector.shape_cast %swap3A_751 : vector<1x16xf32> to vector<16xf32>
        %swap3A_753 = vector.shape_cast %max3A_748 : vector<16xf32> to vector<1x16xf32>
        tpu.vector_store %arg13[%swap3A_749, %swap3A_750], %swap3A_753 {strides = array<i32>} : memref<40x128xf32, #tpu.memory_space<vmem>>, vector<1x16xf32>,
        %get3A_754 = arith.constant 0 : i32
        %get3A_755 = arith.constant 0 : i32
        %get3A_756 = tpu.memref_slice %arg10[%scan3A_227, %get3A_754, %get3A_755] : memref<2x40x128xf32, #tpu.memory_space<vmem>> -> memref<1x40x128xf32, #tpu.memory_space<vmem>>
        %get3A_757 = tpu.memref_squeeze %get3A_756 : memref<1x40x128xf32, #tpu.memory_space<vmem>> -> memref<40x128xf32, #tpu.memory_space<vmem>>
        %get3A_758 = arith.index_cast %add3A_651 : i32 to index
        %get3A_759 = arith.constant 48 : index
        %get3A_760 = tpu.vector_load %get3A_757[%get3A_758, %get3A_759] {strides = array<i32>} : memref<40x128xf32, #tpu.memory_space<vmem>>, vector<1x16xf32>,
        %get3A_761 = vector.shape_cast %get3A_760 : vector<1x16xf32> to vector<16xf32>
        %get3A_762 = arith.constant 0 : i32
        %get3A_763 = arith.constant 0 : i32
        %get3A_764 = tpu.memref_slice %arg11[%scan3A_228, %get3A_762, %get3A_763] : memref<2x40x128xf32, #tpu.memory_space<vmem>> -> memref<1x40x128xf32, #tpu.memory_space<vmem>>
        %get3A_765 = tpu.memref_squeeze %get3A_764 : memref<1x40x128xf32, #tpu.memory_space<vmem>> -> memref<40x128xf32, #tpu.memory_space<vmem>>
        %get3A_766 = arith.index_cast %add3A_651 : i32 to index
        %get3A_767 = arith.constant 112 : index
        %get3A_768 = tpu.vector_load %get3A_765[%get3A_766, %get3A_767] {strides = array<i32>} : memref<40x128xf32, #tpu.memory_space<vmem>>, vector<1x16xf32>,
        %get3A_769 = vector.shape_cast %get3A_768 : vector<1x16xf32> to vector<16xf32>
        %add3A_770 = arith.addf %get3A_761, %get3A_769 : vector<16xf32>
        %get3A_771 = arith.constant 0 : i32
        %get3A_772 = arith.constant 0 : i32
        %get3A_773 = tpu.memref_slice %arg12[%scan3A_229, %get3A_771, %get3A_772] : memref<2x40x64xf32, #tpu.memory_space<vmem>> -> memref<1x40x64xf32, #tpu.memory_space<vmem>>
        %get3A_774 = tpu.memref_squeeze %get3A_773 : memref<1x40x64xf32, #tpu.memory_space<vmem>> -> memref<40x64xf32, #tpu.memory_space<vmem>>
        %get3A_775 = arith.index_cast %add3A_651 : i32 to index
        %get3A_776 = arith.constant 48 : index
        %get3A_777 = tpu.vector_load %get3A_774[%get3A_775, %get3A_776] {strides = array<i32>} : memref<40x64xf32, #tpu.memory_space<vmem>>, vector<1x16xf32>,
        %get3A_778 = vector.shape_cast %get3A_777 : vector<1x16xf32> to vector<16xf32>
        %add3A_779 = arith.addf %add3A_770, %get3A_778 : vector<16xf32>
        %max3A_780 = arith.constant 0.000000e+00 : f32
        %max3A_781 = vector.broadcast %max3A_780 : f32 to vector<16xf32>
        %max3A_782 = arith.maximumf %add3A_779, %max3A_781 : vector<16xf32>
        %swap3A_783 = arith.index_cast %add3A_651 : i32 to index
        %swap3A_784 = arith.constant 48 : index
        %swap3A_785 = tpu.vector_load %arg13[%swap3A_783, %swap3A_784] {strides = array<i32>} : memref<40x128xf32, #tpu.memory_space<vmem>>, vector<1x16xf32>,
        %swap3A_786 = vector.shape_cast %swap3A_785 : vector<1x16xf32> to vector<16xf32>
        %swap3A_787 = vector.shape_cast %max3A_782 : vector<16xf32> to vector<1x16xf32>
        tpu.vector_store %arg13[%swap3A_783, %swap3A_784], %swap3A_787 {strides = array<i32>} : memref<40x128xf32, #tpu.memory_space<vmem>>, vector<1x16xf32>,
        %add3A_788 = arith.constant 3 : i32
        %add3A_789 = arith.addi %mul3A_376, %add3A_788 : i32
        %get3A_790 = arith.constant 0 : i32
        %get3A_791 = arith.constant 0 : i32
        %get3A_792 = tpu.memref_slice %arg10[%scan3A_227, %get3A_790, %get3A_791] : memref<2x40x128xf32, #tpu.memory_space<vmem>> -> memref<1x40x128xf32, #tpu.memory_space<vmem>>
        %get3A_793 = tpu.memref_squeeze %get3A_792 : memref<1x40x128xf32, #tpu.memory_space<vmem>> -> memref<40x128xf32, #tpu.memory_space<vmem>>
        %get3A_794 = arith.index_cast %add3A_789 : i32 to index
        %get3A_795 = arith.constant 0 : index
        %get3A_796 = tpu.vector_load %get3A_793[%get3A_794, %get3A_795] {strides = array<i32>} : memref<40x128xf32, #tpu.memory_space<vmem>>, vector<1x16xf32>,
        %get3A_797 = vector.shape_cast %get3A_796 : vector<1x16xf32> to vector<16xf32>
        %get3A_798 = arith.constant 0 : i32
        %get3A_799 = arith.constant 0 : i32
        %get3A_800 = tpu.memref_slice %arg11[%scan3A_228, %get3A_798, %get3A_799] : memref<2x40x128xf32, #tpu.memory_space<vmem>> -> memref<1x40x128xf32, #tpu.memory_space<vmem>>
        %get3A_801 = tpu.memref_squeeze %get3A_800 : memref<1x40x128xf32, #tpu.memory_space<vmem>> -> memref<40x128xf32, #tpu.memory_space<vmem>>
        %get3A_802 = arith.index_cast %add3A_789 : i32 to index
        %get3A_803 = arith.constant 64 : index
        %get3A_804 = tpu.vector_load %get3A_801[%get3A_802, %get3A_803] {strides = array<i32>} : memref<40x128xf32, #tpu.memory_space<vmem>>, vector<1x16xf32>,
        %get3A_805 = vector.shape_cast %get3A_804 : vector<1x16xf32> to vector<16xf32>
        %add3A_806 = arith.addf %get3A_797, %get3A_805 : vector<16xf32>
        %get3A_807 = arith.constant 0 : i32
        %get3A_808 = arith.constant 0 : i32
        %get3A_809 = tpu.memref_slice %arg12[%scan3A_229, %get3A_807, %get3A_808] : memref<2x40x64xf32, #tpu.memory_space<vmem>> -> memref<1x40x64xf32, #tpu.memory_space<vmem>>
        %get3A_810 = tpu.memref_squeeze %get3A_809 : memref<1x40x64xf32, #tpu.memory_space<vmem>> -> memref<40x64xf32, #tpu.memory_space<vmem>>
        %get3A_811 = arith.index_cast %add3A_789 : i32 to index
        %get3A_812 = arith.constant 0 : index
        %get3A_813 = tpu.vector_load %get3A_810[%get3A_811, %get3A_812] {strides = array<i32>} : memref<40x64xf32, #tpu.memory_space<vmem>>, vector<1x16xf32>,
        %get3A_814 = vector.shape_cast %get3A_813 : vector<1x16xf32> to vector<16xf32>
        %add3A_815 = arith.addf %add3A_806, %get3A_814 : vector<16xf32>
        %max3A_816 = arith.constant 0.000000e+00 : f32
        %max3A_817 = vector.broadcast %max3A_816 : f32 to vector<16xf32>
        %max3A_818 = arith.maximumf %add3A_815, %max3A_817 : vector<16xf32>
        %swap3A_819 = arith.index_cast %add3A_789 : i32 to index
        %swap3A_820 = arith.constant 0 : index
        %swap3A_821 = tpu.vector_load %arg13[%swap3A_819, %swap3A_820] {strides = array<i32>} : memref<40x128xf32, #tpu.memory_space<vmem>>, vector<1x16xf32>,
        %swap3A_822 = vector.shape_cast %swap3A_821 : vector<1x16xf32> to vector<16xf32>
        %swap3A_823 = vector.shape_cast %max3A_818 : vector<16xf32> to vector<1x16xf32>
        tpu.vector_store %arg13[%swap3A_819, %swap3A_820], %swap3A_823 {strides = array<i32>} : memref<40x128xf32, #tpu.memory_space<vmem>>, vector<1x16xf32>,
        %get3A_824 = arith.constant 0 : i32
        %get3A_825 = arith.constant 0 : i32
        %get3A_826 = tpu.memref_slice %arg10[%scan3A_227, %get3A_824, %get3A_825] : memref<2x40x128xf32, #tpu.memory_space<vmem>> -> memref<1x40x128xf32, #tpu.memory_space<vmem>>
        %get3A_827 = tpu.memref_squeeze %get3A_826 : memref<1x40x128xf32, #tpu.memory_space<vmem>> -> memref<40x128xf32, #tpu.memory_space<vmem>>
        %get3A_828 = arith.index_cast %add3A_789 : i32 to index
        %get3A_829 = arith.constant 16 : index
        %get3A_830 = tpu.vector_load %get3A_827[%get3A_828, %get3A_829] {strides = array<i32>} : memref<40x128xf32, #tpu.memory_space<vmem>>, vector<1x16xf32>,
        %get3A_831 = vector.shape_cast %get3A_830 : vector<1x16xf32> to vector<16xf32>
        %get3A_832 = arith.constant 0 : i32
        %get3A_833 = arith.constant 0 : i32
        %get3A_834 = tpu.memref_slice %arg11[%scan3A_228, %get3A_832, %get3A_833] : memref<2x40x128xf32, #tpu.memory_space<vmem>> -> memref<1x40x128xf32, #tpu.memory_space<vmem>>
        %get3A_835 = tpu.memref_squeeze %get3A_834 : memref<1x40x128xf32, #tpu.memory_space<vmem>> -> memref<40x128xf32, #tpu.memory_space<vmem>>
        %get3A_836 = arith.index_cast %add3A_789 : i32 to index
        %get3A_837 = arith.constant 80 : index
        %get3A_838 = tpu.vector_load %get3A_835[%get3A_836, %get3A_837] {strides = array<i32>} : memref<40x128xf32, #tpu.memory_space<vmem>>, vector<1x16xf32>,
        %get3A_839 = vector.shape_cast %get3A_838 : vector<1x16xf32> to vector<16xf32>
        %add3A_840 = arith.addf %get3A_831, %get3A_839 : vector<16xf32>
        %get3A_841 = arith.constant 0 : i32
        %get3A_842 = arith.constant 0 : i32
        %get3A_843 = tpu.memref_slice %arg12[%scan3A_229, %get3A_841, %get3A_842] : memref<2x40x64xf32, #tpu.memory_space<vmem>> -> memref<1x40x64xf32, #tpu.memory_space<vmem>>
        %get3A_844 = tpu.memref_squeeze %get3A_843 : memref<1x40x64xf32, #tpu.memory_space<vmem>> -> memref<40x64xf32, #tpu.memory_space<vmem>>
        %get3A_845 = arith.index_cast %add3A_789 : i32 to index
        %get3A_846 = arith.constant 16 : index
        %get3A_847 = tpu.vector_load %get3A_844[%get3A_845, %get3A_846] {strides = array<i32>} : memref<40x64xf32, #tpu.memory_space<vmem>>, vector<1x16xf32>,
        %get3A_848 = vector.shape_cast %get3A_847 : vector<1x16xf32> to vector<16xf32>
        %add3A_849 = arith.addf %add3A_840, %get3A_848 : vector<16xf32>
        %max3A_850 = arith.constant 0.000000e+00 : f32
        %max3A_851 = vector.broadcast %max3A_850 : f32 to vector<16xf32>
        %max3A_852 = arith.maximumf %add3A_849, %max3A_851 : vector<16xf32>
        %swap3A_853 = arith.index_cast %add3A_789 : i32 to index
        %swap3A_854 = arith.constant 16 : index
        %swap3A_855 = tpu.vector_load %arg13[%swap3A_853, %swap3A_854] {strides = array<i32>} : memref<40x128xf32, #tpu.memory_space<vmem>>, vector<1x16xf32>,
        %swap3A_856 = vector.shape_cast %swap3A_855 : vector<1x16xf32> to vector<16xf32>
        %swap3A_857 = vector.shape_cast %max3A_852 : vector<16xf32> to vector<1x16xf32>
        tpu.vector_store %arg13[%swap3A_853, %swap3A_854], %swap3A_857 {strides = array<i32>} : memref<40x128xf32, #tpu.memory_space<vmem>>, vector<1x16xf32>,
        %get3A_858 = arith.constant 0 : i32
        %get3A_859 = arith.constant 0 : i32
        %get3A_860 = tpu.memref_slice %arg10[%scan3A_227, %get3A_858, %get3A_859] : memref<2x40x128xf32, #tpu.memory_space<vmem>> -> memref<1x40x128xf32, #tpu.memory_space<vmem>>
        %get3A_861 = tpu.memref_squeeze %get3A_860 : memref<1x40x128xf32, #tpu.memory_space<vmem>> -> memref<40x128xf32, #tpu.memory_space<vmem>>
        %get3A_862 = arith.index_cast %add3A_789 : i32 to index
        %get3A_863 = arith.constant 32 : index
        %get3A_864 = tpu.vector_load %get3A_861[%get3A_862, %get3A_863] {strides = array<i32>} : memref<40x128xf32, #tpu.memory_space<vmem>>, vector<1x16xf32>,
        %get3A_865 = vector.shape_cast %get3A_864 : vector<1x16xf32> to vector<16xf32>
        %get3A_866 = arith.constant 0 : i32
        %get3A_867 = arith.constant 0 : i32
        %get3A_868 = tpu.memref_slice %arg11[%scan3A_228, %get3A_866, %get3A_867] : memref<2x40x128xf32, #tpu.memory_space<vmem>> -> memref<1x40x128xf32, #tpu.memory_space<vmem>>
        %get3A_869 = tpu.memref_squeeze %get3A_868 : memref<1x40x128xf32, #tpu.memory_space<vmem>> -> memref<40x128xf32, #tpu.memory_space<vmem>>
        %get3A_870 = arith.index_cast %add3A_789 : i32 to index
        %get3A_871 = arith.constant 96 : index
        %get3A_872 = tpu.vector_load %get3A_869[%get3A_870, %get3A_871] {strides = array<i32>} : memref<40x128xf32, #tpu.memory_space<vmem>>, vector<1x16xf32>,
        %get3A_873 = vector.shape_cast %get3A_872 : vector<1x16xf32> to vector<16xf32>
        %add3A_874 = arith.addf %get3A_865, %get3A_873 : vector<16xf32>
        %get3A_875 = arith.constant 0 : i32
        %get3A_876 = arith.constant 0 : i32
        %get3A_877 = tpu.memref_slice %arg12[%scan3A_229, %get3A_875, %get3A_876] : memref<2x40x64xf32, #tpu.memory_space<vmem>> -> memref<1x40x64xf32, #tpu.memory_space<vmem>>
        %get3A_878 = tpu.memref_squeeze %get3A_877 : memref<1x40x64xf32, #tpu.memory_space<vmem>> -> memref<40x64xf32, #tpu.memory_space<vmem>>
        %get3A_879 = arith.index_cast %add3A_789 : i32 to index
        %get3A_880 = arith.constant 32 : index
        %get3A_881 = tpu.vector_load %get3A_878[%get3A_879, %get3A_880] {strides = array<i32>} : memref<40x64xf32, #tpu.memory_space<vmem>>, vector<1x16xf32>,
        %get3A_882 = vector.shape_cast %get3A_881 : vector<1x16xf32> to vector<16xf32>
        %add3A_883 = arith.addf %add3A_874, %get3A_882 : vector<16xf32>
        %max3A_884 = arith.constant 0.000000e+00 : f32
        %max3A_885 = vector.broadcast %max3A_884 : f32 to vector<16xf32>
        %max3A_886 = arith.maximumf %add3A_883, %max3A_885 : vector<16xf32>
        %swap3A_887 = arith.index_cast %add3A_789 : i32 to index
        %swap3A_888 = arith.constant 32 : index
        %swap3A_889 = tpu.vector_load %arg13[%swap3A_887, %swap3A_888] {strides = array<i32>} : memref<40x128xf32, #tpu.memory_space<vmem>>, vector<1x16xf32>,
        %swap3A_890 = vector.shape_cast %swap3A_889 : vector<1x16xf32> to vector<16xf32>
        %swap3A_891 = vector.shape_cast %max3A_886 : vector<16xf32> to vector<1x16xf32>
        tpu.vector_store %arg13[%swap3A_887, %swap3A_888], %swap3A_891 {strides = array<i32>} : memref<40x128xf32, #tpu.memory_space<vmem>>, vector<1x16xf32>,
        %get3A_892 = arith.constant 0 : i32
        %get3A_893 = arith.constant 0 : i32
        %get3A_894 = tpu.memref_slice %arg10[%scan3A_227, %get3A_892, %get3A_893] : memref<2x40x128xf32, #tpu.memory_space<vmem>> -> memref<1x40x128xf32, #tpu.memory_space<vmem>>
        %get3A_895 = tpu.memref_squeeze %get3A_894 : memref<1x40x128xf32, #tpu.memory_space<vmem>> -> memref<40x128xf32, #tpu.memory_space<vmem>>
        %get3A_896 = arith.index_cast %add3A_789 : i32 to index
        %get3A_897 = arith.constant 48 : index
        %get3A_898 = tpu.vector_load %get3A_895[%get3A_896, %get3A_897] {strides = array<i32>} : memref<40x128xf32, #tpu.memory_space<vmem>>, vector<1x16xf32>,
        %get3A_899 = vector.shape_cast %get3A_898 : vector<1x16xf32> to vector<16xf32>
        %get3A_900 = arith.constant 0 : i32
        %get3A_901 = arith.constant 0 : i32
        %get3A_902 = tpu.memref_slice %arg11[%scan3A_228, %get3A_900, %get3A_901] : memref<2x40x128xf32, #tpu.memory_space<vmem>> -> memref<1x40x128xf32, #tpu.memory_space<vmem>>
        %get3A_903 = tpu.memref_squeeze %get3A_902 : memref<1x40x128xf32, #tpu.memory_space<vmem>> -> memref<40x128xf32, #tpu.memory_space<vmem>>
        %get3A_904 = arith.index_cast %add3A_789 : i32 to index
        %get3A_905 = arith.constant 112 : index
        %get3A_906 = tpu.vector_load %get3A_903[%get3A_904, %get3A_905] {strides = array<i32>} : memref<40x128xf32, #tpu.memory_space<vmem>>, vector<1x16xf32>,
        %get3A_907 = vector.shape_cast %get3A_906 : vector<1x16xf32> to vector<16xf32>
        %add3A_908 = arith.addf %get3A_899, %get3A_907 : vector<16xf32>
        %get3A_909 = arith.constant 0 : i32
        %get3A_910 = arith.constant 0 : i32
        %get3A_911 = tpu.memref_slice %arg12[%scan3A_229, %get3A_909, %get3A_910] : memref<2x40x64xf32, #tpu.memory_space<vmem>> -> memref<1x40x64xf32, #tpu.memory_space<vmem>>
        %get3A_912 = tpu.memref_squeeze %get3A_911 : memref<1x40x64xf32, #tpu.memory_space<vmem>> -> memref<40x64xf32, #tpu.memory_space<vmem>>
        %get3A_913 = arith.index_cast %add3A_789 : i32 to index
        %get3A_914 = arith.constant 48 : index
        %get3A_915 = tpu.vector_load %get3A_912[%get3A_913, %get3A_914] {strides = array<i32>} : memref<40x64xf32, #tpu.memory_space<vmem>>, vector<1x16xf32>,
        %get3A_916 = vector.shape_cast %get3A_915 : vector<1x16xf32> to vector<16xf32>
        %add3A_917 = arith.addf %add3A_908, %get3A_916 : vector<16xf32>
        %max3A_918 = arith.constant 0.000000e+00 : f32
        %max3A_919 = vector.broadcast %max3A_918 : f32 to vector<16xf32>
        %max3A_920 = arith.maximumf %add3A_917, %max3A_919 : vector<16xf32>
        %swap3A_921 = arith.index_cast %add3A_789 : i32 to index
        %swap3A_922 = arith.constant 48 : index
        %swap3A_923 = tpu.vector_load %arg13[%swap3A_921, %swap3A_922] {strides = array<i32>} : memref<40x128xf32, #tpu.memory_space<vmem>>, vector<1x16xf32>,
        %swap3A_924 = vector.shape_cast %swap3A_923 : vector<1x16xf32> to vector<16xf32>
        %swap3A_925 = vector.shape_cast %max3A_920 : vector<16xf32> to vector<1x16xf32>
        tpu.vector_store %arg13[%swap3A_921, %swap3A_922], %swap3A_925 {strides = array<i32>} : memref<40x128xf32, #tpu.memory_space<vmem>>, vector<1x16xf32>,
      }
      %scan3A_234 = arith.constant 10 : i32
      %run_scoped3A_235 = arith.constant 0 : i32
      "tpu.region"() ({
        %run_scoped3A_374 = tpu.sem_alloc : memref<!tpu.dma_semaphore, #tpu.memory_space<semaphore_mem>>
        %dma_start3A_375 = arith.constant 0 : i32
        %dma_start3A_376 = tpu.memref_slice %arg9[%run_scoped3A_235, %dma_start3A_375] : memref<2x40xi32, #tpu.memory_space<vmem>> -> memref<1x40xi32, #tpu.memory_space<vmem>>
        %dma_start3A_377 = tpu.memref_squeeze %dma_start3A_376 : memref<1x40xi32, #tpu.memory_space<vmem>> -> memref<40xi32, #tpu.memory_space<vmem>>
        %dma_start3A_378 = arith.constant 0 : i32
        %dma_start3A_379 = arith.constant 0 : i32
        %dma_start3A_380 = tpu.memref_slice %arg14[%dma_start3A_378, %dma_start3A_379] : memref<10112x128xf32, #tpu.memory_space<vmem_shared>> -> memref<10112x128xf32, #tpu.memory_space<vmem_shared>>
        tpu.enqueue_indirect_dma source(%arg13 : memref<40x128xf32, #tpu.memory_space<vmem>>) target(%dma_start3A_380 : memref<10112x128xf32, #tpu.memory_space<vmem_shared>>) offsets(%dma_start3A_377 : memref<40xi32, #tpu.memory_space<vmem>>) semaphore(%run_scoped3A_374 : memref<!tpu.dma_semaphore, #tpu.memory_space<semaphore_mem>>) {add = true}
        %dma_wait3A_381 = arith.constant 0 : i32
        %dma_wait3A_382 = tpu.memref_slice %arg9[%run_scoped3A_235, %dma_wait3A_381] : memref<2x40xi32, #tpu.memory_space<vmem>> -> memref<1x40xi32, #tpu.memory_space<vmem>>
        %dma_wait3A_383 = tpu.memref_squeeze %dma_wait3A_382 : memref<1x40xi32, #tpu.memory_space<vmem>> -> memref<40xi32, #tpu.memory_space<vmem>>
        %dma_wait3A_384 = arith.constant 0 : i32
        %dma_wait3A_385 = arith.constant 0 : i32
        %dma_wait3A_386 = tpu.memref_slice %arg14[%dma_wait3A_384, %dma_wait3A_385] : memref<10112x128xf32, #tpu.memory_space<vmem_shared>> -> memref<10112x128xf32, #tpu.memory_space<vmem_shared>>
        tpu.wait_indirect_dma semaphore(%run_scoped3A_374 : memref<!tpu.dma_semaphore, #tpu.memory_space<semaphore_mem>>) src(%arg13 : memref<40x128xf32, #tpu.memory_space<vmem>>) dst(%dma_wait3A_386 : memref<10112x128xf32, #tpu.memory_space<vmem_shared>>)
        tpu.yield
      }) : () -> ()
      %add3A_236 = arith.constant 80 : i32
      %add3A_237 = arith.addi %add3A_188, %add3A_236 : i32
      %min3A_238 = arith.constant 319960 : i32
      %min3A_239 = arith.minsi %add3A_237, %min3A_238 : i32
      %run_scoped3A_240 = arith.constant 0 : i32
      "tpu.region"() ({
        %run_scoped3A_374 = tpu.sem_alloc : memref<!tpu.dma_semaphore, #tpu.memory_space<semaphore_mem>>
        %dma_start3A_375 = arith.constant 0 : i32
        %dma_start3A_376 = tpu.memref_slice %arg8[%run_scoped3A_240, %dma_start3A_375] : memref<2x40xi32, #tpu.memory_space<vmem>> -> memref<1x40xi32, #tpu.memory_space<vmem>>
        %dma_start3A_377 = tpu.memref_squeeze %dma_start3A_376 : memref<1x40xi32, #tpu.memory_space<vmem>> -> memref<40xi32, #tpu.memory_space<vmem>>
        %dma_start3A_378 = tpu.memref_slice %arg4[%min3A_239] : memref<320000xi32, #tpu.memory_space<hbm>> -> memref<40xi32, #tpu.memory_space<hbm>>
        %dma_start3A_379 = arith.constant 0 : i32
        %dma_start3A_380 = tpu.memref_slice %arg8[%run_scoped3A_240, %dma_start3A_379] : memref<2x40xi32, #tpu.memory_space<vmem>> -> memref<1x40xi32, #tpu.memory_space<vmem>>
        %dma_start3A_381 = tpu.memref_squeeze %dma_start3A_380 : memref<1x40xi32, #tpu.memory_space<vmem>> -> memref<40xi32, #tpu.memory_space<vmem>>
        %dma_start3A_382 = tpu.memref_slice %arg4[%min3A_239] : memref<320000xi32, #tpu.memory_space<hbm>> -> memref<40xi32, #tpu.memory_space<hbm>>
        tpu.enqueue_dma source(%dma_start3A_382 : memref<40xi32, #tpu.memory_space<hbm>>) target(%dma_start3A_381 : memref<40xi32, #tpu.memory_space<vmem>>) target_semaphore(%run_scoped3A_374 : memref<!tpu.dma_semaphore, #tpu.memory_space<semaphore_mem>>)
        %dma_wait3A_383 = arith.constant 0 : i32
        %dma_wait3A_384 = tpu.memref_slice %arg8[%run_scoped3A_240, %dma_wait3A_383] : memref<2x40xi32, #tpu.memory_space<vmem>> -> memref<1x40xi32, #tpu.memory_space<vmem>>
        %dma_wait3A_385 = tpu.memref_squeeze %dma_wait3A_384 : memref<1x40xi32, #tpu.memory_space<vmem>> -> memref<40xi32, #tpu.memory_space<vmem>>
        %dma_wait3A_386 = tpu.memref_slice %arg4[%min3A_239] : memref<320000xi32, #tpu.memory_space<hbm>> -> memref<40xi32, #tpu.memory_space<hbm>>
        %dma_wait3A_387 = arith.constant 0 : i32
        %dma_wait3A_388 = tpu.memref_slice %arg8[%run_scoped3A_240, %dma_wait3A_387] : memref<2x40xi32, #tpu.memory_space<vmem>> -> memref<1x40xi32, #tpu.memory_space<vmem>>
        %dma_wait3A_389 = tpu.memref_squeeze %dma_wait3A_388 : memref<1x40xi32, #tpu.memory_space<vmem>> -> memref<40xi32, #tpu.memory_space<vmem>>
        %dma_wait3A_390 = tpu.memref_slice %arg4[%min3A_239] : memref<320000xi32, #tpu.memory_space<hbm>> -> memref<40xi32, #tpu.memory_space<hbm>>
        tpu.wait_dma2 semaphore(%run_scoped3A_374 : memref<!tpu.dma_semaphore, #tpu.memory_space<semaphore_mem>>) src(%dma_wait3A_390 : memref<40xi32, #tpu.memory_space<hbm>>) dst(%dma_wait3A_389 : memref<40xi32, #tpu.memory_space<vmem>>)
        tpu.yield
      }) : () -> ()
      %run_scoped3A_241 = arith.constant 0 : i32
      "tpu.region"() ({
        %run_scoped3A_374 = tpu.sem_alloc : memref<!tpu.dma_semaphore, #tpu.memory_space<semaphore_mem>>
        %dma_start3A_375 = arith.constant 0 : i32
        %dma_start3A_376 = tpu.memref_slice %arg9[%run_scoped3A_241, %dma_start3A_375] : memref<2x40xi32, #tpu.memory_space<vmem>> -> memref<1x40xi32, #tpu.memory_space<vmem>>
        %dma_start3A_377 = tpu.memref_squeeze %dma_start3A_376 : memref<1x40xi32, #tpu.memory_space<vmem>> -> memref<40xi32, #tpu.memory_space<vmem>>
        %dma_start3A_378 = tpu.memref_slice %arg5[%min3A_239] : memref<320000xi32, #tpu.memory_space<hbm>> -> memref<40xi32, #tpu.memory_space<hbm>>
        %dma_start3A_379 = arith.constant 0 : i32
        %dma_start3A_380 = tpu.memref_slice %arg9[%run_scoped3A_241, %dma_start3A_379] : memref<2x40xi32, #tpu.memory_space<vmem>> -> memref<1x40xi32, #tpu.memory_space<vmem>>
        %dma_start3A_381 = tpu.memref_squeeze %dma_start3A_380 : memref<1x40xi32, #tpu.memory_space<vmem>> -> memref<40xi32, #tpu.memory_space<vmem>>
        %dma_start3A_382 = tpu.memref_slice %arg5[%min3A_239] : memref<320000xi32, #tpu.memory_space<hbm>> -> memref<40xi32, #tpu.memory_space<hbm>>
        tpu.enqueue_dma source(%dma_start3A_382 : memref<40xi32, #tpu.memory_space<hbm>>) target(%dma_start3A_381 : memref<40xi32, #tpu.memory_space<vmem>>) target_semaphore(%run_scoped3A_374 : memref<!tpu.dma_semaphore, #tpu.memory_space<semaphore_mem>>)
        %dma_wait3A_383 = arith.constant 0 : i32
        %dma_wait3A_384 = tpu.memref_slice %arg9[%run_scoped3A_241, %dma_wait3A_383] : memref<2x40xi32, #tpu.memory_space<vmem>> -> memref<1x40xi32, #tpu.memory_space<vmem>>
        %dma_wait3A_385 = tpu.memref_squeeze %dma_wait3A_384 : memref<1x40xi32, #tpu.memory_space<vmem>> -> memref<40xi32, #tpu.memory_space<vmem>>
        %dma_wait3A_386 = tpu.memref_slice %arg5[%min3A_239] : memref<320000xi32, #tpu.memory_space<hbm>> -> memref<40xi32, #tpu.memory_space<hbm>>
        %dma_wait3A_387 = arith.constant 0 : i32
        %dma_wait3A_388 = tpu.memref_slice %arg9[%run_scoped3A_241, %dma_wait3A_387] : memref<2x40xi32, #tpu.memory_space<vmem>> -> memref<1x40xi32, #tpu.memory_space<vmem>>
        %dma_wait3A_389 = tpu.memref_squeeze %dma_wait3A_388 : memref<1x40xi32, #tpu.memory_space<vmem>> -> memref<40xi32, #tpu.memory_space<vmem>>
        %dma_wait3A_390 = tpu.memref_slice %arg5[%min3A_239] : memref<320000xi32, #tpu.memory_space<hbm>> -> memref<40xi32, #tpu.memory_space<hbm>>
        tpu.wait_dma2 semaphore(%run_scoped3A_374 : memref<!tpu.dma_semaphore, #tpu.memory_space<semaphore_mem>>) src(%dma_wait3A_390 : memref<40xi32, #tpu.memory_space<hbm>>) dst(%dma_wait3A_389 : memref<40xi32, #tpu.memory_space<vmem>>)
        tpu.yield
      }) : () -> ()
      %dma_start3A_242 = arith.constant 0 : i32
      %dma_start3A_243 = arith.constant 0 : i32
      %dma_start3A_244 = arith.constant 0 : i32
      %dma_start3A_245 = arith.constant 0 : i32
      %dma_start3A_246 = tpu.memref_slice %arg10[%dma_start3A_243, %dma_start3A_244, %dma_start3A_245] : memref<2x40x128xf32, #tpu.memory_space<vmem>> -> memref<1x40x128xf32, #tpu.memory_space<vmem>>
      %dma_start3A_247 = tpu.memref_squeeze %dma_start3A_246 : memref<1x40x128xf32, #tpu.memory_space<vmem>> -> memref<40x128xf32, #tpu.memory_space<vmem>>
      %dma_start3A_248 = arith.constant 0 : i32
      %dma_start3A_249 = tpu.memref_slice %arg9[%dma_start3A_242, %dma_start3A_248] : memref<2x40xi32, #tpu.memory_space<vmem>> -> memref<1x40xi32, #tpu.memory_space<vmem>>
      %dma_start3A_250 = tpu.memref_squeeze %dma_start3A_249 : memref<1x40xi32, #tpu.memory_space<vmem>> -> memref<40xi32, #tpu.memory_space<vmem>>
      %dma_start3A_251 = arith.constant 0 : i32
      %dma_start3A_252 = arith.constant 0 : i32
      %dma_start3A_253 = tpu.memref_slice %arg2[%dma_start3A_251, %dma_start3A_252] : memref<10000x128xf32, #tpu.memory_space<hbm>> -> memref<10000x128xf32, #tpu.memory_space<hbm>>
      tpu.enqueue_indirect_dma source(%dma_start3A_253 : memref<10000x128xf32, #tpu.memory_space<hbm>>) target(%dma_start3A_247 : memref<40x128xf32, #tpu.memory_space<vmem>>) offsets(%dma_start3A_250 : memref<40xi32, #tpu.memory_space<vmem>>) semaphore(%arg15 : memref<!tpu.dma_semaphore, #tpu.memory_space<semaphore_mem>>)
      %dma_start3A_254 = arith.constant 0 : i32
      %dma_start3A_255 = arith.constant 0 : i32
      %dma_start3A_256 = arith.constant 0 : i32
      %dma_start3A_257 = arith.constant 0 : i32
      %dma_start3A_258 = tpu.memref_slice %arg11[%dma_start3A_255, %dma_start3A_256, %dma_start3A_257] : memref<2x40x128xf32, #tpu.memory_space<vmem>> -> memref<1x40x128xf32, #tpu.memory_space<vmem>>
      %dma_start3A_259 = tpu.memref_squeeze %dma_start3A_258 : memref<1x40x128xf32, #tpu.memory_space<vmem>> -> memref<40x128xf32, #tpu.memory_space<vmem>>
      %dma_start3A_260 = arith.constant 0 : i32
      %dma_start3A_261 = tpu.memref_slice %arg8[%dma_start3A_254, %dma_start3A_260] : memref<2x40xi32, #tpu.memory_space<vmem>> -> memref<1x40xi32, #tpu.memory_space<vmem>>
      %dma_start3A_262 = tpu.memref_squeeze %dma_start3A_261 : memref<1x40xi32, #tpu.memory_space<vmem>> -> memref<40xi32, #tpu.memory_space<vmem>>
      %dma_start3A_263 = arith.constant 0 : i32
      %dma_start3A_264 = arith.constant 0 : i32
      %dma_start3A_265 = tpu.memref_slice %arg2[%dma_start3A_263, %dma_start3A_264] : memref<10000x128xf32, #tpu.memory_space<hbm>> -> memref<10000x128xf32, #tpu.memory_space<hbm>>
      tpu.enqueue_indirect_dma source(%dma_start3A_265 : memref<10000x128xf32, #tpu.memory_space<hbm>>) target(%dma_start3A_259 : memref<40x128xf32, #tpu.memory_space<vmem>>) offsets(%dma_start3A_262 : memref<40xi32, #tpu.memory_space<vmem>>) semaphore(%arg16 : memref<!tpu.dma_semaphore, #tpu.memory_space<semaphore_mem>>)
      %dma_start3A_266 = arith.constant 0 : i32
      %dma_start3A_267 = arith.constant 0 : i32
      %dma_start3A_268 = arith.constant 0 : i32
      %dma_start3A_269 = tpu.memref_slice %arg12[%dma_start3A_266, %dma_start3A_267, %dma_start3A_268] : memref<2x40x64xf32, #tpu.memory_space<vmem>> -> memref<1x40x64xf32, #tpu.memory_space<vmem>>
      %dma_start3A_270 = tpu.memref_squeeze %dma_start3A_269 : memref<1x40x64xf32, #tpu.memory_space<vmem>> -> memref<40x64xf32, #tpu.memory_space<vmem>>
      %dma_start3A_271 = arith.constant 0 : i32
      %dma_start3A_272 = tpu.memref_slice %arg3[%min3A_239, %dma_start3A_271] : memref<320000x64xf32, #tpu.memory_space<hbm>> -> memref<40x64xf32, #tpu.memory_space<hbm>>
      %dma_start3A_273 = arith.constant 0 : i32
      %dma_start3A_274 = arith.constant 0 : i32
      %dma_start3A_275 = tpu.memref_slice %arg12[%dma_start3A_266, %dma_start3A_273, %dma_start3A_274] : memref<2x40x64xf32, #tpu.memory_space<vmem>> -> memref<1x40x64xf32, #tpu.memory_space<vmem>>
      %dma_start3A_276 = tpu.memref_squeeze %dma_start3A_275 : memref<1x40x64xf32, #tpu.memory_space<vmem>> -> memref<40x64xf32, #tpu.memory_space<vmem>>
      %dma_start3A_277 = arith.constant 0 : i32
      %dma_start3A_278 = tpu.memref_slice %arg3[%min3A_239, %dma_start3A_277] : memref<320000x64xf32, #tpu.memory_space<hbm>> -> memref<40x64xf32, #tpu.memory_space<hbm>>
      tpu.enqueue_dma source(%dma_start3A_278 : memref<40x64xf32, #tpu.memory_space<hbm>>) target(%dma_start3A_276 : memref<40x64xf32, #tpu.memory_space<vmem>>) target_semaphore(%arg17 : memref<!tpu.dma_semaphore, #tpu.memory_space<semaphore_mem>>)
      %add3A_279 = arith.constant 1 : i32
      %add3A_280 = arith.addi %mul3A_183, %add3A_279 : i32
      %mul3A_281 = arith.constant 40 : i32
      %mul3A_282 = arith.muli %add3A_280, %mul3A_281 : i32
      %add3A_283 = arith.addi %mul3A_2, %mul3A_282 : i32
      %dma_wait3A_284 = arith.constant 1 : i32
      %dma_wait3A_285 = arith.constant 1 : i32
      %dma_wait3A_286 = arith.constant 0 : i32
      %dma_wait3A_287 = arith.constant 0 : i32
      %dma_wait3A_288 = tpu.memref_slice %arg10[%dma_wait3A_285, %dma_wait3A_286, %dma_wait3A_287] : memref<2x40x128xf32, #tpu.memory_space<vmem>> -> memref<1x40x128xf32, #tpu.memory_space<vmem>>
      %dma_wait3A_289 = tpu.memref_squeeze %dma_wait3A_288 : memref<1x40x128xf32, #tpu.memory_space<vmem>> -> memref<40x128xf32, #tpu.memory_space<vmem>>
      %dma_wait3A_290 = arith.constant 0 : i32
      %dma_wait3A_291 = tpu.memref_slice %arg9[%dma_wait3A_284, %dma_wait3A_290] : memref<2x40xi32, #tpu.memory_space<vmem>> -> memref<1x40xi32, #tpu.memory_space<vmem>>
      %dma_wait3A_292 = tpu.memref_squeeze %dma_wait3A_291 : memref<1x40xi32, #tpu.memory_space<vmem>> -> memref<40xi32, #tpu.memory_space<vmem>>
      %dma_wait3A_293 = arith.constant 0 : i32
      %dma_wait3A_294 = arith.constant 0 : i32
      %dma_wait3A_295 = tpu.memref_slice %arg2[%dma_wait3A_293, %dma_wait3A_294] : memref<10000x128xf32, #tpu.memory_space<hbm>> -> memref<10000x128xf32, #tpu.memory_space<hbm>>
      tpu.wait_indirect_dma semaphore(%arg18 : memref<!tpu.dma_semaphore, #tpu.memory_space<semaphore_mem>>) src(%dma_wait3A_295 : memref<10000x128xf32, #tpu.memory_space<hbm>>) dst(%dma_wait3A_289 : memref<40x128xf32, #tpu.memory_space<vmem>>)
      %dma_wait3A_296 = arith.constant 1 : i32
      %dma_wait3A_297 = arith.constant 1 : i32
      %dma_wait3A_298 = arith.constant 0 : i32
      %dma_wait3A_299 = arith.constant 0 : i32
      %dma_wait3A_300 = tpu.memref_slice %arg11[%dma_wait3A_297, %dma_wait3A_298, %dma_wait3A_299] : memref<2x40x128xf32, #tpu.memory_space<vmem>> -> memref<1x40x128xf32, #tpu.memory_space<vmem>>
      %dma_wait3A_301 = tpu.memref_squeeze %dma_wait3A_300 : memref<1x40x128xf32, #tpu.memory_space<vmem>> -> memref<40x128xf32, #tpu.memory_space<vmem>>
      %dma_wait3A_302 = arith.constant 0 : i32
      %dma_wait3A_303 = tpu.memref_slice %arg8[%dma_wait3A_296, %dma_wait3A_302] : memref<2x40xi32, #tpu.memory_space<vmem>> -> memref<1x40xi32, #tpu.memory_space<vmem>>
      %dma_wait3A_304 = tpu.memref_squeeze %dma_wait3A_303 : memref<1x40xi32, #tpu.memory_space<vmem>> -> memref<40xi32, #tpu.memory_space<vmem>>
      %dma_wait3A_305 = arith.constant 0 : i32
      %dma_wait3A_306 = arith.constant 0 : i32
      %dma_wait3A_307 = tpu.memref_slice %arg2[%dma_wait3A_305, %dma_wait3A_306] : memref<10000x128xf32, #tpu.memory_space<hbm>> -> memref<10000x128xf32, #tpu.memory_space<hbm>>
      tpu.wait_indirect_dma semaphore(%arg19 : memref<!tpu.dma_semaphore, #tpu.memory_space<semaphore_mem>>) src(%dma_wait3A_307 : memref<10000x128xf32, #tpu.memory_space<hbm>>) dst(%dma_wait3A_301 : memref<40x128xf32, #tpu.memory_space<vmem>>)
      %dma_wait3A_308 = arith.constant 1 : i32
      %dma_wait3A_309 = arith.constant 0 : i32
      %dma_wait3A_310 = arith.constant 0 : i32
      %dma_wait3A_311 = tpu.memref_slice %arg12[%dma_wait3A_308, %dma_wait3A_309, %dma_wait3A_310] : memref<2x40x64xf32, #tpu.memory_space<vmem>> -> memref<1x40x64xf32, #tpu.memory_space<vmem>>
      %dma_wait3A_312 = tpu.memref_squeeze %dma_wait3A_311 : memref<1x40x64xf32, #tpu.memory_space<vmem>> -> memref<40x64xf32, #tpu.memory_space<vmem>>
      %dma_wait3A_313 = arith.constant 0 : i32
      %dma_wait3A_314 = tpu.memref_slice %arg3[%add3A_283, %dma_wait3A_313] : memref<320000x64xf32, #tpu.memory_space<hbm>> -> memref<40x64xf32, #tpu.memory_space<hbm>>
      %dma_wait3A_315 = arith.constant 0 : i32
      %dma_wait3A_316 = arith.constant 0 : i32
      %dma_wait3A_317 = tpu.memref_slice %arg12[%dma_wait3A_308, %dma_wait3A_315, %dma_wait3A_316] : memref<2x40x64xf32, #tpu.memory_space<vmem>> -> memref<1x40x64xf32, #tpu.memory_space<vmem>>
      %dma_wait3A_318 = tpu.memref_squeeze %dma_wait3A_317 : memref<1x40x64xf32, #tpu.memory_space<vmem>> -> memref<40x64xf32, #tpu.memory_space<vmem>>
      %dma_wait3A_319 = arith.constant 0 : i32
      %dma_wait3A_320 = tpu.memref_slice %arg3[%add3A_283, %dma_wait3A_319] : memref<320000x64xf32, #tpu.memory_space<hbm>> -> memref<40x64xf32, #tpu.memory_space<hbm>>
      tpu.wait_dma2 semaphore(%arg20 : memref<!tpu.dma_semaphore, #tpu.memory_space<semaphore_mem>>) src(%dma_wait3A_320 : memref<40x64xf32, #tpu.memory_space<hbm>>) dst(%dma_wait3A_318 : memref<40x64xf32, #tpu.memory_space<vmem>>)
      %scan3A_321 = arith.constant 0 : i32
      %scan3A_322 = arith.constant 1 : i32
      %scan3A_323 = arith.constant 1 : i32
      %scan3A_324 = arith.constant 1 : i32
      %scan3A_325 = arith.constant 0 : i32
      %scan3A_326 = arith.constant 10 : i32
      %scan3A_327 = arith.addi %scan3A_325, %scan3A_326 : i32
      %scan3A_328 = arith.constant 1 : i32
      scf.for %scan3A_374 = %scan3A_325 to %scan3A_327 step %scan3A_328  : i32 {
        %mul3A_375 = arith.constant 4 : i32
        %mul3A_376 = arith.muli %scan3A_374, %mul3A_375 : i32
        %add3A_377 = arith.constant 0 : i32
        %add3A_378 = arith.addi %mul3A_376, %add3A_377 : i32
        %get3A = arith.constant 0 : i32
        %get3A_379 = arith.constant 0 : i32
        %get3A_380 = tpu.memref_slice %arg10[%scan3A_322, %get3A, %get3A_379] : memref<2x40x128xf32, #tpu.memory_space<vmem>> -> memref<1x40x128xf32, #tpu.memory_space<vmem>>
        %get3A_381 = tpu.memref_squeeze %get3A_380 : memref<1x40x128xf32, #tpu.memory_space<vmem>> -> memref<40x128xf32, #tpu.memory_space<vmem>>
        %get3A_382 = arith.index_cast %add3A_378 : i32 to index
        %get3A_383 = arith.constant 0 : index
        %get3A_384 = tpu.vector_load %get3A_381[%get3A_382, %get3A_383] {strides = array<i32>} : memref<40x128xf32, #tpu.memory_space<vmem>>, vector<1x16xf32>,
        %get3A_385 = vector.shape_cast %get3A_384 : vector<1x16xf32> to vector<16xf32>
        %get3A_386 = arith.constant 0 : i32
        %get3A_387 = arith.constant 0 : i32
        %get3A_388 = tpu.memref_slice %arg11[%scan3A_323, %get3A_386, %get3A_387] : memref<2x40x128xf32, #tpu.memory_space<vmem>> -> memref<1x40x128xf32, #tpu.memory_space<vmem>>
        %get3A_389 = tpu.memref_squeeze %get3A_388 : memref<1x40x128xf32, #tpu.memory_space<vmem>> -> memref<40x128xf32, #tpu.memory_space<vmem>>
        %get3A_390 = arith.index_cast %add3A_378 : i32 to index
        %get3A_391 = arith.constant 64 : index
        %get3A_392 = tpu.vector_load %get3A_389[%get3A_390, %get3A_391] {strides = array<i32>} : memref<40x128xf32, #tpu.memory_space<vmem>>, vector<1x16xf32>,
        %get3A_393 = vector.shape_cast %get3A_392 : vector<1x16xf32> to vector<16xf32>
        %add3A_394 = arith.addf %get3A_385, %get3A_393 : vector<16xf32>
        %get3A_395 = arith.constant 0 : i32
        %get3A_396 = arith.constant 0 : i32
        %get3A_397 = tpu.memref_slice %arg12[%scan3A_324, %get3A_395, %get3A_396] : memref<2x40x64xf32, #tpu.memory_space<vmem>> -> memref<1x40x64xf32, #tpu.memory_space<vmem>>
        %get3A_398 = tpu.memref_squeeze %get3A_397 : memref<1x40x64xf32, #tpu.memory_space<vmem>> -> memref<40x64xf32, #tpu.memory_space<vmem>>
        %get3A_399 = arith.index_cast %add3A_378 : i32 to index
        %get3A_400 = arith.constant 0 : index
        %get3A_401 = tpu.vector_load %get3A_398[%get3A_399, %get3A_400] {strides = array<i32>} : memref<40x64xf32, #tpu.memory_space<vmem>>, vector<1x16xf32>,
        %get3A_402 = vector.shape_cast %get3A_401 : vector<1x16xf32> to vector<16xf32>
        %add3A_403 = arith.addf %add3A_394, %get3A_402 : vector<16xf32>
        %max3A = arith.constant 0.000000e+00 : f32
        %max3A_404 = vector.broadcast %max3A : f32 to vector<16xf32>
        %max3A_405 = arith.maximumf %add3A_403, %max3A_404 : vector<16xf32>
        %swap3A = arith.index_cast %add3A_378 : i32 to index
        %swap3A_406 = arith.constant 0 : index
        %swap3A_407 = tpu.vector_load %arg13[%swap3A, %swap3A_406] {strides = array<i32>} : memref<40x128xf32, #tpu.memory_space<vmem>>, vector<1x16xf32>,
        %swap3A_408 = vector.shape_cast %swap3A_407 : vector<1x16xf32> to vector<16xf32>
        %swap3A_409 = vector.shape_cast %max3A_405 : vector<16xf32> to vector<1x16xf32>
        tpu.vector_store %arg13[%swap3A, %swap3A_406], %swap3A_409 {strides = array<i32>} : memref<40x128xf32, #tpu.memory_space<vmem>>, vector<1x16xf32>,
        %get3A_410 = arith.constant 0 : i32
        %get3A_411 = arith.constant 0 : i32
        %get3A_412 = tpu.memref_slice %arg10[%scan3A_322, %get3A_410, %get3A_411] : memref<2x40x128xf32, #tpu.memory_space<vmem>> -> memref<1x40x128xf32, #tpu.memory_space<vmem>>
        %get3A_413 = tpu.memref_squeeze %get3A_412 : memref<1x40x128xf32, #tpu.memory_space<vmem>> -> memref<40x128xf32, #tpu.memory_space<vmem>>
        %get3A_414 = arith.index_cast %add3A_378 : i32 to index
        %get3A_415 = arith.constant 16 : index
        %get3A_416 = tpu.vector_load %get3A_413[%get3A_414, %get3A_415] {strides = array<i32>} : memref<40x128xf32, #tpu.memory_space<vmem>>, vector<1x16xf32>,
        %get3A_417 = vector.shape_cast %get3A_416 : vector<1x16xf32> to vector<16xf32>
        %get3A_418 = arith.constant 0 : i32
        %get3A_419 = arith.constant 0 : i32
        %get3A_420 = tpu.memref_slice %arg11[%scan3A_323, %get3A_418, %get3A_419] : memref<2x40x128xf32, #tpu.memory_space<vmem>> -> memref<1x40x128xf32, #tpu.memory_space<vmem>>
        %get3A_421 = tpu.memref_squeeze %get3A_420 : memref<1x40x128xf32, #tpu.memory_space<vmem>> -> memref<40x128xf32, #tpu.memory_space<vmem>>
        %get3A_422 = arith.index_cast %add3A_378 : i32 to index
        %get3A_423 = arith.constant 80 : index
        %get3A_424 = tpu.vector_load %get3A_421[%get3A_422, %get3A_423] {strides = array<i32>} : memref<40x128xf32, #tpu.memory_space<vmem>>, vector<1x16xf32>,
        %get3A_425 = vector.shape_cast %get3A_424 : vector<1x16xf32> to vector<16xf32>
        %add3A_426 = arith.addf %get3A_417, %get3A_425 : vector<16xf32>
        %get3A_427 = arith.constant 0 : i32
        %get3A_428 = arith.constant 0 : i32
        %get3A_429 = tpu.memref_slice %arg12[%scan3A_324, %get3A_427, %get3A_428] : memref<2x40x64xf32, #tpu.memory_space<vmem>> -> memref<1x40x64xf32, #tpu.memory_space<vmem>>
        %get3A_430 = tpu.memref_squeeze %get3A_429 : memref<1x40x64xf32, #tpu.memory_space<vmem>> -> memref<40x64xf32, #tpu.memory_space<vmem>>
        %get3A_431 = arith.index_cast %add3A_378 : i32 to index
        %get3A_432 = arith.constant 16 : index
        %get3A_433 = tpu.vector_load %get3A_430[%get3A_431, %get3A_432] {strides = array<i32>} : memref<40x64xf32, #tpu.memory_space<vmem>>, vector<1x16xf32>,
        %get3A_434 = vector.shape_cast %get3A_433 : vector<1x16xf32> to vector<16xf32>
        %add3A_435 = arith.addf %add3A_426, %get3A_434 : vector<16xf32>
        %max3A_436 = arith.constant 0.000000e+00 : f32
        %max3A_437 = vector.broadcast %max3A_436 : f32 to vector<16xf32>
        %max3A_438 = arith.maximumf %add3A_435, %max3A_437 : vector<16xf32>
        %swap3A_439 = arith.index_cast %add3A_378 : i32 to index
        %swap3A_440 = arith.constant 16 : index
        %swap3A_441 = tpu.vector_load %arg13[%swap3A_439, %swap3A_440] {strides = array<i32>} : memref<40x128xf32, #tpu.memory_space<vmem>>, vector<1x16xf32>,
        %swap3A_442 = vector.shape_cast %swap3A_441 : vector<1x16xf32> to vector<16xf32>
        %swap3A_443 = vector.shape_cast %max3A_438 : vector<16xf32> to vector<1x16xf32>
        tpu.vector_store %arg13[%swap3A_439, %swap3A_440], %swap3A_443 {strides = array<i32>} : memref<40x128xf32, #tpu.memory_space<vmem>>, vector<1x16xf32>,
        %get3A_444 = arith.constant 0 : i32
        %get3A_445 = arith.constant 0 : i32
        %get3A_446 = tpu.memref_slice %arg10[%scan3A_322, %get3A_444, %get3A_445] : memref<2x40x128xf32, #tpu.memory_space<vmem>> -> memref<1x40x128xf32, #tpu.memory_space<vmem>>
        %get3A_447 = tpu.memref_squeeze %get3A_446 : memref<1x40x128xf32, #tpu.memory_space<vmem>> -> memref<40x128xf32, #tpu.memory_space<vmem>>
        %get3A_448 = arith.index_cast %add3A_378 : i32 to index
        %get3A_449 = arith.constant 32 : index
        %get3A_450 = tpu.vector_load %get3A_447[%get3A_448, %get3A_449] {strides = array<i32>} : memref<40x128xf32, #tpu.memory_space<vmem>>, vector<1x16xf32>,
        %get3A_451 = vector.shape_cast %get3A_450 : vector<1x16xf32> to vector<16xf32>
        %get3A_452 = arith.constant 0 : i32
        %get3A_453 = arith.constant 0 : i32
        %get3A_454 = tpu.memref_slice %arg11[%scan3A_323, %get3A_452, %get3A_453] : memref<2x40x128xf32, #tpu.memory_space<vmem>> -> memref<1x40x128xf32, #tpu.memory_space<vmem>>
        %get3A_455 = tpu.memref_squeeze %get3A_454 : memref<1x40x128xf32, #tpu.memory_space<vmem>> -> memref<40x128xf32, #tpu.memory_space<vmem>>
        %get3A_456 = arith.index_cast %add3A_378 : i32 to index
        %get3A_457 = arith.constant 96 : index
        %get3A_458 = tpu.vector_load %get3A_455[%get3A_456, %get3A_457] {strides = array<i32>} : memref<40x128xf32, #tpu.memory_space<vmem>>, vector<1x16xf32>,
        %get3A_459 = vector.shape_cast %get3A_458 : vector<1x16xf32> to vector<16xf32>
        %add3A_460 = arith.addf %get3A_451, %get3A_459 : vector<16xf32>
        %get3A_461 = arith.constant 0 : i32
        %get3A_462 = arith.constant 0 : i32
        %get3A_463 = tpu.memref_slice %arg12[%scan3A_324, %get3A_461, %get3A_462] : memref<2x40x64xf32, #tpu.memory_space<vmem>> -> memref<1x40x64xf32, #tpu.memory_space<vmem>>
        %get3A_464 = tpu.memref_squeeze %get3A_463 : memref<1x40x64xf32, #tpu.memory_space<vmem>> -> memref<40x64xf32, #tpu.memory_space<vmem>>
        %get3A_465 = arith.index_cast %add3A_378 : i32 to index
        %get3A_466 = arith.constant 32 : index
        %get3A_467 = tpu.vector_load %get3A_464[%get3A_465, %get3A_466] {strides = array<i32>} : memref<40x64xf32, #tpu.memory_space<vmem>>, vector<1x16xf32>,
        %get3A_468 = vector.shape_cast %get3A_467 : vector<1x16xf32> to vector<16xf32>
        %add3A_469 = arith.addf %add3A_460, %get3A_468 : vector<16xf32>
        %max3A_470 = arith.constant 0.000000e+00 : f32
        %max3A_471 = vector.broadcast %max3A_470 : f32 to vector<16xf32>
        %max3A_472 = arith.maximumf %add3A_469, %max3A_471 : vector<16xf32>
        %swap3A_473 = arith.index_cast %add3A_378 : i32 to index
        %swap3A_474 = arith.constant 32 : index
        %swap3A_475 = tpu.vector_load %arg13[%swap3A_473, %swap3A_474] {strides = array<i32>} : memref<40x128xf32, #tpu.memory_space<vmem>>, vector<1x16xf32>,
        %swap3A_476 = vector.shape_cast %swap3A_475 : vector<1x16xf32> to vector<16xf32>
        %swap3A_477 = vector.shape_cast %max3A_472 : vector<16xf32> to vector<1x16xf32>
        tpu.vector_store %arg13[%swap3A_473, %swap3A_474], %swap3A_477 {strides = array<i32>} : memref<40x128xf32, #tpu.memory_space<vmem>>, vector<1x16xf32>,
        %get3A_478 = arith.constant 0 : i32
        %get3A_479 = arith.constant 0 : i32
        %get3A_480 = tpu.memref_slice %arg10[%scan3A_322, %get3A_478, %get3A_479] : memref<2x40x128xf32, #tpu.memory_space<vmem>> -> memref<1x40x128xf32, #tpu.memory_space<vmem>>
        %get3A_481 = tpu.memref_squeeze %get3A_480 : memref<1x40x128xf32, #tpu.memory_space<vmem>> -> memref<40x128xf32, #tpu.memory_space<vmem>>
        %get3A_482 = arith.index_cast %add3A_378 : i32 to index
        %get3A_483 = arith.constant 48 : index
        %get3A_484 = tpu.vector_load %get3A_481[%get3A_482, %get3A_483] {strides = array<i32>} : memref<40x128xf32, #tpu.memory_space<vmem>>, vector<1x16xf32>,
        %get3A_485 = vector.shape_cast %get3A_484 : vector<1x16xf32> to vector<16xf32>
        %get3A_486 = arith.constant 0 : i32
        %get3A_487 = arith.constant 0 : i32
        %get3A_488 = tpu.memref_slice %arg11[%scan3A_323, %get3A_486, %get3A_487] : memref<2x40x128xf32, #tpu.memory_space<vmem>> -> memref<1x40x128xf32, #tpu.memory_space<vmem>>
        %get3A_489 = tpu.memref_squeeze %get3A_488 : memref<1x40x128xf32, #tpu.memory_space<vmem>> -> memref<40x128xf32, #tpu.memory_space<vmem>>
        %get3A_490 = arith.index_cast %add3A_378 : i32 to index
        %get3A_491 = arith.constant 112 : index
        %get3A_492 = tpu.vector_load %get3A_489[%get3A_490, %get3A_491] {strides = array<i32>} : memref<40x128xf32, #tpu.memory_space<vmem>>, vector<1x16xf32>,
        %get3A_493 = vector.shape_cast %get3A_492 : vector<1x16xf32> to vector<16xf32>
        %add3A_494 = arith.addf %get3A_485, %get3A_493 : vector<16xf32>
        %get3A_495 = arith.constant 0 : i32
        %get3A_496 = arith.constant 0 : i32
        %get3A_497 = tpu.memref_slice %arg12[%scan3A_324, %get3A_495, %get3A_496] : memref<2x40x64xf32, #tpu.memory_space<vmem>> -> memref<1x40x64xf32, #tpu.memory_space<vmem>>
        %get3A_498 = tpu.memref_squeeze %get3A_497 : memref<1x40x64xf32, #tpu.memory_space<vmem>> -> memref<40x64xf32, #tpu.memory_space<vmem>>
        %get3A_499 = arith.index_cast %add3A_378 : i32 to index
        %get3A_500 = arith.constant 48 : index
        %get3A_501 = tpu.vector_load %get3A_498[%get3A_499, %get3A_500] {strides = array<i32>} : memref<40x64xf32, #tpu.memory_space<vmem>>, vector<1x16xf32>,
        %get3A_502 = vector.shape_cast %get3A_501 : vector<1x16xf32> to vector<16xf32>
        %add3A_503 = arith.addf %add3A_494, %get3A_502 : vector<16xf32>
        %max3A_504 = arith.constant 0.000000e+00 : f32
        %max3A_505 = vector.broadcast %max3A_504 : f32 to vector<16xf32>
        %max3A_506 = arith.maximumf %add3A_503, %max3A_505 : vector<16xf32>
        %swap3A_507 = arith.index_cast %add3A_378 : i32 to index
        %swap3A_508 = arith.constant 48 : index
        %swap3A_509 = tpu.vector_load %arg13[%swap3A_507, %swap3A_508] {strides = array<i32>} : memref<40x128xf32, #tpu.memory_space<vmem>>, vector<1x16xf32>,
        %swap3A_510 = vector.shape_cast %swap3A_509 : vector<1x16xf32> to vector<16xf32>
        %swap3A_511 = vector.shape_cast %max3A_506 : vector<16xf32> to vector<1x16xf32>
        tpu.vector_store %arg13[%swap3A_507, %swap3A_508], %swap3A_511 {strides = array<i32>} : memref<40x128xf32, #tpu.memory_space<vmem>>, vector<1x16xf32>,
        %add3A_512 = arith.constant 1 : i32
        %add3A_513 = arith.addi %mul3A_376, %add3A_512 : i32
        %get3A_514 = arith.constant 0 : i32
        %get3A_515 = arith.constant 0 : i32
        %get3A_516 = tpu.memref_slice %arg10[%scan3A_322, %get3A_514, %get3A_515] : memref<2x40x128xf32, #tpu.memory_space<vmem>> -> memref<1x40x128xf32, #tpu.memory_space<vmem>>
        %get3A_517 = tpu.memref_squeeze %get3A_516 : memref<1x40x128xf32, #tpu.memory_space<vmem>> -> memref<40x128xf32, #tpu.memory_space<vmem>>
        %get3A_518 = arith.index_cast %add3A_513 : i32 to index
        %get3A_519 = arith.constant 0 : index
        %get3A_520 = tpu.vector_load %get3A_517[%get3A_518, %get3A_519] {strides = array<i32>} : memref<40x128xf32, #tpu.memory_space<vmem>>, vector<1x16xf32>,
        %get3A_521 = vector.shape_cast %get3A_520 : vector<1x16xf32> to vector<16xf32>
        %get3A_522 = arith.constant 0 : i32
        %get3A_523 = arith.constant 0 : i32
        %get3A_524 = tpu.memref_slice %arg11[%scan3A_323, %get3A_522, %get3A_523] : memref<2x40x128xf32, #tpu.memory_space<vmem>> -> memref<1x40x128xf32, #tpu.memory_space<vmem>>
        %get3A_525 = tpu.memref_squeeze %get3A_524 : memref<1x40x128xf32, #tpu.memory_space<vmem>> -> memref<40x128xf32, #tpu.memory_space<vmem>>
        %get3A_526 = arith.index_cast %add3A_513 : i32 to index
        %get3A_527 = arith.constant 64 : index
        %get3A_528 = tpu.vector_load %get3A_525[%get3A_526, %get3A_527] {strides = array<i32>} : memref<40x128xf32, #tpu.memory_space<vmem>>, vector<1x16xf32>,
        %get3A_529 = vector.shape_cast %get3A_528 : vector<1x16xf32> to vector<16xf32>
        %add3A_530 = arith.addf %get3A_521, %get3A_529 : vector<16xf32>
        %get3A_531 = arith.constant 0 : i32
        %get3A_532 = arith.constant 0 : i32
        %get3A_533 = tpu.memref_slice %arg12[%scan3A_324, %get3A_531, %get3A_532] : memref<2x40x64xf32, #tpu.memory_space<vmem>> -> memref<1x40x64xf32, #tpu.memory_space<vmem>>
        %get3A_534 = tpu.memref_squeeze %get3A_533 : memref<1x40x64xf32, #tpu.memory_space<vmem>> -> memref<40x64xf32, #tpu.memory_space<vmem>>
        %get3A_535 = arith.index_cast %add3A_513 : i32 to index
        %get3A_536 = arith.constant 0 : index
        %get3A_537 = tpu.vector_load %get3A_534[%get3A_535, %get3A_536] {strides = array<i32>} : memref<40x64xf32, #tpu.memory_space<vmem>>, vector<1x16xf32>,
        %get3A_538 = vector.shape_cast %get3A_537 : vector<1x16xf32> to vector<16xf32>
        %add3A_539 = arith.addf %add3A_530, %get3A_538 : vector<16xf32>
        %max3A_540 = arith.constant 0.000000e+00 : f32
        %max3A_541 = vector.broadcast %max3A_540 : f32 to vector<16xf32>
        %max3A_542 = arith.maximumf %add3A_539, %max3A_541 : vector<16xf32>
        %swap3A_543 = arith.index_cast %add3A_513 : i32 to index
        %swap3A_544 = arith.constant 0 : index
        %swap3A_545 = tpu.vector_load %arg13[%swap3A_543, %swap3A_544] {strides = array<i32>} : memref<40x128xf32, #tpu.memory_space<vmem>>, vector<1x16xf32>,
        %swap3A_546 = vector.shape_cast %swap3A_545 : vector<1x16xf32> to vector<16xf32>
        %swap3A_547 = vector.shape_cast %max3A_542 : vector<16xf32> to vector<1x16xf32>
        tpu.vector_store %arg13[%swap3A_543, %swap3A_544], %swap3A_547 {strides = array<i32>} : memref<40x128xf32, #tpu.memory_space<vmem>>, vector<1x16xf32>,
        %get3A_548 = arith.constant 0 : i32
        %get3A_549 = arith.constant 0 : i32
        %get3A_550 = tpu.memref_slice %arg10[%scan3A_322, %get3A_548, %get3A_549] : memref<2x40x128xf32, #tpu.memory_space<vmem>> -> memref<1x40x128xf32, #tpu.memory_space<vmem>>
        %get3A_551 = tpu.memref_squeeze %get3A_550 : memref<1x40x128xf32, #tpu.memory_space<vmem>> -> memref<40x128xf32, #tpu.memory_space<vmem>>
        %get3A_552 = arith.index_cast %add3A_513 : i32 to index
        %get3A_553 = arith.constant 16 : index
        %get3A_554 = tpu.vector_load %get3A_551[%get3A_552, %get3A_553] {strides = array<i32>} : memref<40x128xf32, #tpu.memory_space<vmem>>, vector<1x16xf32>,
        %get3A_555 = vector.shape_cast %get3A_554 : vector<1x16xf32> to vector<16xf32>
        %get3A_556 = arith.constant 0 : i32
        %get3A_557 = arith.constant 0 : i32
        %get3A_558 = tpu.memref_slice %arg11[%scan3A_323, %get3A_556, %get3A_557] : memref<2x40x128xf32, #tpu.memory_space<vmem>> -> memref<1x40x128xf32, #tpu.memory_space<vmem>>
        %get3A_559 = tpu.memref_squeeze %get3A_558 : memref<1x40x128xf32, #tpu.memory_space<vmem>> -> memref<40x128xf32, #tpu.memory_space<vmem>>
        %get3A_560 = arith.index_cast %add3A_513 : i32 to index
        %get3A_561 = arith.constant 80 : index
        %get3A_562 = tpu.vector_load %get3A_559[%get3A_560, %get3A_561] {strides = array<i32>} : memref<40x128xf32, #tpu.memory_space<vmem>>, vector<1x16xf32>,
        %get3A_563 = vector.shape_cast %get3A_562 : vector<1x16xf32> to vector<16xf32>
        %add3A_564 = arith.addf %get3A_555, %get3A_563 : vector<16xf32>
        %get3A_565 = arith.constant 0 : i32
        %get3A_566 = arith.constant 0 : i32
        %get3A_567 = tpu.memref_slice %arg12[%scan3A_324, %get3A_565, %get3A_566] : memref<2x40x64xf32, #tpu.memory_space<vmem>> -> memref<1x40x64xf32, #tpu.memory_space<vmem>>
        %get3A_568 = tpu.memref_squeeze %get3A_567 : memref<1x40x64xf32, #tpu.memory_space<vmem>> -> memref<40x64xf32, #tpu.memory_space<vmem>>
        %get3A_569 = arith.index_cast %add3A_513 : i32 to index
        %get3A_570 = arith.constant 16 : index
        %get3A_571 = tpu.vector_load %get3A_568[%get3A_569, %get3A_570] {strides = array<i32>} : memref<40x64xf32, #tpu.memory_space<vmem>>, vector<1x16xf32>,
        %get3A_572 = vector.shape_cast %get3A_571 : vector<1x16xf32> to vector<16xf32>
        %add3A_573 = arith.addf %add3A_564, %get3A_572 : vector<16xf32>
        %max3A_574 = arith.constant 0.000000e+00 : f32
        %max3A_575 = vector.broadcast %max3A_574 : f32 to vector<16xf32>
        %max3A_576 = arith.maximumf %add3A_573, %max3A_575 : vector<16xf32>
        %swap3A_577 = arith.index_cast %add3A_513 : i32 to index
        %swap3A_578 = arith.constant 16 : index
        %swap3A_579 = tpu.vector_load %arg13[%swap3A_577, %swap3A_578] {strides = array<i32>} : memref<40x128xf32, #tpu.memory_space<vmem>>, vector<1x16xf32>,
        %swap3A_580 = vector.shape_cast %swap3A_579 : vector<1x16xf32> to vector<16xf32>
        %swap3A_581 = vector.shape_cast %max3A_576 : vector<16xf32> to vector<1x16xf32>
        tpu.vector_store %arg13[%swap3A_577, %swap3A_578], %swap3A_581 {strides = array<i32>} : memref<40x128xf32, #tpu.memory_space<vmem>>, vector<1x16xf32>,
        %get3A_582 = arith.constant 0 : i32
        %get3A_583 = arith.constant 0 : i32
        %get3A_584 = tpu.memref_slice %arg10[%scan3A_322, %get3A_582, %get3A_583] : memref<2x40x128xf32, #tpu.memory_space<vmem>> -> memref<1x40x128xf32, #tpu.memory_space<vmem>>
        %get3A_585 = tpu.memref_squeeze %get3A_584 : memref<1x40x128xf32, #tpu.memory_space<vmem>> -> memref<40x128xf32, #tpu.memory_space<vmem>>
        %get3A_586 = arith.index_cast %add3A_513 : i32 to index
        %get3A_587 = arith.constant 32 : index
        %get3A_588 = tpu.vector_load %get3A_585[%get3A_586, %get3A_587] {strides = array<i32>} : memref<40x128xf32, #tpu.memory_space<vmem>>, vector<1x16xf32>,
        %get3A_589 = vector.shape_cast %get3A_588 : vector<1x16xf32> to vector<16xf32>
        %get3A_590 = arith.constant 0 : i32
        %get3A_591 = arith.constant 0 : i32
        %get3A_592 = tpu.memref_slice %arg11[%scan3A_323, %get3A_590, %get3A_591] : memref<2x40x128xf32, #tpu.memory_space<vmem>> -> memref<1x40x128xf32, #tpu.memory_space<vmem>>
        %get3A_593 = tpu.memref_squeeze %get3A_592 : memref<1x40x128xf32, #tpu.memory_space<vmem>> -> memref<40x128xf32, #tpu.memory_space<vmem>>
        %get3A_594 = arith.index_cast %add3A_513 : i32 to index
        %get3A_595 = arith.constant 96 : index
        %get3A_596 = tpu.vector_load %get3A_593[%get3A_594, %get3A_595] {strides = array<i32>} : memref<40x128xf32, #tpu.memory_space<vmem>>, vector<1x16xf32>,
        %get3A_597 = vector.shape_cast %get3A_596 : vector<1x16xf32> to vector<16xf32>
        %add3A_598 = arith.addf %get3A_589, %get3A_597 : vector<16xf32>
        %get3A_599 = arith.constant 0 : i32
        %get3A_600 = arith.constant 0 : i32
        %get3A_601 = tpu.memref_slice %arg12[%scan3A_324, %get3A_599, %get3A_600] : memref<2x40x64xf32, #tpu.memory_space<vmem>> -> memref<1x40x64xf32, #tpu.memory_space<vmem>>
        %get3A_602 = tpu.memref_squeeze %get3A_601 : memref<1x40x64xf32, #tpu.memory_space<vmem>> -> memref<40x64xf32, #tpu.memory_space<vmem>>
        %get3A_603 = arith.index_cast %add3A_513 : i32 to index
        %get3A_604 = arith.constant 32 : index
        %get3A_605 = tpu.vector_load %get3A_602[%get3A_603, %get3A_604] {strides = array<i32>} : memref<40x64xf32, #tpu.memory_space<vmem>>, vector<1x16xf32>,
        %get3A_606 = vector.shape_cast %get3A_605 : vector<1x16xf32> to vector<16xf32>
        %add3A_607 = arith.addf %add3A_598, %get3A_606 : vector<16xf32>
        %max3A_608 = arith.constant 0.000000e+00 : f32
        %max3A_609 = vector.broadcast %max3A_608 : f32 to vector<16xf32>
        %max3A_610 = arith.maximumf %add3A_607, %max3A_609 : vector<16xf32>
        %swap3A_611 = arith.index_cast %add3A_513 : i32 to index
        %swap3A_612 = arith.constant 32 : index
        %swap3A_613 = tpu.vector_load %arg13[%swap3A_611, %swap3A_612] {strides = array<i32>} : memref<40x128xf32, #tpu.memory_space<vmem>>, vector<1x16xf32>,
        %swap3A_614 = vector.shape_cast %swap3A_613 : vector<1x16xf32> to vector<16xf32>
        %swap3A_615 = vector.shape_cast %max3A_610 : vector<16xf32> to vector<1x16xf32>
        tpu.vector_store %arg13[%swap3A_611, %swap3A_612], %swap3A_615 {strides = array<i32>} : memref<40x128xf32, #tpu.memory_space<vmem>>, vector<1x16xf32>,
        %get3A_616 = arith.constant 0 : i32
        %get3A_617 = arith.constant 0 : i32
        %get3A_618 = tpu.memref_slice %arg10[%scan3A_322, %get3A_616, %get3A_617] : memref<2x40x128xf32, #tpu.memory_space<vmem>> -> memref<1x40x128xf32, #tpu.memory_space<vmem>>
        %get3A_619 = tpu.memref_squeeze %get3A_618 : memref<1x40x128xf32, #tpu.memory_space<vmem>> -> memref<40x128xf32, #tpu.memory_space<vmem>>
        %get3A_620 = arith.index_cast %add3A_513 : i32 to index
        %get3A_621 = arith.constant 48 : index
        %get3A_622 = tpu.vector_load %get3A_619[%get3A_620, %get3A_621] {strides = array<i32>} : memref<40x128xf32, #tpu.memory_space<vmem>>, vector<1x16xf32>,
        %get3A_623 = vector.shape_cast %get3A_622 : vector<1x16xf32> to vector<16xf32>
        %get3A_624 = arith.constant 0 : i32
        %get3A_625 = arith.constant 0 : i32
        %get3A_626 = tpu.memref_slice %arg11[%scan3A_323, %get3A_624, %get3A_625] : memref<2x40x128xf32, #tpu.memory_space<vmem>> -> memref<1x40x128xf32, #tpu.memory_space<vmem>>
        %get3A_627 = tpu.memref_squeeze %get3A_626 : memref<1x40x128xf32, #tpu.memory_space<vmem>> -> memref<40x128xf32, #tpu.memory_space<vmem>>
        %get3A_628 = arith.index_cast %add3A_513 : i32 to index
        %get3A_629 = arith.constant 112 : index
        %get3A_630 = tpu.vector_load %get3A_627[%get3A_628, %get3A_629] {strides = array<i32>} : memref<40x128xf32, #tpu.memory_space<vmem>>, vector<1x16xf32>,
        %get3A_631 = vector.shape_cast %get3A_630 : vector<1x16xf32> to vector<16xf32>
        %add3A_632 = arith.addf %get3A_623, %get3A_631 : vector<16xf32>
        %get3A_633 = arith.constant 0 : i32
        %get3A_634 = arith.constant 0 : i32
        %get3A_635 = tpu.memref_slice %arg12[%scan3A_324, %get3A_633, %get3A_634] : memref<2x40x64xf32, #tpu.memory_space<vmem>> -> memref<1x40x64xf32, #tpu.memory_space<vmem>>
        %get3A_636 = tpu.memref_squeeze %get3A_635 : memref<1x40x64xf32, #tpu.memory_space<vmem>> -> memref<40x64xf32, #tpu.memory_space<vmem>>
        %get3A_637 = arith.index_cast %add3A_513 : i32 to index
        %get3A_638 = arith.constant 48 : index
        %get3A_639 = tpu.vector_load %get3A_636[%get3A_637, %get3A_638] {strides = array<i32>} : memref<40x64xf32, #tpu.memory_space<vmem>>, vector<1x16xf32>,
        %get3A_640 = vector.shape_cast %get3A_639 : vector<1x16xf32> to vector<16xf32>
        %add3A_641 = arith.addf %add3A_632, %get3A_640 : vector<16xf32>
        %max3A_642 = arith.constant 0.000000e+00 : f32
        %max3A_643 = vector.broadcast %max3A_642 : f32 to vector<16xf32>
        %max3A_644 = arith.maximumf %add3A_641, %max3A_643 : vector<16xf32>
        %swap3A_645 = arith.index_cast %add3A_513 : i32 to index
        %swap3A_646 = arith.constant 48 : index
        %swap3A_647 = tpu.vector_load %arg13[%swap3A_645, %swap3A_646] {strides = array<i32>} : memref<40x128xf32, #tpu.memory_space<vmem>>, vector<1x16xf32>,
        %swap3A_648 = vector.shape_cast %swap3A_647 : vector<1x16xf32> to vector<16xf32>
        %swap3A_649 = vector.shape_cast %max3A_644 : vector<16xf32> to vector<1x16xf32>
        tpu.vector_store %arg13[%swap3A_645, %swap3A_646], %swap3A_649 {strides = array<i32>} : memref<40x128xf32, #tpu.memory_space<vmem>>, vector<1x16xf32>,
        %add3A_650 = arith.constant 2 : i32
        %add3A_651 = arith.addi %mul3A_376, %add3A_650 : i32
        %get3A_652 = arith.constant 0 : i32
        %get3A_653 = arith.constant 0 : i32
        %get3A_654 = tpu.memref_slice %arg10[%scan3A_322, %get3A_652, %get3A_653] : memref<2x40x128xf32, #tpu.memory_space<vmem>> -> memref<1x40x128xf32, #tpu.memory_space<vmem>>
        %get3A_655 = tpu.memref_squeeze %get3A_654 : memref<1x40x128xf32, #tpu.memory_space<vmem>> -> memref<40x128xf32, #tpu.memory_space<vmem>>
        %get3A_656 = arith.index_cast %add3A_651 : i32 to index
        %get3A_657 = arith.constant 0 : index
        %get3A_658 = tpu.vector_load %get3A_655[%get3A_656, %get3A_657] {strides = array<i32>} : memref<40x128xf32, #tpu.memory_space<vmem>>, vector<1x16xf32>,
        %get3A_659 = vector.shape_cast %get3A_658 : vector<1x16xf32> to vector<16xf32>
        %get3A_660 = arith.constant 0 : i32
        %get3A_661 = arith.constant 0 : i32
        %get3A_662 = tpu.memref_slice %arg11[%scan3A_323, %get3A_660, %get3A_661] : memref<2x40x128xf32, #tpu.memory_space<vmem>> -> memref<1x40x128xf32, #tpu.memory_space<vmem>>
        %get3A_663 = tpu.memref_squeeze %get3A_662 : memref<1x40x128xf32, #tpu.memory_space<vmem>> -> memref<40x128xf32, #tpu.memory_space<vmem>>
        %get3A_664 = arith.index_cast %add3A_651 : i32 to index
        %get3A_665 = arith.constant 64 : index
        %get3A_666 = tpu.vector_load %get3A_663[%get3A_664, %get3A_665] {strides = array<i32>} : memref<40x128xf32, #tpu.memory_space<vmem>>, vector<1x16xf32>,
        %get3A_667 = vector.shape_cast %get3A_666 : vector<1x16xf32> to vector<16xf32>
        %add3A_668 = arith.addf %get3A_659, %get3A_667 : vector<16xf32>
        %get3A_669 = arith.constant 0 : i32
        %get3A_670 = arith.constant 0 : i32
        %get3A_671 = tpu.memref_slice %arg12[%scan3A_324, %get3A_669, %get3A_670] : memref<2x40x64xf32, #tpu.memory_space<vmem>> -> memref<1x40x64xf32, #tpu.memory_space<vmem>>
        %get3A_672 = tpu.memref_squeeze %get3A_671 : memref<1x40x64xf32, #tpu.memory_space<vmem>> -> memref<40x64xf32, #tpu.memory_space<vmem>>
        %get3A_673 = arith.index_cast %add3A_651 : i32 to index
        %get3A_674 = arith.constant 0 : index
        %get3A_675 = tpu.vector_load %get3A_672[%get3A_673, %get3A_674] {strides = array<i32>} : memref<40x64xf32, #tpu.memory_space<vmem>>, vector<1x16xf32>,
        %get3A_676 = vector.shape_cast %get3A_675 : vector<1x16xf32> to vector<16xf32>
        %add3A_677 = arith.addf %add3A_668, %get3A_676 : vector<16xf32>
        %max3A_678 = arith.constant 0.000000e+00 : f32
        %max3A_679 = vector.broadcast %max3A_678 : f32 to vector<16xf32>
        %max3A_680 = arith.maximumf %add3A_677, %max3A_679 : vector<16xf32>
        %swap3A_681 = arith.index_cast %add3A_651 : i32 to index
        %swap3A_682 = arith.constant 0 : index
        %swap3A_683 = tpu.vector_load %arg13[%swap3A_681, %swap3A_682] {strides = array<i32>} : memref<40x128xf32, #tpu.memory_space<vmem>>, vector<1x16xf32>,
        %swap3A_684 = vector.shape_cast %swap3A_683 : vector<1x16xf32> to vector<16xf32>
        %swap3A_685 = vector.shape_cast %max3A_680 : vector<16xf32> to vector<1x16xf32>
        tpu.vector_store %arg13[%swap3A_681, %swap3A_682], %swap3A_685 {strides = array<i32>} : memref<40x128xf32, #tpu.memory_space<vmem>>, vector<1x16xf32>,
        %get3A_686 = arith.constant 0 : i32
        %get3A_687 = arith.constant 0 : i32
        %get3A_688 = tpu.memref_slice %arg10[%scan3A_322, %get3A_686, %get3A_687] : memref<2x40x128xf32, #tpu.memory_space<vmem>> -> memref<1x40x128xf32, #tpu.memory_space<vmem>>
        %get3A_689 = tpu.memref_squeeze %get3A_688 : memref<1x40x128xf32, #tpu.memory_space<vmem>> -> memref<40x128xf32, #tpu.memory_space<vmem>>
        %get3A_690 = arith.index_cast %add3A_651 : i32 to index
        %get3A_691 = arith.constant 16 : index
        %get3A_692 = tpu.vector_load %get3A_689[%get3A_690, %get3A_691] {strides = array<i32>} : memref<40x128xf32, #tpu.memory_space<vmem>>, vector<1x16xf32>,
        %get3A_693 = vector.shape_cast %get3A_692 : vector<1x16xf32> to vector<16xf32>
        %get3A_694 = arith.constant 0 : i32
        %get3A_695 = arith.constant 0 : i32
        %get3A_696 = tpu.memref_slice %arg11[%scan3A_323, %get3A_694, %get3A_695] : memref<2x40x128xf32, #tpu.memory_space<vmem>> -> memref<1x40x128xf32, #tpu.memory_space<vmem>>
        %get3A_697 = tpu.memref_squeeze %get3A_696 : memref<1x40x128xf32, #tpu.memory_space<vmem>> -> memref<40x128xf32, #tpu.memory_space<vmem>>
        %get3A_698 = arith.index_cast %add3A_651 : i32 to index
        %get3A_699 = arith.constant 80 : index
        %get3A_700 = tpu.vector_load %get3A_697[%get3A_698, %get3A_699] {strides = array<i32>} : memref<40x128xf32, #tpu.memory_space<vmem>>, vector<1x16xf32>,
        %get3A_701 = vector.shape_cast %get3A_700 : vector<1x16xf32> to vector<16xf32>
        %add3A_702 = arith.addf %get3A_693, %get3A_701 : vector<16xf32>
        %get3A_703 = arith.constant 0 : i32
        %get3A_704 = arith.constant 0 : i32
        %get3A_705 = tpu.memref_slice %arg12[%scan3A_324, %get3A_703, %get3A_704] : memref<2x40x64xf32, #tpu.memory_space<vmem>> -> memref<1x40x64xf32, #tpu.memory_space<vmem>>
        %get3A_706 = tpu.memref_squeeze %get3A_705 : memref<1x40x64xf32, #tpu.memory_space<vmem>> -> memref<40x64xf32, #tpu.memory_space<vmem>>
        %get3A_707 = arith.index_cast %add3A_651 : i32 to index
        %get3A_708 = arith.constant 16 : index
        %get3A_709 = tpu.vector_load %get3A_706[%get3A_707, %get3A_708] {strides = array<i32>} : memref<40x64xf32, #tpu.memory_space<vmem>>, vector<1x16xf32>,
        %get3A_710 = vector.shape_cast %get3A_709 : vector<1x16xf32> to vector<16xf32>
        %add3A_711 = arith.addf %add3A_702, %get3A_710 : vector<16xf32>
        %max3A_712 = arith.constant 0.000000e+00 : f32
        %max3A_713 = vector.broadcast %max3A_712 : f32 to vector<16xf32>
        %max3A_714 = arith.maximumf %add3A_711, %max3A_713 : vector<16xf32>
        %swap3A_715 = arith.index_cast %add3A_651 : i32 to index
        %swap3A_716 = arith.constant 16 : index
        %swap3A_717 = tpu.vector_load %arg13[%swap3A_715, %swap3A_716] {strides = array<i32>} : memref<40x128xf32, #tpu.memory_space<vmem>>, vector<1x16xf32>,
        %swap3A_718 = vector.shape_cast %swap3A_717 : vector<1x16xf32> to vector<16xf32>
        %swap3A_719 = vector.shape_cast %max3A_714 : vector<16xf32> to vector<1x16xf32>
        tpu.vector_store %arg13[%swap3A_715, %swap3A_716], %swap3A_719 {strides = array<i32>} : memref<40x128xf32, #tpu.memory_space<vmem>>, vector<1x16xf32>,
        %get3A_720 = arith.constant 0 : i32
        %get3A_721 = arith.constant 0 : i32
        %get3A_722 = tpu.memref_slice %arg10[%scan3A_322, %get3A_720, %get3A_721] : memref<2x40x128xf32, #tpu.memory_space<vmem>> -> memref<1x40x128xf32, #tpu.memory_space<vmem>>
        %get3A_723 = tpu.memref_squeeze %get3A_722 : memref<1x40x128xf32, #tpu.memory_space<vmem>> -> memref<40x128xf32, #tpu.memory_space<vmem>>
        %get3A_724 = arith.index_cast %add3A_651 : i32 to index
        %get3A_725 = arith.constant 32 : index
        %get3A_726 = tpu.vector_load %get3A_723[%get3A_724, %get3A_725] {strides = array<i32>} : memref<40x128xf32, #tpu.memory_space<vmem>>, vector<1x16xf32>,
        %get3A_727 = vector.shape_cast %get3A_726 : vector<1x16xf32> to vector<16xf32>
        %get3A_728 = arith.constant 0 : i32
        %get3A_729 = arith.constant 0 : i32
        %get3A_730 = tpu.memref_slice %arg11[%scan3A_323, %get3A_728, %get3A_729] : memref<2x40x128xf32, #tpu.memory_space<vmem>> -> memref<1x40x128xf32, #tpu.memory_space<vmem>>
        %get3A_731 = tpu.memref_squeeze %get3A_730 : memref<1x40x128xf32, #tpu.memory_space<vmem>> -> memref<40x128xf32, #tpu.memory_space<vmem>>
        %get3A_732 = arith.index_cast %add3A_651 : i32 to index
        %get3A_733 = arith.constant 96 : index
        %get3A_734 = tpu.vector_load %get3A_731[%get3A_732, %get3A_733] {strides = array<i32>} : memref<40x128xf32, #tpu.memory_space<vmem>>, vector<1x16xf32>,
        %get3A_735 = vector.shape_cast %get3A_734 : vector<1x16xf32> to vector<16xf32>
        %add3A_736 = arith.addf %get3A_727, %get3A_735 : vector<16xf32>
        %get3A_737 = arith.constant 0 : i32
        %get3A_738 = arith.constant 0 : i32
        %get3A_739 = tpu.memref_slice %arg12[%scan3A_324, %get3A_737, %get3A_738] : memref<2x40x64xf32, #tpu.memory_space<vmem>> -> memref<1x40x64xf32, #tpu.memory_space<vmem>>
        %get3A_740 = tpu.memref_squeeze %get3A_739 : memref<1x40x64xf32, #tpu.memory_space<vmem>> -> memref<40x64xf32, #tpu.memory_space<vmem>>
        %get3A_741 = arith.index_cast %add3A_651 : i32 to index
        %get3A_742 = arith.constant 32 : index
        %get3A_743 = tpu.vector_load %get3A_740[%get3A_741, %get3A_742] {strides = array<i32>} : memref<40x64xf32, #tpu.memory_space<vmem>>, vector<1x16xf32>,
        %get3A_744 = vector.shape_cast %get3A_743 : vector<1x16xf32> to vector<16xf32>
        %add3A_745 = arith.addf %add3A_736, %get3A_744 : vector<16xf32>
        %max3A_746 = arith.constant 0.000000e+00 : f32
        %max3A_747 = vector.broadcast %max3A_746 : f32 to vector<16xf32>
        %max3A_748 = arith.maximumf %add3A_745, %max3A_747 : vector<16xf32>
        %swap3A_749 = arith.index_cast %add3A_651 : i32 to index
        %swap3A_750 = arith.constant 32 : index
        %swap3A_751 = tpu.vector_load %arg13[%swap3A_749, %swap3A_750] {strides = array<i32>} : memref<40x128xf32, #tpu.memory_space<vmem>>, vector<1x16xf32>,
        %swap3A_752 = vector.shape_cast %swap3A_751 : vector<1x16xf32> to vector<16xf32>
        %swap3A_753 = vector.shape_cast %max3A_748 : vector<16xf32> to vector<1x16xf32>
        tpu.vector_store %arg13[%swap3A_749, %swap3A_750], %swap3A_753 {strides = array<i32>} : memref<40x128xf32, #tpu.memory_space<vmem>>, vector<1x16xf32>,
        %get3A_754 = arith.constant 0 : i32
        %get3A_755 = arith.constant 0 : i32
        %get3A_756 = tpu.memref_slice %arg10[%scan3A_322, %get3A_754, %get3A_755] : memref<2x40x128xf32, #tpu.memory_space<vmem>> -> memref<1x40x128xf32, #tpu.memory_space<vmem>>
        %get3A_757 = tpu.memref_squeeze %get3A_756 : memref<1x40x128xf32, #tpu.memory_space<vmem>> -> memref<40x128xf32, #tpu.memory_space<vmem>>
        %get3A_758 = arith.index_cast %add3A_651 : i32 to index
        %get3A_759 = arith.constant 48 : index
        %get3A_760 = tpu.vector_load %get3A_757[%get3A_758, %get3A_759] {strides = array<i32>} : memref<40x128xf32, #tpu.memory_space<vmem>>, vector<1x16xf32>,
        %get3A_761 = vector.shape_cast %get3A_760 : vector<1x16xf32> to vector<16xf32>
        %get3A_762 = arith.constant 0 : i32
        %get3A_763 = arith.constant 0 : i32
        %get3A_764 = tpu.memref_slice %arg11[%scan3A_323, %get3A_762, %get3A_763] : memref<2x40x128xf32, #tpu.memory_space<vmem>> -> memref<1x40x128xf32, #tpu.memory_space<vmem>>
        %get3A_765 = tpu.memref_squeeze %get3A_764 : memref<1x40x128xf32, #tpu.memory_space<vmem>> -> memref<40x128xf32, #tpu.memory_space<vmem>>
        %get3A_766 = arith.index_cast %add3A_651 : i32 to index
        %get3A_767 = arith.constant 112 : index
        %get3A_768 = tpu.vector_load %get3A_765[%get3A_766, %get3A_767] {strides = array<i32>} : memref<40x128xf32, #tpu.memory_space<vmem>>, vector<1x16xf32>,
        %get3A_769 = vector.shape_cast %get3A_768 : vector<1x16xf32> to vector<16xf32>
        %add3A_770 = arith.addf %get3A_761, %get3A_769 : vector<16xf32>
        %get3A_771 = arith.constant 0 : i32
        %get3A_772 = arith.constant 0 : i32
        %get3A_773 = tpu.memref_slice %arg12[%scan3A_324, %get3A_771, %get3A_772] : memref<2x40x64xf32, #tpu.memory_space<vmem>> -> memref<1x40x64xf32, #tpu.memory_space<vmem>>
        %get3A_774 = tpu.memref_squeeze %get3A_773 : memref<1x40x64xf32, #tpu.memory_space<vmem>> -> memref<40x64xf32, #tpu.memory_space<vmem>>
        %get3A_775 = arith.index_cast %add3A_651 : i32 to index
        %get3A_776 = arith.constant 48 : index
        %get3A_777 = tpu.vector_load %get3A_774[%get3A_775, %get3A_776] {strides = array<i32>} : memref<40x64xf32, #tpu.memory_space<vmem>>, vector<1x16xf32>,
        %get3A_778 = vector.shape_cast %get3A_777 : vector<1x16xf32> to vector<16xf32>
        %add3A_779 = arith.addf %add3A_770, %get3A_778 : vector<16xf32>
        %max3A_780 = arith.constant 0.000000e+00 : f32
        %max3A_781 = vector.broadcast %max3A_780 : f32 to vector<16xf32>
        %max3A_782 = arith.maximumf %add3A_779, %max3A_781 : vector<16xf32>
        %swap3A_783 = arith.index_cast %add3A_651 : i32 to index
        %swap3A_784 = arith.constant 48 : index
        %swap3A_785 = tpu.vector_load %arg13[%swap3A_783, %swap3A_784] {strides = array<i32>} : memref<40x128xf32, #tpu.memory_space<vmem>>, vector<1x16xf32>,
        %swap3A_786 = vector.shape_cast %swap3A_785 : vector<1x16xf32> to vector<16xf32>
        %swap3A_787 = vector.shape_cast %max3A_782 : vector<16xf32> to vector<1x16xf32>
        tpu.vector_store %arg13[%swap3A_783, %swap3A_784], %swap3A_787 {strides = array<i32>} : memref<40x128xf32, #tpu.memory_space<vmem>>, vector<1x16xf32>,
        %add3A_788 = arith.constant 3 : i32
        %add3A_789 = arith.addi %mul3A_376, %add3A_788 : i32
        %get3A_790 = arith.constant 0 : i32
        %get3A_791 = arith.constant 0 : i32
        %get3A_792 = tpu.memref_slice %arg10[%scan3A_322, %get3A_790, %get3A_791] : memref<2x40x128xf32, #tpu.memory_space<vmem>> -> memref<1x40x128xf32, #tpu.memory_space<vmem>>
        %get3A_793 = tpu.memref_squeeze %get3A_792 : memref<1x40x128xf32, #tpu.memory_space<vmem>> -> memref<40x128xf32, #tpu.memory_space<vmem>>
        %get3A_794 = arith.index_cast %add3A_789 : i32 to index
        %get3A_795 = arith.constant 0 : index
        %get3A_796 = tpu.vector_load %get3A_793[%get3A_794, %get3A_795] {strides = array<i32>} : memref<40x128xf32, #tpu.memory_space<vmem>>, vector<1x16xf32>,
        %get3A_797 = vector.shape_cast %get3A_796 : vector<1x16xf32> to vector<16xf32>
        %get3A_798 = arith.constant 0 : i32
        %get3A_799 = arith.constant 0 : i32
        %get3A_800 = tpu.memref_slice %arg11[%scan3A_323, %get3A_798, %get3A_799] : memref<2x40x128xf32, #tpu.memory_space<vmem>> -> memref<1x40x128xf32, #tpu.memory_space<vmem>>
        %get3A_801 = tpu.memref_squeeze %get3A_800 : memref<1x40x128xf32, #tpu.memory_space<vmem>> -> memref<40x128xf32, #tpu.memory_space<vmem>>
        %get3A_802 = arith.index_cast %add3A_789 : i32 to index
        %get3A_803 = arith.constant 64 : index
        %get3A_804 = tpu.vector_load %get3A_801[%get3A_802, %get3A_803] {strides = array<i32>} : memref<40x128xf32, #tpu.memory_space<vmem>>, vector<1x16xf32>,
        %get3A_805 = vector.shape_cast %get3A_804 : vector<1x16xf32> to vector<16xf32>
        %add3A_806 = arith.addf %get3A_797, %get3A_805 : vector<16xf32>
        %get3A_807 = arith.constant 0 : i32
        %get3A_808 = arith.constant 0 : i32
        %get3A_809 = tpu.memref_slice %arg12[%scan3A_324, %get3A_807, %get3A_808] : memref<2x40x64xf32, #tpu.memory_space<vmem>> -> memref<1x40x64xf32, #tpu.memory_space<vmem>>
        %get3A_810 = tpu.memref_squeeze %get3A_809 : memref<1x40x64xf32, #tpu.memory_space<vmem>> -> memref<40x64xf32, #tpu.memory_space<vmem>>
        %get3A_811 = arith.index_cast %add3A_789 : i32 to index
        %get3A_812 = arith.constant 0 : index
        %get3A_813 = tpu.vector_load %get3A_810[%get3A_811, %get3A_812] {strides = array<i32>} : memref<40x64xf32, #tpu.memory_space<vmem>>, vector<1x16xf32>,
        %get3A_814 = vector.shape_cast %get3A_813 : vector<1x16xf32> to vector<16xf32>
        %add3A_815 = arith.addf %add3A_806, %get3A_814 : vector<16xf32>
        %max3A_816 = arith.constant 0.000000e+00 : f32
        %max3A_817 = vector.broadcast %max3A_816 : f32 to vector<16xf32>
        %max3A_818 = arith.maximumf %add3A_815, %max3A_817 : vector<16xf32>
        %swap3A_819 = arith.index_cast %add3A_789 : i32 to index
        %swap3A_820 = arith.constant 0 : index
        %swap3A_821 = tpu.vector_load %arg13[%swap3A_819, %swap3A_820] {strides = array<i32>} : memref<40x128xf32, #tpu.memory_space<vmem>>, vector<1x16xf32>,
        %swap3A_822 = vector.shape_cast %swap3A_821 : vector<1x16xf32> to vector<16xf32>
        %swap3A_823 = vector.shape_cast %max3A_818 : vector<16xf32> to vector<1x16xf32>
        tpu.vector_store %arg13[%swap3A_819, %swap3A_820], %swap3A_823 {strides = array<i32>} : memref<40x128xf32, #tpu.memory_space<vmem>>, vector<1x16xf32>,
        %get3A_824 = arith.constant 0 : i32
        %get3A_825 = arith.constant 0 : i32
        %get3A_826 = tpu.memref_slice %arg10[%scan3A_322, %get3A_824, %get3A_825] : memref<2x40x128xf32, #tpu.memory_space<vmem>> -> memref<1x40x128xf32, #tpu.memory_space<vmem>>
        %get3A_827 = tpu.memref_squeeze %get3A_826 : memref<1x40x128xf32, #tpu.memory_space<vmem>> -> memref<40x128xf32, #tpu.memory_space<vmem>>
        %get3A_828 = arith.index_cast %add3A_789 : i32 to index
        %get3A_829 = arith.constant 16 : index
        %get3A_830 = tpu.vector_load %get3A_827[%get3A_828, %get3A_829] {strides = array<i32>} : memref<40x128xf32, #tpu.memory_space<vmem>>, vector<1x16xf32>,
        %get3A_831 = vector.shape_cast %get3A_830 : vector<1x16xf32> to vector<16xf32>
        %get3A_832 = arith.constant 0 : i32
        %get3A_833 = arith.constant 0 : i32
        %get3A_834 = tpu.memref_slice %arg11[%scan3A_323, %get3A_832, %get3A_833] : memref<2x40x128xf32, #tpu.memory_space<vmem>> -> memref<1x40x128xf32, #tpu.memory_space<vmem>>
        %get3A_835 = tpu.memref_squeeze %get3A_834 : memref<1x40x128xf32, #tpu.memory_space<vmem>> -> memref<40x128xf32, #tpu.memory_space<vmem>>
        %get3A_836 = arith.index_cast %add3A_789 : i32 to index
        %get3A_837 = arith.constant 80 : index
        %get3A_838 = tpu.vector_load %get3A_835[%get3A_836, %get3A_837] {strides = array<i32>} : memref<40x128xf32, #tpu.memory_space<vmem>>, vector<1x16xf32>,
        %get3A_839 = vector.shape_cast %get3A_838 : vector<1x16xf32> to vector<16xf32>
        %add3A_840 = arith.addf %get3A_831, %get3A_839 : vector<16xf32>
        %get3A_841 = arith.constant 0 : i32
        %get3A_842 = arith.constant 0 : i32
        %get3A_843 = tpu.memref_slice %arg12[%scan3A_324, %get3A_841, %get3A_842] : memref<2x40x64xf32, #tpu.memory_space<vmem>> -> memref<1x40x64xf32, #tpu.memory_space<vmem>>
        %get3A_844 = tpu.memref_squeeze %get3A_843 : memref<1x40x64xf32, #tpu.memory_space<vmem>> -> memref<40x64xf32, #tpu.memory_space<vmem>>
        %get3A_845 = arith.index_cast %add3A_789 : i32 to index
        %get3A_846 = arith.constant 16 : index
        %get3A_847 = tpu.vector_load %get3A_844[%get3A_845, %get3A_846] {strides = array<i32>} : memref<40x64xf32, #tpu.memory_space<vmem>>, vector<1x16xf32>,
        %get3A_848 = vector.shape_cast %get3A_847 : vector<1x16xf32> to vector<16xf32>
        %add3A_849 = arith.addf %add3A_840, %get3A_848 : vector<16xf32>
        %max3A_850 = arith.constant 0.000000e+00 : f32
        %max3A_851 = vector.broadcast %max3A_850 : f32 to vector<16xf32>
        %max3A_852 = arith.maximumf %add3A_849, %max3A_851 : vector<16xf32>
        %swap3A_853 = arith.index_cast %add3A_789 : i32 to index
        %swap3A_854 = arith.constant 16 : index
        %swap3A_855 = tpu.vector_load %arg13[%swap3A_853, %swap3A_854] {strides = array<i32>} : memref<40x128xf32, #tpu.memory_space<vmem>>, vector<1x16xf32>,
        %swap3A_856 = vector.shape_cast %swap3A_855 : vector<1x16xf32> to vector<16xf32>
        %swap3A_857 = vector.shape_cast %max3A_852 : vector<16xf32> to vector<1x16xf32>
        tpu.vector_store %arg13[%swap3A_853, %swap3A_854], %swap3A_857 {strides = array<i32>} : memref<40x128xf32, #tpu.memory_space<vmem>>, vector<1x16xf32>,
        %get3A_858 = arith.constant 0 : i32
        %get3A_859 = arith.constant 0 : i32
        %get3A_860 = tpu.memref_slice %arg10[%scan3A_322, %get3A_858, %get3A_859] : memref<2x40x128xf32, #tpu.memory_space<vmem>> -> memref<1x40x128xf32, #tpu.memory_space<vmem>>
        %get3A_861 = tpu.memref_squeeze %get3A_860 : memref<1x40x128xf32, #tpu.memory_space<vmem>> -> memref<40x128xf32, #tpu.memory_space<vmem>>
        %get3A_862 = arith.index_cast %add3A_789 : i32 to index
        %get3A_863 = arith.constant 32 : index
        %get3A_864 = tpu.vector_load %get3A_861[%get3A_862, %get3A_863] {strides = array<i32>} : memref<40x128xf32, #tpu.memory_space<vmem>>, vector<1x16xf32>,
        %get3A_865 = vector.shape_cast %get3A_864 : vector<1x16xf32> to vector<16xf32>
        %get3A_866 = arith.constant 0 : i32
        %get3A_867 = arith.constant 0 : i32
        %get3A_868 = tpu.memref_slice %arg11[%scan3A_323, %get3A_866, %get3A_867] : memref<2x40x128xf32, #tpu.memory_space<vmem>> -> memref<1x40x128xf32, #tpu.memory_space<vmem>>
        %get3A_869 = tpu.memref_squeeze %get3A_868 : memref<1x40x128xf32, #tpu.memory_space<vmem>> -> memref<40x128xf32, #tpu.memory_space<vmem>>
        %get3A_870 = arith.index_cast %add3A_789 : i32 to index
        %get3A_871 = arith.constant 96 : index
        %get3A_872 = tpu.vector_load %get3A_869[%get3A_870, %get3A_871] {strides = array<i32>} : memref<40x128xf32, #tpu.memory_space<vmem>>, vector<1x16xf32>,
        %get3A_873 = vector.shape_cast %get3A_872 : vector<1x16xf32> to vector<16xf32>
        %add3A_874 = arith.addf %get3A_865, %get3A_873 : vector<16xf32>
        %get3A_875 = arith.constant 0 : i32
        %get3A_876 = arith.constant 0 : i32
        %get3A_877 = tpu.memref_slice %arg12[%scan3A_324, %get3A_875, %get3A_876] : memref<2x40x64xf32, #tpu.memory_space<vmem>> -> memref<1x40x64xf32, #tpu.memory_space<vmem>>
        %get3A_878 = tpu.memref_squeeze %get3A_877 : memref<1x40x64xf32, #tpu.memory_space<vmem>> -> memref<40x64xf32, #tpu.memory_space<vmem>>
        %get3A_879 = arith.index_cast %add3A_789 : i32 to index
        %get3A_880 = arith.constant 32 : index
        %get3A_881 = tpu.vector_load %get3A_878[%get3A_879, %get3A_880] {strides = array<i32>} : memref<40x64xf32, #tpu.memory_space<vmem>>, vector<1x16xf32>,
        %get3A_882 = vector.shape_cast %get3A_881 : vector<1x16xf32> to vector<16xf32>
        %add3A_883 = arith.addf %add3A_874, %get3A_882 : vector<16xf32>
        %max3A_884 = arith.constant 0.000000e+00 : f32
        %max3A_885 = vector.broadcast %max3A_884 : f32 to vector<16xf32>
        %max3A_886 = arith.maximumf %add3A_883, %max3A_885 : vector<16xf32>
        %swap3A_887 = arith.index_cast %add3A_789 : i32 to index
        %swap3A_888 = arith.constant 32 : index
        %swap3A_889 = tpu.vector_load %arg13[%swap3A_887, %swap3A_888] {strides = array<i32>} : memref<40x128xf32, #tpu.memory_space<vmem>>, vector<1x16xf32>,
        %swap3A_890 = vector.shape_cast %swap3A_889 : vector<1x16xf32> to vector<16xf32>
        %swap3A_891 = vector.shape_cast %max3A_886 : vector<16xf32> to vector<1x16xf32>
        tpu.vector_store %arg13[%swap3A_887, %swap3A_888], %swap3A_891 {strides = array<i32>} : memref<40x128xf32, #tpu.memory_space<vmem>>, vector<1x16xf32>,
        %get3A_892 = arith.constant 0 : i32
        %get3A_893 = arith.constant 0 : i32
        %get3A_894 = tpu.memref_slice %arg10[%scan3A_322, %get3A_892, %get3A_893] : memref<2x40x128xf32, #tpu.memory_space<vmem>> -> memref<1x40x128xf32, #tpu.memory_space<vmem>>
        %get3A_895 = tpu.memref_squeeze %get3A_894 : memref<1x40x128xf32, #tpu.memory_space<vmem>> -> memref<40x128xf32, #tpu.memory_space<vmem>>
        %get3A_896 = arith.index_cast %add3A_789 : i32 to index
        %get3A_897 = arith.constant 48 : index
        %get3A_898 = tpu.vector_load %get3A_895[%get3A_896, %get3A_897] {strides = array<i32>} : memref<40x128xf32, #tpu.memory_space<vmem>>, vector<1x16xf32>,
        %get3A_899 = vector.shape_cast %get3A_898 : vector<1x16xf32> to vector<16xf32>
        %get3A_900 = arith.constant 0 : i32
        %get3A_901 = arith.constant 0 : i32
        %get3A_902 = tpu.memref_slice %arg11[%scan3A_323, %get3A_900, %get3A_901] : memref<2x40x128xf32, #tpu.memory_space<vmem>> -> memref<1x40x128xf32, #tpu.memory_space<vmem>>
        %get3A_903 = tpu.memref_squeeze %get3A_902 : memref<1x40x128xf32, #tpu.memory_space<vmem>> -> memref<40x128xf32, #tpu.memory_space<vmem>>
        %get3A_904 = arith.index_cast %add3A_789 : i32 to index
        %get3A_905 = arith.constant 112 : index
        %get3A_906 = tpu.vector_load %get3A_903[%get3A_904, %get3A_905] {strides = array<i32>} : memref<40x128xf32, #tpu.memory_space<vmem>>, vector<1x16xf32>,
        %get3A_907 = vector.shape_cast %get3A_906 : vector<1x16xf32> to vector<16xf32>
        %add3A_908 = arith.addf %get3A_899, %get3A_907 : vector<16xf32>
        %get3A_909 = arith.constant 0 : i32
        %get3A_910 = arith.constant 0 : i32
        %get3A_911 = tpu.memref_slice %arg12[%scan3A_324, %get3A_909, %get3A_910] : memref<2x40x64xf32, #tpu.memory_space<vmem>> -> memref<1x40x64xf32, #tpu.memory_space<vmem>>
        %get3A_912 = tpu.memref_squeeze %get3A_911 : memref<1x40x64xf32, #tpu.memory_space<vmem>> -> memref<40x64xf32, #tpu.memory_space<vmem>>
        %get3A_913 = arith.index_cast %add3A_789 : i32 to index
        %get3A_914 = arith.constant 48 : index
        %get3A_915 = tpu.vector_load %get3A_912[%get3A_913, %get3A_914] {strides = array<i32>} : memref<40x64xf32, #tpu.memory_space<vmem>>, vector<1x16xf32>,
        %get3A_916 = vector.shape_cast %get3A_915 : vector<1x16xf32> to vector<16xf32>
        %add3A_917 = arith.addf %add3A_908, %get3A_916 : vector<16xf32>
        %max3A_918 = arith.constant 0.000000e+00 : f32
        %max3A_919 = vector.broadcast %max3A_918 : f32 to vector<16xf32>
        %max3A_920 = arith.maximumf %add3A_917, %max3A_919 : vector<16xf32>
        %swap3A_921 = arith.index_cast %add3A_789 : i32 to index
        %swap3A_922 = arith.constant 48 : index
        %swap3A_923 = tpu.vector_load %arg13[%swap3A_921, %swap3A_922] {strides = array<i32>} : memref<40x128xf32, #tpu.memory_space<vmem>>, vector<1x16xf32>,
        %swap3A_924 = vector.shape_cast %swap3A_923 : vector<1x16xf32> to vector<16xf32>
        %swap3A_925 = vector.shape_cast %max3A_920 : vector<16xf32> to vector<1x16xf32>
        tpu.vector_store %arg13[%swap3A_921, %swap3A_922], %swap3A_925 {strides = array<i32>} : memref<40x128xf32, #tpu.memory_space<vmem>>, vector<1x16xf32>,
      }
      %scan3A_329 = arith.constant 10 : i32
      %run_scoped3A_330 = arith.constant 1 : i32
      "tpu.region"() ({
        %run_scoped3A_374 = tpu.sem_alloc : memref<!tpu.dma_semaphore, #tpu.memory_space<semaphore_mem>>
        %dma_start3A_375 = arith.constant 0 : i32
        %dma_start3A_376 = tpu.memref_slice %arg9[%run_scoped3A_330, %dma_start3A_375] : memref<2x40xi32, #tpu.memory_space<vmem>> -> memref<1x40xi32, #tpu.memory_space<vmem>>
        %dma_start3A_377 = tpu.memref_squeeze %dma_start3A_376 : memref<1x40xi32, #tpu.memory_space<vmem>> -> memref<40xi32, #tpu.memory_space<vmem>>
        %dma_start3A_378 = arith.constant 0 : i32
        %dma_start3A_379 = arith.constant 0 : i32
        %dma_start3A_380 = tpu.memref_slice %arg14[%dma_start3A_378, %dma_start3A_379] : memref<10112x128xf32, #tpu.memory_space<vmem_shared>> -> memref<10112x128xf32, #tpu.memory_space<vmem_shared>>
        tpu.enqueue_indirect_dma source(%arg13 : memref<40x128xf32, #tpu.memory_space<vmem>>) target(%dma_start3A_380 : memref<10112x128xf32, #tpu.memory_space<vmem_shared>>) offsets(%dma_start3A_377 : memref<40xi32, #tpu.memory_space<vmem>>) semaphore(%run_scoped3A_374 : memref<!tpu.dma_semaphore, #tpu.memory_space<semaphore_mem>>) {add = true}
        %dma_wait3A_381 = arith.constant 0 : i32
        %dma_wait3A_382 = tpu.memref_slice %arg9[%run_scoped3A_330, %dma_wait3A_381] : memref<2x40xi32, #tpu.memory_space<vmem>> -> memref<1x40xi32, #tpu.memory_space<vmem>>
        %dma_wait3A_383 = tpu.memref_squeeze %dma_wait3A_382 : memref<1x40xi32, #tpu.memory_space<vmem>> -> memref<40xi32, #tpu.memory_space<vmem>>
        %dma_wait3A_384 = arith.constant 0 : i32
        %dma_wait3A_385 = arith.constant 0 : i32
        %dma_wait3A_386 = tpu.memref_slice %arg14[%dma_wait3A_384, %dma_wait3A_385] : memref<10112x128xf32, #tpu.memory_space<vmem_shared>> -> memref<10112x128xf32, #tpu.memory_space<vmem_shared>>
        tpu.wait_indirect_dma semaphore(%run_scoped3A_374 : memref<!tpu.dma_semaphore, #tpu.memory_space<semaphore_mem>>) src(%arg13 : memref<40x128xf32, #tpu.memory_space<vmem>>) dst(%dma_wait3A_386 : memref<10112x128xf32, #tpu.memory_space<vmem_shared>>)
        tpu.yield
      }) : () -> ()
      %add3A_331 = arith.constant 80 : i32
      %add3A_332 = arith.addi %add3A_283, %add3A_331 : i32
      %min3A_333 = arith.constant 319960 : i32
      %min3A_334 = arith.minsi %add3A_332, %min3A_333 : i32
      %run_scoped3A_335 = arith.constant 1 : i32
      "tpu.region"() ({
        %run_scoped3A_374 = tpu.sem_alloc : memref<!tpu.dma_semaphore, #tpu.memory_space<semaphore_mem>>
        %dma_start3A_375 = arith.constant 0 : i32
        %dma_start3A_376 = tpu.memref_slice %arg8[%run_scoped3A_335, %dma_start3A_375] : memref<2x40xi32, #tpu.memory_space<vmem>> -> memref<1x40xi32, #tpu.memory_space<vmem>>
        %dma_start3A_377 = tpu.memref_squeeze %dma_start3A_376 : memref<1x40xi32, #tpu.memory_space<vmem>> -> memref<40xi32, #tpu.memory_space<vmem>>
        %dma_start3A_378 = tpu.memref_slice %arg4[%min3A_334] : memref<320000xi32, #tpu.memory_space<hbm>> -> memref<40xi32, #tpu.memory_space<hbm>>
        %dma_start3A_379 = arith.constant 0 : i32
        %dma_start3A_380 = tpu.memref_slice %arg8[%run_scoped3A_335, %dma_start3A_379] : memref<2x40xi32, #tpu.memory_space<vmem>> -> memref<1x40xi32, #tpu.memory_space<vmem>>
        %dma_start3A_381 = tpu.memref_squeeze %dma_start3A_380 : memref<1x40xi32, #tpu.memory_space<vmem>> -> memref<40xi32, #tpu.memory_space<vmem>>
        %dma_start3A_382 = tpu.memref_slice %arg4[%min3A_334] : memref<320000xi32, #tpu.memory_space<hbm>> -> memref<40xi32, #tpu.memory_space<hbm>>
        tpu.enqueue_dma source(%dma_start3A_382 : memref<40xi32, #tpu.memory_space<hbm>>) target(%dma_start3A_381 : memref<40xi32, #tpu.memory_space<vmem>>) target_semaphore(%run_scoped3A_374 : memref<!tpu.dma_semaphore, #tpu.memory_space<semaphore_mem>>)
        %dma_wait3A_383 = arith.constant 0 : i32
        %dma_wait3A_384 = tpu.memref_slice %arg8[%run_scoped3A_335, %dma_wait3A_383] : memref<2x40xi32, #tpu.memory_space<vmem>> -> memref<1x40xi32, #tpu.memory_space<vmem>>
        %dma_wait3A_385 = tpu.memref_squeeze %dma_wait3A_384 : memref<1x40xi32, #tpu.memory_space<vmem>> -> memref<40xi32, #tpu.memory_space<vmem>>
        %dma_wait3A_386 = tpu.memref_slice %arg4[%min3A_334] : memref<320000xi32, #tpu.memory_space<hbm>> -> memref<40xi32, #tpu.memory_space<hbm>>
        %dma_wait3A_387 = arith.constant 0 : i32
        %dma_wait3A_388 = tpu.memref_slice %arg8[%run_scoped3A_335, %dma_wait3A_387] : memref<2x40xi32, #tpu.memory_space<vmem>> -> memref<1x40xi32, #tpu.memory_space<vmem>>
        %dma_wait3A_389 = tpu.memref_squeeze %dma_wait3A_388 : memref<1x40xi32, #tpu.memory_space<vmem>> -> memref<40xi32, #tpu.memory_space<vmem>>
        %dma_wait3A_390 = tpu.memref_slice %arg4[%min3A_334] : memref<320000xi32, #tpu.memory_space<hbm>> -> memref<40xi32, #tpu.memory_space<hbm>>
        tpu.wait_dma2 semaphore(%run_scoped3A_374 : memref<!tpu.dma_semaphore, #tpu.memory_space<semaphore_mem>>) src(%dma_wait3A_390 : memref<40xi32, #tpu.memory_space<hbm>>) dst(%dma_wait3A_389 : memref<40xi32, #tpu.memory_space<vmem>>)
        tpu.yield
      }) : () -> ()
      %run_scoped3A_336 = arith.constant 1 : i32
      "tpu.region"() ({
        %run_scoped3A_374 = tpu.sem_alloc : memref<!tpu.dma_semaphore, #tpu.memory_space<semaphore_mem>>
        %dma_start3A_375 = arith.constant 0 : i32
        %dma_start3A_376 = tpu.memref_slice %arg9[%run_scoped3A_336, %dma_start3A_375] : memref<2x40xi32, #tpu.memory_space<vmem>> -> memref<1x40xi32, #tpu.memory_space<vmem>>
        %dma_start3A_377 = tpu.memref_squeeze %dma_start3A_376 : memref<1x40xi32, #tpu.memory_space<vmem>> -> memref<40xi32, #tpu.memory_space<vmem>>
        %dma_start3A_378 = tpu.memref_slice %arg5[%min3A_334] : memref<320000xi32, #tpu.memory_space<hbm>> -> memref<40xi32, #tpu.memory_space<hbm>>
        %dma_start3A_379 = arith.constant 0 : i32
        %dma_start3A_380 = tpu.memref_slice %arg9[%run_scoped3A_336, %dma_start3A_379] : memref<2x40xi32, #tpu.memory_space<vmem>> -> memref<1x40xi32, #tpu.memory_space<vmem>>
        %dma_start3A_381 = tpu.memref_squeeze %dma_start3A_380 : memref<1x40xi32, #tpu.memory_space<vmem>> -> memref<40xi32, #tpu.memory_space<vmem>>
        %dma_start3A_382 = tpu.memref_slice %arg5[%min3A_334] : memref<320000xi32, #tpu.memory_space<hbm>> -> memref<40xi32, #tpu.memory_space<hbm>>
        tpu.enqueue_dma source(%dma_start3A_382 : memref<40xi32, #tpu.memory_space<hbm>>) target(%dma_start3A_381 : memref<40xi32, #tpu.memory_space<vmem>>) target_semaphore(%run_scoped3A_374 : memref<!tpu.dma_semaphore, #tpu.memory_space<semaphore_mem>>)
        %dma_wait3A_383 = arith.constant 0 : i32
        %dma_wait3A_384 = tpu.memref_slice %arg9[%run_scoped3A_336, %dma_wait3A_383] : memref<2x40xi32, #tpu.memory_space<vmem>> -> memref<1x40xi32, #tpu.memory_space<vmem>>
        %dma_wait3A_385 = tpu.memref_squeeze %dma_wait3A_384 : memref<1x40xi32, #tpu.memory_space<vmem>> -> memref<40xi32, #tpu.memory_space<vmem>>
        %dma_wait3A_386 = tpu.memref_slice %arg5[%min3A_334] : memref<320000xi32, #tpu.memory_space<hbm>> -> memref<40xi32, #tpu.memory_space<hbm>>
        %dma_wait3A_387 = arith.constant 0 : i32
        %dma_wait3A_388 = tpu.memref_slice %arg9[%run_scoped3A_336, %dma_wait3A_387] : memref<2x40xi32, #tpu.memory_space<vmem>> -> memref<1x40xi32, #tpu.memory_space<vmem>>
        %dma_wait3A_389 = tpu.memref_squeeze %dma_wait3A_388 : memref<1x40xi32, #tpu.memory_space<vmem>> -> memref<40xi32, #tpu.memory_space<vmem>>
        %dma_wait3A_390 = tpu.memref_slice %arg5[%min3A_334] : memref<320000xi32, #tpu.memory_space<hbm>> -> memref<40xi32, #tpu.memory_space<hbm>>
        tpu.wait_dma2 semaphore(%run_scoped3A_374 : memref<!tpu.dma_semaphore, #tpu.memory_space<semaphore_mem>>) src(%dma_wait3A_390 : memref<40xi32, #tpu.memory_space<hbm>>) dst(%dma_wait3A_389 : memref<40xi32, #tpu.memory_space<vmem>>)
        tpu.yield
      }) : () -> ()
      %dma_start3A_337 = arith.constant 1 : i32
      %dma_start3A_338 = arith.constant 1 : i32
      %dma_start3A_339 = arith.constant 0 : i32
      %dma_start3A_340 = arith.constant 0 : i32
      %dma_start3A_341 = tpu.memref_slice %arg10[%dma_start3A_338, %dma_start3A_339, %dma_start3A_340] : memref<2x40x128xf32, #tpu.memory_space<vmem>> -> memref<1x40x128xf32, #tpu.memory_space<vmem>>
      %dma_start3A_342 = tpu.memref_squeeze %dma_start3A_341 : memref<1x40x128xf32, #tpu.memory_space<vmem>> -> memref<40x128xf32, #tpu.memory_space<vmem>>
      %dma_start3A_343 = arith.constant 0 : i32
      %dma_start3A_344 = tpu.memref_slice %arg9[%dma_start3A_337, %dma_start3A_343] : memref<2x40xi32, #tpu.memory_space<vmem>> -> memref<1x40xi32, #tpu.memory_space<vmem>>
      %dma_start3A_345 = tpu.memref_squeeze %dma_start3A_344 : memref<1x40xi32, #tpu.memory_space<vmem>> -> memref<40xi32, #tpu.memory_space<vmem>>
      %dma_start3A_346 = arith.constant 0 : i32
      %dma_start3A_347 = arith.constant 0 : i32
      %dma_start3A_348 = tpu.memref_slice %arg2[%dma_start3A_346, %dma_start3A_347] : memref<10000x128xf32, #tpu.memory_space<hbm>> -> memref<10000x128xf32, #tpu.memory_space<hbm>>
      tpu.enqueue_indirect_dma source(%dma_start3A_348 : memref<10000x128xf32, #tpu.memory_space<hbm>>) target(%dma_start3A_342 : memref<40x128xf32, #tpu.memory_space<vmem>>) offsets(%dma_start3A_345 : memref<40xi32, #tpu.memory_space<vmem>>) semaphore(%arg18 : memref<!tpu.dma_semaphore, #tpu.memory_space<semaphore_mem>>)
      %dma_start3A_349 = arith.constant 1 : i32
      %dma_start3A_350 = arith.constant 1 : i32
      %dma_start3A_351 = arith.constant 0 : i32
      %dma_start3A_352 = arith.constant 0 : i32
      %dma_start3A_353 = tpu.memref_slice %arg11[%dma_start3A_350, %dma_start3A_351, %dma_start3A_352] : memref<2x40x128xf32, #tpu.memory_space<vmem>> -> memref<1x40x128xf32, #tpu.memory_space<vmem>>
      %dma_start3A_354 = tpu.memref_squeeze %dma_start3A_353 : memref<1x40x128xf32, #tpu.memory_space<vmem>> -> memref<40x128xf32, #tpu.memory_space<vmem>>
      %dma_start3A_355 = arith.constant 0 : i32
      %dma_start3A_356 = tpu.memref_slice %arg8[%dma_start3A_349, %dma_start3A_355] : memref<2x40xi32, #tpu.memory_space<vmem>> -> memref<1x40xi32, #tpu.memory_space<vmem>>
      %dma_start3A_357 = tpu.memref_squeeze %dma_start3A_356 : memref<1x40xi32, #tpu.memory_space<vmem>> -> memref<40xi32, #tpu.memory_space<vmem>>
      %dma_start3A_358 = arith.constant 0 : i32
      %dma_start3A_359 = arith.constant 0 : i32
      %dma_start3A_360 = tpu.memref_slice %arg2[%dma_start3A_358, %dma_start3A_359] : memref<10000x128xf32, #tpu.memory_space<hbm>> -> memref<10000x128xf32, #tpu.memory_space<hbm>>
      tpu.enqueue_indirect_dma source(%dma_start3A_360 : memref<10000x128xf32, #tpu.memory_space<hbm>>) target(%dma_start3A_354 : memref<40x128xf32, #tpu.memory_space<vmem>>) offsets(%dma_start3A_357 : memref<40xi32, #tpu.memory_space<vmem>>) semaphore(%arg19 : memref<!tpu.dma_semaphore, #tpu.memory_space<semaphore_mem>>)
      %dma_start3A_361 = arith.constant 1 : i32
      %dma_start3A_362 = arith.constant 0 : i32
      %dma_start3A_363 = arith.constant 0 : i32
      %dma_start3A_364 = tpu.memref_slice %arg12[%dma_start3A_361, %dma_start3A_362, %dma_start3A_363] : memref<2x40x64xf32, #tpu.memory_space<vmem>> -> memref<1x40x64xf32, #tpu.memory_space<vmem>>
      %dma_start3A_365 = tpu.memref_squeeze %dma_start3A_364 : memref<1x40x64xf32, #tpu.memory_space<vmem>> -> memref<40x64xf32, #tpu.memory_space<vmem>>
      %dma_start3A_366 = arith.constant 0 : i32
      %dma_start3A_367 = tpu.memref_slice %arg3[%min3A_334, %dma_start3A_366] : memref<320000x64xf32, #tpu.memory_space<hbm>> -> memref<40x64xf32, #tpu.memory_space<hbm>>
      %dma_start3A_368 = arith.constant 0 : i32
      %dma_start3A_369 = arith.constant 0 : i32
      %dma_start3A_370 = tpu.memref_slice %arg12[%dma_start3A_361, %dma_start3A_368, %dma_start3A_369] : memref<2x40x64xf32, #tpu.memory_space<vmem>> -> memref<1x40x64xf32, #tpu.memory_space<vmem>>
      %dma_start3A_371 = tpu.memref_squeeze %dma_start3A_370 : memref<1x40x64xf32, #tpu.memory_space<vmem>> -> memref<40x64xf32, #tpu.memory_space<vmem>>
      %dma_start3A_372 = arith.constant 0 : i32
      %dma_start3A_373 = tpu.memref_slice %arg3[%min3A_334, %dma_start3A_372] : memref<320000x64xf32, #tpu.memory_space<hbm>> -> memref<40x64xf32, #tpu.memory_space<hbm>>
      tpu.enqueue_dma source(%dma_start3A_373 : memref<40x64xf32, #tpu.memory_space<hbm>>) target(%dma_start3A_371 : memref<40x64xf32, #tpu.memory_space<vmem>>) target_semaphore(%arg20 : memref<!tpu.dma_semaphore, #tpu.memory_space<semaphore_mem>>)
    }
    %scan3A_98 = arith.constant 125 : i32
    %add3A_99 = arith.constant 9960 : i32
    %add3A_100 = arith.addi %mul3A_2, %add3A_99 : i32
    %dma_wait3A = arith.constant 0 : i32
    %dma_wait3A_101 = arith.constant 0 : i32
    %dma_wait3A_102 = arith.constant 0 : i32
    %dma_wait3A_103 = arith.constant 0 : i32
    %dma_wait3A_104 = tpu.memref_slice %arg10[%dma_wait3A_101, %dma_wait3A_102, %dma_wait3A_103] : memref<2x40x128xf32, #tpu.memory_space<vmem>> -> memref<1x40x128xf32, #tpu.memory_space<vmem>>
    %dma_wait3A_105 = tpu.memref_squeeze %dma_wait3A_104 : memref<1x40x128xf32, #tpu.memory_space<vmem>> -> memref<40x128xf32, #tpu.memory_space<vmem>>
    %dma_wait3A_106 = arith.constant 0 : i32
    %dma_wait3A_107 = tpu.memref_slice %arg9[%dma_wait3A, %dma_wait3A_106] : memref<2x40xi32, #tpu.memory_space<vmem>> -> memref<1x40xi32, #tpu.memory_space<vmem>>
    %dma_wait3A_108 = tpu.memref_squeeze %dma_wait3A_107 : memref<1x40xi32, #tpu.memory_space<vmem>> -> memref<40xi32, #tpu.memory_space<vmem>>
    %dma_wait3A_109 = arith.constant 0 : i32
    %dma_wait3A_110 = arith.constant 0 : i32
    %dma_wait3A_111 = tpu.memref_slice %arg2[%dma_wait3A_109, %dma_wait3A_110] : memref<10000x128xf32, #tpu.memory_space<hbm>> -> memref<10000x128xf32, #tpu.memory_space<hbm>>
    tpu.wait_indirect_dma semaphore(%arg15 : memref<!tpu.dma_semaphore, #tpu.memory_space<semaphore_mem>>) src(%dma_wait3A_111 : memref<10000x128xf32, #tpu.memory_space<hbm>>) dst(%dma_wait3A_105 : memref<40x128xf32, #tpu.memory_space<vmem>>)
    %dma_wait3A_112 = arith.constant 0 : i32
    %dma_wait3A_113 = arith.constant 0 : i32
    %dma_wait3A_114 = arith.constant 0 : i32
    %dma_wait3A_115 = arith.constant 0 : i32
    %dma_wait3A_116 = tpu.memref_slice %arg11[%dma_wait3A_113, %dma_wait3A_114, %dma_wait3A_115] : memref<2x40x128xf32, #tpu.memory_space<vmem>> -> memref<1x40x128xf32, #tpu.memory_space<vmem>>
    %dma_wait3A_117 = tpu.memref_squeeze %dma_wait3A_116 : memref<1x40x128xf32, #tpu.memory_space<vmem>> -> memref<40x128xf32, #tpu.memory_space<vmem>>
    %dma_wait3A_118 = arith.constant 0 : i32
    %dma_wait3A_119 = tpu.memref_slice %arg8[%dma_wait3A_112, %dma_wait3A_118] : memref<2x40xi32, #tpu.memory_space<vmem>> -> memref<1x40xi32, #tpu.memory_space<vmem>>
    %dma_wait3A_120 = tpu.memref_squeeze %dma_wait3A_119 : memref<1x40xi32, #tpu.memory_space<vmem>> -> memref<40xi32, #tpu.memory_space<vmem>>
    %dma_wait3A_121 = arith.constant 0 : i32
    %dma_wait3A_122 = arith.constant 0 : i32
    %dma_wait3A_123 = tpu.memref_slice %arg2[%dma_wait3A_121, %dma_wait3A_122] : memref<10000x128xf32, #tpu.memory_space<hbm>> -> memref<10000x128xf32, #tpu.memory_space<hbm>>
    tpu.wait_indirect_dma semaphore(%arg16 : memref<!tpu.dma_semaphore, #tpu.memory_space<semaphore_mem>>) src(%dma_wait3A_123 : memref<10000x128xf32, #tpu.memory_space<hbm>>) dst(%dma_wait3A_117 : memref<40x128xf32, #tpu.memory_space<vmem>>)
    %dma_wait3A_124 = arith.constant 0 : i32
    %dma_wait3A_125 = arith.constant 0 : i32
    %dma_wait3A_126 = arith.constant 0 : i32
    %dma_wait3A_127 = tpu.memref_slice %arg12[%dma_wait3A_124, %dma_wait3A_125, %dma_wait3A_126] : memref<2x40x64xf32, #tpu.memory_space<vmem>> -> memref<1x40x64xf32, #tpu.memory_space<vmem>>
    %dma_wait3A_128 = tpu.memref_squeeze %dma_wait3A_127 : memref<1x40x64xf32, #tpu.memory_space<vmem>> -> memref<40x64xf32, #tpu.memory_space<vmem>>
    %dma_wait3A_129 = arith.constant 0 : i32
    %dma_wait3A_130 = tpu.memref_slice %arg3[%add3A_100, %dma_wait3A_129] : memref<320000x64xf32, #tpu.memory_space<hbm>> -> memref<40x64xf32, #tpu.memory_space<hbm>>
    %dma_wait3A_131 = arith.constant 0 : i32
    %dma_wait3A_132 = arith.constant 0 : i32
    %dma_wait3A_133 = tpu.memref_slice %arg12[%dma_wait3A_124, %dma_wait3A_131, %dma_wait3A_132] : memref<2x40x64xf32, #tpu.memory_space<vmem>> -> memref<1x40x64xf32, #tpu.memory_space<vmem>>
    %dma_wait3A_134 = tpu.memref_squeeze %dma_wait3A_133 : memref<1x40x64xf32, #tpu.memory_space<vmem>> -> memref<40x64xf32, #tpu.memory_space<vmem>>
    %dma_wait3A_135 = arith.constant 0 : i32
    %dma_wait3A_136 = tpu.memref_slice %arg3[%add3A_100, %dma_wait3A_135] : memref<320000x64xf32, #tpu.memory_space<hbm>> -> memref<40x64xf32, #tpu.memory_space<hbm>>
    tpu.wait_dma2 semaphore(%arg17 : memref<!tpu.dma_semaphore, #tpu.memory_space<semaphore_mem>>) src(%dma_wait3A_136 : memref<40x64xf32, #tpu.memory_space<hbm>>) dst(%dma_wait3A_134 : memref<40x64xf32, #tpu.memory_space<vmem>>)
    %add3A_137 = arith.constant 9960 : i32
    %add3A_138 = arith.addi %mul3A_2, %add3A_137 : i32
    %dma_wait3A_139 = arith.constant 1 : i32
    %dma_wait3A_140 = arith.constant 1 : i32
    %dma_wait3A_141 = arith.constant 0 : i32
    %dma_wait3A_142 = arith.constant 0 : i32
    %dma_wait3A_143 = tpu.memref_slice %arg10[%dma_wait3A_140, %dma_wait3A_141, %dma_wait3A_142] : memref<2x40x128xf32, #tpu.memory_space<vmem>> -> memref<1x40x128xf32, #tpu.memory_space<vmem>>
    %dma_wait3A_144 = tpu.memref_squeeze %dma_wait3A_143 : memref<1x40x128xf32, #tpu.memory_space<vmem>> -> memref<40x128xf32, #tpu.memory_space<vmem>>
    %dma_wait3A_145 = arith.constant 0 : i32
    %dma_wait3A_146 = tpu.memref_slice %arg9[%dma_wait3A_139, %dma_wait3A_145] : memref<2x40xi32, #tpu.memory_space<vmem>> -> memref<1x40xi32, #tpu.memory_space<vmem>>
    %dma_wait3A_147 = tpu.memref_squeeze %dma_wait3A_146 : memref<1x40xi32, #tpu.memory_space<vmem>> -> memref<40xi32, #tpu.memory_space<vmem>>
    %dma_wait3A_148 = arith.constant 0 : i32
    %dma_wait3A_149 = arith.constant 0 : i32
    %dma_wait3A_150 = tpu.memref_slice %arg2[%dma_wait3A_148, %dma_wait3A_149] : memref<10000x128xf32, #tpu.memory_space<hbm>> -> memref<10000x128xf32, #tpu.memory_space<hbm>>
    tpu.wait_indirect_dma semaphore(%arg18 : memref<!tpu.dma_semaphore, #tpu.memory_space<semaphore_mem>>) src(%dma_wait3A_150 : memref<10000x128xf32, #tpu.memory_space<hbm>>) dst(%dma_wait3A_144 : memref<40x128xf32, #tpu.memory_space<vmem>>)
    %dma_wait3A_151 = arith.constant 1 : i32
    %dma_wait3A_152 = arith.constant 1 : i32
    %dma_wait3A_153 = arith.constant 0 : i32
    %dma_wait3A_154 = arith.constant 0 : i32
    %dma_wait3A_155 = tpu.memref_slice %arg11[%dma_wait3A_152, %dma_wait3A_153, %dma_wait3A_154] : memref<2x40x128xf32, #tpu.memory_space<vmem>> -> memref<1x40x128xf32, #tpu.memory_space<vmem>>
    %dma_wait3A_156 = tpu.memref_squeeze %dma_wait3A_155 : memref<1x40x128xf32, #tpu.memory_space<vmem>> -> memref<40x128xf32, #tpu.memory_space<vmem>>
    %dma_wait3A_157 = arith.constant 0 : i32
    %dma_wait3A_158 = tpu.memref_slice %arg8[%dma_wait3A_151, %dma_wait3A_157] : memref<2x40xi32, #tpu.memory_space<vmem>> -> memref<1x40xi32, #tpu.memory_space<vmem>>
    %dma_wait3A_159 = tpu.memref_squeeze %dma_wait3A_158 : memref<1x40xi32, #tpu.memory_space<vmem>> -> memref<40xi32, #tpu.memory_space<vmem>>
    %dma_wait3A_160 = arith.constant 0 : i32
    %dma_wait3A_161 = arith.constant 0 : i32
    %dma_wait3A_162 = tpu.memref_slice %arg2[%dma_wait3A_160, %dma_wait3A_161] : memref<10000x128xf32, #tpu.memory_space<hbm>> -> memref<10000x128xf32, #tpu.memory_space<hbm>>
    tpu.wait_indirect_dma semaphore(%arg19 : memref<!tpu.dma_semaphore, #tpu.memory_space<semaphore_mem>>) src(%dma_wait3A_162 : memref<10000x128xf32, #tpu.memory_space<hbm>>) dst(%dma_wait3A_156 : memref<40x128xf32, #tpu.memory_space<vmem>>)
    %dma_wait3A_163 = arith.constant 1 : i32
    %dma_wait3A_164 = arith.constant 0 : i32
    %dma_wait3A_165 = arith.constant 0 : i32
    %dma_wait3A_166 = tpu.memref_slice %arg12[%dma_wait3A_163, %dma_wait3A_164, %dma_wait3A_165] : memref<2x40x64xf32, #tpu.memory_space<vmem>> -> memref<1x40x64xf32, #tpu.memory_space<vmem>>
    %dma_wait3A_167 = tpu.memref_squeeze %dma_wait3A_166 : memref<1x40x64xf32, #tpu.memory_space<vmem>> -> memref<40x64xf32, #tpu.memory_space<vmem>>
    %dma_wait3A_168 = arith.constant 0 : i32
    %dma_wait3A_169 = tpu.memref_slice %arg3[%add3A_138, %dma_wait3A_168] : memref<320000x64xf32, #tpu.memory_space<hbm>> -> memref<40x64xf32, #tpu.memory_space<hbm>>
    %dma_wait3A_170 = arith.constant 0 : i32
    %dma_wait3A_171 = arith.constant 0 : i32
    %dma_wait3A_172 = tpu.memref_slice %arg12[%dma_wait3A_163, %dma_wait3A_170, %dma_wait3A_171] : memref<2x40x64xf32, #tpu.memory_space<vmem>> -> memref<1x40x64xf32, #tpu.memory_space<vmem>>
    %dma_wait3A_173 = tpu.memref_squeeze %dma_wait3A_172 : memref<1x40x64xf32, #tpu.memory_space<vmem>> -> memref<40x64xf32, #tpu.memory_space<vmem>>
    %dma_wait3A_174 = arith.constant 0 : i32
    %dma_wait3A_175 = tpu.memref_slice %arg3[%add3A_138, %dma_wait3A_174] : memref<320000x64xf32, #tpu.memory_space<hbm>> -> memref<40x64xf32, #tpu.memory_space<hbm>>
    tpu.wait_dma2 semaphore(%arg20 : memref<!tpu.dma_semaphore, #tpu.memory_space<semaphore_mem>>) src(%dma_wait3A_175 : memref<40x64xf32, #tpu.memory_space<hbm>>) dst(%dma_wait3A_173 : memref<40x64xf32, #tpu.memory_space<vmem>>)
    %barrier3A_176 = arith.constant 0 : index
    tpu.barrier barrier_id(%barrier3A_176)
    %mul3A_177 = arith.constant 632 : i32
    %mul3A_178 = arith.muli %arg1, %mul3A_177 : i32
    %mul3A_179 = arith.constant 632 : i32
    %mul3A_180 = arith.muli %arg1, %mul3A_179 : i32
    "tpu.region"() ({
      %run_scoped3A_181 = tpu.sem_alloc : memref<!tpu.dma_semaphore, #tpu.memory_space<semaphore_mem>>
      %dma_start3A_182 = arith.constant 0 : i32
      %dma_start3A_183 = tpu.memref_slice %arg7[%arg0, %mul3A_180, %dma_start3A_182] : memref<2x10112x128xf32, #tpu.memory_space<hbm>> -> memref<1x632x128xf32, #tpu.memory_space<hbm>>
      %dma_start3A_184 = tpu.memref_squeeze %dma_start3A_183 : memref<1x632x128xf32, #tpu.memory_space<hbm>> -> memref<632x128xf32, #tpu.memory_space<hbm>>
      %dma_start3A_185 = arith.constant 0 : i32
      %dma_start3A_186 = tpu.memref_slice %arg14[%mul3A_178, %dma_start3A_185] : memref<10112x128xf32, #tpu.memory_space<vmem_shared>> -> memref<632x128xf32, #tpu.memory_space<vmem_shared>>
      tpu.enqueue_dma source(%dma_start3A_186 : memref<632x128xf32, #tpu.memory_space<vmem_shared>>) target(%dma_start3A_184 : memref<632x128xf32, #tpu.memory_space<hbm>>) target_semaphore(%run_scoped3A_181 : memref<!tpu.dma_semaphore, #tpu.memory_space<semaphore_mem>>)
      %dma_wait3A_187 = arith.constant 0 : i32
      %dma_wait3A_188 = tpu.memref_slice %arg7[%arg0, %mul3A_180, %dma_wait3A_187] : memref<2x10112x128xf32, #tpu.memory_space<hbm>> -> memref<1x632x128xf32, #tpu.memory_space<hbm>>
      %dma_wait3A_189 = tpu.memref_squeeze %dma_wait3A_188 : memref<1x632x128xf32, #tpu.memory_space<hbm>> -> memref<632x128xf32, #tpu.memory_space<hbm>>
      %dma_wait3A_190 = arith.constant 0 : i32
      %dma_wait3A_191 = tpu.memref_slice %arg14[%mul3A_178, %dma_wait3A_190] : memref<10112x128xf32, #tpu.memory_space<vmem_shared>> -> memref<632x128xf32, #tpu.memory_space<vmem_shared>>
      tpu.wait_dma2 semaphore(%run_scoped3A_181 : memref<!tpu.dma_semaphore, #tpu.memory_space<semaphore_mem>>) src(%dma_wait3A_191 : memref<632x128xf32, #tpu.memory_space<vmem_shared>>) dst(%dma_wait3A_189 : memref<632x128xf32, #tpu.memory_space<hbm>>)
      tpu.yield
    }) : () -> ()
    return
  }
}

module attributes {stable_mosaic.version = 14 : i64} {
  func.func @_pq_body(%arg0: i32, %arg1: memref<2000x128xf32, #tpu.memory_space<vmem>>, %arg2: memref<16x128xf32, #tpu.memory_space<vmem>>, %arg3: memref<1x1x2000xi32, #tpu.memory_space<vmem>>, %arg4: memref<128x64xf32, #tpu.memory_space<vmem>>, %arg5: memref<128x64xf32, #tpu.memory_space<vmem>>, %arg6: memref<2000x128xf32, #tpu.memory_space<vmem>>) attributes {dimension_semantics = [#tpu.dimension_semantics<arbitrary>], iteration_bounds = array<i64: 5>, scalar_prefetch = 0 : i64, scratch_operands = 0 : i64, tpu.core_type = #tpu.core_type<tc>, window_params = [{transform_indices = @transform_0, window_bounds = array<i64: 2000, 128>}, {pipeline_mode = #tpu.pipeline_mode<synchronous>, transform_indices = @transform_1, window_bounds = array<i64: 16, 128>}, {transform_indices = @transform_2, window_bounds = array<i64: 1, 1, 2000>}, {pipeline_mode = #tpu.pipeline_mode<synchronous>, transform_indices = @transform_3, window_bounds = array<i64: 128, 64>}, {pipeline_mode = #tpu.pipeline_mode<synchronous>, transform_indices = @transform_4, window_bounds = array<i64: 128, 64>}, {transform_indices = @transform_5, window_bounds = array<i64: 2000, 128>}]} {
    %get3A = arith.constant 0 : index
    %get3A_0 = arith.constant 0 : index
    %get3A_1 = vector.load %arg1[%get3A, %get3A_0] : memref<2000x128xf32, #tpu.memory_space<vmem>>, vector<2000x128xf32>
    %get3A_2 = arith.constant 0 : index
    %get3A_3 = arith.constant 0 : index
    %get3A_4 = vector.load %arg4[%get3A_2, %get3A_3] : memref<128x64xf32, #tpu.memory_space<vmem>>, vector<128x64xf32>
    %dot_general3A = arith.constant dense<0.000000e+00> : vector<2000x64xf32>
    %dot_general3A_5 = tpu.matmul %get3A_1, %get3A_4, %dot_general3A {dimension_numbers = #tpu.dot_dimension_numbers<[1], [0], [0], [1], [0, 0, 1, 1], [], []>, transpose_lhs_hint = false} : vector<2000x128xf32>, vector<128x64xf32>, vector<2000x64xf32> -> vector<2000x64xf32>
    %get3A_6 = arith.constant 0 : index
    %get3A_7 = arith.constant 0 : index
    %get3A_8 = vector.load %arg2[%get3A_6, %get3A_7] : memref<16x128xf32, #tpu.memory_space<vmem>>, vector<16x128xf32>
    %get3A_9 = arith.constant 0 : index
    %get3A_10 = arith.constant 0 : index
    %get3A_11 = vector.load %arg5[%get3A_9, %get3A_10] : memref<128x64xf32, #tpu.memory_space<vmem>>, vector<128x64xf32>
    %dot_general3A_12 = arith.constant dense<0.000000e+00> : vector<16x64xf32>
    %dot_general3A_13 = tpu.matmul %get3A_8, %get3A_11, %dot_general3A_12 {dimension_numbers = #tpu.dot_dimension_numbers<[1], [0], [0], [1], [0, 0, 1, 1], [], []>, transpose_lhs_hint = false} : vector<16x128xf32>, vector<128x64xf32>, vector<16x64xf32> -> vector<16x64xf32>
    %get3A_14 = arith.constant 0 : index
    %get3A_15 = arith.constant 0 : index
    %get3A_16 = arith.constant 0 : index
    %get3A_17 = vector.load %arg3[%get3A_14, %get3A_15, %get3A_16] : memref<1x1x2000xi32, #tpu.memory_space<vmem>>, vector<1x1x2000xi32>
    %get3A_18 = vector.shape_cast %get3A_17 : vector<1x1x2000xi32> to vector<2000xi32>
    %reshape3A = vector.shape_cast %get3A_18 : vector<2000xi32> to vector<2000x1xi32>
    %iota3A = tpu.iota {dimensions = array<i32: 1>} : vector<2000x16xi32>
    %eq3A = vector.broadcast %reshape3A : vector<2000x1xi32> to vector<2000x16xi32>
    %eq3A_19 = arith.cmpi eq, %eq3A, %iota3A : vector<2000x16xi32>
    %convert_element_type3A = arith.extui %eq3A_19 : vector<2000x16xi1> to vector<2000x16xi32>
    %convert_element_type3A_20 = arith.sitofp %convert_element_type3A : vector<2000x16xi32> to vector<2000x16xf32>
    %dot_general3A_21 = arith.constant dense<0.000000e+00> : vector<2000x64xf32>
    %dot_general3A_22 = tpu.matmul %convert_element_type3A_20, %dot_general3A_13, %dot_general3A_21 {dimension_numbers = #tpu.dot_dimension_numbers<[1], [0], [0], [1], [0, 0, 1, 1], [], []>, transpose_lhs_hint = false} : vector<2000x16xf32>, vector<16x64xf32>, vector<2000x64xf32> -> vector<2000x64xf32>
    %sub3A = arith.subf %dot_general3A_22, %dot_general3A_5 : vector<2000x64xf32>
    %concatenate3A = tpu.concatenate %dot_general3A_5, %sub3A in 1 : vector<2000x64xf32>, vector<2000x64xf32> -> vector<2000x128xf32>
    %swap3A = arith.constant 0 : index
    %swap3A_23 = arith.constant 0 : index
    %swap3A_24 = vector.load %arg6[%swap3A, %swap3A_23] : memref<2000x128xf32, #tpu.memory_space<vmem>>, vector<2000x128xf32>
    tpu.vector_store %arg6[%swap3A, %swap3A_23], %concatenate3A {strides = array<i32>} : memref<2000x128xf32, #tpu.memory_space<vmem>>, vector<2000x128xf32>,
    return
  }
  func.func @transform_0(%arg0: i32) -> (i32, i32) {
    %c0_i32 = arith.constant 0 : i32
    %c0_i32_0 = arith.constant 0 : i32
    return %arg0, %c0_i32 : i32, i32
  }
  func.func @transform_1(%arg0: i32) -> (i32, i32) {
    %c0_i32 = arith.constant 0 : i32
    %c0_i32_0 = arith.constant 0 : i32
    %c0_i32_1 = arith.constant 0 : i32
    return %c0_i32, %c0_i32_0 : i32, i32
  }
  func.func @transform_2(%arg0: i32) -> (i32, i32, i32) {
    %c0_i32 = arith.constant 0 : i32
    %c0_i32_0 = arith.constant 0 : i32
    %c0_i32_1 = arith.constant 0 : i32
    return %arg0, %c0_i32, %c0_i32_0 : i32, i32, i32
  }
  func.func @transform_3(%arg0: i32) -> (i32, i32) {
    %c0_i32 = arith.constant 0 : i32
    %c0_i32_0 = arith.constant 0 : i32
    %c0_i32_1 = arith.constant 0 : i32
    return %c0_i32, %c0_i32_0 : i32, i32
  }
  func.func @transform_4(%arg0: i32) -> (i32, i32) {
    %c0_i32 = arith.constant 0 : i32
    %c0_i32_0 = arith.constant 0 : i32
    %c0_i32_1 = arith.constant 0 : i32
    return %c0_i32, %c0_i32_0 : i32, i32
  }
  func.func @transform_5(%arg0: i32) -> (i32, i32) {
    %c0_i32 = arith.constant 0 : i32
    %c0_i32_0 = arith.constant 0 : i32
    return %arg0, %c0_i32 : i32, i32
  }
}

module attributes {stable_mosaic.version = 14 : i64} {
  func.func @_ewb_body(%arg0: i32, %arg1: memref<8000x16xf32, #tpu.memory_space<vmem>>, %arg2: memref<16x64xf32, #tpu.memory_space<vmem>>, %arg3: memref<1x64xf32, #tpu.memory_space<vmem>>, %arg4: memref<8000x64xf32, #tpu.memory_space<vmem>>) attributes {dimension_semantics = [#tpu.dimension_semantics<arbitrary>], iteration_bounds = array<i64: 40>, scalar_prefetch = 0 : i64, scratch_operands = 0 : i64, tpu.core_type = #tpu.core_type<tc>, window_params = [{transform_indices = @transform_0, window_bounds = array<i64: 8000, 16>}, {pipeline_mode = #tpu.pipeline_mode<synchronous>, transform_indices = @transform_1, window_bounds = array<i64: 16, 64>}, {pipeline_mode = #tpu.pipeline_mode<synchronous>, transform_indices = @transform_2, window_bounds = array<i64: 1, 64>}, {transform_indices = @transform_3, window_bounds = array<i64: 8000, 64>}]} {
    %get3A = arith.constant 0 : index
    %get3A_0 = arith.constant 0 : index
    %get3A_1 = vector.load %arg1[%get3A, %get3A_0] : memref<8000x16xf32, #tpu.memory_space<vmem>>, vector<8000x16xf32>
    %get3A_2 = arith.constant 0 : index
    %get3A_3 = arith.constant 0 : index
    %get3A_4 = vector.load %arg2[%get3A_2, %get3A_3] : memref<16x64xf32, #tpu.memory_space<vmem>>, vector<16x64xf32>
    %dot_general3A = arith.constant dense<0.000000e+00> : vector<8000x64xf32>
    %dot_general3A_5 = tpu.matmul %get3A_1, %get3A_4, %dot_general3A {dimension_numbers = #tpu.dot_dimension_numbers<[1], [0], [0], [1], [0, 0, 1, 1], [], []>, transpose_lhs_hint = false} : vector<8000x16xf32>, vector<16x64xf32>, vector<8000x64xf32> -> vector<8000x64xf32>
    %get3A_6 = arith.constant 0 : index
    %get3A_7 = arith.constant 0 : index
    %get3A_8 = vector.load %arg3[%get3A_6, %get3A_7] : memref<1x64xf32, #tpu.memory_space<vmem>>, vector<1x64xf32>
    %add3A = vector.broadcast %get3A_8 : vector<1x64xf32> to vector<8000x64xf32>
    %add3A_9 = arith.addf %dot_general3A_5, %add3A : vector<8000x64xf32>
    %swap3A = arith.constant 0 : index
    %swap3A_10 = arith.constant 0 : index
    %swap3A_11 = vector.load %arg4[%swap3A, %swap3A_10] : memref<8000x64xf32, #tpu.memory_space<vmem>>, vector<8000x64xf32>
    tpu.vector_store %arg4[%swap3A, %swap3A_10], %add3A_9 {strides = array<i32>} : memref<8000x64xf32, #tpu.memory_space<vmem>>, vector<8000x64xf32>,
    return
  }
  func.func @transform_0(%arg0: i32) -> (i32, i32) {
    %c0_i32 = arith.constant 0 : i32
    %c0_i32_0 = arith.constant 0 : i32
    return %arg0, %c0_i32 : i32, i32
  }
  func.func @transform_1(%arg0: i32) -> (i32, i32) {
    %c0_i32 = arith.constant 0 : i32
    %c0_i32_0 = arith.constant 0 : i32
    %c0_i32_1 = arith.constant 0 : i32
    return %c0_i32, %c0_i32_0 : i32, i32
  }
  func.func @transform_2(%arg0: i32) -> (i32, i32) {
    %c0_i32 = arith.constant 0 : i32
    %c0_i32_0 = arith.constant 0 : i32
    %c0_i32_1 = arith.constant 0 : i32
    return %c0_i32, %c0_i32_0 : i32, i32
  }
  func.func @transform_3(%arg0: i32) -> (i32, i32) {
    %c0_i32 = arith.constant 0 : i32
    %c0_i32_0 = arith.constant 0 : i32
    return %arg0, %c0_i32 : i32, i32
  }
}

module attributes {stable_mosaic.version = 14 : i64} {
  func.func @_node_body(%arg0: i32, %arg1: memref<2000x128xf32, #tpu.memory_space<vmem>>, %arg2: memref<16x128xf32, #tpu.memory_space<vmem>>, %arg3: memref<1x1x2000xi32, #tpu.memory_space<vmem>>, %arg4: memref<2x2000x128xf32, #tpu.memory_space<vmem>>, %arg5: memref<64x64xf32, #tpu.memory_space<vmem>>, %arg6: memref<128x64xf32, #tpu.memory_space<vmem>>, %arg7: memref<64x64xf32, #tpu.memory_space<vmem>>, %arg8: memref<128x64xf32, #tpu.memory_space<vmem>>, %arg9: memref<1x64xf32, #tpu.memory_space<vmem>>, %arg10: memref<64x64xf32, #tpu.memory_space<vmem>>, %arg11: memref<1x64xf32, #tpu.memory_space<vmem>>, %arg12: memref<64x64xf32, #tpu.memory_space<vmem>>, %arg13: memref<128x64xf32, #tpu.memory_space<vmem>>, %arg14: memref<1x64xf32, #tpu.memory_space<vmem>>, %arg15: memref<64x64xf32, #tpu.memory_space<vmem>>, %arg16: memref<1x64xf32, #tpu.memory_space<vmem>>, %arg17: memref<64x64xf32, #tpu.memory_space<vmem>>, %arg18: memref<128x64xf32, #tpu.memory_space<vmem>>, %arg19: memref<1x64xf32, #tpu.memory_space<vmem>>, %arg20: memref<64x64xf32, #tpu.memory_space<vmem>>, %arg21: memref<1x64xf32, #tpu.memory_space<vmem>>, %arg22: memref<1x64xf32, #tpu.memory_space<vmem>>, %arg23: memref<16x64xf32, #tpu.memory_space<vmem>>) attributes {dimension_semantics = [#tpu.dimension_semantics<arbitrary>], iteration_bounds = array<i64: 5>, scalar_prefetch = 0 : i64, scratch_operands = 0 : i64, tpu.core_type = #tpu.core_type<tc>, window_params = [{transform_indices = @transform_0, window_bounds = array<i64: 2000, 128>}, {pipeline_mode = #tpu.pipeline_mode<synchronous>, transform_indices = @transform_1, window_bounds = array<i64: 16, 128>}, {transform_indices = @transform_2, window_bounds = array<i64: 1, 1, 2000>}, {transform_indices = @transform_3, window_bounds = array<i64: 2, 2000, 128>}, {pipeline_mode = #tpu.pipeline_mode<synchronous>, transform_indices = @transform_4, window_bounds = array<i64: 64, 64>}, {pipeline_mode = #tpu.pipeline_mode<synchronous>, transform_indices = @transform_5, window_bounds = array<i64: 128, 64>}, {pipeline_mode = #tpu.pipeline_mode<synchronous>, transform_indices = @transform_6, window_bounds = array<i64: 64, 64>}, {pipeline_mode = #tpu.pipeline_mode<synchronous>, transform_indices = @transform_7, window_bounds = array<i64: 128, 64>}, {pipeline_mode = #tpu.pipeline_mode<synchronous>, transform_indices = @transform_8, window_bounds = array<i64: 1, 64>}, {pipeline_mode = #tpu.pipeline_mode<synchronous>, transform_indices = @transform_9, window_bounds = array<i64: 64, 64>}, {pipeline_mode = #tpu.pipeline_mode<synchronous>, transform_indices = @transform_10, window_bounds = array<i64: 1, 64>}, {pipeline_mode = #tpu.pipeline_mode<synchronous>, transform_indices = @transform_11, window_bounds = array<i64: 64, 64>}, {pipeline_mode = #tpu.pipeline_mode<synchronous>, transform_indices = @transform_12, window_bounds = array<i64: 128, 64>}, {pipeline_mode = #tpu.pipeline_mode<synchronous>, transform_indices = @transform_13, window_bounds = array<i64: 1, 64>}, {pipeline_mode = #tpu.pipeline_mode<synchronous>, transform_indices = @transform_14, window_bounds = array<i64: 64, 64>}, {pipeline_mode = #tpu.pipeline_mode<synchronous>, transform_indices = @transform_15, window_bounds = array<i64: 1, 64>}, {pipeline_mode = #tpu.pipeline_mode<synchronous>, transform_indices = @transform_16, window_bounds = array<i64: 64, 64>}, {pipeline_mode = #tpu.pipeline_mode<synchronous>, transform_indices = @transform_17, window_bounds = array<i64: 128, 64>}, {pipeline_mode = #tpu.pipeline_mode<synchronous>, transform_indices = @transform_18, window_bounds = array<i64: 1, 64>}, {pipeline_mode = #tpu.pipeline_mode<synchronous>, transform_indices = @transform_19, window_bounds = array<i64: 64, 64>}, {pipeline_mode = #tpu.pipeline_mode<synchronous>, transform_indices = @transform_20, window_bounds = array<i64: 1, 64>}, {pipeline_mode = #tpu.pipeline_mode<synchronous>, transform_indices = @transform_21, window_bounds = array<i64: 1, 64>}, {pipeline_mode = #tpu.pipeline_mode<synchronous>, transform_indices = @transform_22, window_bounds = array<i64: 16, 64>}]} {
    %get3A = arith.constant 0 : index
    %get3A_0 = arith.constant 0 : index
    %get3A_1 = arith.constant 0 : index
    %get3A_2 = vector.load %arg4[%get3A, %get3A_0, %get3A_1] : memref<2x2000x128xf32, #tpu.memory_space<vmem>>, vector<1x2000x128xf32>
    %get3A_3 = vector.shape_cast %get3A_2 : vector<1x2000x128xf32> to vector<2000x128xf32>
    %get3A_4 = arith.constant 1 : index
    %get3A_5 = arith.constant 0 : index
    %get3A_6 = arith.constant 0 : index
    %get3A_7 = vector.load %arg4[%get3A_4, %get3A_5, %get3A_6] : memref<2x2000x128xf32, #tpu.memory_space<vmem>>, vector<1x2000x128xf32>
    %get3A_8 = vector.shape_cast %get3A_7 : vector<1x2000x128xf32> to vector<2000x128xf32>
    %add3A = arith.addf %get3A_3, %get3A_8 : vector<2000x128xf32>
    %slice3A = vector.extract_strided_slice %add3A {offsets = [0, 0], sizes = [2000, 64], strides = [1, 1]} : vector<2000x128xf32> to vector<2000x64xf32>
    %slice3A_9 = vector.extract_strided_slice %add3A {offsets = [0, 64], sizes = [2000, 1], strides = [1, 1]} : vector<2000x128xf32> to vector<2000x1xf32>
    %get3A_10 = arith.constant 0 : index
    %get3A_11 = arith.constant 0 : index
    %get3A_12 = vector.load %arg1[%get3A_10, %get3A_11] : memref<2000x128xf32, #tpu.memory_space<vmem>>, vector<2000x128xf32>
    %get3A_13 = arith.constant 0 : index
    %get3A_14 = arith.constant 0 : index
    %get3A_15 = vector.load %arg2[%get3A_13, %get3A_14] : memref<16x128xf32, #tpu.memory_space<vmem>>, vector<16x128xf32>
    %get3A_16 = arith.constant 0 : index
    %get3A_17 = arith.constant 0 : index
    %get3A_18 = arith.constant 0 : index
    %get3A_19 = vector.load %arg3[%get3A_16, %get3A_17, %get3A_18] : memref<1x1x2000xi32, #tpu.memory_space<vmem>>, vector<1x1x2000xi32>
    %get3A_20 = vector.shape_cast %get3A_19 : vector<1x1x2000xi32> to vector<2000xi32>
    %reshape3A = vector.shape_cast %get3A_20 : vector<2000xi32> to vector<2000x1xi32>
    %iota3A = tpu.iota {dimensions = array<i32: 1>} : vector<2000x16xi32>
    %eq3A = vector.broadcast %reshape3A : vector<2000x1xi32> to vector<2000x16xi32>
    %eq3A_21 = arith.cmpi eq, %eq3A, %iota3A : vector<2000x16xi32>
    %convert_element_type3A = arith.extui %eq3A_21 : vector<2000x16xi1> to vector<2000x16xi32>
    %convert_element_type3A_22 = arith.sitofp %convert_element_type3A : vector<2000x16xi32> to vector<2000x16xf32>
    %get3A_23 = arith.constant 0 : index
    %get3A_24 = arith.constant 0 : index
    %get3A_25 = vector.load %arg5[%get3A_23, %get3A_24] : memref<64x64xf32, #tpu.memory_space<vmem>>, vector<64x64xf32>
    %get3A_26 = arith.constant 0 : index
    %get3A_27 = arith.constant 0 : index
    %get3A_28 = vector.load %arg7[%get3A_26, %get3A_27] : memref<64x64xf32, #tpu.memory_space<vmem>>, vector<64x64xf32>
    %dot_general3A = arith.constant dense<0.000000e+00> : vector<64x64xf32>
    %dot_general3A_29 = tpu.matmul %get3A_25, %get3A_28, %dot_general3A {dimension_numbers = #tpu.dot_dimension_numbers<[1], [0], [0], [1], [0, 0, 1, 1], [], []>, transpose_lhs_hint = false} : vector<64x64xf32>, vector<64x64xf32>, vector<64x64xf32> -> vector<64x64xf32>
    %get3A_30 = arith.constant 0 : index
    %get3A_31 = arith.constant 0 : index
    %get3A_32 = vector.load %arg22[%get3A_30, %get3A_31] : memref<1x64xf32, #tpu.memory_space<vmem>>, vector<1x64xf32>
    %get3A_33 = arith.constant 0 : index
    %get3A_34 = arith.constant 0 : index
    %get3A_35 = vector.load %arg7[%get3A_33, %get3A_34] : memref<64x64xf32, #tpu.memory_space<vmem>>, vector<64x64xf32>
    %dot_general3A_36 = arith.constant dense<0.000000e+00> : vector<1x64xf32>
    %dot_general3A_37 = tpu.matmul %get3A_32, %get3A_35, %dot_general3A_36 {dimension_numbers = #tpu.dot_dimension_numbers<[1], [0], [0], [1], [0, 0, 1, 1], [], []>, transpose_lhs_hint = false} : vector<1x64xf32>, vector<64x64xf32>, vector<1x64xf32> -> vector<1x64xf32>
    %get3A_38 = arith.constant 0 : index
    %get3A_39 = arith.constant 0 : index
    %get3A_40 = vector.load %arg6[%get3A_38, %get3A_39] : memref<128x64xf32, #tpu.memory_space<vmem>>, vector<128x64xf32>
    %dot_general3A_41 = arith.constant dense<0.000000e+00> : vector<2000x64xf32>
    %dot_general3A_42 = tpu.matmul %get3A_12, %get3A_40, %dot_general3A_41 {dimension_numbers = #tpu.dot_dimension_numbers<[1], [0], [0], [1], [0, 0, 1, 1], [], []>, transpose_lhs_hint = false} : vector<2000x128xf32>, vector<128x64xf32>, vector<2000x64xf32> -> vector<2000x64xf32>
    %dot_general3A_43 = arith.constant dense<0.000000e+00> : vector<2000x64xf32>
    %dot_general3A_44 = tpu.matmul %slice3A, %dot_general3A_29, %dot_general3A_43 {dimension_numbers = #tpu.dot_dimension_numbers<[1], [0], [0], [1], [0, 0, 1, 1], [], []>, transpose_lhs_hint = false} : vector<2000x64xf32>, vector<64x64xf32>, vector<2000x64xf32> -> vector<2000x64xf32>
    %add3A_45 = arith.addf %dot_general3A_42, %dot_general3A_44 : vector<2000x64xf32>
    %mul3A = vector.broadcast %slice3A_9 : vector<2000x1xf32> to vector<2000x64xf32>
    %mul3A_46 = vector.broadcast %dot_general3A_37 : vector<1x64xf32> to vector<2000x64xf32>
    %mul3A_47 = arith.mulf %mul3A, %mul3A_46 : vector<2000x64xf32>
    %add3A_48 = arith.addf %add3A_45, %mul3A_47 : vector<2000x64xf32>
    %get3A_49 = arith.constant 0 : index
    %get3A_50 = arith.constant 0 : index
    %get3A_51 = vector.load %arg8[%get3A_49, %get3A_50] : memref<128x64xf32, #tpu.memory_space<vmem>>, vector<128x64xf32>
    %dot_general3A_52 = arith.constant dense<0.000000e+00> : vector<16x64xf32>
    %dot_general3A_53 = tpu.matmul %get3A_15, %get3A_51, %dot_general3A_52 {dimension_numbers = #tpu.dot_dimension_numbers<[1], [0], [0], [1], [0, 0, 1, 1], [], []>, transpose_lhs_hint = false} : vector<16x128xf32>, vector<128x64xf32>, vector<16x64xf32> -> vector<16x64xf32>
    %dot_general3A_54 = arith.constant dense<0.000000e+00> : vector<2000x64xf32>
    %dot_general3A_55 = tpu.matmul %convert_element_type3A_22, %dot_general3A_53, %dot_general3A_54 {dimension_numbers = #tpu.dot_dimension_numbers<[1], [0], [0], [1], [0, 0, 1, 1], [], []>, transpose_lhs_hint = false} : vector<2000x16xf32>, vector<16x64xf32>, vector<2000x64xf32> -> vector<2000x64xf32>
    %add3A_56 = arith.addf %add3A_48, %dot_general3A_55 : vector<2000x64xf32>
    %get3A_57 = arith.constant 0 : index
    %get3A_58 = arith.constant 0 : index
    %get3A_59 = vector.load %arg9[%get3A_57, %get3A_58] : memref<1x64xf32, #tpu.memory_space<vmem>>, vector<1x64xf32>
    %add3A_60 = vector.broadcast %get3A_59 : vector<1x64xf32> to vector<2000x64xf32>
    %add3A_61 = arith.addf %add3A_56, %add3A_60 : vector<2000x64xf32>
    %max3A = arith.constant 0.000000e+00 : f32
    %max3A_62 = vector.broadcast %max3A : f32 to vector<2000x64xf32>
    %max3A_63 = arith.maximumf %add3A_61, %max3A_62 : vector<2000x64xf32>
    %get3A_64 = arith.constant 0 : index
    %get3A_65 = arith.constant 0 : index
    %get3A_66 = vector.load %arg10[%get3A_64, %get3A_65] : memref<64x64xf32, #tpu.memory_space<vmem>>, vector<64x64xf32>
    %dot_general3A_67 = arith.constant dense<0.000000e+00> : vector<2000x64xf32>
    %dot_general3A_68 = tpu.matmul %max3A_63, %get3A_66, %dot_general3A_67 {dimension_numbers = #tpu.dot_dimension_numbers<[1], [0], [0], [1], [0, 0, 1, 1], [], []>, transpose_lhs_hint = false} : vector<2000x64xf32>, vector<64x64xf32>, vector<2000x64xf32> -> vector<2000x64xf32>
    %get3A_69 = arith.constant 0 : index
    %get3A_70 = arith.constant 0 : index
    %get3A_71 = vector.load %arg11[%get3A_69, %get3A_70] : memref<1x64xf32, #tpu.memory_space<vmem>>, vector<1x64xf32>
    %add3A_72 = vector.broadcast %get3A_71 : vector<1x64xf32> to vector<2000x64xf32>
    %add3A_73 = arith.addf %dot_general3A_68, %add3A_72 : vector<2000x64xf32>
    %get3A_74 = arith.constant 0 : index
    %get3A_75 = arith.constant 0 : index
    %get3A_76 = vector.load %arg12[%get3A_74, %get3A_75] : memref<64x64xf32, #tpu.memory_space<vmem>>, vector<64x64xf32>
    %dot_general3A_77 = arith.constant dense<0.000000e+00> : vector<2000x64xf32>
    %dot_general3A_78 = tpu.matmul %add3A_73, %get3A_76, %dot_general3A_77 {dimension_numbers = #tpu.dot_dimension_numbers<[1], [0], [0], [1], [0, 0, 1, 1], [], []>, transpose_lhs_hint = false} : vector<2000x64xf32>, vector<64x64xf32>, vector<2000x64xf32> -> vector<2000x64xf32>
    %get3A_79 = arith.constant 0 : index
    %get3A_80 = arith.constant 0 : index
    %get3A_81 = vector.load %arg13[%get3A_79, %get3A_80] : memref<128x64xf32, #tpu.memory_space<vmem>>, vector<128x64xf32>
    %dot_general3A_82 = arith.constant dense<0.000000e+00> : vector<16x64xf32>
    %dot_general3A_83 = tpu.matmul %get3A_15, %get3A_81, %dot_general3A_82 {dimension_numbers = #tpu.dot_dimension_numbers<[1], [0], [0], [1], [0, 0, 1, 1], [], []>, transpose_lhs_hint = false} : vector<16x128xf32>, vector<128x64xf32>, vector<16x64xf32> -> vector<16x64xf32>
    %dot_general3A_84 = arith.constant dense<0.000000e+00> : vector<2000x64xf32>
    %dot_general3A_85 = tpu.matmul %convert_element_type3A_22, %dot_general3A_83, %dot_general3A_84 {dimension_numbers = #tpu.dot_dimension_numbers<[1], [0], [0], [1], [0, 0, 1, 1], [], []>, transpose_lhs_hint = false} : vector<2000x16xf32>, vector<16x64xf32>, vector<2000x64xf32> -> vector<2000x64xf32>
    %add3A_86 = arith.addf %dot_general3A_78, %dot_general3A_85 : vector<2000x64xf32>
    %get3A_87 = arith.constant 0 : index
    %get3A_88 = arith.constant 0 : index
    %get3A_89 = vector.load %arg14[%get3A_87, %get3A_88] : memref<1x64xf32, #tpu.memory_space<vmem>>, vector<1x64xf32>
    %add3A_90 = vector.broadcast %get3A_89 : vector<1x64xf32> to vector<2000x64xf32>
    %add3A_91 = arith.addf %add3A_86, %add3A_90 : vector<2000x64xf32>
    %max3A_92 = arith.constant 0.000000e+00 : f32
    %max3A_93 = vector.broadcast %max3A_92 : f32 to vector<2000x64xf32>
    %max3A_94 = arith.maximumf %add3A_91, %max3A_93 : vector<2000x64xf32>
    %get3A_95 = arith.constant 0 : index
    %get3A_96 = arith.constant 0 : index
    %get3A_97 = vector.load %arg15[%get3A_95, %get3A_96] : memref<64x64xf32, #tpu.memory_space<vmem>>, vector<64x64xf32>
    %dot_general3A_98 = arith.constant dense<0.000000e+00> : vector<2000x64xf32>
    %dot_general3A_99 = tpu.matmul %max3A_94, %get3A_97, %dot_general3A_98 {dimension_numbers = #tpu.dot_dimension_numbers<[1], [0], [0], [1], [0, 0, 1, 1], [], []>, transpose_lhs_hint = false} : vector<2000x64xf32>, vector<64x64xf32>, vector<2000x64xf32> -> vector<2000x64xf32>
    %get3A_100 = arith.constant 0 : index
    %get3A_101 = arith.constant 0 : index
    %get3A_102 = vector.load %arg16[%get3A_100, %get3A_101] : memref<1x64xf32, #tpu.memory_space<vmem>>, vector<1x64xf32>
    %add3A_103 = vector.broadcast %get3A_102 : vector<1x64xf32> to vector<2000x64xf32>
    %add3A_104 = arith.addf %dot_general3A_99, %add3A_103 : vector<2000x64xf32>
    %neg3A = arith.constant 0.000000e+00 : f32
    %neg3A_105 = vector.broadcast %neg3A : f32 to vector<2000x64xf32>
    %neg3A_106 = arith.subf %neg3A_105, %add3A_104 : vector<2000x64xf32>
    %exp3A = math.exp %neg3A_106 : vector<2000x64xf32>
    %add3A_107 = arith.constant 1.000000e+00 : f32
    %add3A_108 = vector.broadcast %add3A_107 : f32 to vector<2000x64xf32>
    %add3A_109 = arith.addf %add3A_108, %exp3A : vector<2000x64xf32>
    %div3A = arith.constant 1.000000e+00 : f32
    %div3A_110 = vector.broadcast %div3A : f32 to vector<2000x64xf32>
    %div3A_111 = arith.divf %div3A_110, %add3A_109 : vector<2000x64xf32>
    %get3A_112 = arith.constant 0 : index
    %get3A_113 = arith.constant 0 : index
    %get3A_114 = vector.load %arg17[%get3A_112, %get3A_113] : memref<64x64xf32, #tpu.memory_space<vmem>>, vector<64x64xf32>
    %dot_general3A_115 = arith.constant dense<0.000000e+00> : vector<2000x64xf32>
    %dot_general3A_116 = tpu.matmul %add3A_73, %get3A_114, %dot_general3A_115 {dimension_numbers = #tpu.dot_dimension_numbers<[1], [0], [0], [1], [0, 0, 1, 1], [], []>, transpose_lhs_hint = false} : vector<2000x64xf32>, vector<64x64xf32>, vector<2000x64xf32> -> vector<2000x64xf32>
    %get3A_117 = arith.constant 0 : index
    %get3A_118 = arith.constant 0 : index
    %get3A_119 = vector.load %arg18[%get3A_117, %get3A_118] : memref<128x64xf32, #tpu.memory_space<vmem>>, vector<128x64xf32>
    %dot_general3A_120 = arith.constant dense<0.000000e+00> : vector<16x64xf32>
    %dot_general3A_121 = tpu.matmul %get3A_15, %get3A_119, %dot_general3A_120 {dimension_numbers = #tpu.dot_dimension_numbers<[1], [0], [0], [1], [0, 0, 1, 1], [], []>, transpose_lhs_hint = false} : vector<16x128xf32>, vector<128x64xf32>, vector<16x64xf32> -> vector<16x64xf32>
    %dot_general3A_122 = arith.constant dense<0.000000e+00> : vector<2000x64xf32>
    %dot_general3A_123 = tpu.matmul %convert_element_type3A_22, %dot_general3A_121, %dot_general3A_122 {dimension_numbers = #tpu.dot_dimension_numbers<[1], [0], [0], [1], [0, 0, 1, 1], [], []>, transpose_lhs_hint = false} : vector<2000x16xf32>, vector<16x64xf32>, vector<2000x64xf32> -> vector<2000x64xf32>
    %add3A_124 = arith.addf %dot_general3A_116, %dot_general3A_123 : vector<2000x64xf32>
    %get3A_125 = arith.constant 0 : index
    %get3A_126 = arith.constant 0 : index
    %get3A_127 = vector.load %arg19[%get3A_125, %get3A_126] : memref<1x64xf32, #tpu.memory_space<vmem>>, vector<1x64xf32>
    %add3A_128 = vector.broadcast %get3A_127 : vector<1x64xf32> to vector<2000x64xf32>
    %add3A_129 = arith.addf %add3A_124, %add3A_128 : vector<2000x64xf32>
    %max3A_130 = arith.constant 0.000000e+00 : f32
    %max3A_131 = vector.broadcast %max3A_130 : f32 to vector<2000x64xf32>
    %max3A_132 = arith.maximumf %add3A_129, %max3A_131 : vector<2000x64xf32>
    %get3A_133 = arith.constant 0 : index
    %get3A_134 = arith.constant 0 : index
    %get3A_135 = vector.load %arg20[%get3A_133, %get3A_134] : memref<64x64xf32, #tpu.memory_space<vmem>>, vector<64x64xf32>
    %dot_general3A_136 = arith.constant dense<0.000000e+00> : vector<2000x64xf32>
    %dot_general3A_137 = tpu.matmul %max3A_132, %get3A_135, %dot_general3A_136 {dimension_numbers = #tpu.dot_dimension_numbers<[1], [0], [0], [1], [0, 0, 1, 1], [], []>, transpose_lhs_hint = false} : vector<2000x64xf32>, vector<64x64xf32>, vector<2000x64xf32> -> vector<2000x64xf32>
    %get3A_138 = arith.constant 0 : index
    %get3A_139 = arith.constant 0 : index
    %get3A_140 = vector.load %arg21[%get3A_138, %get3A_139] : memref<1x64xf32, #tpu.memory_space<vmem>>, vector<1x64xf32>
    %add3A_141 = vector.broadcast %get3A_140 : vector<1x64xf32> to vector<2000x64xf32>
    %add3A_142 = arith.addf %dot_general3A_137, %add3A_141 : vector<2000x64xf32>
    %mul3A_143 = arith.mulf %div3A_111, %add3A_142 : vector<2000x64xf32>
    %dot_general3A_144 = arith.constant dense<0.000000e+00> : vector<16x64xf32>
    %dot_general3A_145 = tpu.matmul %convert_element_type3A_22, %mul3A_143, %dot_general3A_144 {dimension_numbers = #tpu.dot_dimension_numbers<[0], [0], [1], [1], [0, 1, 1, 1], [], []>, transpose_lhs_hint = false} : vector<2000x16xf32>, vector<2000x64xf32>, vector<16x64xf32> -> vector<16x64xf32>
    %eq3A_146 = arith.constant 0 : i32
    %eq3A_147 = arith.cmpi eq, %arg0, %eq3A_146 : i32
    %convert_element_type3A_148 = arith.extui %eq3A_147 : i1 to i32
    %cond3A = arith.constant 0 : i32
    %cond3A_149 = arith.cmpi ne, %convert_element_type3A_148, %cond3A : i32
    scf.if %cond3A_149 {
      %swap3A = arith.constant 0 : index
      %swap3A_154 = arith.constant 0 : index
      %swap3A_155 = vector.load %arg23[%swap3A, %swap3A_154] : memref<16x64xf32, #tpu.memory_space<vmem>>, vector<16x64xf32>
      tpu.vector_store %arg23[%swap3A, %swap3A_154], %dot_general3A_145 {strides = array<i32>} : memref<16x64xf32, #tpu.memory_space<vmem>>, vector<16x64xf32>,
    } else {
    }
    %gt3A = arith.constant 0 : i32
    %gt3A_150 = arith.cmpi sgt, %arg0, %gt3A : i32
    %convert_element_type3A_151 = arith.extui %gt3A_150 : i1 to i32
    %cond3A_152 = arith.constant 0 : i32
    %cond3A_153 = arith.cmpi ne, %convert_element_type3A_151, %cond3A_152 : i32
    scf.if %cond3A_153 {
      %get3A_154 = arith.constant 0 : index
      %get3A_155 = arith.constant 0 : index
      %get3A_156 = vector.load %arg23[%get3A_154, %get3A_155] : memref<16x64xf32, #tpu.memory_space<vmem>>, vector<16x64xf32>
      %add3A_157 = arith.addf %get3A_156, %dot_general3A_145 : vector<16x64xf32>
      %swap3A = arith.constant 0 : index
      %swap3A_158 = arith.constant 0 : index
      %swap3A_159 = vector.load %arg23[%swap3A, %swap3A_158] : memref<16x64xf32, #tpu.memory_space<vmem>>, vector<16x64xf32>
      tpu.vector_store %arg23[%swap3A, %swap3A_158], %add3A_157 {strides = array<i32>} : memref<16x64xf32, #tpu.memory_space<vmem>>, vector<16x64xf32>,
    } else {
    }
    return
  }
  func.func @transform_0(%arg0: i32) -> (i32, i32) {
    %c0_i32 = arith.constant 0 : i32
    %c0_i32_0 = arith.constant 0 : i32
    return %arg0, %c0_i32 : i32, i32
  }
  func.func @transform_1(%arg0: i32) -> (i32, i32) {
    %c0_i32 = arith.constant 0 : i32
    %c0_i32_0 = arith.constant 0 : i32
    %c0_i32_1 = arith.constant 0 : i32
    return %c0_i32, %c0_i32_0 : i32, i32
  }
  func.func @transform_2(%arg0: i32) -> (i32, i32, i32) {
    %c0_i32 = arith.constant 0 : i32
    %c0_i32_0 = arith.constant 0 : i32
    %c0_i32_1 = arith.constant 0 : i32
    return %arg0, %c0_i32, %c0_i32_0 : i32, i32, i32
  }
  func.func @transform_3(%arg0: i32) -> (i32, i32, i32) {
    %c0_i32 = arith.constant 0 : i32
    %c0_i32_0 = arith.constant 0 : i32
    %c0_i32_1 = arith.constant 0 : i32
    return %c0_i32, %arg0, %c0_i32_0 : i32, i32, i32
  }
  func.func @transform_4(%arg0: i32) -> (i32, i32) {
    %c0_i32 = arith.constant 0 : i32
    %c0_i32_0 = arith.constant 0 : i32
    %c0_i32_1 = arith.constant 0 : i32
    return %c0_i32, %c0_i32_0 : i32, i32
  }
  func.func @transform_5(%arg0: i32) -> (i32, i32) {
    %c0_i32 = arith.constant 0 : i32
    %c0_i32_0 = arith.constant 0 : i32
    %c0_i32_1 = arith.constant 0 : i32
    return %c0_i32, %c0_i32_0 : i32, i32
  }
  func.func @transform_6(%arg0: i32) -> (i32, i32) {
    %c0_i32 = arith.constant 0 : i32
    %c0_i32_0 = arith.constant 0 : i32
    %c0_i32_1 = arith.constant 0 : i32
    return %c0_i32, %c0_i32_0 : i32, i32
  }
  func.func @transform_7(%arg0: i32) -> (i32, i32) {
    %c0_i32 = arith.constant 0 : i32
    %c0_i32_0 = arith.constant 0 : i32
    %c0_i32_1 = arith.constant 0 : i32
    return %c0_i32, %c0_i32_0 : i32, i32
  }
  func.func @transform_8(%arg0: i32) -> (i32, i32) {
    %c0_i32 = arith.constant 0 : i32
    %c0_i32_0 = arith.constant 0 : i32
    %c0_i32_1 = arith.constant 0 : i32
    return %c0_i32, %c0_i32_0 : i32, i32
  }
  func.func @transform_9(%arg0: i32) -> (i32, i32) {
    %c0_i32 = arith.constant 0 : i32
    %c0_i32_0 = arith.constant 0 : i32
    %c0_i32_1 = arith.constant 0 : i32
    return %c0_i32, %c0_i32_0 : i32, i32
  }
  func.func @transform_10(%arg0: i32) -> (i32, i32) {
    %c0_i32 = arith.constant 0 : i32
    %c0_i32_0 = arith.constant 0 : i32
    %c0_i32_1 = arith.constant 0 : i32
    return %c0_i32, %c0_i32_0 : i32, i32
  }
  func.func @transform_11(%arg0: i32) -> (i32, i32) {
    %c0_i32 = arith.constant 0 : i32
    %c0_i32_0 = arith.constant 0 : i32
    %c0_i32_1 = arith.constant 0 : i32
    return %c0_i32, %c0_i32_0 : i32, i32
  }
  func.func @transform_12(%arg0: i32) -> (i32, i32) {
    %c0_i32 = arith.constant 0 : i32
    %c0_i32_0 = arith.constant 0 : i32
    %c0_i32_1 = arith.constant 0 : i32
    return %c0_i32, %c0_i32_0 : i32, i32
  }
  func.func @transform_13(%arg0: i32) -> (i32, i32) {
    %c0_i32 = arith.constant 0 : i32
    %c0_i32_0 = arith.constant 0 : i32
    %c0_i32_1 = arith.constant 0 : i32
    return %c0_i32, %c0_i32_0 : i32, i32
  }
  func.func @transform_14(%arg0: i32) -> (i32, i32) {
    %c0_i32 = arith.constant 0 : i32
    %c0_i32_0 = arith.constant 0 : i32
    %c0_i32_1 = arith.constant 0 : i32
    return %c0_i32, %c0_i32_0 : i32, i32
  }
  func.func @transform_15(%arg0: i32) -> (i32, i32) {
    %c0_i32 = arith.constant 0 : i32
    %c0_i32_0 = arith.constant 0 : i32
    %c0_i32_1 = arith.constant 0 : i32
    return %c0_i32, %c0_i32_0 : i32, i32
  }
  func.func @transform_16(%arg0: i32) -> (i32, i32) {
    %c0_i32 = arith.constant 0 : i32
    %c0_i32_0 = arith.constant 0 : i32
    %c0_i32_1 = arith.constant 0 : i32
    return %c0_i32, %c0_i32_0 : i32, i32
  }
  func.func @transform_17(%arg0: i32) -> (i32, i32) {
    %c0_i32 = arith.constant 0 : i32
    %c0_i32_0 = arith.constant 0 : i32
    %c0_i32_1 = arith.constant 0 : i32
    return %c0_i32, %c0_i32_0 : i32, i32
  }
  func.func @transform_18(%arg0: i32) -> (i32, i32) {
    %c0_i32 = arith.constant 0 : i32
    %c0_i32_0 = arith.constant 0 : i32
    %c0_i32_1 = arith.constant 0 : i32
    return %c0_i32, %c0_i32_0 : i32, i32
  }
  func.func @transform_19(%arg0: i32) -> (i32, i32) {
    %c0_i32 = arith.constant 0 : i32
    %c0_i32_0 = arith.constant 0 : i32
    %c0_i32_1 = arith.constant 0 : i32
    return %c0_i32, %c0_i32_0 : i32, i32
  }
  func.func @transform_20(%arg0: i32) -> (i32, i32) {
    %c0_i32 = arith.constant 0 : i32
    %c0_i32_0 = arith.constant 0 : i32
    %c0_i32_1 = arith.constant 0 : i32
    return %c0_i32, %c0_i32_0 : i32, i32
  }
  func.func @transform_21(%arg0: i32) -> (i32, i32) {
    %c0_i32 = arith.constant 0 : i32
    %c0_i32_0 = arith.constant 0 : i32
    %c0_i32_1 = arith.constant 0 : i32
    return %c0_i32, %c0_i32_0 : i32, i32
  }
  func.func @transform_22(%arg0: i32) -> (i32, i32) {
    %c0_i32 = arith.constant 0 : i32
    %c0_i32_0 = arith.constant 0 : i32
    %c0_i32_1 = arith.constant 0 : i32
    return %c0_i32, %c0_i32_0 : i32, i32
  }
}

module attributes {stable_mosaic.version = 14 : i64} {
  func.func @_final_body(%arg0: memref<16x64xf32, #tpu.memory_space<vmem>>, %arg1: memref<16x64xf32, #tpu.memory_space<vmem>>, %arg2: memref<128x64xf32, #tpu.memory_space<vmem>>, %arg3: memref<1x64xf32, #tpu.memory_space<vmem>>, %arg4: memref<64x32xf32, #tpu.memory_space<vmem>>, %arg5: memref<1x32xf32, #tpu.memory_space<vmem>>, %arg6: memref<16x32xf32, #tpu.memory_space<vmem>>) attributes {dimension_semantics = [], scalar_prefetch = 0 : i64, scratch_operands = 0 : i64, tpu.core_type = #tpu.core_type<tc>} {
    %get3A = arith.constant 0 : index
    %get3A_0 = arith.constant 0 : index
    %get3A_1 = vector.load %arg0[%get3A, %get3A_0] : memref<16x64xf32, #tpu.memory_space<vmem>>, vector<16x64xf32>
    %get3A_2 = arith.constant 0 : index
    %get3A_3 = arith.constant 0 : index
    %get3A_4 = vector.load %arg1[%get3A_2, %get3A_3] : memref<16x64xf32, #tpu.memory_space<vmem>>, vector<16x64xf32>
    %concatenate3A = tpu.concatenate %get3A_1, %get3A_4 in 1 : vector<16x64xf32>, vector<16x64xf32> -> vector<16x128xf32>
    %get3A_5 = arith.constant 0 : index
    %get3A_6 = arith.constant 0 : index
    %get3A_7 = vector.load %arg2[%get3A_5, %get3A_6] : memref<128x64xf32, #tpu.memory_space<vmem>>, vector<128x64xf32>
    %dot_general3A = arith.constant dense<0.000000e+00> : vector<16x64xf32>
    %dot_general3A_8 = tpu.matmul %concatenate3A, %get3A_7, %dot_general3A {dimension_numbers = #tpu.dot_dimension_numbers<[1], [0], [0], [1], [0, 0, 1, 1], [], []>, transpose_lhs_hint = false} : vector<16x128xf32>, vector<128x64xf32>, vector<16x64xf32> -> vector<16x64xf32>
    %get3A_9 = arith.constant 0 : index
    %get3A_10 = arith.constant 0 : index
    %get3A_11 = vector.load %arg3[%get3A_9, %get3A_10] : memref<1x64xf32, #tpu.memory_space<vmem>>, vector<1x64xf32>
    %add3A = vector.broadcast %get3A_11 : vector<1x64xf32> to vector<16x64xf32>
    %add3A_12 = arith.addf %dot_general3A_8, %add3A : vector<16x64xf32>
    %max3A = arith.constant 0.000000e+00 : f32
    %max3A_13 = vector.broadcast %max3A : f32 to vector<16x64xf32>
    %max3A_14 = arith.maximumf %add3A_12, %max3A_13 : vector<16x64xf32>
    %get3A_15 = arith.constant 0 : index
    %get3A_16 = arith.constant 0 : index
    %get3A_17 = vector.load %arg4[%get3A_15, %get3A_16] : memref<64x32xf32, #tpu.memory_space<vmem>>, vector<64x32xf32>
    %dot_general3A_18 = arith.constant dense<0.000000e+00> : vector<16x32xf32>
    %dot_general3A_19 = tpu.matmul %max3A_14, %get3A_17, %dot_general3A_18 {dimension_numbers = #tpu.dot_dimension_numbers<[1], [0], [0], [1], [0, 0, 1, 1], [], []>, transpose_lhs_hint = false} : vector<16x64xf32>, vector<64x32xf32>, vector<16x32xf32> -> vector<16x32xf32>
    %get3A_20 = arith.constant 0 : index
    %get3A_21 = arith.constant 0 : index
    %get3A_22 = vector.load %arg5[%get3A_20, %get3A_21] : memref<1x32xf32, #tpu.memory_space<vmem>>, vector<1x32xf32>
    %add3A_23 = vector.broadcast %get3A_22 : vector<1x32xf32> to vector<16x32xf32>
    %add3A_24 = arith.addf %dot_general3A_19, %add3A_23 : vector<16x32xf32>
    %swap3A = arith.constant 0 : index
    %swap3A_25 = arith.constant 0 : index
    %swap3A_26 = vector.load %arg6[%swap3A, %swap3A_25] : memref<16x32xf32, #tpu.memory_space<vmem>>, vector<16x32xf32>
    tpu.vector_store %arg6[%swap3A, %swap3A_25], %add3A_24 {strides = array<i32>} : memref<16x32xf32, #tpu.memory_space<vmem>>, vector<16x32xf32>,
    return
  }
}

</mosaic_0001>

<sc_bundles>
// kernel: kernel.11.cloned.1.call-start
scs
__scs_entry_jumppad:
0x0: {  	(pc) =	sbr.rel $0x88, $3  }
0x1: {  	(tag) =	ssettag $0x0;
	lr =	simm.s32 $0x1  }
0x2: {  	[smem:$0x3F83] =	sst lr;
	_ =	strace $0xD0000000  }
0x3: {  	_ = 	snop  }
0x4: {  	_ = 	snop  }
0x5: {  	_ = 	snop  }
0x6: {  	_ = 	snop  }
0x7: {  	_ = 	snop  }
__scs_overlays_trampoline_lowered:
0x8: {  	[smem:$0x3F92] =	sst s0  }
0x9: {  	[smem:$0x3F93] =	sst s1  }
0xa: {  	[smem:$0x3F94] =	sst s2  }
0xb: {  	[smem:$0x3F95] =	sst s3  }
0xc: {  	[smem:$0x3F96] =	sst s4  }
0xd: {  	[smem:$0x3F97] =	sst s5  }
0xe: {  	[smem:$0x3F98] =	sst s6  }
0xf: {  	[smem:$0x3F99] =	sst s7  }
0x10: {  	[smem:$0x3F9A] =	sst s8  }
0x11: {  	[smem:$0x3F9B] =	sst s9;
	s0 =	simm.s32 @!p0 $0x0  }
0x12: {  	s1 =	sld [smem:$0x3F81];
	s0 =	simm.s32 @p0 $0x1  }
0x13: {  	[smem:$0x3F9C] =	sst s0;
	s0 =	simm.s32 @!p1 $0x0  }
0x14: {  	s2 =	sld [smem:$0x3F80];
	s0 =	simm.s32 @p1 $0x1  }
0x15: {  	[smem:$0x3F9D] =	sst s0;
	s0 =	simm.s32 @!p2 $0x0  }
0x16: {  	s3 =	sld [smem:$0x3FDB];
	s0 =	simm.s32 @p2 $0x1  }
0x17: {  	s4 =	simm.s32 $0x1BF5;
	[smem:$0x3F9F] =	sst s0  }
0x18: {  	s0 =	sld [smem:$0x3F82];
	_ =	swait.ge [sflag:s4], $0x0  }
0x19: {  	s7 =	sld [smem:$0x3F83]  }
0x1a: {  	s8 =	sadd.s32 $0xFFFFE003, lr  }
0x1b: {  	s9 =	sadd.s32 $0xFFFFFEF7, lr;
	s5 =	simm.s32 $0xFFFFFFFF;
	p2 =	slt.u32 s8, $0xFFFFF086  }
0x1c: {  	p1 =	slt.u32 s9, $0xF7A;
	s5 =	simm.s32 @!p2 $0x0  }
0x1d: {  	s5 =	simm.s32 @p1 $0x1;
	p0 =	seq.s32 s7, s2  }
0x1e: {  	s7 =	smul.u32 @!p0 $0xF7A, s2;
	p2 =	seq.s32 @!p0 s5, $0x0  }
0x1f: {  	s9 =	smul.u32 $0xF7A, s1;
	s8 =	simm.s32 @!p0 $0x1BF5;
	p2 =	por !p2, p0  }
0x20: {  	[sflag:s8] =	ssyncset.s32 @!p0 $0xFFFFF086;
	s6 =	sadd.s32 @!p0 s3, s7;
	s7 =	simm.s32 @!p0 $0x108  }
0x21: {  	s3 =	sadd.s32 s3, s9;
	s6 =	sadd.s32 @!p0 $0x88, s6;
	s7 =	simm.s32 @p2 $0x1082  }
0x22: {  	[simem:s7], [sflag:s8] =	dma.local @!p0 [hbm:s6], $0xF7A  }
0x23: {  	s9 =	sor.u32 $0xD0000000, s2;
	s6 =	simm.s32 $0x108;
	_ =	swait.ge @!p0 [sflag:s8], $0x0  }
0x24: {  	s3 =	sadd.s32 $0x88, s3;
	s6 =	simm.s32 @!p1 $0x1082;
	[sflag:s4] =	ssyncset.s32 $0xFFFFF086  }
0x25: {  	[simem:s6], [sflag:s4] =	dma.local [hbm:s3], $0xF7A  }
0x26: {  	[smem:$0x3F83] =	sst s1;
	(tag) =	ssettag s2;
	_ =	strace s9  }
0x27: {  	s1 =	sld [smem:$0x3F93]  }
0x28: {  	s2 =	sld [smem:$0x3F94]  }
0x29: {  	s4 =	sld [smem:$0x3F96]  }
0x2a: {  	p0 =	seq.s32 s5, $0x0;
	s5 =	sld [smem:$0x3F97]  }
0x2b: {  	s6 =	sld [smem:$0x3F98]  }
0x2c: {  	s7 =	sld [smem:$0x3F99]  }
0x2d: {  	s3 =	simm.s32 $0x108;
	s8 =	sld [smem:$0x3F9A]  }
0x2e: {  	s3 =	simm.s32 @!p0 $0x1082;
	s9 =	sld [smem:$0x3F9B]  }
0x2f: {  	lr =	sadd.s32 s0, s3;
	s0 =	sld [smem:$0x3F92]  }
0x30: {  	s3 =	sld [smem:$0x3F95]  }
0x31: {  	[smem:$0x3F9E] =	sst s10  }
0x32: {  	s10 =	sld [smem:$0x3F9C];
	_ =	sdelay $0x3  }
0x33: {  	p0 =	seq.s32 s10, $0x1;
	s10 =	sld [smem:$0x3F9E];
	_ =	sdelay $0x3  }
0x34: {  	[smem:$0x3F9E] =	sst s10  }
0x35: {  	s10 =	sld [smem:$0x3F9D];
	_ =	sdelay $0x3  }
0x36: {  	p1 =	seq.s32 s10, $0x1;
	s10 =	sld [smem:$0x3F9E];
	_ =	sdelay $0x3  }
0x37: {  	[smem:$0x3F9E] =	sst s10  }
0x38: {  	s10 =	sld [smem:$0x3F9F]  }
0x39: {  	_ = 	snop;
	(pc) =	sbr.ind lr, $3  }
0x3a: {  	_ = 	snop  }
0x3b: {  	_ = 	snop  }
0x3c: {  	p2 =	seq.s32 s10, $0x1;
	s10 =	sld [smem:$0x3F9E]  }
0x3d: {  	_ =	shalt  }
0x3e: {  	_ =	shalt  }
0x3f: {  	_ =	shalt  }
0x40: {  	_ =	shalt  }
0x41: {  	_ =	shalt  }
0x42: {  	_ =	shalt  }
0x43: {  	_ =	shalt  }
0x44: {  	_ =	shalt  }
0x45: {  	_ =	shalt  }
0x46: {  	_ =	shalt  }
0x47: {  	_ =	shalt  }
0x48: {  	_ =	shalt  }
0x49: {  	_ =	shalt  }
0x4a: {  	_ =	shalt  }
0x4b: {  	_ =	shalt  }
0x4c: {  	_ =	shalt  }
0x4d: {  	_ =	shalt  }
0x4e: {  	_ =	shalt  }
0x4f: {  	_ =	shalt  }
0x50: {  	_ =	shalt  }
0x51: {  	_ =	shalt  }
0x52: {  	_ =	shalt  }
0x53: {  	_ =	shalt  }
0x54: {  	_ =	shalt  }
0x55: {  	_ =	shalt  }
0x56: {  	_ =	shalt  }
0x57: {  	_ =	shalt  }
0x58: {  	_ =	shalt  }
0x59: {  	_ =	shalt  }
0x5a: {  	_ =	shalt  }
0x5b: {  	_ =	shalt  }
0x5c: {  	_ =	shalt  }
0x5d: {  	_ =	shalt  }
0x5e: {  	_ =	shalt  }
0x5f: {  	_ =	shalt  }
0x60: {  	_ =	shalt  }
0x61: {  	_ =	shalt  }
0x62: {  	_ =	shalt  }
0x63: {  	_ =	shalt  }
0x64: {  	_ =	shalt  }
0x65: {  	_ =	shalt  }
0x66: {  	_ =	shalt  }
0x67: {  	_ =	shalt  }
0x68: {  	_ =	shalt  }
0x69: {  	_ =	shalt  }
0x6a: {  	_ =	shalt  }
0x6b: {  	_ =	shalt  }
0x6c: {  	_ =	shalt  }
0x6d: {  	_ =	shalt  }
0x6e: {  	_ =	shalt  }
0x6f: {  	_ =	shalt  }
0x70: {  	_ =	shalt  }
0x71: {  	_ =	shalt  }
0x72: {  	_ =	shalt  }
0x73: {  	_ =	shalt  }
0x74: {  	_ =	shalt  }
0x75: {  	_ =	shalt  }
0x76: {  	_ =	shalt  }
0x77: {  	_ =	shalt  }
0x78: {  	_ =	shalt  }
0x79: {  	_ =	shalt  }
0x7a: {  	_ =	shalt  }
0x7b: {  	_ =	shalt  }
0x7c: {  	_ =	shalt  }
0x7d: {  	_ =	shalt  }
0x7e: {  	_ =	shalt  }
0x7f: {  	_ =	shalt  }
0x80: {  	_ =	shalt  }
0x81: {  	_ =	shalt  }
0x82: {  	_ =	shalt  }
0x83: {  	_ =	shalt  }
0x84: {  	_ =	shalt  }
0x85: {  	_ =	shalt  }
0x86: {  	_ =	shalt  }
0x87: {  	_ =	shalt  }
.Lfunc_end0:
.L_simem_size_0:
called_computation_lowered:
.L_overlay_start_0:
0x88: {  	s2 =	sld [smem:$0x3FD9]  }
0x89: {  	s3 =	sld [smem:$0x3FFE];
	_ =	sdelay $0x1  }
0x8a: {  	s1 =	srdreg.scid  }
0x8b: {  	s0 =	sand.u32 $0x1, s1  }
0x8c: {  	s17 =	sshll.u32 s0, $0xA;
	s2 =	sadd.s32 s3, s2  }
0x8d: {  	s2 =	sadd.s32 s2, s17  }
0x8e: {  	[smem:$0x3FAA] =	sst s2  }
0x8f: {  	_ = 	snop  }
0x90: {  	(tm) =	ssettm $0x1  }
0x91: {  	s18 =	sld [smem:$0x3FFB];
	_ =	sdelay $0x3  }
0x92: {  	_ =	strace s18  }
0x93: {  	s2 =	sld [smem:$0x3FFC];
	_ =	sdelay $0x3  }
0x94: {  	_ =	strace s2  }
0x95: {  	s2 =	sld [smem:$0x3FFD];
	_ =	sdelay $0x3  }
0x96: {  	_ =	strace s2  }
0x97: {  	_ =	strace $0x8FFFFFFF  }
0x98: {  	s19 =	sld [smem:$0x3FDB];
	_ =	sdelay $0x1  }
0x99: {  	s20 =	simm.s32 $_scs_section_size  }
0x9a: {  	s4 =	simm.s32 $_size__tile_overlayer_lowered;
	s5 =	simm.s32 $_tile_overlayer_lowered  }
0x9b: {  	s6 =	simm.s32 $0x1BFF;
	s21 =	sshll.u32 s5, $0x1;
	s3 =	sadd.s32 s20, s19  }
0x9c: {  	s22 =	simm.s32 $0x0;
	s4 =	sshll.u32 s4, $0x1;
	s5 =	sadd.s32 s21, s3  }
0x9d: {  	[timem:s22], [sflag:s6] =	dma.local [hbm:s5], s4  }
0x9e: {  	_ =	swait.ge [sflag:s6], s4  }
0x9f: {  	s4 =	ssub.s32 $0x0, s4;
	[sflag:s6] =	ssyncset.done $0x0  }
0xa0: {  	[sflag:s6] =	ssyncadd.s32 s4;
	_ =	sdelay $0x1  }
0xa1: {  	s23 =	simm.s32 $0x1B8B  }
0xa2: {  	_ =	swait.ge [sflag:s23], $0x1  }
0xa3: {  	[sflag:s23] =	ssyncset.done $0x0  }
0xa4: {  	[sflag:s23] =	ssyncadd.s32 $0xFFFFFFFF  }
0xa5: {  	s4 =	sld [smem:$0x0]  }
0xa6: {  	s5 =	sand.u32 $0xFFFFFFFE, s1  }
0xa7: {  	p0 =	sne.s32 s1, s5  }
0xa8: {  	s5 =	sshll.u32 @p0 s5, $0xE  }
0xa9: {  	s5 =	sadd.s32 @p0 $0x11B8D, s5;
	s6 =	sshll.u32 @p0 s4, $0x11  }
0xaa: {  	s5 =	sor.u32 @p0 s6, s5  }
0xab: {  	[sflag:s5] =	ssyncadd.remote.s32 @p0 $0x1;
	_ =	sdelay $0x1  }
0xac: {  	s5 =	simm.s32 @p0 $0x1B8D  }
0xad: {  	_ =	swait.eq @p0 [sflag:s5], $0x1  }
0xae: {  	[sflag:s5] =	ssyncadd.s32 @p0 $0xFFFFFFFF  }
0xaf: {  	s6 =	sshll.u32 @!p0 s1, $0xE  }
0xb0: {  	s6 =	sor.u32 @!p0 $0x4000, s6;
	s5 =	simm.s32 @!p0 $0x1B8D  }
0xb1: {  	s4 =	sshll.u32 @!p0 s4, $0x11;
	s6 =	sadd.s32 @!p0 $0x11B8D, s6;
	_ =	swait.eq @!p0 [sflag:s5], $0x1  }
0xb2: {  	s4 =	sor.u32 @!p0 s4, s6;
	[sflag:s5] =	ssyncadd.s32 @!p0 $0xFFFFFFFF  }
0xb3: {  	s25 =	simm.s32 $0x1B8E;
	s24 =	sld [smem:$0x3FFE];
	[sflag:s4] =	ssyncadd.remote.s32 @!p0 $0x1  }
0xb4: {  	s26 =	simm.s32 $execute0_lowered;
	[smem:$0x3FD2] =	sst s25  }
0xb5: {  	s5 =	sshll.u32 s26, $0x1;
	_ =	strace $0x80000049;
	[dreg:$0x1] =	wrdreg $0xFFFFFFFF  }
0xb6: {  	s28 =	simm.s32 $_size_execute0_lowered;
	s3 =	sadd.s32 s3, s5;
	[dreg:$0x0] =	wrdreg $0x0  }
0xb7: {  	s5 =	sshll.u32 s28, $0x1;
	[dreg:$0x2] =	wrdreg s3  }
0xb8: {  	[dreg:$0x3] =	wrdreg s5  }
0xb9: {  	[dreg:$0x4] =	wrdreg $0xC0  }
0xba: {  	_ =	task [dreg:s22], $0x5FFFF  }
0xbb: {  	[dreg:$0x1] =	wrdreg $0xFFFFFFFF  }
0xbc: {  	[dreg:$0x0] =	wrdreg $0x60  }
0xbd: {  	[dreg:$0x2] =	wrdreg s24  }
0xbe: {  	[dreg:$0x3] =	wrdreg $0x8E000  }
0xbf: {  	[dreg:$0x4] =	wrdreg $0x9  }
0xc0: {  	_ =	task.clear_ibuf [dreg:s22], $0x5FFFF;
	_ =	strace $0x90000049  }
0xc1: {  	s29 =	simm.s32 $0x9;
	_ =	strace $0x8000004B  }
0xc2: {  	_ =	swait.ge [sflag:s29], $0x1  }
0xc3: {  	[sflag:s29] =	ssyncadd.s32 $0xFFFFFFFF  }
0xc4: {  	_ =	strace $0x9000004B  }
0xc5: {  	_ =	sfence  }
0xc6: {  	s30 =	sld [smem:$0x0];
	_ =	sdelay $0x2  }
0xc7: {  	s31 =	sshll.u32 s1, $0xD;
	s1 =	sshrl.u32 s1, $0x2  }
0xc8: {  	s4 =	sand.u32 $0x4000, s31;
	s1 =	sadd.s32 s1, s30  }
0xc9: {  	s0 =	sor.u32 s4, s0;
	s1 =	sshll.u32 s1, $0x11  }
0xca: {  	s0 =	sor.u32 s1, s0  }
0xcb: {  	s0 =	sadd.s32 $0x8F2B, s0  }
0xcc: {  	[sflag:s0] =	ssyncadd.remote.s32 $0x1  }
0xcd: {  	_ =	sfence.sel $0xFFFF  }
0xce: {  	[dreg:$0x0] =	wrdreg $0xFFFFFFFF;
	(pc) =	sbr.abs _section_cstart, $3  }
0xcf: {  	[dreg:$0x1] =	wrdreg $0xFFFFFFFF  }
0xd0: {  	_ =	task.clear_ibuf [dreg:s22], $0x2FFFF;
	_ =	strace $0x9FFFFFFF  }
0xd1: {  	(tm) =	ssettm $0x7FFFFFFF  }
tec
execute0_lowered:
.L_overlay_start_1:
0x0: {  	(tag) =	ssettag $0x1  }
0x1: {  	s0 =	rddreg [dreg:$0x0]  }
0x2: {  	s2 =	rddreg [dreg:$0x1];
	s3 =	simm.s32 $0x0  }
0x3: {  	s14 =	stileid.u32;
	s1 =	srdreg.scid;
	s28 =	simm.s32 $0x80  }
0x4: {  	s29 =	simm.s32 $0x180;
	s30 =	simm.s32 $0x1600;
	s31 =	simm.s32 $0x3E00  }
0x5: {  	s15 =	simm.s32 $0x5;
	s16 =	simm.s32 $0x6;
	[smem:$0x7FF] =	sst s3  }
0x6: {  	s8 =	smul.u32 $0x13C00, s14;
	s1 =	sand.u32 $0x1, s1;
	s4 =	sadd.s32 $0xA6200, s0  }
0x7: {  	s5 =	sadd.s32 $0xEC1E00, s0;
	s6 =	sadd.s32 $0xD7200, s0;
	s7 =	sadd.s32 $0xCD400, s0  }
0x8: {  	s12 =	sshll.u32 s14, $0x1;
	s13 =	smul.u32 $0x4F000, s14;
	s20 =	sshll.u32 s14, $0x6  }
0x9: {  	s14 =	simm.s32 $0x4;
	_ =	strace $0x8000004A;
	s9 =	smul.u32 $0x13C000, s1  }
0xa: {  	s18 =	ssub.s32 $0x2, s1;
	s1 =	sor.u32 s1, s12;
	s12 =	simm.s32 $0x3  }
0xb: {  	s10 =	sshrl.u32 s8, $0x3;
	s11 =	sshrl.u32 s18, $0x1;
	s19 =	sshrl.u32 s13, $0x2  }
0xc: {  	s8 =	sadd.s32 s8, s9;
	s17 =	sadd.s32 s10, s0;
	s10 =	ssub.s32 s18, s11  }
0xd: {  	s13 =	sadd.s32 s19, s2;
	s19 =	simm.s32 $0x0;
	s8 =	sshrl.u32 s8, $0x3  }
0xe: {  	s9 =	sadd.s32 $0x2F400, s17;
	s17 =	sor.u32 $0x1C07, s20;
	s26 =	smax.u32 s10, $0x1  }
0xf: {  	s18 =	sshrl.u32 s13, $0x3;
	s13 =	simm.s32 $0x7A00;
	[dreg:$0x3] =	wrdreg s9  }
0x10: {  	s0 =	sadd.s32 s8, s0;
	s8 =	smul.u32 $0x2710, s1;
	[dreg:$0xc] =	wrdreg s26  }
0x11: {  	s1 =	smul.u32 $0x27100, s1;
	s26 =	simm.s32 $0x5200;
	[dreg:$0x4] =	wrdreg s17  }
0x12: {  	[dreg:$0xd] =	wrdreg s18;
	s0 =	sadd.s32 $0xE1000, s0;
	s21 =	sshrl.u32 s8, $0x3  }
0x13: {  	s11 =	sadd.s32 $0x28, s8;
	s1 =	sadd.s32 s5, s1;
	[dreg:$0xb] =	wrdreg s0  }
0x14: {  	s0 =	simm.s32 $0x6600;
	s22 =	sadd.s32 s6, s21;
	[dreg:$0x7] =	wrdreg s1  }
0x15: {  	s9 =	sadd.s32 s7, s21;
	s23 =	sshrl.u32 s11, $0x3;
	[dreg:$0x5] =	wrdreg s22  }
0x16: {  	s25 =	sshll.u32 s11, $0x4;
	[dreg:$0x6] =	wrdreg s9;
	s24 =	sadd.s32 s6, s23  }
0x17: {  	s21 =	simm.s32 $0x7;
	s9 =	sadd.s32 s7, s23;
	[dreg:$0x8] =	wrdreg s24  }
0x18: {  	s1 =	sadd.s32 s5, s25;
	s22 =	simm.s32 $0x100;
	[dreg:$0x9] =	wrdreg s9  }
0x19: {  	s23 =	simm.s32 $0x28;
	s25 =	simm.s32 $0x2A00;
	[dreg:$0xa] =	wrdreg s1  }
0x1a: {  	v0 =	vimm.f32 $1.000000000e+00;
	v1 =	vimm.f32 $0.0e+00;
	s1 =	simm.s32 $0x1;
	s9 =	simm.s32 $0x2;
	s24 =	simm.s32 $0x0  }
.LBB2_1:
0x1b: {  	[dreg:$0xe] =	wrdreg s19  }
0x1c: {  	s10 =	rddreg [dreg:$0x3]  }
0x1d: {  	[spmem:s18], [sflag:s17] =	dma.local [hbm:s10], $0x2780  }
0x1e: {  	_ =	swait.ge [sflag:s21], $0x2780  }
0x1f: {  	[sflag:s21] =	ssyncset.done $0x0  }
0x20: {  	s17 =	simm.s32 $0x200;
	s10 =	simm.s32 $0x0;
	[sflag:s21] =	ssyncadd.s32 $0xFFFFD880  }
.LBB2_2:
0x21: {  	p0 =	sne.s32 s17, $0x4E00;
	[tilespmem:s10+$0x7A70] =	vst v1;
	s18 =	smov.u32 s17;
	s17 =	sadd.s32 $0x200, s17  }
.Ltmp0:
0x22: {  	[tilespmem:s10+$0x7A60] =	vst v1;
	(pc) =	sbr.rel @p0 .LBB2_2-.Ltmp0, $3  }
0x23: {  	[tilespmem:s10+$0x7A40] =	vst v0  }
0x24: {  	[tilespmem:s10+$0x7A50] =	vst v1;
	_ =	sdelay $0x1  }
0x25: {  	s10 =	sshra.s32 s18, $0x2  }
0x26: {  	[tilespmem:s10+$0x7A70] =	vst v1  }
0x27: {  	[tilespmem:s10+$0x7A60] =	vst v1  }
0x28: {  	[tilespmem:s10+$0x7A40] =	vst v0  }
0x29: {  	[tilespmem:s10+$0x7A50] =	vst v1  }
0x2a: {  	[bflag:$0x0] =	sbarrier.arrive $0xFFFF  }
0x2b: {  	s18 =	simm.s32 $0x0;
	s20 =	rddreg [dreg:$0x5]  }
0x2c: {  	[tilespmem:s18], [sflag:$0x7] =	stream.linear.gather [hbm4b:s20+s18], $0x28, $0x38;
	[tilespmem:$0x1CA00] =	vst v63  }
0x2d: {  	_ =	swait.ge [sflag:s21], $0x28  }
0x2e: {  	[sflag:s21] =	ssyncset.done $0x0  }
0x2f: {  	s17 =	rddreg [dreg:$0x6];
	[sflag:s21] =	ssyncadd.s32 $0xFFFFFFD8  }
0x30: {  	[tilespmem:s22], [sflag:$0x7] =	stream.linear.gather [hbm4b:s17+s18], $0x28, $0x38;
	[tilespmem:$0x1CA00] =	vst v63  }
0x31: {  	_ =	swait.ge [sflag:s21], $0x28  }
0x32: {  	[sflag:s21] =	ssyncset.done $0x0  }
0x33: {  	s19 =	simm.s32 $0x200;
	[sflag:s21] =	ssyncadd.s32 $0xFFFFFFD8  }
0x34: {  	[tilespmem:s19], [sflag:$0x1] =	stream.indirect.gather [hbm4b:s4+s23], $0x80, s22, s23, $0xb8;
	[tilespmem:$0x1CA00] =	vst v63  }
0x35: {  	_ = 	snop  }
0x36: {  	[tilespmem:s25], [sflag:$0x2] =	stream.indirect.gather [hbm4b:s4+s23], $0x80, s18, s23, $0xb8;
	[tilespmem:$0x1CA00] =	vst v63  }
0x37: {  	s20 =	rddreg [dreg:$0x7]  }
0x38: {  	[tilespmem:s26], [sflag:$0x3] =	stream.linear.gather [hbm4b:s20+s18], $0x1400, $0x38;
	[tilespmem:$0x1CA00] =	vst v63  }
0x39: {  	s17 =	rddreg [dreg:$0x8]  }
0x3a: {  	[tilespmem:s28], [sflag:$0x7] =	stream.linear.gather [hbm4b:s17+s18], $0x28, $0x38;
	[tilespmem:$0x1CA00] =	vst v63  }
0x3b: {  	_ =	swait.ge [sflag:s21], $0x28  }
0x3c: {  	[sflag:s21] =	ssyncset.done $0x0  }
0x3d: {  	s19 =	rddreg [dreg:$0x9];
	[sflag:s21] =	ssyncadd.s32 $0xFFFFFFD8  }
0x3e: {  	[tilespmem:s29], [sflag:$0x7] =	stream.linear.gather [hbm4b:s19+s18], $0x28, $0x38;
	[tilespmem:$0x1CA00] =	vst v63  }
0x3f: {  	_ =	swait.ge [sflag:s21], $0x28  }
0x40: {  	[sflag:s21] =	ssyncset.done $0x0  }
0x41: {  	[sflag:s21] =	ssyncadd.s32 $0xFFFFFFD8  }
0x42: {  	[tilespmem:s30], [sflag:$0x4] =	stream.indirect.gather [hbm4b:s4+s23], $0x80, s29, s23, $0xb8;
	[tilespmem:$0x1CA00] =	vst v63  }
0x43: {  	_ = 	snop  }
0x44: {  	[tilespmem:s31], [sflag:$0x5] =	stream.indirect.gather [hbm4b:s4+s23], $0x80, s28, s23, $0xb8;
	[tilespmem:$0x1CA00] =	vst v63  }
0x45: {  	s20 =	rddreg [dreg:$0xa]  }
0x46: {  	[tilespmem:s0], [sflag:$0x6] =	stream.linear.gather [hbm4b:s20+s18], $0x1400, $0x38;
	[tilespmem:$0x1CA00] =	vst v63  }
.LBB2_4:
0x47: {  	_ =	swait.ge [sflag:s1], $0x1400  }
0x48: {  	[sflag:s1] =	ssyncset.done $0x0  }
0x49: {  	[sflag:s1] =	ssyncadd.s32 $0xFFFFEC00  }
0x4a: {  	_ =	swait.ge [sflag:s9], $0x1400  }
0x4b: {  	[sflag:s9] =	ssyncset.done $0x0  }
0x4c: {  	[sflag:s9] =	ssyncadd.s32 $0xFFFFEC00  }
0x4d: {  	_ =	swait.ge [sflag:s12], $0x1400  }
0x4e: {  	[sflag:s12] =	ssyncset.done $0x0  }
0x4f: {  	s19 =	simm.s32 $0x0;
	[sflag:s12] =	ssyncadd.s32 $0xFFFFEC00  }
0x50: {  	v2 =	vld [tilespmem:s19+$0x3B0]  }
0x51: {  	v3 =	vld [tilespmem:s19+$0x2BF0]  }
0x52: {  	v4 =	vld [tilespmem:s19+$0x200]  }
0x53: {  	v5 =	vld [tilespmem:s19+$0x53B0]  }
0x54: {  	v6 =	vld [tilespmem:s19+$0x2A40]  }
0x55: {  	v7 =	vld [tilespmem:s19+$0x210]  }
0x56: {  	v8 =	vld [tilespmem:s19+$0x2A50]  }
0x57: {  	v9 =	vld [tilespmem:s19+$0x2A60]  }
0x58: {  	v10 =	vld [tilespmem:s19+$0x2A70]  }
0x59: {  	v11 =	vld [tilespmem:s19+$0x280]  }
0x5a: {  	v12 =	vld [tilespmem:s19+$0x290]  }
0x5b: {  	v13 =	vld [tilespmem:s19+$0x2AD0]  }
0x5c: {  	v14 =	vld [tilespmem:s19+$0x2A0]  }
0x5d: {  	v15 =	vld [tilespmem:s19+$0x2AE0]  }
0x5e: {  	v16 =	vld [tilespmem:s19+$0x2B0]  }
0x5f: {  	v17 =	vld [tilespmem:s19+$0x2AF0]  }
0x60: {  	v18 =	vld [tilespmem:s19+$0x300]  }
0x61: {  	v19 =	vld [tilespmem:s19+$0x2B40]  }
0x62: {  	v20 =	vld [tilespmem:s19+$0x310]  }
0x63: {  	v21 =	vld [tilespmem:s19+$0x2B50]  }
0x64: {  	v22 =	vld [tilespmem:s19+$0x320]  }
0x65: {  	v23 =	vld [tilespmem:s19+$0x2B60]  }
0x66: {  	v24 =	vld [tilespmem:s19+$0x330]  }
0x67: {  	v25 =	vld [tilespmem:s19+$0x2B70]  }
0x68: {  	v26 =	vld [tilespmem:s19+$0x380]  }
0x69: {  	v27 =	vld [tilespmem:s19+$0x2BC0]  }
0x6a: {  	v28 =	vld [tilespmem:s19+$0x390]  }
0x6b: {  	v29 =	vld [tilespmem:s19+$0x2BD0]  }
0x6c: {  	v32 =	vld [tilespmem:s19+$0x5200];
	v2 =	vadd.f32 v3, v2  }
0x6d: {  	v34 =	vld [tilespmem:s19+$0x5220]  }
0x6e: {  	v3 =	vld [tilespmem:s19+$0x220];
	v2 =	vadd.f32 v5, v2  }
0x6f: {  	v4 =	vadd.f32 v6, v4;
	v5 =	vld [tilespmem:s19+$0x230]  }
0x70: {  	v6 =	vld [tilespmem:s19+$0x5230];
	v2 =	vmax.f32 v2, $0.0e+00  }
0x71: {  	v4 =	vadd.f32 v32, v4;
	[tilespmem:s19+$0x7BB0] =	vst v2;
	v2 =	vld [tilespmem:s19+$0x2AC0]  }
0x72: {  	v33 =	vld [tilespmem:s19+$0x5210]  }
0x73: {  	v35 =	vld [tilespmem:s19+$0x5280];
	v4 =	vmax.f32 v4, $0.0e+00;
	v3 =	vadd.f32 v9, v3  }
0x74: {  	v30 =	vld [tilespmem:s19+$0x3A0];
	[tilespmem:s19+$0x7A00] =	vst v4;
	v4 =	vadd.f32 v10, v5  }
0x75: {  	v7 =	vadd.f32 v8, v7;
	v8 =	vld [tilespmem:s19+$0x5290];
	v3 =	vadd.f32 v34, v3  }
0x76: {  	v61 =	vld [tilespmem:s19+$0x52A0];
	v4 =	vadd.f32 v6, v4;
	v2 =	vadd.f32 v2, v11  }
0x77: {  	v62 =	vld [tilespmem:s19+$0x52B0];
	v7 =	vadd.f32 v33, v7;
	v3 =	vmax.f32 v3, $0.0e+00  }
0x78: {  	v10 =	vld [tilespmem:s19+$0x5300];
	[tilespmem:s19+$0x7A20] =	vst v3;
	v3 =	vadd.f32 v13, v12;
	v4 =	vmax.f32 v4, $0.0e+00;
	v2 =	vadd.f32 v35, v2  }
0x79: {  	v5 =	vmax.f32 v7, $0.0e+00;
	v11 =	vld [tilespmem:s19+$0x5310];
	[tilespmem:s19+$0x7A30] =	vst v4;
	v4 =	vadd.f32 v15, v14  }
0x7a: {  	[tilespmem:s19+$0x7A10] =	vst v5;
	v5 =	vadd.f32 v19, v18;
	v12 =	vld [tilespmem:s19+$0x5320];
	v3 =	vadd.f32 v8, v3;
	v2 =	vmax.f32 v2, $0.0e+00  }
0x7b: {  	v31 =	vld [tilespmem:s19+$0x2BE0];
	[tilespmem:s19+$0x7A80] =	vst v2;
	v2 =	vadd.f32 v61, v4;
	v4 =	vadd.f32 v17, v16  }
0x7c: {  	v6 =	vld [tilespmem:s19+$0x5330];
	v13 =	vadd.f32 v21, v20;
	v14 =	vadd.f32 v23, v22  }
0x7d: {  	v7 =	vld [tilespmem:s19+$0x5380];
	v15 =	vadd.f32 v10, v5;
	v3 =	vmax.f32 v3, $0.0e+00;
	v8 =	vadd.f32 v62, v4  }
0x7e: {  	v9 =	vld [tilespmem:s19+$0x5390];
	v5 =	vadd.f32 v29, v28;
	[tilespmem:s19+$0x7A90] =	vst v3;
	v3 =	vadd.f32 v25, v24;
	v2 =	vmax.f32 v2, $0.0e+00  }
0x7f: {  	s10 =	simm.s32 $0x200;
	v10 =	vld [tilespmem:s19+$0x53A0];
	v11 =	vadd.f32 v11, v13;
	v12 =	vadd.f32 v12, v14;
	[tilespmem:s19+$0x7AA0] =	vst v2;
	v63 =	vmax.f32 v8, $0.0e+00  }
0x80: {  	s20 =	simm.s32 $0x1000;
	v13 =	vmax.f32 v15, $0.0e+00;
	v4 =	vadd.f32 v27, v26;
	v2 =	vadd.f32 v31, v30;
	v8 =	vld [tilespmem:s10+$0x3B0];
	[tilespmem:s19+$0x7AB0] =	vst v63  }
.LBB2_5:
0x81: {  	p0 =	sne.s32 s20, $0x4800;
	v14 =	vld [tilespmem:s10+$0x2BF0];
	[tilespmem:s19+$0x7B00] =	vst v13;
	v11 =	vmax.f32 v11, $0.0e+00;
	v3 =	vadd.f32 v6, v3  }
0x82: {  	v6 =	vld [tilespmem:s10+$0x200];
	[tilespmem:s19+$0x7B10] =	vst v11;
	v11 =	vmax.f32 v12, $0.0e+00;
	v4 =	vadd.f32 v7, v4  }
0x83: {  	v7 =	vld [tilespmem:s10+$0x53B0];
	[tilespmem:s19+$0x7B20] =	vst v11;
	v3 =	vmax.f32 v3, $0.0e+00;
	v5 =	vadd.f32 v9, v5  }
0x84: {  	v9 =	vld [tilespmem:s10+$0x2A40];
	[tilespmem:s19+$0x7B30] =	vst v3;
	v3 =	vmax.f32 v4, $0.0e+00;
	v2 =	vadd.f32 v10, v2  }
0x85: {  	v4 =	vld [tilespmem:s10+$0x210];
	[tilespmem:s19+$0x7B80] =	vst v3;
	v3 =	vmax.f32 v5, $0.0e+00  }
0x86: {  	v5 =	vld [tilespmem:s10+$0x2A50];
	v8 =	vadd.f32 v14, v8;
	[tilespmem:s19+$0x7B90] =	vst v3;
	v2 =	vmax.f32 v2, $0.0e+00  }
0x87: {  	v3 =	vld [tilespmem:s10+$0x220];
	[tilespmem:s19+$0x7BA0] =	vst v2;
	s19 =	smov.u32 s10  }
0x88: {  	v2 =	vld [tilespmem:s19+$0x2A60];
	v7 =	vadd.f32 v7, v8  }
0x89: {  	v6 =	vadd.f32 v9, v6;
	v8 =	vld [tilespmem:s19+$0x230]  }
0x8a: {  	v9 =	vld [tilespmem:s19+$0x2A70];
	v7 =	vmax.f32 v7, $0.0e+00  }
0x8b: {  	v10 =	vadd.f32 v5, v4;
	v4 =	vld [tilespmem:s19+$0x280];
	[tilespmem:s19+$0x7BB0] =	vst v7  }
0x8c: {  	v5 =	vld [tilespmem:s19+$0x2AC0]  }
0x8d: {  	v7 =	vadd.f32 v2, v3;
	v2 =	vld [tilespmem:s19+$0x290]  }
0x8e: {  	v3 =	vld [tilespmem:s19+$0x2AD0]  }
0x8f: {  	v8 =	vadd.f32 v9, v8;
	v9 =	vld [tilespmem:s19+$0x2A0]  }
0x90: {  	v11 =	vld [tilespmem:s19+$0x2AE0]  }
0x91: {  	v12 =	vadd.f32 v5, v4;
	v4 =	vld [tilespmem:s19+$0x2B0]  }
0x92: {  	v5 =	vld [tilespmem:s19+$0x2AF0]  }
0x93: {  	v13 =	vadd.f32 v3, v2;
	v2 =	vld [tilespmem:s19+$0x300]  }
0x94: {  	v3 =	vld [tilespmem:s19+$0x2B40]  }
0x95: {  	v9 =	vadd.f32 v11, v9;
	v11 =	vld [tilespmem:s19+$0x310]  }
0x96: {  	v14 =	vld [tilespmem:s19+$0x2B50]  }
0x97: {  	v15 =	vadd.f32 v5, v4;
	v4 =	vld [tilespmem:s19+$0x320]  }
0x98: {  	v5 =	vld [tilespmem:s19+$0x2B60]  }
0x99: {  	v16 =	vadd.f32 v3, v2;
	v2 =	vld [tilespmem:s19+$0x330]  }
0x9a: {  	v3 =	vld [tilespmem:s19+$0x2B70]  }
0x9b: {  	v11 =	vadd.f32 v14, v11;
	v14 =	vld [tilespmem:s19+$0x380]  }
0x9c: {  	v17 =	vld [tilespmem:s19+$0x2BC0]  }
0x9d: {  	v18 =	vadd.f32 v5, v4;
	v5 =	vld [tilespmem:s19+$0x390]  }
0x9e: {  	v19 =	vld [tilespmem:s19+$0x2BD0]  }
0x9f: {  	v3 =	vadd.f32 v3, v2;
	v2 =	vld [tilespmem:s19+$0x3A0]  }
0xa0: {  	v20 =	vld [tilespmem:s19+$0x2BE0]  }
0xa1: {  	v21 =	vld [tilespmem:s19+$0x5200];
	v4 =	vadd.f32 v17, v14  }
0xa2: {  	v14 =	vld [tilespmem:s19+$0x5210]  }
0xa3: {  	v17 =	vld [tilespmem:s19+$0x5220];
	v5 =	vadd.f32 v19, v5  }
0xa4: {  	v19 =	vld [tilespmem:s19+$0x5230]  }
0xa5: {  	v22 =	vld [tilespmem:s19+$0x5280];
	v2 =	vadd.f32 v20, v2  }
0xa6: {  	v6 =	vadd.f32 v21, v6;
	v20 =	vld [tilespmem:s19+$0x5290]  }
0xa7: {  	v10 =	vadd.f32 v14, v10;
	v14 =	vld [tilespmem:s19+$0x52A0]  }
0xa8: {  	v6 =	vmax.f32 v6, $0.0e+00;
	v7 =	vadd.f32 v17, v7;
	v17 =	vld [tilespmem:s19+$0x52B0]  }
0xa9: {  	[tilespmem:s19+$0x7A00] =	vst v6;
	v6 =	vmax.f32 v10, $0.0e+00;
	v8 =	vadd.f32 v19, v8;
	v10 =	vld [tilespmem:s19+$0x5300]  }
0xaa: {  	[tilespmem:s19+$0x7A10] =	vst v6;
	v6 =	vmax.f32 v7, $0.0e+00;
	v7 =	vadd.f32 v22, v12;
	v12 =	vld [tilespmem:s19+$0x5310]  }
0xab: {  	[tilespmem:s19+$0x7A20] =	vst v6;
	v6 =	vmax.f32 v8, $0.0e+00;
	v8 =	vadd.f32 v20, v13;
	v19 =	vld [tilespmem:s19+$0x5320]  }
.Ltmp1:
0xac: {  	[tilespmem:s19+$0x7A30] =	vst v6;
	v7 =	vmax.f32 v7, $0.0e+00;
	v9 =	vadd.f32 v14, v9;
	v6 =	vld [tilespmem:s19+$0x5330];
	(pc) =	sbr.rel @p0 .LBB2_5-.Ltmp1, $4  }
0xad: {  	[tilespmem:s19+$0x7A80] =	vst v7;
	v8 =	vmax.f32 v8, $0.0e+00;
	v13 =	vadd.f32 v17, v15;
	v7 =	vld [tilespmem:s19+$0x5380]  }
0xae: {  	[tilespmem:s19+$0x7A90] =	vst v8;
	v8 =	vmax.f32 v9, $0.0e+00;
	v14 =	vadd.f32 v10, v16;
	v9 =	vld [tilespmem:s19+$0x5390]  }
0xaf: {  	s10 =	sshra.s32 s20, $0x2;
	[tilespmem:s19+$0x7AA0] =	vst v8;
	v13 =	vmax.f32 v13, $0.0e+00;
	v11 =	vadd.f32 v12, v11;
	v10 =	vld [tilespmem:s19+$0x53A0]  }
0xb0: {  	s20 =	sadd.s32 $0x800, s20;
	v8 =	vld [tilespmem:s10+$0x3B0];
	[tilespmem:s19+$0x7AB0] =	vst v13;
	v13 =	vmax.f32 v14, $0.0e+00;
	v12 =	vadd.f32 v19, v18  }
0xb1: {  	v14 =	vld [tilespmem:s10+$0x2BF0];
	[tilespmem:s19+$0x7B00] =	vst v13;
	v11 =	vmax.f32 v11, $0.0e+00;
	v3 =	vadd.f32 v6, v3  }
0xb2: {  	v13 =	vld [tilespmem:s10+$0x200];
	[tilespmem:s19+$0x7B10] =	vst v11;
	v6 =	vmax.f32 v12, $0.0e+00  }
0xb3: {  	v4 =	vadd.f32 v7, v4;
	v11 =	vld [tilespmem:s10+$0x53B0];
	[tilespmem:s19+$0x7B20] =	vst v6;
	v3 =	vmax.f32 v3, $0.0e+00  }
0xb4: {  	v6 =	vld [tilespmem:s10+$0x2A40];
	[tilespmem:s19+$0x7B30] =	vst v3;
	v3 =	vadd.f32 v9, v5  }
0xb5: {  	v4 =	vmax.f32 v4, $0.0e+00;
	v2 =	vadd.f32 v10, v2  }
0xb6: {  	v5 =	vld [tilespmem:s10+$0x210];
	[tilespmem:s19+$0x7B80] =	vst v4;
	v3 =	vmax.f32 v3, $0.0e+00  }
0xb7: {  	v4 =	vld [tilespmem:s10+$0x2A50];
	v2 =	vmax.f32 v2, $0.0e+00;
	[tilespmem:s19+$0x7B90] =	vst v3  }
0xb8: {  	v3 =	vld [tilespmem:s10+$0x220];
	[tilespmem:s19+$0x7BA0] =	vst v2  }
0xb9: {  	v2 =	vld [tilespmem:s10+$0x2A60]  }
0xba: {  	v7 =	vadd.f32 v14, v8;
	v8 =	vld [tilespmem:s10+$0x230]  }
0xbb: {  	v9 =	vld [tilespmem:s10+$0x2A70]  }
0xbc: {  	v10 =	vld [tilespmem:s10+$0x280]  }
0xbd: {  	v7 =	vadd.f32 v11, v7;
	v11 =	vld [tilespmem:s10+$0x290]  }
0xbe: {  	v12 =	vld [tilespmem:s10+$0x2AD0]  }
0xbf: {  	v14 =	vld [tilespmem:s10+$0x2A0]  }
0xc0: {  	v15 =	vld [tilespmem:s10+$0x2AE0]  }
0xc1: {  	v16 =	vld [tilespmem:s10+$0x2B0]  }
0xc2: {  	v17 =	vld [tilespmem:s10+$0x2AF0]  }
0xc3: {  	v18 =	vld [tilespmem:s10+$0x300]  }
0xc4: {  	v19 =	vld [tilespmem:s10+$0x2B40]  }
0xc5: {  	v20 =	vld [tilespmem:s10+$0x310]  }
0xc6: {  	v21 =	vld [tilespmem:s10+$0x2B50]  }
0xc7: {  	v22 =	vld [tilespmem:s10+$0x320]  }
0xc8: {  	v23 =	vld [tilespmem:s10+$0x2B60]  }
0xc9: {  	v24 =	vld [tilespmem:s10+$0x330]  }
0xca: {  	v25 =	vld [tilespmem:s10+$0x2B70]  }
0xcb: {  	v26 =	vld [tilespmem:s10+$0x380]  }
0xcc: {  	v27 =	vld [tilespmem:s10+$0x2BC0]  }
0xcd: {  	v28 =	vld [tilespmem:s10+$0x390]  }
0xce: {  	v32 =	vld [tilespmem:s10+$0x5200]  }
0xcf: {  	v33 =	vld [tilespmem:s10+$0x5210]  }
0xd0: {  	v29 =	vld [tilespmem:s10+$0x2BD0]  }
0xd1: {  	v34 =	vld [tilespmem:s10+$0x5220];
	v6 =	vadd.f32 v6, v13;
	v7 =	vmax.f32 v7, $0.0e+00  }
0xd2: {  	[tilespmem:s10+$0x7BB0] =	vst v7;
	v7 =	vld [tilespmem:s10+$0x2AC0];
	v4 =	vadd.f32 v4, v5  }
0xd3: {  	v13 =	vld [tilespmem:s10+$0x5230];
	v5 =	vadd.f32 v32, v6  }
0xd4: {  	v35 =	vld [tilespmem:s10+$0x5280];
	v2 =	vadd.f32 v2, v3;
	v3 =	vadd.f32 v33, v4  }
0xd5: {  	v30 =	vld [tilespmem:s10+$0x3A0];
	v4 =	vmax.f32 v5, $0.0e+00  }
0xd6: {  	v6 =	vld [tilespmem:s10+$0x5290];
	v2 =	vadd.f32 v34, v2;
	v3 =	vmax.f32 v3, $0.0e+00;
	[tilespmem:s10+$0x7A00] =	vst v4;
	v4 =	vadd.f32 v9, v8  }
0xd7: {  	v31 =	vld [tilespmem:s10+$0x2BE0];
	[tilespmem:s10+$0x7A10] =	vst v3;
	v3 =	vadd.f32 v7, v10  }
0xd8: {  	v40 =	vld [tilespmem:s10+$0x52A0];
	v2 =	vmax.f32 v2, $0.0e+00;
	v4 =	vadd.f32 v13, v4  }
0xd9: {  	v5 =	vld [tilespmem:s10+$0x52B0];
	[tilespmem:s10+$0x7A20] =	vst v2;
	v2 =	vadd.f32 v12, v11;
	v3 =	vadd.f32 v35, v3  }
0xda: {  	v8 =	vld [tilespmem:s10+$0x5300];
	v4 =	vmax.f32 v4, $0.0e+00  }
0xdb: {  	v7 =	vld [tilespmem:s10+$0x5310];
	v2 =	vadd.f32 v6, v2;
	v3 =	vmax.f32 v3, $0.0e+00;
	[tilespmem:s10+$0x7A30] =	vst v4;
	v4 =	vadd.f32 v15, v14  }
0xdc: {  	v9 =	vld [tilespmem:s10+$0x5320];
	[tilespmem:s10+$0x7A80] =	vst v3;
	v3 =	vadd.f32 v17, v16  }
0xdd: {  	v11 =	vadd.f32 v19, v18;
	v6 =	vld [tilespmem:s10+$0x5330];
	v2 =	vmax.f32 v2, $0.0e+00;
	v4 =	vadd.f32 v40, v4  }
0xde: {  	v10 =	vld [tilespmem:s10+$0x5380];
	[tilespmem:s10+$0x7A90] =	vst v2;
	v2 =	vadd.f32 v21, v20;
	v3 =	vadd.f32 v5, v3  }
0xdf: {  	v12 =	vadd.f32 v23, v22;
	v8 =	vadd.f32 v8, v11;
	v5 =	vld [tilespmem:s10+$0x5390];
	v4 =	vmax.f32 v4, $0.0e+00  }
0xe0: {  	v3 =	vmax.f32 v3, $0.0e+00;
	v2 =	vadd.f32 v7, v2;
	v7 =	vld [tilespmem:s10+$0x53A0];
	[tilespmem:s10+$0x7AA0] =	vst v4;
	v4 =	vadd.f32 v25, v24  }
0xe1: {  	v11 =	vadd.f32 v27, v26;
	[tilespmem:s10+$0x7AB0] =	vst v3;
	v3 =	vmax.f32 v8, $0.0e+00;
	v8 =	vadd.f32 v9, v12  }
0xe2: {  	v9 =	vadd.f32 v29, v28;
	[tilespmem:s10+$0x7B00] =	vst v3;
	v2 =	vmax.f32 v2, $0.0e+00;
	v3 =	vadd.f32 v6, v4  }
0xe3: {  	v4 =	vadd.f32 v31, v30;
	[tilespmem:s10+$0x7B10] =	vst v2;
	v2 =	vmax.f32 v8, $0.0e+00;
	v6 =	vadd.f32 v10, v11  }
0xe4: {  	[tilespmem:s10+$0x7B20] =	vst v2;
	v2 =	vmax.f32 v3, $0.0e+00;
	v3 =	vadd.f32 v5, v9  }
0xe5: {  	v4 =	vadd.f32 v7, v4;
	[tilespmem:s10+$0x7B30] =	vst v2;
	v2 =	vmax.f32 v6, $0.0e+00  }
0xe6: {  	s19 =	smul.u32 $0x50, s18;
	[tilespmem:s10+$0x7B80] =	vst v2;
	v2 =	vmax.f32 v3, $0.0e+00  }
0xe7: {  	[tilespmem:s10+$0x7B90] =	vst v2;
	v2 =	vmax.f32 v4, $0.0e+00  }
0xe8: {  	[tilespmem:s10+$0x7BA0] =	vst v2;
	s10 =	sadd.s32 s8, s19  }
0xe9: {  	[spmem:s2] =	stream.indirect.scatter.add.f32 [tilespmem:s13], [sflag:$0x7], $0x80, s22, s23, $0xb8;
	[tilespmem:$0x1CA00] =	vst v63  }
0xea: {  	p0 =	slt.s32 s10, $0x4E188  }
0xeb: {  	s10 =	simm.s32 @!p0 $0x4E188  }
0xec: {  	_ =	swait.ge [sflag:s21], $0x1400;
	s10 =	sadd.s32 $0x50, s10  }
0xed: {  	[sflag:s21] =	ssyncset.done $0x0;
	s17 =	sshrl.u32 s10, $0x3  }
0xee: {  	[sflag:s21] =	ssyncadd.s32 $0xFFFFEC00;
	s20 =	sadd.s32 s6, s17  }
0xef: {  	[tilespmem:s24], [sflag:$0x7] =	stream.linear.gather [hbm4b:s20+s24], $0x28, $0x38;
	[tilespmem:$0x1CA00] =	vst v63  }
0xf0: {  	_ =	swait.ge [sflag:s21], $0x28  }
0xf1: {  	[sflag:s21] =	ssyncset.done $0x0  }
0xf2: {  	s17 =	sadd.s32 s7, s17;
	[sflag:s21] =	ssyncadd.s32 $0xFFFFFFD8  }
0xf3: {  	[tilespmem:s22], [sflag:$0x7] =	stream.linear.gather [hbm4b:s17+s24], $0x28, $0x38;
	[tilespmem:$0x1CA00] =	vst v63  }
0xf4: {  	_ =	swait.ge [sflag:s21], $0x28  }
0xf5: {  	[sflag:s21] =	ssyncset.done $0x0  }
0xf6: {  	s20 =	simm.s32 $0x200;
	[sflag:s21] =	ssyncadd.s32 $0xFFFFFFD8  }
0xf7: {  	[tilespmem:s20], [sflag:$0x1] =	stream.indirect.gather [hbm4b:s4+s23], $0x80, s22, s23, $0xb8;
	[tilespmem:$0x1CA00] =	vst v63  }
0xf8: {  	s10 =	sshll.u32 s10, $0x4  }
0xf9: {  	[tilespmem:s25], [sflag:$0x2] =	stream.indirect.gather [hbm4b:s4+s23], $0x80, s24, s23, $0xb8;
	[tilespmem:$0x1CA00] =	vst v63  }
0xfa: {  	s10 =	sadd.s32 s5, s10  }
0xfb: {  	[tilespmem:s26], [sflag:$0x3] =	stream.linear.gather [hbm4b:s10+s24], $0x1400, $0x38;
	[tilespmem:$0x1CA00] =	vst v63  }
0xfc: {  	_ =	swait.ge [sflag:s14], $0x1400  }
0xfd: {  	[sflag:s14] =	ssyncset.done $0x0  }
0xfe: {  	[sflag:s14] =	ssyncadd.s32 $0xFFFFEC00  }
0xff: {  	_ =	swait.ge [sflag:s15], $0x1400  }
0x100: {  	[sflag:s15] =	ssyncset.done $0x0  }
0x101: {  	[sflag:s15] =	ssyncadd.s32 $0xFFFFEC00  }
0x102: {  	_ =	swait.ge [sflag:s16], $0x1400  }
0x103: {  	[sflag:s16] =	ssyncset.done $0x0  }
0x104: {  	s10 =	simm.s32 $0x0;
	[sflag:s16] =	ssyncadd.s32 $0xFFFFEC00  }
0x105: {  	v2 =	vld [tilespmem:s10+$0x17B0]  }
0x106: {  	v3 =	vld [tilespmem:s10+$0x3FF0]  }
0x107: {  	v4 =	vld [tilespmem:s10+$0x1600]  }
0x108: {  	v5 =	vld [tilespmem:s10+$0x67B0]  }
0x109: {  	v6 =	vld [tilespmem:s10+$0x3E40]  }
0x10a: {  	v7 =	vld [tilespmem:s10+$0x1610]  }
0x10b: {  	v8 =	vld [tilespmem:s10+$0x3E50]  }
0x10c: {  	v9 =	vld [tilespmem:s10+$0x3E60]  }
0x10d: {  	v10 =	vld [tilespmem:s10+$0x3E70]  }
0x10e: {  	v11 =	vld [tilespmem:s10+$0x1680]  }
0x10f: {  	v12 =	vld [tilespmem:s10+$0x1690]  }
0x110: {  	v13 =	vld [tilespmem:s10+$0x3ED0]  }
0x111: {  	v14 =	vld [tilespmem:s10+$0x16A0]  }
0x112: {  	v15 =	vld [tilespmem:s10+$0x3EE0]  }
0x113: {  	v41 =	vld [tilespmem:s10+$0x16B0]  }
0x114: {  	v42 =	vld [tilespmem:s10+$0x3EF0]  }
0x115: {  	v43 =	vld [tilespmem:s10+$0x1700]  }
0x116: {  	v44 =	vld [tilespmem:s10+$0x3F40]  }
0x117: {  	v45 =	vld [tilespmem:s10+$0x1710]  }
0x118: {  	v46 =	vld [tilespmem:s10+$0x3F50]  }
0x119: {  	v47 =	vld [tilespmem:s10+$0x1720]  }
0x11a: {  	v48 =	vld [tilespmem:s10+$0x3F60]  }
0x11b: {  	v49 =	vld [tilespmem:s10+$0x1730]  }
0x11c: {  	v50 =	vld [tilespmem:s10+$0x3F70]  }
0x11d: {  	v51 =	vld [tilespmem:s10+$0x1780]  }
0x11e: {  	v52 =	vld [tilespmem:s10+$0x3FC0]  }
0x11f: {  	v53 =	vld [tilespmem:s10+$0x1790]  }
0x120: {  	v54 =	vld [tilespmem:s10+$0x3FD0]  }
0x121: {  	v57 =	vld [tilespmem:s10+$0x6600];
	v2 =	vadd.f32 v3, v2  }
0x122: {  	v59 =	vld [tilespmem:s10+$0x6620]  }
0x123: {  	v3 =	vld [tilespmem:s10+$0x1620];
	v2 =	vadd.f32 v5, v2  }
0x124: {  	v4 =	vadd.f32 v6, v4;
	v5 =	vld [tilespmem:s10+$0x1630]  }
0x125: {  	v6 =	vld [tilespmem:s10+$0x6630];
	v2 =	vmax.f32 v2, $0.0e+00  }
0x126: {  	v4 =	vadd.f32 v57, v4;
	[tilespmem:s10+$0x7BB0] =	vst v2;
	v2 =	vld [tilespmem:s10+$0x3EC0]  }
0x127: {  	v58 =	vld [tilespmem:s10+$0x6610]  }
0x128: {  	v60 =	vld [tilespmem:s10+$0x6680];
	v4 =	vmax.f32 v4, $0.0e+00;
	v3 =	vadd.f32 v9, v3  }
0x129: {  	v55 =	vld [tilespmem:s10+$0x17A0];
	[tilespmem:s10+$0x7A00] =	vst v4;
	v4 =	vadd.f32 v10, v5  }
0x12a: {  	v7 =	vadd.f32 v8, v7;
	v8 =	vld [tilespmem:s10+$0x6690];
	v3 =	vadd.f32 v59, v3  }
0x12b: {  	v61 =	vld [tilespmem:s10+$0x66A0];
	v4 =	vadd.f32 v6, v4;
	v2 =	vadd.f32 v2, v11  }
0x12c: {  	v62 =	vld [tilespmem:s10+$0x66B0];
	v7 =	vadd.f32 v58, v7;
	v3 =	vmax.f32 v3, $0.0e+00  }
0x12d: {  	v10 =	vld [tilespmem:s10+$0x6700];
	[tilespmem:s10+$0x7A20] =	vst v3;
	v3 =	vadd.f32 v13, v12;
	v4 =	vmax.f32 v4, $0.0e+00;
	v2 =	vadd.f32 v60, v2  }
0x12e: {  	v5 =	vmax.f32 v7, $0.0e+00;
	v11 =	vld [tilespmem:s10+$0x6710];
	[tilespmem:s10+$0x7A30] =	vst v4;
	v4 =	vadd.f32 v15, v14  }
0x12f: {  	[tilespmem:s10+$0x7A10] =	vst v5;
	v5 =	vadd.f32 v44, v43;
	v12 =	vld [tilespmem:s10+$0x6720];
	v3 =	vadd.f32 v8, v3;
	v2 =	vmax.f32 v2, $0.0e+00  }
0x130: {  	v56 =	vld [tilespmem:s10+$0x3FE0];
	[tilespmem:s10+$0x7A80] =	vst v2;
	v2 =	vadd.f32 v61, v4;
	v4 =	vadd.f32 v42, v41  }
0x131: {  	v6 =	vld [tilespmem:s10+$0x6730];
	v13 =	vadd.f32 v46, v45;
	v14 =	vadd.f32 v48, v47  }
0x132: {  	v7 =	vld [tilespmem:s10+$0x6780];
	v15 =	vadd.f32 v10, v5;
	v3 =	vmax.f32 v3, $0.0e+00;
	v8 =	vadd.f32 v62, v4  }
0x133: {  	v9 =	vld [tilespmem:s10+$0x6790];
	v5 =	vadd.f32 v54, v53;
	[tilespmem:s10+$0x7A90] =	vst v3;
	v3 =	vadd.f32 v50, v49;
	v2 =	vmax.f32 v2, $0.0e+00  }
0x134: {  	s20 =	simm.s32 $0x200;
	v10 =	vld [tilespmem:s10+$0x67A0];
	v11 =	vadd.f32 v11, v13;
	v12 =	vadd.f32 v12, v14;
	[tilespmem:s10+$0x7AA0] =	vst v2;
	v63 =	vmax.f32 v8, $0.0e+00  }
0x135: {  	s17 =	simm.s32 $0x1000;
	v13 =	vmax.f32 v15, $0.0e+00;
	v4 =	vadd.f32 v52, v51;
	v2 =	vadd.f32 v56, v55;
	v8 =	vld [tilespmem:s20+$0x17B0];
	[tilespmem:s10+$0x7AB0] =	vst v63  }
.LBB2_7:
0x136: {  	p0 =	sne.s32 s17, $0x4800;
	v14 =	vld [tilespmem:s20+$0x3FF0];
	[tilespmem:s10+$0x7B00] =	vst v13;
	v11 =	vmax.f32 v11, $0.0e+00;
	v3 =	vadd.f32 v6, v3  }
0x137: {  	v6 =	vld [tilespmem:s20+$0x1600];
	[tilespmem:s10+$0x7B10] =	vst v11;
	v11 =	vmax.f32 v12, $0.0e+00;
	v4 =	vadd.f32 v7, v4  }
0x138: {  	v7 =	vld [tilespmem:s20+$0x67B0];
	[tilespmem:s10+$0x7B20] =	vst v11;
	v3 =	vmax.f32 v3, $0.0e+00;
	v5 =	vadd.f32 v9, v5  }
0x139: {  	v9 =	vld [tilespmem:s20+$0x3E40];
	[tilespmem:s10+$0x7B30] =	vst v3;
	v3 =	vmax.f32 v4, $0.0e+00;
	v2 =	vadd.f32 v10, v2  }
0x13a: {  	v4 =	vld [tilespmem:s20+$0x1610];
	[tilespmem:s10+$0x7B80] =	vst v3;
	v3 =	vmax.f32 v5, $0.0e+00  }
0x13b: {  	v5 =	vld [tilespmem:s20+$0x3E50];
	v8 =	vadd.f32 v14, v8;
	[tilespmem:s10+$0x7B90] =	vst v3;
	v2 =	vmax.f32 v2, $0.0e+00  }
0x13c: {  	v3 =	vld [tilespmem:s20+$0x1620];
	[tilespmem:s10+$0x7BA0] =	vst v2;
	s10 =	smov.u32 s20  }
0x13d: {  	v2 =	vld [tilespmem:s10+$0x3E60];
	v7 =	vadd.f32 v7, v8  }
0x13e: {  	v6 =	vadd.f32 v9, v6;
	v8 =	vld [tilespmem:s10+$0x1630]  }
0x13f: {  	v9 =	vld [tilespmem:s10+$0x3E70];
	v7 =	vmax.f32 v7, $0.0e+00  }
0x140: {  	v10 =	vadd.f32 v5, v4;
	v4 =	vld [tilespmem:s10+$0x1680];
	[tilespmem:s10+$0x7BB0] =	vst v7  }
0x141: {  	v5 =	vld [tilespmem:s10+$0x3EC0]  }
0x142: {  	v7 =	vadd.f32 v2, v3;
	v2 =	vld [tilespmem:s10+$0x1690]  }
0x143: {  	v3 =	vld [tilespmem:s10+$0x3ED0]  }
0x144: {  	v8 =	vadd.f32 v9, v8;
	v9 =	vld [tilespmem:s10+$0x16A0]  }
0x145: {  	v11 =	vld [tilespmem:s10+$0x3EE0]  }
0x146: {  	v12 =	vadd.f32 v5, v4;
	v4 =	vld [tilespmem:s10+$0x16B0]  }
0x147: {  	v5 =	vld [tilespmem:s10+$0x3EF0]  }
0x148: {  	v13 =	vadd.f32 v3, v2;
	v2 =	vld [tilespmem:s10+$0x1700]  }
0x149: {  	v3 =	vld [tilespmem:s10+$0x3F40]  }
0x14a: {  	v9 =	vadd.f32 v11, v9;
	v11 =	vld [tilespmem:s10+$0x1710]  }
0x14b: {  	v14 =	vld [tilespmem:s10+$0x3F50]  }
0x14c: {  	v15 =	vadd.f32 v5, v4;
	v4 =	vld [tilespmem:s10+$0x1720]  }
0x14d: {  	v5 =	vld [tilespmem:s10+$0x3F60]  }
0x14e: {  	v16 =	vadd.f32 v3, v2;
	v2 =	vld [tilespmem:s10+$0x1730]  }
0x14f: {  	v3 =	vld [tilespmem:s10+$0x3F70]  }
0x150: {  	v11 =	vadd.f32 v14, v11;
	v14 =	vld [tilespmem:s10+$0x1780]  }
0x151: {  	v17 =	vld [tilespmem:s10+$0x3FC0]  }
0x152: {  	v18 =	vadd.f32 v5, v4;
	v5 =	vld [tilespmem:s10+$0x1790]  }
0x153: {  	v19 =	vld [tilespmem:s10+$0x3FD0]  }
0x154: {  	v3 =	vadd.f32 v3, v2;
	v2 =	vld [tilespmem:s10+$0x17A0]  }
0x155: {  	v20 =	vld [tilespmem:s10+$0x3FE0]  }
0x156: {  	v21 =	vld [tilespmem:s10+$0x6600];
	v4 =	vadd.f32 v17, v14  }
0x157: {  	v14 =	vld [tilespmem:s10+$0x6610]  }
0x158: {  	v17 =	vld [tilespmem:s10+$0x6620];
	v5 =	vadd.f32 v19, v5  }
0x159: {  	v19 =	vld [tilespmem:s10+$0x6630]  }
0x15a: {  	v22 =	vld [tilespmem:s10+$0x6680];
	v2 =	vadd.f32 v20, v2  }
0x15b: {  	v6 =	vadd.f32 v21, v6;
	v20 =	vld [tilespmem:s10+$0x6690]  }
0x15c: {  	v10 =	vadd.f32 v14, v10;
	v14 =	vld [tilespmem:s10+$0x66A0]  }
0x15d: {  	v6 =	vmax.f32 v6, $0.0e+00;
	v7 =	vadd.f32 v17, v7;
	v17 =	vld [tilespmem:s10+$0x66B0]  }
0x15e: {  	[tilespmem:s10+$0x7A00] =	vst v6;
	v6 =	vmax.f32 v10, $0.0e+00;
	v8 =	vadd.f32 v19, v8;
	v10 =	vld [tilespmem:s10+$0x6700]  }
0x15f: {  	[tilespmem:s10+$0x7A10] =	vst v6;
	v6 =	vmax.f32 v7, $0.0e+00;
	v7 =	vadd.f32 v22, v12;
	v12 =	vld [tilespmem:s10+$0x6710]  }
0x160: {  	[tilespmem:s10+$0x7A20] =	vst v6;
	v6 =	vmax.f32 v8, $0.0e+00;
	v8 =	vadd.f32 v20, v13;
	v19 =	vld [tilespmem:s10+$0x6720]  }
.Ltmp2:
0x161: {  	[tilespmem:s10+$0x7A30] =	vst v6;
	v7 =	vmax.f32 v7, $0.0e+00;
	v9 =	vadd.f32 v14, v9;
	v6 =	vld [tilespmem:s10+$0x6730];
	(pc) =	sbr.rel @p0 .LBB2_7-.Ltmp2, $4  }
0x162: {  	[tilespmem:s10+$0x7A80] =	vst v7;
	v8 =	vmax.f32 v8, $0.0e+00;
	v13 =	vadd.f32 v17, v15;
	v7 =	vld [tilespmem:s10+$0x6780]  }
0x163: {  	[tilespmem:s10+$0x7A90] =	vst v8;
	v8 =	vmax.f32 v9, $0.0e+00;
	v14 =	vadd.f32 v10, v16;
	v9 =	vld [tilespmem:s10+$0x6790]  }
0x164: {  	s20 =	sshra.s32 s17, $0x2;
	[tilespmem:s10+$0x7AA0] =	vst v8;
	v13 =	vmax.f32 v13, $0.0e+00;
	v11 =	vadd.f32 v12, v11;
	v10 =	vld [tilespmem:s10+$0x67A0]  }
0x165: {  	s17 =	sadd.s32 $0x800, s17;
	v8 =	vld [tilespmem:s20+$0x17B0];
	[tilespmem:s10+$0x7AB0] =	vst v13;
	v13 =	vmax.f32 v14, $0.0e+00;
	v12 =	vadd.f32 v19, v18  }
0x166: {  	v14 =	vld [tilespmem:s20+$0x3FF0];
	[tilespmem:s10+$0x7B00] =	vst v13;
	v11 =	vmax.f32 v11, $0.0e+00;
	v3 =	vadd.f32 v6, v3  }
0x167: {  	v13 =	vld [tilespmem:s20+$0x1600];
	[tilespmem:s10+$0x7B10] =	vst v11;
	v59 =	vmax.f32 v12, $0.0e+00  }
0x168: {  	v4 =	vadd.f32 v7, v4;
	v11 =	vld [tilespmem:s20+$0x67B0];
	[tilespmem:s10+$0x7B20] =	vst v59;
	v3 =	vmax.f32 v3, $0.0e+00  }
0x169: {  	v6 =	vld [tilespmem:s20+$0x3E40];
	[tilespmem:s10+$0x7B30] =	vst v3;
	v3 =	vadd.f32 v9, v5  }
0x16a: {  	v4 =	vmax.f32 v4, $0.0e+00;
	v2 =	vadd.f32 v10, v2  }
0x16b: {  	v60 =	vld [tilespmem:s20+$0x1610];
	[tilespmem:s10+$0x7B80] =	vst v4;
	v3 =	vmax.f32 v3, $0.0e+00  }
0x16c: {  	v4 =	vld [tilespmem:s20+$0x3E50];
	v2 =	vmax.f32 v2, $0.0e+00;
	[tilespmem:s10+$0x7B90] =	vst v3  }
0x16d: {  	v3 =	vld [tilespmem:s20+$0x1620];
	[tilespmem:s10+$0x7BA0] =	vst v2  }
0x16e: {  	v2 =	vld [tilespmem:s20+$0x3E60]  }
0x16f: {  	v62 =	vld [tilespmem:s20+$0x1630]  }
0x170: {  	v63 =	vld [tilespmem:s20+$0x3E70]  }
0x171: {  	v36 =	vld [tilespmem:s20+$0x1680]  }
0x172: {  	v37 =	vld [tilespmem:s20+$0x3EC0]  }
0x173: {  	v38 =	vld [tilespmem:s20+$0x1690]  }
0x174: {  	v39 =	vld [tilespmem:s20+$0x3ED0]  }
0x175: {  	v40 =	vld [tilespmem:s20+$0x16A0]  }
0x176: {  	v15 =	vld [tilespmem:s20+$0x3EE0]  }
0x177: {  	v16 =	vld [tilespmem:s20+$0x16B0]  }
0x178: {  	v17 =	vld [tilespmem:s20+$0x3EF0]  }
0x179: {  	v18 =	vld [tilespmem:s20+$0x1700]  }
0x17a: {  	v19 =	vld [tilespmem:s20+$0x3F40]  }
0x17b: {  	v20 =	vld [tilespmem:s20+$0x1710]  }
0x17c: {  	v21 =	vld [tilespmem:s20+$0x3F50]  }
0x17d: {  	v22 =	vld [tilespmem:s20+$0x1720]  }
0x17e: {  	v23 =	vld [tilespmem:s20+$0x3F60]  }
0x17f: {  	v24 =	vld [tilespmem:s20+$0x1730]  }
0x180: {  	v25 =	vld [tilespmem:s20+$0x3F70]  }
0x181: {  	v26 =	vld [tilespmem:s20+$0x1780]  }
0x182: {  	v27 =	vld [tilespmem:s20+$0x3FC0]  }
0x183: {  	v28 =	vld [tilespmem:s20+$0x1790]  }
0x184: {  	v33 =	vld [tilespmem:s20+$0x6610]  }
0x185: {  	v29 =	vld [tilespmem:s20+$0x3FD0]  }
0x186: {  	v34 =	vld [tilespmem:s20+$0x6620]  }
0x187: {  	v30 =	vld [tilespmem:s20+$0x17A0];
	v4 =	vadd.f32 v4, v60  }
0x188: {  	v31 =	vld [tilespmem:s20+$0x3FE0]  }
0x189: {  	v35 =	vld [tilespmem:s20+$0x6680];
	v2 =	vadd.f32 v2, v3;
	v3 =	vadd.f32 v33, v4  }
0x18a: {  	v41 =	vld [tilespmem:s20+$0x6630]  }
0x18b: {  	v61 =	vadd.f32 v14, v8;
	v43 =	vld [tilespmem:s20+$0x6690];
	v2 =	vadd.f32 v34, v2;
	v3 =	vmax.f32 v3, $0.0e+00  }
0x18c: {  	v32 =	vld [tilespmem:s20+$0x6600];
	[tilespmem:s20+$0x7A10] =	vst v3;
	v3 =	vadd.f32 v37, v36  }
0x18d: {  	v7 =	vadd.f32 v11, v61;
	v44 =	vld [tilespmem:s20+$0x66A0];
	v47 =	vadd.f32 v63, v62;
	v2 =	vmax.f32 v2, $0.0e+00  }
0x18e: {  	v46 =	vld [tilespmem:s20+$0x66B0];
	[tilespmem:s20+$0x7A20] =	vst v2;
	v2 =	vadd.f32 v39, v38;
	v3 =	vadd.f32 v35, v3  }
0x18f: {  	v6 =	vadd.f32 v6, v13;
	v48 =	vld [tilespmem:s20+$0x6700];
	v7 =	vmax.f32 v7, $0.0e+00;
	v4 =	vadd.f32 v41, v47  }
0x190: {  	v49 =	vld [tilespmem:s20+$0x6710];
	[tilespmem:s20+$0x7BB0] =	vst v7;
	v51 =	vadd.f32 v15, v40;
	v2 =	vadd.f32 v43, v2;
	v3 =	vmax.f32 v3, $0.0e+00  }
0x191: {  	v50 =	vld [tilespmem:s20+$0x6720];
	v42 =	vadd.f32 v32, v6;
	v4 =	vmax.f32 v4, $0.0e+00;
	[tilespmem:s20+$0x7A80] =	vst v3;
	v3 =	vadd.f32 v17, v16  }
0x192: {  	v52 =	vld [tilespmem:s20+$0x6730];
	v54 =	vadd.f32 v19, v18;
	[tilespmem:s20+$0x7A30] =	vst v4;
	v4 =	vadd.f32 v44, v51;
	v2 =	vmax.f32 v2, $0.0e+00  }
0x193: {  	v53 =	vld [tilespmem:s20+$0x6780];
	v45 =	vmax.f32 v42, $0.0e+00;
	[tilespmem:s20+$0x7A90] =	vst v2;
	v2 =	vadd.f32 v21, v20;
	v3 =	vadd.f32 v46, v3  }
0x194: {  	v55 =	vld [tilespmem:s20+$0x6790];
	v56 =	vadd.f32 v23, v22;
	v8 =	vadd.f32 v48, v54;
	[tilespmem:s20+$0x7A00] =	vst v45;
	v4 =	vmax.f32 v4, $0.0e+00  }
0x195: {  	v58 =	vld [tilespmem:s20+$0x67A0];
	v57 =	vadd.f32 v25, v24;
	[tilespmem:s20+$0x7AA0] =	vst v4;
	v3 =	vmax.f32 v3, $0.0e+00;
	v2 =	vadd.f32 v49, v2  }
0x196: {  	v59 =	vadd.f32 v27, v26;
	v60 =	vadd.f32 v50, v56;
	[tilespmem:s20+$0x7AB0] =	vst v3;
	v3 =	vmax.f32 v8, $0.0e+00  }
0x197: {  	v61 =	vadd.f32 v29, v28;
	[tilespmem:s20+$0x7B00] =	vst v3;
	v2 =	vmax.f32 v2, $0.0e+00;
	v3 =	vadd.f32 v52, v57  }
0x198: {  	v62 =	vadd.f32 v31, v30;
	v63 =	vadd.f32 v53, v59;
	[tilespmem:s20+$0x7B10] =	vst v2;
	v2 =	vmax.f32 v60, $0.0e+00  }
0x199: {  	[tilespmem:s20+$0x7B20] =	vst v2;
	v2 =	vmax.f32 v3, $0.0e+00;
	v3 =	vadd.f32 v55, v61  }
0x19a: {  	v4 =	vadd.f32 v58, v62;
	[tilespmem:s20+$0x7B30] =	vst v2;
	v2 =	vmax.f32 v63, $0.0e+00  }
0x19b: {  	s10 =	sadd.s32 s19, s11;
	[tilespmem:s20+$0x7B80] =	vst v2;
	v2 =	vmax.f32 v3, $0.0e+00  }
0x19c: {  	p0 =	slt.s32 s10, $0x4E188;
	[tilespmem:s20+$0x7B90] =	vst v2;
	v2 =	vmax.f32 v4, $0.0e+00  }
0x19d: {  	s10 =	simm.s32 @!p0 $0x4E188;
	[tilespmem:s20+$0x7BA0] =	vst v2  }
0x19e: {  	[spmem:s2] =	stream.indirect.scatter.add.f32 [tilespmem:s13], [sflag:$0x7], $0x80, s29, s23, $0xb8;
	[tilespmem:$0x1CA00] =	vst v63  }
0x19f: {  	s10 =	sadd.s32 $0x50, s10;
	_ =	swait.ge [sflag:s21], $0x1400  }
0x1a0: {  	s17 =	sshrl.u32 s10, $0x3;
	[sflag:s21] =	ssyncset.done $0x0  }
0x1a1: {  	s20 =	sadd.s32 s6, s17;
	[sflag:s21] =	ssyncadd.s32 $0xFFFFEC00  }
0x1a2: {  	[tilespmem:s28], [sflag:$0x7] =	stream.linear.gather [hbm4b:s20+s3], $0x28, $0x38;
	[tilespmem:$0x1CA00] =	vst v63  }
0x1a3: {  	_ =	swait.ge [sflag:s21], $0x28  }
0x1a4: {  	[sflag:s21] =	ssyncset.done $0x0  }
0x1a5: {  	s17 =	sadd.s32 s7, s17;
	[sflag:s21] =	ssyncadd.s32 $0xFFFFFFD8  }
0x1a6: {  	[tilespmem:s29], [sflag:$0x7] =	stream.linear.gather [hbm4b:s17+s3], $0x28, $0x38;
	[tilespmem:$0x1CA00] =	vst v63  }
0x1a7: {  	_ =	swait.ge [sflag:s21], $0x28  }
0x1a8: {  	s18 =	sadd.s32 $0x1, s18;
	[sflag:s21] =	ssyncset.done $0x0  }
0x1a9: {  	p0 =	sne.s32 s18, $0x7D;
	[sflag:s21] =	ssyncadd.s32 $0xFFFFFFD8  }
0x1aa: {  	[tilespmem:s30], [sflag:$0x4] =	stream.indirect.gather [hbm4b:s4+s23], $0x80, s29, s23, $0xb8;
	[tilespmem:$0x1CA00] =	vst v63  }
.Ltmp3:
0x1ab: {  	_ = 	snop;
	(pc) =	sbr.rel @p0 .LBB2_4-.Ltmp3, $4  }
0x1ac: {  	s10 =	sshll.u32 s10, $0x4  }
0x1ad: {  	[tilespmem:s31], [sflag:$0x5] =	stream.indirect.gather [hbm4b:s4+s23], $0x80, s28, s23, $0xb8;
	[tilespmem:$0x1CA00] =	vst v63  }
0x1ae: {  	s10 =	sadd.s32 s5, s10  }
0x1af: {  	[tilespmem:s0], [sflag:$0x6] =	stream.linear.gather [hbm4b:s10+s3], $0x1400, $0x38;
	[tilespmem:$0x1CA00] =	vst v63  }
0x1b0: {  	_ =	swait.ge [sflag:s1], $0x1400  }
0x1b1: {  	[sflag:s1] =	ssyncset.done $0x0  }
0x1b2: {  	[sflag:s1] =	ssyncadd.s32 $0xFFFFEC00  }
0x1b3: {  	_ =	swait.ge [sflag:s9], $0x1400  }
0x1b4: {  	[sflag:s9] =	ssyncset.done $0x0  }
0x1b5: {  	[sflag:s9] =	ssyncadd.s32 $0xFFFFEC00  }
0x1b6: {  	_ =	swait.ge [sflag:s12], $0x1400  }
0x1b7: {  	[sflag:s12] =	ssyncset.done $0x0  }
0x1b8: {  	[sflag:s12] =	ssyncadd.s32 $0xFFFFEC00  }
0x1b9: {  	_ =	swait.ge [sflag:s14], $0x1400  }
0x1ba: {  	[sflag:s14] =	ssyncset.done $0x0  }
0x1bb: {  	[sflag:s14] =	ssyncadd.s32 $0xFFFFEC00  }
0x1bc: {  	_ =	swait.ge [sflag:s15], $0x1400  }
0x1bd: {  	[sflag:s15] =	ssyncset.done $0x0  }
0x1be: {  	[sflag:s15] =	ssyncadd.s32 $0xFFFFEC00  }
0x1bf: {  	_ =	swait.ge [sflag:s16], $0x1400  }
0x1c0: {  	[sflag:s16] =	ssyncset.done $0x0  }
0x1c1: {  	[sflag:s16] =	ssyncadd.s32 $0xFFFFEC00  }
0x1c2: {  	[bflag:$0x0] =	sbarrier.arrive $0xFFFF  }
0x1c3: {  	s17 =	rddreg [dreg:$0x4]  }
0x1c4: {  	s10 =	rddreg [dreg:$0xb]  }
0x1c5: {  	s18 =	rddreg [dreg:$0xd]  }
0x1c6: {  	[hbm:s10], [sflag:s17] =	dma.local [spmem:s18], $0x2780  }
0x1c7: {  	_ =	swait.ge [sflag:s21], $0x2780  }
0x1c8: {  	s19 =	rddreg [dreg:$0xe]  }
0x1c9: {  	s20 =	rddreg [dreg:$0xc];
	s19 =	sadd.s32 $0x1, s19  }
0x1ca: {  	p0 =	sne.s32 s19, s20  }
.Ltmp4:
0x1cb: {  	_ = 	snop;
	(pc) =	sbr.rel @p0 .LBB2_1-.Ltmp4, $3  }
0x1cc: {  	_ =	sdelay $0x1  }
0x1cd: {  	[sflag:s21] =	ssyncset.done $0x0  }
0x1ce: {  	[sflag:s21] =	ssyncadd.s32 $0xFFFFD880  }
0x1cf: {  	_ =	sfence.sel $0x180000  }
0x1d0: {  	[bflag:$0x0] =	sbarrier.arrive $0xFFFF  }
0x1d1: {  	_ =	strace $0x9000004A  }
0x1d2: {  	s0 =	stileid.u32;
	[bflag:$0x2] =	sbarrier.arrive $0xFFFF  }
0x1d3: {  	p0 =	sne.s32 s0, $0x0;
	s0 =	rddreg [dreg:$0x2]  }
0x1d4: {  	s0 =	sadd.s32 @!p0 $0x100000, s0  }
0x1d5: {  	[sflag:s0] =	ssyncadd.tile.s32 @!p0 $0x1;
	_ =	shalt  }
.Lfunc_end2:
_tile_overlayer_lowered:
.L_overlay_start_2:
0x1d6: {  	(tag) =	ssettag $0x2  }
0x1d7: {  	s0 =	rddreg [dreg:$0x0];
	s2 =	stileid.u32  }
0x1d8: {  	s1 =	rddreg [dreg:$0x1];
	p0 =	sne.s32 s2, $0x0  }
0x1d9: {  	s3 =	rddreg [dreg:$0x2];
	[bflag:$0x3] =	sbarrier.arrive $0xFFFF;
	s2 =	simm.s32 @!p0 $0x1C07  }
0x1da: {  	[timem:s3], [sflag:s2] =	dma.local @!p0 [hbm:s0], s1  }
0x1db: {  	s0 =	simm.s32 @!p0 $0x7  }
0x1dc: {  	_ =	swait.ge @!p0 [sflag:s0], s1  }
0x1dd: {  	s1 =	ssub.s32 @!p0 $0x0, s1;
	[sflag:s0] =	ssyncset.done @!p0 $0x0  }
0x1de: {  	[sflag:s0] =	ssyncadd.s32 @!p0 s1  }
0x1df: {  	[bflag:$0x3] =	sbarrier.arrive $0xFFFF  }
0x1e0: {  	_ =	shalt  }

// kernel: kernel.14.cloned.1.call-start
scs
__scs_entry_jumppad:
0x0: {  	(pc) =	sbr.rel $0x88, $3  }
0x1: {  	(tag) =	ssettag $0x0;
	lr =	simm.s32 $0x1  }
0x2: {  	[smem:$0x3F83] =	sst lr;
	_ =	strace $0xD0000000  }
0x3: {  	_ = 	snop  }
0x4: {  	_ = 	snop  }
0x5: {  	_ = 	snop  }
0x6: {  	_ = 	snop  }
0x7: {  	_ = 	snop  }
__scs_overlays_trampoline_lowered:
0x8: {  	[smem:$0x3F92] =	sst s0  }
0x9: {  	[smem:$0x3F93] =	sst s1  }
0xa: {  	[smem:$0x3F94] =	sst s2  }
0xb: {  	[smem:$0x3F95] =	sst s3  }
0xc: {  	[smem:$0x3F96] =	sst s4  }
0xd: {  	[smem:$0x3F97] =	sst s5  }
0xe: {  	[smem:$0x3F98] =	sst s6  }
0xf: {  	[smem:$0x3F99] =	sst s7  }
0x10: {  	[smem:$0x3F9A] =	sst s8  }
0x11: {  	[smem:$0x3F9B] =	sst s9;
	s0 =	simm.s32 @!p0 $0x0  }
0x12: {  	s1 =	sld [smem:$0x3F81];
	s0 =	simm.s32 @p0 $0x1  }
0x13: {  	[smem:$0x3F9C] =	sst s0;
	s0 =	simm.s32 @!p1 $0x0  }
0x14: {  	s2 =	sld [smem:$0x3F80];
	s0 =	simm.s32 @p1 $0x1  }
0x15: {  	[smem:$0x3F9D] =	sst s0;
	s0 =	simm.s32 @!p2 $0x0  }
0x16: {  	s3 =	sld [smem:$0x3FDB];
	s0 =	simm.s32 @p2 $0x1  }
0x17: {  	s4 =	simm.s32 $0x1BF5;
	[smem:$0x3F9F] =	sst s0  }
0x18: {  	s0 =	sld [smem:$0x3F82];
	_ =	swait.ge [sflag:s4], $0x0  }
0x19: {  	s7 =	sld [smem:$0x3F83]  }
0x1a: {  	s8 =	sadd.s32 $0xFFFFE003, lr  }
0x1b: {  	s9 =	sadd.s32 $0xFFFFFEF7, lr;
	s5 =	simm.s32 $0xFFFFFFFF;
	p2 =	slt.u32 s8, $0xFFFFF086  }
0x1c: {  	p1 =	slt.u32 s9, $0xF7A;
	s5 =	simm.s32 @!p2 $0x0  }
0x1d: {  	s5 =	simm.s32 @p1 $0x1;
	p0 =	seq.s32 s7, s2  }
0x1e: {  	s7 =	smul.u32 @!p0 $0xF7A, s2;
	p2 =	seq.s32 @!p0 s5, $0x0  }
0x1f: {  	s9 =	smul.u32 $0xF7A, s1;
	s8 =	simm.s32 @!p0 $0x1BF5;
	p2 =	por !p2, p0  }
0x20: {  	[sflag:s8] =	ssyncset.s32 @!p0 $0xFFFFF086;
	s6 =	sadd.s32 @!p0 s3, s7;
	s7 =	simm.s32 @!p0 $0x108  }
0x21: {  	s3 =	sadd.s32 s3, s9;
	s6 =	sadd.s32 @!p0 $0x88, s6;
	s7 =	simm.s32 @p2 $0x1082  }
0x22: {  	[simem:s7], [sflag:s8] =	dma.local @!p0 [hbm:s6], $0xF7A  }
0x23: {  	s9 =	sor.u32 $0xD0000000, s2;
	s6 =	simm.s32 $0x108;
	_ =	swait.ge @!p0 [sflag:s8], $0x0  }
0x24: {  	s3 =	sadd.s32 $0x88, s3;
	s6 =	simm.s32 @!p1 $0x1082;
	[sflag:s4] =	ssyncset.s32 $0xFFFFF086  }
0x25: {  	[simem:s6], [sflag:s4] =	dma.local [hbm:s3], $0xF7A  }
0x26: {  	[smem:$0x3F83] =	sst s1;
	(tag) =	ssettag s2;
	_ =	strace s9  }
0x27: {  	s1 =	sld [smem:$0x3F93]  }
0x28: {  	s2 =	sld [smem:$0x3F94]  }
0x29: {  	s4 =	sld [smem:$0x3F96]  }
0x2a: {  	p0 =	seq.s32 s5, $0x0;
	s5 =	sld [smem:$0x3F97]  }
0x2b: {  	s6 =	sld [smem:$0x3F98]  }
0x2c: {  	s7 =	sld [smem:$0x3F99]  }
0x2d: {  	s3 =	simm.s32 $0x108;
	s8 =	sld [smem:$0x3F9A]  }
0x2e: {  	s3 =	simm.s32 @!p0 $0x1082;
	s9 =	sld [smem:$0x3F9B]  }
0x2f: {  	lr =	sadd.s32 s0, s3;
	s0 =	sld [smem:$0x3F92]  }
0x30: {  	s3 =	sld [smem:$0x3F95]  }
0x31: {  	[smem:$0x3F9E] =	sst s10  }
0x32: {  	s10 =	sld [smem:$0x3F9C];
	_ =	sdelay $0x3  }
0x33: {  	p0 =	seq.s32 s10, $0x1;
	s10 =	sld [smem:$0x3F9E];
	_ =	sdelay $0x3  }
0x34: {  	[smem:$0x3F9E] =	sst s10  }
0x35: {  	s10 =	sld [smem:$0x3F9D];
	_ =	sdelay $0x3  }
0x36: {  	p1 =	seq.s32 s10, $0x1;
	s10 =	sld [smem:$0x3F9E];
	_ =	sdelay $0x3  }
0x37: {  	[smem:$0x3F9E] =	sst s10  }
0x38: {  	s10 =	sld [smem:$0x3F9F]  }
0x39: {  	_ = 	snop;
	(pc) =	sbr.ind lr, $3  }
0x3a: {  	_ = 	snop  }
0x3b: {  	_ = 	snop  }
0x3c: {  	p2 =	seq.s32 s10, $0x1;
	s10 =	sld [smem:$0x3F9E]  }
0x3d: {  	_ =	shalt  }
0x3e: {  	_ =	shalt  }
0x3f: {  	_ =	shalt  }
0x40: {  	_ =	shalt  }
0x41: {  	_ =	shalt  }
0x42: {  	_ =	shalt  }
0x43: {  	_ =	shalt  }
0x44: {  	_ =	shalt  }
0x45: {  	_ =	shalt  }
0x46: {  	_ =	shalt  }
0x47: {  	_ =	shalt  }
0x48: {  	_ =	shalt  }
0x49: {  	_ =	shalt  }
0x4a: {  	_ =	shalt  }
0x4b: {  	_ =	shalt  }
0x4c: {  	_ =	shalt  }
0x4d: {  	_ =	shalt  }
0x4e: {  	_ =	shalt  }
0x4f: {  	_ =	shalt  }
0x50: {  	_ =	shalt  }
0x51: {  	_ =	shalt  }
0x52: {  	_ =	shalt  }
0x53: {  	_ =	shalt  }
0x54: {  	_ =	shalt  }
0x55: {  	_ =	shalt  }
0x56: {  	_ =	shalt  }
0x57: {  	_ =	shalt  }
0x58: {  	_ =	shalt  }
0x59: {  	_ =	shalt  }
0x5a: {  	_ =	shalt  }
0x5b: {  	_ =	shalt  }
0x5c: {  	_ =	shalt  }
0x5d: {  	_ =	shalt  }
0x5e: {  	_ =	shalt  }
0x5f: {  	_ =	shalt  }
0x60: {  	_ =	shalt  }
0x61: {  	_ =	shalt  }
0x62: {  	_ =	shalt  }
0x63: {  	_ =	shalt  }
0x64: {  	_ =	shalt  }
0x65: {  	_ =	shalt  }
0x66: {  	_ =	shalt  }
0x67: {  	_ =	shalt  }
0x68: {  	_ =	shalt  }
0x69: {  	_ =	shalt  }
0x6a: {  	_ =	shalt  }
0x6b: {  	_ =	shalt  }
0x6c: {  	_ =	shalt  }
0x6d: {  	_ =	shalt  }
0x6e: {  	_ =	shalt  }
0x6f: {  	_ =	shalt  }
0x70: {  	_ =	shalt  }
0x71: {  	_ =	shalt  }
0x72: {  	_ =	shalt  }
0x73: {  	_ =	shalt  }
0x74: {  	_ =	shalt  }
0x75: {  	_ =	shalt  }
0x76: {  	_ =	shalt  }
0x77: {  	_ =	shalt  }
0x78: {  	_ =	shalt  }
0x79: {  	_ =	shalt  }
0x7a: {  	_ =	shalt  }
0x7b: {  	_ =	shalt  }
0x7c: {  	_ =	shalt  }
0x7d: {  	_ =	shalt  }
0x7e: {  	_ =	shalt  }
0x7f: {  	_ =	shalt  }
0x80: {  	_ =	shalt  }
0x81: {  	_ =	shalt  }
0x82: {  	_ =	shalt  }
0x83: {  	_ =	shalt  }
0x84: {  	_ =	shalt  }
0x85: {  	_ =	shalt  }
0x86: {  	_ =	shalt  }
0x87: {  	_ =	shalt  }
.Lfunc_end0:
.L_simem_size_0:
called_computation.1_lowered:
.L_overlay_start_0:
0x88: {  	s2 =	sld [smem:$0x3FD9]  }
0x89: {  	s3 =	sld [smem:$0x3FFE];
	_ =	sdelay $0x1  }
0x8a: {  	s1 =	srdreg.scid  }
0x8b: {  	s0 =	sand.u32 $0x1, s1  }
0x8c: {  	s16 =	sshll.u32 s0, $0xA;
	s2 =	sadd.s32 s3, s2  }
0x8d: {  	s2 =	sadd.s32 s2, s16  }
0x8e: {  	[smem:$0x3FAA] =	sst s2  }
0x8f: {  	_ = 	snop  }
0x90: {  	(tm) =	ssettm $0x1  }
0x91: {  	s17 =	sld [smem:$0x3FFB];
	_ =	sdelay $0x3  }
0x92: {  	_ =	strace s17  }
0x93: {  	s2 =	sld [smem:$0x3FFC];
	_ =	sdelay $0x3  }
0x94: {  	_ =	strace s2  }
0x95: {  	s2 =	sld [smem:$0x3FFD];
	_ =	sdelay $0x3  }
0x96: {  	_ =	strace s2  }
0x97: {  	_ =	strace $0x8FFFFFFF  }
0x98: {  	s18 =	sld [smem:$0x3FDB];
	_ =	sdelay $0x1  }
0x99: {  	s19 =	simm.s32 $_scs_section_size  }
0x9a: {  	s4 =	simm.s32 $_size__tile_overlayer_lowered;
	s5 =	simm.s32 $_tile_overlayer_lowered  }
0x9b: {  	s22 =	simm.s32 $0x1BFF;
	s21 =	sshll.u32 s5, $0x1;
	s2 =	sadd.s32 s19, s18  }
0x9c: {  	s6 =	simm.s32 $0x0;
	s20 =	sshll.u32 s4, $0x1;
	s4 =	sadd.s32 s21, s2  }
0x9d: {  	[timem:s6], [sflag:s22] =	dma.local [hbm:s4], s20  }
0x9e: {  	_ =	swait.ge [sflag:s22], s20  }
0x9f: {  	s3 =	ssub.s32 $0x0, s20;
	[sflag:s22] =	ssyncset.done $0x0  }
0xa0: {  	[sflag:s22] =	ssyncadd.s32 s3;
	_ =	sdelay $0x1  }
0xa1: {  	s23 =	simm.s32 $0x1B8B  }
0xa2: {  	_ =	swait.ge [sflag:s23], $0x1  }
0xa3: {  	[sflag:s23] =	ssyncset.done $0x0  }
0xa4: {  	s25 =	simm.s32 $0x1B8E;
	s24 =	sld [smem:$0x3FFE];
	[sflag:s23] =	ssyncadd.s32 $0xFFFFFFFF  }
0xa5: {  	s26 =	simm.s32 $execute0_lowered;
	[smem:$0x3FD2] =	sst s25  }
0xa6: {  	s4 =	sshll.u32 s26, $0x1;
	_ =	strace $0x80000046;
	[dreg:$0x1] =	wrdreg $0xFFFFFFFF  }
0xa7: {  	s28 =	simm.s32 $_size_execute0_lowered;
	s2 =	sadd.s32 s2, s4;
	[dreg:$0x0] =	wrdreg $0x0  }
0xa8: {  	s4 =	sshll.u32 s28, $0x1;
	[dreg:$0x2] =	wrdreg s2  }
0xa9: {  	[dreg:$0x3] =	wrdreg s4  }
0xaa: {  	[dreg:$0x4] =	wrdreg $0xC0  }
0xab: {  	_ =	task [dreg:s6], $0x5FFFF  }
0xac: {  	[dreg:$0x1] =	wrdreg $0xFFFFFFFF  }
0xad: {  	[dreg:$0x0] =	wrdreg $0x60  }
0xae: {  	[dreg:$0x2] =	wrdreg s24  }
0xaf: {  	[dreg:$0x3] =	wrdreg $0x8E000  }
0xb0: {  	[dreg:$0x4] =	wrdreg $0xA  }
0xb1: {  	_ =	task.clear_ibuf [dreg:s6], $0x5FFFF;
	_ =	strace $0x90000046  }
0xb2: {  	s29 =	simm.s32 $0xA;
	_ =	strace $0x80000048  }
0xb3: {  	_ =	swait.ge [sflag:s29], $0x1  }
0xb4: {  	[sflag:s29] =	ssyncadd.s32 $0xFFFFFFFF  }
0xb5: {  	_ =	strace $0x90000048  }
0xb6: {  	_ =	sfence  }
0xb7: {  	s30 =	sld [smem:$0x0];
	_ =	sdelay $0x2  }
0xb8: {  	s31 =	sshll.u32 s1, $0xD;
	s1 =	sshrl.u32 s1, $0x2  }
0xb9: {  	s3 =	sand.u32 $0x4000, s31;
	s1 =	sadd.s32 s1, s30  }
0xba: {  	s0 =	sor.u32 s3, s0;
	s1 =	sshll.u32 s1, $0x11  }
0xbb: {  	s0 =	sor.u32 s1, s0  }
0xbc: {  	s0 =	sadd.s32 $0x8F2B, s0  }
0xbd: {  	[sflag:s0] =	ssyncadd.remote.s32 $0x1  }
0xbe: {  	_ =	sfence.sel $0xFFFF  }
0xbf: {  	[dreg:$0x0] =	wrdreg $0xFFFFFFFF;
	(pc) =	sbr.abs _section_cstart, $3  }
0xc0: {  	[dreg:$0x1] =	wrdreg $0xFFFFFFFF  }
0xc1: {  	_ =	task.clear_ibuf [dreg:s6], $0x2FFFF;
	_ =	strace $0x9FFFFFFF  }
0xc2: {  	(tm) =	ssettm $0x7FFFFFFF  }
0xc3: {  	_ =	shalt  }
tec
execute0_lowered:
.L_overlay_start_1:
0x0: {  	(tag) =	ssettag $0x1  }
0x1: {  	s0 =	rddreg [dreg:$0x0]  }
0x2: {  	s2 =	rddreg [dreg:$0x1];
	s3 =	simm.s32 $0x0  }
0x3: {  	s14 =	stileid.u32;
	s1 =	srdreg.scid;
	s28 =	simm.s32 $0x80  }
0x4: {  	s29 =	simm.s32 $0x180;
	s30 =	simm.s32 $0x1600;
	s31 =	simm.s32 $0x3E00  }
0x5: {  	s15 =	simm.s32 $0x5;
	s16 =	simm.s32 $0x6;
	[smem:$0x7FF] =	sst s3  }
0x6: {  	s8 =	smul.u32 $0x13C00, s14;
	s1 =	sand.u32 $0x1, s1;
	s5 =	sadd.s32 $0x4FDE00, s0  }
0x7: {  	s4 =	sadd.s32 $0x8200, s0;
	s6 =	sadd.s32 $0x4F4000, s0;
	s7 =	sadd.s32 $0x4EA200, s0  }
0x8: {  	s12 =	sshll.u32 s14, $0x1;
	s13 =	smul.u32 $0x4F000, s14;
	s20 =	sshll.u32 s14, $0x6  }
0x9: {  	s14 =	simm.s32 $0x4;
	_ =	strace $0x80000047;
	s9 =	smul.u32 $0x13C000, s1  }
0xa: {  	s18 =	ssub.s32 $0x2, s1;
	s1 =	sor.u32 s1, s12;
	s12 =	simm.s32 $0x3  }
0xb: {  	s10 =	sshrl.u32 s8, $0x3;
	s11 =	sshrl.u32 s18, $0x1;
	s19 =	sshrl.u32 s13, $0x2  }
0xc: {  	s8 =	sadd.s32 s8, s9;
	s17 =	sadd.s32 s10, s0;
	s10 =	ssub.s32 s18, s11  }
0xd: {  	s13 =	sadd.s32 s19, s2;
	s19 =	simm.s32 $0x0;
	s8 =	sshrl.u32 s8, $0x3  }
0xe: {  	s9 =	sadd.s32 $0x2F400, s17;
	s17 =	sor.u32 $0x1C07, s20;
	s26 =	smax.u32 s10, $0x1  }
0xf: {  	s18 =	sshrl.u32 s13, $0x3;
	s13 =	simm.s32 $0x7A00;
	[dreg:$0x3] =	wrdreg s9  }
0x10: {  	s0 =	sadd.s32 s8, s0;
	s8 =	smul.u32 $0x2710, s1;
	[dreg:$0xc] =	wrdreg s26  }
0x11: {  	s1 =	smul.u32 $0x27100, s1;
	s26 =	simm.s32 $0x5200;
	[dreg:$0x4] =	wrdreg s17  }
0x12: {  	[dreg:$0xd] =	wrdreg s18;
	s0 =	sadd.s32 $0x56C00, s0;
	s21 =	sshrl.u32 s8, $0x3  }
0x13: {  	s11 =	sadd.s32 $0x28, s8;
	s1 =	sadd.s32 s5, s1;
	[dreg:$0xb] =	wrdreg s0  }
0x14: {  	s0 =	simm.s32 $0x6600;
	s22 =	sadd.s32 s6, s21;
	[dreg:$0x7] =	wrdreg s1  }
0x15: {  	s9 =	sadd.s32 s7, s21;
	s23 =	sshrl.u32 s11, $0x3;
	[dreg:$0x5] =	wrdreg s22  }
0x16: {  	s25 =	sshll.u32 s11, $0x4;
	[dreg:$0x6] =	wrdreg s9;
	s24 =	sadd.s32 s6, s23  }
0x17: {  	s21 =	simm.s32 $0x7;
	s9 =	sadd.s32 s7, s23;
	[dreg:$0x8] =	wrdreg s24  }
0x18: {  	s1 =	sadd.s32 s5, s25;
	s22 =	simm.s32 $0x100;
	[dreg:$0x9] =	wrdreg s9  }
0x19: {  	s23 =	simm.s32 $0x28;
	s25 =	simm.s32 $0x2A00;
	[dreg:$0xa] =	wrdreg s1  }
0x1a: {  	v0 =	vimm.f32 $1.000000000e+00;
	v1 =	vimm.f32 $0.0e+00;
	s1 =	simm.s32 $0x1;
	s9 =	simm.s32 $0x2;
	s24 =	simm.s32 $0x0  }
.LBB2_1:
0x1b: {  	[dreg:$0xe] =	wrdreg s19  }
0x1c: {  	s10 =	rddreg [dreg:$0x3]  }
0x1d: {  	[spmem:s18], [sflag:s17] =	dma.local [hbm:s10], $0x2780  }
0x1e: {  	_ =	swait.ge [sflag:s21], $0x2780  }
0x1f: {  	[sflag:s21] =	ssyncset.done $0x0  }
0x20: {  	s17 =	simm.s32 $0x200;
	s10 =	simm.s32 $0x0;
	[sflag:s21] =	ssyncadd.s32 $0xFFFFD880  }
.LBB2_2:
0x21: {  	p0 =	sne.s32 s17, $0x4E00;
	[tilespmem:s10+$0x7A70] =	vst v1;
	s18 =	smov.u32 s17;
	s17 =	sadd.s32 $0x200, s17  }
.Ltmp0:
0x22: {  	[tilespmem:s10+$0x7A60] =	vst v1;
	(pc) =	sbr.rel @p0 .LBB2_2-.Ltmp0, $3  }
0x23: {  	[tilespmem:s10+$0x7A40] =	vst v0  }
0x24: {  	[tilespmem:s10+$0x7A50] =	vst v1;
	_ =	sdelay $0x1  }
0x25: {  	s10 =	sshra.s32 s18, $0x2  }
0x26: {  	[tilespmem:s10+$0x7A70] =	vst v1  }
0x27: {  	[tilespmem:s10+$0x7A60] =	vst v1  }
0x28: {  	[tilespmem:s10+$0x7A40] =	vst v0  }
0x29: {  	[tilespmem:s10+$0x7A50] =	vst v1  }
0x2a: {  	[bflag:$0x0] =	sbarrier.arrive $0xFFFF  }
0x2b: {  	s18 =	simm.s32 $0x0;
	s20 =	rddreg [dreg:$0x5]  }
0x2c: {  	[tilespmem:s18], [sflag:$0x7] =	stream.linear.gather [hbm4b:s20+s18], $0x28, $0x38;
	[tilespmem:$0x1CA00] =	vst v63  }
0x2d: {  	_ =	swait.ge [sflag:s21], $0x28  }
0x2e: {  	[sflag:s21] =	ssyncset.done $0x0  }
0x2f: {  	s17 =	rddreg [dreg:$0x6];
	[sflag:s21] =	ssyncadd.s32 $0xFFFFFFD8  }
0x30: {  	[tilespmem:s22], [sflag:$0x7] =	stream.linear.gather [hbm4b:s17+s18], $0x28, $0x38;
	[tilespmem:$0x1CA00] =	vst v63  }
0x31: {  	_ =	swait.ge [sflag:s21], $0x28  }
0x32: {  	[sflag:s21] =	ssyncset.done $0x0  }
0x33: {  	s19 =	simm.s32 $0x200;
	[sflag:s21] =	ssyncadd.s32 $0xFFFFFFD8  }
0x34: {  	[tilespmem:s19], [sflag:$0x1] =	stream.indirect.gather [hbm4b:s4+s23], $0x80, s22, s23, $0xb8;
	[tilespmem:$0x1CA00] =	vst v63  }
0x35: {  	_ = 	snop  }
0x36: {  	[tilespmem:s25], [sflag:$0x2] =	stream.indirect.gather [hbm4b:s4+s23], $0x80, s18, s23, $0xb8;
	[tilespmem:$0x1CA00] =	vst v63  }
0x37: {  	s20 =	rddreg [dreg:$0x7]  }
0x38: {  	[tilespmem:s26], [sflag:$0x3] =	stream.linear.gather [hbm4b:s20+s18], $0x1400, $0x38;
	[tilespmem:$0x1CA00] =	vst v63  }
0x39: {  	s17 =	rddreg [dreg:$0x8]  }
0x3a: {  	[tilespmem:s28], [sflag:$0x7] =	stream.linear.gather [hbm4b:s17+s18], $0x28, $0x38;
	[tilespmem:$0x1CA00] =	vst v63  }
0x3b: {  	_ =	swait.ge [sflag:s21], $0x28  }
0x3c: {  	[sflag:s21] =	ssyncset.done $0x0  }
0x3d: {  	s19 =	rddreg [dreg:$0x9];
	[sflag:s21] =	ssyncadd.s32 $0xFFFFFFD8  }
0x3e: {  	[tilespmem:s29], [sflag:$0x7] =	stream.linear.gather [hbm4b:s19+s18], $0x28, $0x38;
	[tilespmem:$0x1CA00] =	vst v63  }
0x3f: {  	_ =	swait.ge [sflag:s21], $0x28  }
0x40: {  	[sflag:s21] =	ssyncset.done $0x0  }
0x41: {  	[sflag:s21] =	ssyncadd.s32 $0xFFFFFFD8  }
0x42: {  	[tilespmem:s30], [sflag:$0x4] =	stream.indirect.gather [hbm4b:s4+s23], $0x80, s29, s23, $0xb8;
	[tilespmem:$0x1CA00] =	vst v63  }
0x43: {  	_ = 	snop  }
0x44: {  	[tilespmem:s31], [sflag:$0x5] =	stream.indirect.gather [hbm4b:s4+s23], $0x80, s28, s23, $0xb8;
	[tilespmem:$0x1CA00] =	vst v63  }
0x45: {  	s20 =	rddreg [dreg:$0xa]  }
0x46: {  	[tilespmem:s0], [sflag:$0x6] =	stream.linear.gather [hbm4b:s20+s18], $0x1400, $0x38;
	[tilespmem:$0x1CA00] =	vst v63  }
.LBB2_4:
0x47: {  	_ =	swait.ge [sflag:s1], $0x1400  }
0x48: {  	[sflag:s1] =	ssyncset.done $0x0  }
0x49: {  	[sflag:s1] =	ssyncadd.s32 $0xFFFFEC00  }
0x4a: {  	_ =	swait.ge [sflag:s9], $0x1400  }
0x4b: {  	[sflag:s9] =	ssyncset.done $0x0  }
0x4c: {  	[sflag:s9] =	ssyncadd.s32 $0xFFFFEC00  }
0x4d: {  	_ =	swait.ge [sflag:s12], $0x1400  }
0x4e: {  	[sflag:s12] =	ssyncset.done $0x0  }
0x4f: {  	s19 =	simm.s32 $0x0;
	[sflag:s12] =	ssyncadd.s32 $0xFFFFEC00  }
0x50: {  	v2 =	vld [tilespmem:s19+$0x3B0]  }
0x51: {  	v3 =	vld [tilespmem:s19+$0x2BF0]  }
0x52: {  	v4 =	vld [tilespmem:s19+$0x200]  }
0x53: {  	v5 =	vld [tilespmem:s19+$0x53B0]  }
0x54: {  	v6 =	vld [tilespmem:s19+$0x2A40]  }
0x55: {  	v7 =	vld [tilespmem:s19+$0x210]  }
0x56: {  	v8 =	vld [tilespmem:s19+$0x2A50]  }
0x57: {  	v9 =	vld [tilespmem:s19+$0x2A60]  }
0x58: {  	v10 =	vld [tilespmem:s19+$0x2A70]  }
0x59: {  	v11 =	vld [tilespmem:s19+$0x280]  }
0x5a: {  	v12 =	vld [tilespmem:s19+$0x290]  }
0x5b: {  	v13 =	vld [tilespmem:s19+$0x2AD0]  }
0x5c: {  	v14 =	vld [tilespmem:s19+$0x2A0]  }
0x5d: {  	v15 =	vld [tilespmem:s19+$0x2AE0]  }
0x5e: {  	v16 =	vld [tilespmem:s19+$0x2B0]  }
0x5f: {  	v17 =	vld [tilespmem:s19+$0x2AF0]  }
0x60: {  	v18 =	vld [tilespmem:s19+$0x300]  }
0x61: {  	v19 =	vld [tilespmem:s19+$0x2B40]  }
0x62: {  	v20 =	vld [tilespmem:s19+$0x310]  }
0x63: {  	v21 =	vld [tilespmem:s19+$0x2B50]  }
0x64: {  	v22 =	vld [tilespmem:s19+$0x320]  }
0x65: {  	v23 =	vld [tilespmem:s19+$0x2B60]  }
0x66: {  	v24 =	vld [tilespmem:s19+$0x330]  }
0x67: {  	v25 =	vld [tilespmem:s19+$0x2B70]  }
0x68: {  	v26 =	vld [tilespmem:s19+$0x380]  }
0x69: {  	v27 =	vld [tilespmem:s19+$0x2BC0]  }
0x6a: {  	v28 =	vld [tilespmem:s19+$0x390]  }
0x6b: {  	v29 =	vld [tilespmem:s19+$0x2BD0]  }
0x6c: {  	v32 =	vld [tilespmem:s19+$0x5200];
	v2 =	vadd.f32 v3, v2  }
0x6d: {  	v34 =	vld [tilespmem:s19+$0x5220]  }
0x6e: {  	v3 =	vld [tilespmem:s19+$0x220];
	v2 =	vadd.f32 v5, v2  }
0x6f: {  	v4 =	vadd.f32 v6, v4;
	v5 =	vld [tilespmem:s19+$0x230]  }
0x70: {  	v6 =	vld [tilespmem:s19+$0x5230];
	v2 =	vmax.f32 v2, $0.0e+00  }
0x71: {  	v4 =	vadd.f32 v32, v4;
	[tilespmem:s19+$0x7BB0] =	vst v2;
	v2 =	vld [tilespmem:s19+$0x2AC0]  }
0x72: {  	v33 =	vld [tilespmem:s19+$0x5210]  }
0x73: {  	v35 =	vld [tilespmem:s19+$0x5280];
	v4 =	vmax.f32 v4, $0.0e+00;
	v3 =	vadd.f32 v9, v3  }
0x74: {  	v30 =	vld [tilespmem:s19+$0x3A0];
	[tilespmem:s19+$0x7A00] =	vst v4;
	v4 =	vadd.f32 v10, v5  }
0x75: {  	v7 =	vadd.f32 v8, v7;
	v8 =	vld [tilespmem:s19+$0x5290];
	v3 =	vadd.f32 v34, v3  }
0x76: {  	v61 =	vld [tilespmem:s19+$0x52A0];
	v4 =	vadd.f32 v6, v4;
	v2 =	vadd.f32 v2, v11  }
0x77: {  	v62 =	vld [tilespmem:s19+$0x52B0];
	v7 =	vadd.f32 v33, v7;
	v3 =	vmax.f32 v3, $0.0e+00  }
0x78: {  	v10 =	vld [tilespmem:s19+$0x5300];
	[tilespmem:s19+$0x7A20] =	vst v3;
	v3 =	vadd.f32 v13, v12;
	v4 =	vmax.f32 v4, $0.0e+00;
	v2 =	vadd.f32 v35, v2  }
0x79: {  	v5 =	vmax.f32 v7, $0.0e+00;
	v11 =	vld [tilespmem:s19+$0x5310];
	[tilespmem:s19+$0x7A30] =	vst v4;
	v4 =	vadd.f32 v15, v14  }
0x7a: {  	[tilespmem:s19+$0x7A10] =	vst v5;
	v5 =	vadd.f32 v19, v18;
	v12 =	vld [tilespmem:s19+$0x5320];
	v3 =	vadd.f32 v8, v3;
	v2 =	vmax.f32 v2, $0.0e+00  }
0x7b: {  	v31 =	vld [tilespmem:s19+$0x2BE0];
	[tilespmem:s19+$0x7A80] =	vst v2;
	v2 =	vadd.f32 v61, v4;
	v4 =	vadd.f32 v17, v16  }
0x7c: {  	v6 =	vld [tilespmem:s19+$0x5330];
	v13 =	vadd.f32 v21, v20;
	v14 =	vadd.f32 v23, v22  }
0x7d: {  	v7 =	vld [tilespmem:s19+$0x5380];
	v15 =	vadd.f32 v10, v5;
	v3 =	vmax.f32 v3, $0.0e+00;
	v8 =	vadd.f32 v62, v4  }
0x7e: {  	v9 =	vld [tilespmem:s19+$0x5390];
	v5 =	vadd.f32 v29, v28;
	[tilespmem:s19+$0x7A90] =	vst v3;
	v3 =	vadd.f32 v25, v24;
	v2 =	vmax.f32 v2, $0.0e+00  }
0x7f: {  	s10 =	simm.s32 $0x200;
	v10 =	vld [tilespmem:s19+$0x53A0];
	v11 =	vadd.f32 v11, v13;
	v12 =	vadd.f32 v12, v14;
	[tilespmem:s19+$0x7AA0] =	vst v2;
	v63 =	vmax.f32 v8, $0.0e+00  }
0x80: {  	s20 =	simm.s32 $0x1000;
	v13 =	vmax.f32 v15, $0.0e+00;
	v4 =	vadd.f32 v27, v26;
	v2 =	vadd.f32 v31, v30;
	v8 =	vld [tilespmem:s10+$0x3B0];
	[tilespmem:s19+$0x7AB0] =	vst v63  }
.LBB2_5:
0x81: {  	p0 =	sne.s32 s20, $0x4800;
	v14 =	vld [tilespmem:s10+$0x2BF0];
	[tilespmem:s19+$0x7B00] =	vst v13;
	v11 =	vmax.f32 v11, $0.0e+00;
	v3 =	vadd.f32 v6, v3  }
0x82: {  	v6 =	vld [tilespmem:s10+$0x200];
	[tilespmem:s19+$0x7B10] =	vst v11;
	v11 =	vmax.f32 v12, $0.0e+00;
	v4 =	vadd.f32 v7, v4  }
0x83: {  	v7 =	vld [tilespmem:s10+$0x53B0];
	[tilespmem:s19+$0x7B20] =	vst v11;
	v3 =	vmax.f32 v3, $0.0e+00;
	v5 =	vadd.f32 v9, v5  }
0x84: {  	v9 =	vld [tilespmem:s10+$0x2A40];
	[tilespmem:s19+$0x7B30] =	vst v3;
	v3 =	vmax.f32 v4, $0.0e+00;
	v2 =	vadd.f32 v10, v2  }
0x85: {  	v4 =	vld [tilespmem:s10+$0x210];
	[tilespmem:s19+$0x7B80] =	vst v3;
	v3 =	vmax.f32 v5, $0.0e+00  }
0x86: {  	v5 =	vld [tilespmem:s10+$0x2A50];
	v8 =	vadd.f32 v14, v8;
	[tilespmem:s19+$0x7B90] =	vst v3;
	v2 =	vmax.f32 v2, $0.0e+00  }
0x87: {  	v3 =	vld [tilespmem:s10+$0x220];
	[tilespmem:s19+$0x7BA0] =	vst v2;
	s19 =	smov.u32 s10  }
0x88: {  	v2 =	vld [tilespmem:s19+$0x2A60];
	v7 =	vadd.f32 v7, v8  }
0x89: {  	v6 =	vadd.f32 v9, v6;
	v8 =	vld [tilespmem:s19+$0x230]  }
0x8a: {  	v9 =	vld [tilespmem:s19+$0x2A70];
	v7 =	vmax.f32 v7, $0.0e+00  }
0x8b: {  	v10 =	vadd.f32 v5, v4;
	v4 =	vld [tilespmem:s19+$0x280];
	[tilespmem:s19+$0x7BB0] =	vst v7  }
0x8c: {  	v5 =	vld [tilespmem:s19+$0x2AC0]  }
0x8d: {  	v7 =	vadd.f32 v2, v3;
	v2 =	vld [tilespmem:s19+$0x290]  }
0x8e: {  	v3 =	vld [tilespmem:s19+$0x2AD0]  }
0x8f: {  	v8 =	vadd.f32 v9, v8;
	v9 =	vld [tilespmem:s19+$0x2A0]  }
0x90: {  	v11 =	vld [tilespmem:s19+$0x2AE0]  }
0x91: {  	v12 =	vadd.f32 v5, v4;
	v4 =	vld [tilespmem:s19+$0x2B0]  }
0x92: {  	v5 =	vld [tilespmem:s19+$0x2AF0]  }
0x93: {  	v13 =	vadd.f32 v3, v2;
	v2 =	vld [tilespmem:s19+$0x300]  }
0x94: {  	v3 =	vld [tilespmem:s19+$0x2B40]  }
0x95: {  	v9 =	vadd.f32 v11, v9;
	v11 =	vld [tilespmem:s19+$0x310]  }
0x96: {  	v14 =	vld [tilespmem:s19+$0x2B50]  }
0x97: {  	v15 =	vadd.f32 v5, v4;
	v4 =	vld [tilespmem:s19+$0x320]  }
0x98: {  	v5 =	vld [tilespmem:s19+$0x2B60]  }
0x99: {  	v16 =	vadd.f32 v3, v2;
	v2 =	vld [tilespmem:s19+$0x330]  }
0x9a: {  	v3 =	vld [tilespmem:s19+$0x2B70]  }
0x9b: {  	v11 =	vadd.f32 v14, v11;
	v14 =	vld [tilespmem:s19+$0x380]  }
0x9c: {  	v17 =	vld [tilespmem:s19+$0x2BC0]  }
0x9d: {  	v18 =	vadd.f32 v5, v4;
	v5 =	vld [tilespmem:s19+$0x390]  }
0x9e: {  	v19 =	vld [tilespmem:s19+$0x2BD0]  }
0x9f: {  	v3 =	vadd.f32 v3, v2;
	v2 =	vld [tilespmem:s19+$0x3A0]  }
0xa0: {  	v20 =	vld [tilespmem:s19+$0x2BE0]  }
0xa1: {  	v21 =	vld [tilespmem:s19+$0x5200];
	v4 =	vadd.f32 v17, v14  }
0xa2: {  	v14 =	vld [tilespmem:s19+$0x5210]  }
0xa3: {  	v17 =	vld [tilespmem:s19+$0x5220];
	v5 =	vadd.f32 v19, v5  }
0xa4: {  	v19 =	vld [tilespmem:s19+$0x5230]  }
0xa5: {  	v22 =	vld [tilespmem:s19+$0x5280];
	v2 =	vadd.f32 v20, v2  }
0xa6: {  	v6 =	vadd.f32 v21, v6;
	v20 =	vld [tilespmem:s19+$0x5290]  }
0xa7: {  	v10 =	vadd.f32 v14, v10;
	v14 =	vld [tilespmem:s19+$0x52A0]  }
0xa8: {  	v6 =	vmax.f32 v6, $0.0e+00;
	v7 =	vadd.f32 v17, v7;
	v17 =	vld [tilespmem:s19+$0x52B0]  }
0xa9: {  	[tilespmem:s19+$0x7A00] =	vst v6;
	v6 =	vmax.f32 v10, $0.0e+00;
	v8 =	vadd.f32 v19, v8;
	v10 =	vld [tilespmem:s19+$0x5300]  }
0xaa: {  	[tilespmem:s19+$0x7A10] =	vst v6;
	v6 =	vmax.f32 v7, $0.0e+00;
	v7 =	vadd.f32 v22, v12;
	v12 =	vld [tilespmem:s19+$0x5310]  }
0xab: {  	[tilespmem:s19+$0x7A20] =	vst v6;
	v6 =	vmax.f32 v8, $0.0e+00;
	v8 =	vadd.f32 v20, v13;
	v19 =	vld [tilespmem:s19+$0x5320]  }
.Ltmp1:
0xac: {  	[tilespmem:s19+$0x7A30] =	vst v6;
	v7 =	vmax.f32 v7, $0.0e+00;
	v9 =	vadd.f32 v14, v9;
	v6 =	vld [tilespmem:s19+$0x5330];
	(pc) =	sbr.rel @p0 .LBB2_5-.Ltmp1, $4  }
0xad: {  	[tilespmem:s19+$0x7A80] =	vst v7;
	v8 =	vmax.f32 v8, $0.0e+00;
	v13 =	vadd.f32 v17, v15;
	v7 =	vld [tilespmem:s19+$0x5380]  }
0xae: {  	[tilespmem:s19+$0x7A90] =	vst v8;
	v8 =	vmax.f32 v9, $0.0e+00;
	v14 =	vadd.f32 v10, v16;
	v9 =	vld [tilespmem:s19+$0x5390]  }
0xaf: {  	s10 =	sshra.s32 s20, $0x2;
	[tilespmem:s19+$0x7AA0] =	vst v8;
	v13 =	vmax.f32 v13, $0.0e+00;
	v11 =	vadd.f32 v12, v11;
	v10 =	vld [tilespmem:s19+$0x53A0]  }
0xb0: {  	s20 =	sadd.s32 $0x800, s20;
	v8 =	vld [tilespmem:s10+$0x3B0];
	[tilespmem:s19+$0x7AB0] =	vst v13;
	v13 =	vmax.f32 v14, $0.0e+00;
	v12 =	vadd.f32 v19, v18  }
0xb1: {  	v14 =	vld [tilespmem:s10+$0x2BF0];
	[tilespmem:s19+$0x7B00] =	vst v13;
	v11 =	vmax.f32 v11, $0.0e+00;
	v3 =	vadd.f32 v6, v3  }
0xb2: {  	v13 =	vld [tilespmem:s10+$0x200];
	[tilespmem:s19+$0x7B10] =	vst v11;
	v6 =	vmax.f32 v12, $0.0e+00  }
0xb3: {  	v4 =	vadd.f32 v7, v4;
	v11 =	vld [tilespmem:s10+$0x53B0];
	[tilespmem:s19+$0x7B20] =	vst v6;
	v3 =	vmax.f32 v3, $0.0e+00  }
0xb4: {  	v6 =	vld [tilespmem:s10+$0x2A40];
	[tilespmem:s19+$0x7B30] =	vst v3;
	v3 =	vadd.f32 v9, v5  }
0xb5: {  	v4 =	vmax.f32 v4, $0.0e+00;
	v2 =	vadd.f32 v10, v2  }
0xb6: {  	v5 =	vld [tilespmem:s10+$0x210];
	[tilespmem:s19+$0x7B80] =	vst v4;
	v3 =	vmax.f32 v3, $0.0e+00  }
0xb7: {  	v4 =	vld [tilespmem:s10+$0x2A50];
	v2 =	vmax.f32 v2, $0.0e+00;
	[tilespmem:s19+$0x7B90] =	vst v3  }
0xb8: {  	v3 =	vld [tilespmem:s10+$0x220];
	[tilespmem:s19+$0x7BA0] =	vst v2  }
0xb9: {  	v2 =	vld [tilespmem:s10+$0x2A60]  }
0xba: {  	v7 =	vadd.f32 v14, v8;
	v8 =	vld [tilespmem:s10+$0x230]  }
0xbb: {  	v9 =	vld [tilespmem:s10+$0x2A70]  }
0xbc: {  	v10 =	vld [tilespmem:s10+$0x280]  }
0xbd: {  	v7 =	vadd.f32 v11, v7;
	v11 =	vld [tilespmem:s10+$0x290]  }
0xbe: {  	v12 =	vld [tilespmem:s10+$0x2AD0]  }
0xbf: {  	v14 =	vld [tilespmem:s10+$0x2A0]  }
0xc0: {  	v15 =	vld [tilespmem:s10+$0x2AE0]  }
0xc1: {  	v16 =	vld [tilespmem:s10+$0x2B0]  }
0xc2: {  	v17 =	vld [tilespmem:s10+$0x2AF0]  }
0xc3: {  	v18 =	vld [tilespmem:s10+$0x300]  }
0xc4: {  	v19 =	vld [tilespmem:s10+$0x2B40]  }
0xc5: {  	v20 =	vld [tilespmem:s10+$0x310]  }
0xc6: {  	v21 =	vld [tilespmem:s10+$0x2B50]  }
0xc7: {  	v22 =	vld [tilespmem:s10+$0x320]  }
0xc8: {  	v23 =	vld [tilespmem:s10+$0x2B60]  }
0xc9: {  	v24 =	vld [tilespmem:s10+$0x330]  }
0xca: {  	v25 =	vld [tilespmem:s10+$0x2B70]  }
0xcb: {  	v26 =	vld [tilespmem:s10+$0x380]  }
0xcc: {  	v27 =	vld [tilespmem:s10+$0x2BC0]  }
0xcd: {  	v28 =	vld [tilespmem:s10+$0x390]  }
0xce: {  	v32 =	vld [tilespmem:s10+$0x5200]  }
0xcf: {  	v33 =	vld [tilespmem:s10+$0x5210]  }
0xd0: {  	v29 =	vld [tilespmem:s10+$0x2BD0]  }
0xd1: {  	v34 =	vld [tilespmem:s10+$0x5220];
	v6 =	vadd.f32 v6, v13;
	v7 =	vmax.f32 v7, $0.0e+00  }
0xd2: {  	[tilespmem:s10+$0x7BB0] =	vst v7;
	v7 =	vld [tilespmem:s10+$0x2AC0];
	v4 =	vadd.f32 v4, v5  }
0xd3: {  	v13 =	vld [tilespmem:s10+$0x5230];
	v5 =	vadd.f32 v32, v6  }
0xd4: {  	v35 =	vld [tilespmem:s10+$0x5280];
	v2 =	vadd.f32 v2, v3;
	v3 =	vadd.f32 v33, v4  }
0xd5: {  	v30 =	vld [tilespmem:s10+$0x3A0];
	v4 =	vmax.f32 v5, $0.0e+00  }
0xd6: {  	v6 =	vld [tilespmem:s10+$0x5290];
	v2 =	vadd.f32 v34, v2;
	v3 =	vmax.f32 v3, $0.0e+00;
	[tilespmem:s10+$0x7A00] =	vst v4;
	v4 =	vadd.f32 v9, v8  }
0xd7: {  	v31 =	vld [tilespmem:s10+$0x2BE0];
	[tilespmem:s10+$0x7A10] =	vst v3;
	v3 =	vadd.f32 v7, v10  }
0xd8: {  	v40 =	vld [tilespmem:s10+$0x52A0];
	v2 =	vmax.f32 v2, $0.0e+00;
	v4 =	vadd.f32 v13, v4  }
0xd9: {  	v5 =	vld [tilespmem:s10+$0x52B0];
	[tilespmem:s10+$0x7A20] =	vst v2;
	v2 =	vadd.f32 v12, v11;
	v3 =	vadd.f32 v35, v3  }
0xda: {  	v8 =	vld [tilespmem:s10+$0x5300];
	v4 =	vmax.f32 v4, $0.0e+00  }
0xdb: {  	v7 =	vld [tilespmem:s10+$0x5310];
	v2 =	vadd.f32 v6, v2;
	v3 =	vmax.f32 v3, $0.0e+00;
	[tilespmem:s10+$0x7A30] =	vst v4;
	v4 =	vadd.f32 v15, v14  }
0xdc: {  	v9 =	vld [tilespmem:s10+$0x5320];
	[tilespmem:s10+$0x7A80] =	vst v3;
	v3 =	vadd.f32 v17, v16  }
0xdd: {  	v11 =	vadd.f32 v19, v18;
	v6 =	vld [tilespmem:s10+$0x5330];
	v2 =	vmax.f32 v2, $0.0e+00;
	v4 =	vadd.f32 v40, v4  }
0xde: {  	v10 =	vld [tilespmem:s10+$0x5380];
	[tilespmem:s10+$0x7A90] =	vst v2;
	v2 =	vadd.f32 v21, v20;
	v3 =	vadd.f32 v5, v3  }
0xdf: {  	v12 =	vadd.f32 v23, v22;
	v8 =	vadd.f32 v8, v11;
	v5 =	vld [tilespmem:s10+$0x5390];
	v4 =	vmax.f32 v4, $0.0e+00  }
0xe0: {  	v3 =	vmax.f32 v3, $0.0e+00;
	v2 =	vadd.f32 v7, v2;
	v7 =	vld [tilespmem:s10+$0x53A0];
	[tilespmem:s10+$0x7AA0] =	vst v4;
	v4 =	vadd.f32 v25, v24  }
0xe1: {  	v11 =	vadd.f32 v27, v26;
	[tilespmem:s10+$0x7AB0] =	vst v3;
	v3 =	vmax.f32 v8, $0.0e+00;
	v8 =	vadd.f32 v9, v12  }
0xe2: {  	v9 =	vadd.f32 v29, v28;
	[tilespmem:s10+$0x7B00] =	vst v3;
	v2 =	vmax.f32 v2, $0.0e+00;
	v3 =	vadd.f32 v6, v4  }
0xe3: {  	v4 =	vadd.f32 v31, v30;
	[tilespmem:s10+$0x7B10] =	vst v2;
	v2 =	vmax.f32 v8, $0.0e+00;
	v6 =	vadd.f32 v10, v11  }
0xe4: {  	[tilespmem:s10+$0x7B20] =	vst v2;
	v2 =	vmax.f32 v3, $0.0e+00;
	v3 =	vadd.f32 v5, v9  }
0xe5: {  	v4 =	vadd.f32 v7, v4;
	[tilespmem:s10+$0x7B30] =	vst v2;
	v2 =	vmax.f32 v6, $0.0e+00  }
0xe6: {  	s19 =	smul.u32 $0x50, s18;
	[tilespmem:s10+$0x7B80] =	vst v2;
	v2 =	vmax.f32 v3, $0.0e+00  }
0xe7: {  	[tilespmem:s10+$0x7B90] =	vst v2;
	v2 =	vmax.f32 v4, $0.0e+00  }
0xe8: {  	[tilespmem:s10+$0x7BA0] =	vst v2;
	s10 =	sadd.s32 s8, s19  }
0xe9: {  	[spmem:s2] =	stream.indirect.scatter.add.f32 [tilespmem:s13], [sflag:$0x7], $0x80, s22, s23, $0xb8;
	[tilespmem:$0x1CA00] =	vst v63  }
0xea: {  	p0 =	slt.s32 s10, $0x4E188  }
0xeb: {  	s10 =	simm.s32 @!p0 $0x4E188  }
0xec: {  	_ =	swait.ge [sflag:s21], $0x1400;
	s10 =	sadd.s32 $0x50, s10  }
0xed: {  	[sflag:s21] =	ssyncset.done $0x0;
	s17 =	sshrl.u32 s10, $0x3  }
0xee: {  	[sflag:s21] =	ssyncadd.s32 $0xFFFFEC00;
	s20 =	sadd.s32 s6, s17  }
0xef: {  	[tilespmem:s24], [sflag:$0x7] =	stream.linear.gather [hbm4b:s20+s24], $0x28, $0x38;
	[tilespmem:$0x1CA00] =	vst v63  }
0xf0: {  	_ =	swait.ge [sflag:s21], $0x28  }
0xf1: {  	[sflag:s21] =	ssyncset.done $0x0  }
0xf2: {  	s17 =	sadd.s32 s7, s17;
	[sflag:s21] =	ssyncadd.s32 $0xFFFFFFD8  }
0xf3: {  	[tilespmem:s22], [sflag:$0x7] =	stream.linear.gather [hbm4b:s17+s24], $0x28, $0x38;
	[tilespmem:$0x1CA00] =	vst v63  }
0xf4: {  	_ =	swait.ge [sflag:s21], $0x28  }
0xf5: {  	[sflag:s21] =	ssyncset.done $0x0  }
0xf6: {  	s20 =	simm.s32 $0x200;
	[sflag:s21] =	ssyncadd.s32 $0xFFFFFFD8  }
0xf7: {  	[tilespmem:s20], [sflag:$0x1] =	stream.indirect.gather [hbm4b:s4+s23], $0x80, s22, s23, $0xb8;
	[tilespmem:$0x1CA00] =	vst v63  }
0xf8: {  	s10 =	sshll.u32 s10, $0x4  }
0xf9: {  	[tilespmem:s25], [sflag:$0x2] =	stream.indirect.gather [hbm4b:s4+s23], $0x80, s24, s23, $0xb8;
	[tilespmem:$0x1CA00] =	vst v63  }
0xfa: {  	s10 =	sadd.s32 s5, s10  }
0xfb: {  	[tilespmem:s26], [sflag:$0x3] =	stream.linear.gather [hbm4b:s10+s24], $0x1400, $0x38;
	[tilespmem:$0x1CA00] =	vst v63  }
0xfc: {  	_ =	swait.ge [sflag:s14], $0x1400  }
0xfd: {  	[sflag:s14] =	ssyncset.done $0x0  }
0xfe: {  	[sflag:s14] =	ssyncadd.s32 $0xFFFFEC00  }
0xff: {  	_ =	swait.ge [sflag:s15], $0x1400  }
0x100: {  	[sflag:s15] =	ssyncset.done $0x0  }
0x101: {  	[sflag:s15] =	ssyncadd.s32 $0xFFFFEC00  }
0x102: {  	_ =	swait.ge [sflag:s16], $0x1400  }
0x103: {  	[sflag:s16] =	ssyncset.done $0x0  }
0x104: {  	s10 =	simm.s32 $0x0;
	[sflag:s16] =	ssyncadd.s32 $0xFFFFEC00  }
0x105: {  	v2 =	vld [tilespmem:s10+$0x17B0]  }
0x106: {  	v3 =	vld [tilespmem:s10+$0x3FF0]  }
0x107: {  	v4 =	vld [tilespmem:s10+$0x1600]  }
0x108: {  	v5 =	vld [tilespmem:s10+$0x67B0]  }
0x109: {  	v6 =	vld [tilespmem:s10+$0x3E40]  }
0x10a: {  	v7 =	vld [tilespmem:s10+$0x1610]  }
0x10b: {  	v8 =	vld [tilespmem:s10+$0x3E50]  }
0x10c: {  	v9 =	vld [tilespmem:s10+$0x3E60]  }
0x10d: {  	v10 =	vld [tilespmem:s10+$0x3E70]  }
0x10e: {  	v11 =	vld [tilespmem:s10+$0x1680]  }
0x10f: {  	v12 =	vld [tilespmem:s10+$0x1690]  }
0x110: {  	v13 =	vld [tilespmem:s10+$0x3ED0]  }
0x111: {  	v14 =	vld [tilespmem:s10+$0x16A0]  }
0x112: {  	v15 =	vld [tilespmem:s10+$0x3EE0]  }
0x113: {  	v41 =	vld [tilespmem:s10+$0x16B0]  }
0x114: {  	v42 =	vld [tilespmem:s10+$0x3EF0]  }
0x115: {  	v43 =	vld [tilespmem:s10+$0x1700]  }
0x116: {  	v44 =	vld [tilespmem:s10+$0x3F40]  }
0x117: {  	v45 =	vld [tilespmem:s10+$0x1710]  }
0x118: {  	v46 =	vld [tilespmem:s10+$0x3F50]  }
0x119: {  	v47 =	vld [tilespmem:s10+$0x1720]  }
0x11a: {  	v48 =	vld [tilespmem:s10+$0x3F60]  }
0x11b: {  	v49 =	vld [tilespmem:s10+$0x1730]  }
0x11c: {  	v50 =	vld [tilespmem:s10+$0x3F70]  }
0x11d: {  	v51 =	vld [tilespmem:s10+$0x1780]  }
0x11e: {  	v52 =	vld [tilespmem:s10+$0x3FC0]  }
0x11f: {  	v53 =	vld [tilespmem:s10+$0x1790]  }
0x120: {  	v54 =	vld [tilespmem:s10+$0x3FD0]  }
0x121: {  	v57 =	vld [tilespmem:s10+$0x6600];
	v2 =	vadd.f32 v3, v2  }
0x122: {  	v59 =	vld [tilespmem:s10+$0x6620]  }
0x123: {  	v3 =	vld [tilespmem:s10+$0x1620];
	v2 =	vadd.f32 v5, v2  }
0x124: {  	v4 =	vadd.f32 v6, v4;
	v5 =	vld [tilespmem:s10+$0x1630]  }
0x125: {  	v6 =	vld [tilespmem:s10+$0x6630];
	v2 =	vmax.f32 v2, $0.0e+00  }
0x126: {  	v4 =	vadd.f32 v57, v4;
	[tilespmem:s10+$0x7BB0] =	vst v2;
	v2 =	vld [tilespmem:s10+$0x3EC0]  }
0x127: {  	v58 =	vld [tilespmem:s10+$0x6610]  }
0x128: {  	v60 =	vld [tilespmem:s10+$0x6680];
	v4 =	vmax.f32 v4, $0.0e+00;
	v3 =	vadd.f32 v9, v3  }
0x129: {  	v55 =	vld [tilespmem:s10+$0x17A0];
	[tilespmem:s10+$0x7A00] =	vst v4;
	v4 =	vadd.f32 v10, v5  }
0x12a: {  	v7 =	vadd.f32 v8, v7;
	v8 =	vld [tilespmem:s10+$0x6690];
	v3 =	vadd.f32 v59, v3  }
0x12b: {  	v61 =	vld [tilespmem:s10+$0x66A0];
	v4 =	vadd.f32 v6, v4;
	v2 =	vadd.f32 v2, v11  }
0x12c: {  	v62 =	vld [tilespmem:s10+$0x66B0];
	v7 =	vadd.f32 v58, v7;
	v3 =	vmax.f32 v3, $0.0e+00  }
0x12d: {  	v10 =	vld [tilespmem:s10+$0x6700];
	[tilespmem:s10+$0x7A20] =	vst v3;
	v3 =	vadd.f32 v13, v12;
	v4 =	vmax.f32 v4, $0.0e+00;
	v2 =	vadd.f32 v60, v2  }
0x12e: {  	v5 =	vmax.f32 v7, $0.0e+00;
	v11 =	vld [tilespmem:s10+$0x6710];
	[tilespmem:s10+$0x7A30] =	vst v4;
	v4 =	vadd.f32 v15, v14  }
0x12f: {  	[tilespmem:s10+$0x7A10] =	vst v5;
	v5 =	vadd.f32 v44, v43;
	v12 =	vld [tilespmem:s10+$0x6720];
	v3 =	vadd.f32 v8, v3;
	v2 =	vmax.f32 v2, $0.0e+00  }
0x130: {  	v56 =	vld [tilespmem:s10+$0x3FE0];
	[tilespmem:s10+$0x7A80] =	vst v2;
	v2 =	vadd.f32 v61, v4;
	v4 =	vadd.f32 v42, v41  }
0x131: {  	v6 =	vld [tilespmem:s10+$0x6730];
	v13 =	vadd.f32 v46, v45;
	v14 =	vadd.f32 v48, v47  }
0x132: {  	v7 =	vld [tilespmem:s10+$0x6780];
	v15 =	vadd.f32 v10, v5;
	v3 =	vmax.f32 v3, $0.0e+00;
	v8 =	vadd.f32 v62, v4  }
0x133: {  	v9 =	vld [tilespmem:s10+$0x6790];
	v5 =	vadd.f32 v54, v53;
	[tilespmem:s10+$0x7A90] =	vst v3;
	v3 =	vadd.f32 v50, v49;
	v2 =	vmax.f32 v2, $0.0e+00  }
0x134: {  	s20 =	simm.s32 $0x200;
	v10 =	vld [tilespmem:s10+$0x67A0];
	v11 =	vadd.f32 v11, v13;
	v12 =	vadd.f32 v12, v14;
	[tilespmem:s10+$0x7AA0] =	vst v2;
	v63 =	vmax.f32 v8, $0.0e+00  }
0x135: {  	s17 =	simm.s32 $0x1000;
	v13 =	vmax.f32 v15, $0.0e+00;
	v4 =	vadd.f32 v52, v51;
	v2 =	vadd.f32 v56, v55;
	v8 =	vld [tilespmem:s20+$0x17B0];
	[tilespmem:s10+$0x7AB0] =	vst v63  }
.LBB2_7:
0x136: {  	p0 =	sne.s32 s17, $0x4800;
	v14 =	vld [tilespmem:s20+$0x3FF0];
	[tilespmem:s10+$0x7B00] =	vst v13;
	v11 =	vmax.f32 v11, $0.0e+00;
	v3 =	vadd.f32 v6, v3  }
0x137: {  	v6 =	vld [tilespmem:s20+$0x1600];
	[tilespmem:s10+$0x7B10] =	vst v11;
	v11 =	vmax.f32 v12, $0.0e+00;
	v4 =	vadd.f32 v7, v4  }
0x138: {  	v7 =	vld [tilespmem:s20+$0x67B0];
	[tilespmem:s10+$0x7B20] =	vst v11;
	v3 =	vmax.f32 v3, $0.0e+00;
	v5 =	vadd.f32 v9, v5  }
0x139: {  	v9 =	vld [tilespmem:s20+$0x3E40];
	[tilespmem:s10+$0x7B30] =	vst v3;
	v3 =	vmax.f32 v4, $0.0e+00;
	v2 =	vadd.f32 v10, v2  }
0x13a: {  	v4 =	vld [tilespmem:s20+$0x1610];
	[tilespmem:s10+$0x7B80] =	vst v3;
	v3 =	vmax.f32 v5, $0.0e+00  }
0x13b: {  	v5 =	vld [tilespmem:s20+$0x3E50];
	v8 =	vadd.f32 v14, v8;
	[tilespmem:s10+$0x7B90] =	vst v3;
	v2 =	vmax.f32 v2, $0.0e+00  }
0x13c: {  	v3 =	vld [tilespmem:s20+$0x1620];
	[tilespmem:s10+$0x7BA0] =	vst v2;
	s10 =	smov.u32 s20  }
0x13d: {  	v2 =	vld [tilespmem:s10+$0x3E60];
	v7 =	vadd.f32 v7, v8  }
0x13e: {  	v6 =	vadd.f32 v9, v6;
	v8 =	vld [tilespmem:s10+$0x1630]  }
0x13f: {  	v9 =	vld [tilespmem:s10+$0x3E70];
	v7 =	vmax.f32 v7, $0.0e+00  }
0x140: {  	v10 =	vadd.f32 v5, v4;
	v4 =	vld [tilespmem:s10+$0x1680];
	[tilespmem:s10+$0x7BB0] =	vst v7  }
0x141: {  	v5 =	vld [tilespmem:s10+$0x3EC0]  }
0x142: {  	v7 =	vadd.f32 v2, v3;
	v2 =	vld [tilespmem:s10+$0x1690]  }
0x143: {  	v3 =	vld [tilespmem:s10+$0x3ED0]  }
0x144: {  	v8 =	vadd.f32 v9, v8;
	v9 =	vld [tilespmem:s10+$0x16A0]  }
0x145: {  	v11 =	vld [tilespmem:s10+$0x3EE0]  }
0x146: {  	v12 =	vadd.f32 v5, v4;
	v4 =	vld [tilespmem:s10+$0x16B0]  }
0x147: {  	v5 =	vld [tilespmem:s10+$0x3EF0]  }
0x148: {  	v13 =	vadd.f32 v3, v2;
	v2 =	vld [tilespmem:s10+$0x1700]  }
0x149: {  	v3 =	vld [tilespmem:s10+$0x3F40]  }
0x14a: {  	v9 =	vadd.f32 v11, v9;
	v11 =	vld [tilespmem:s10+$0x1710]  }
0x14b: {  	v14 =	vld [tilespmem:s10+$0x3F50]  }
0x14c: {  	v15 =	vadd.f32 v5, v4;
	v4 =	vld [tilespmem:s10+$0x1720]  }
0x14d: {  	v5 =	vld [tilespmem:s10+$0x3F60]  }
0x14e: {  	v16 =	vadd.f32 v3, v2;
	v2 =	vld [tilespmem:s10+$0x1730]  }
0x14f: {  	v3 =	vld [tilespmem:s10+$0x3F70]  }
0x150: {  	v11 =	vadd.f32 v14, v11;
	v14 =	vld [tilespmem:s10+$0x1780]  }
0x151: {  	v17 =	vld [tilespmem:s10+$0x3FC0]  }
0x152: {  	v18 =	vadd.f32 v5, v4;
	v5 =	vld [tilespmem:s10+$0x1790]  }
0x153: {  	v19 =	vld [tilespmem:s10+$0x3FD0]  }
0x154: {  	v3 =	vadd.f32 v3, v2;
	v2 =	vld [tilespmem:s10+$0x17A0]  }
0x155: {  	v20 =	vld [tilespmem:s10+$0x3FE0]  }
0x156: {  	v21 =	vld [tilespmem:s10+$0x6600];
	v4 =	vadd.f32 v17, v14  }
0x157: {  	v14 =	vld [tilespmem:s10+$0x6610]  }
0x158: {  	v17 =	vld [tilespmem:s10+$0x6620];
	v5 =	vadd.f32 v19, v5  }
0x159: {  	v19 =	vld [tilespmem:s10+$0x6630]  }
0x15a: {  	v22 =	vld [tilespmem:s10+$0x6680];
	v2 =	vadd.f32 v20, v2  }
0x15b: {  	v6 =	vadd.f32 v21, v6;
	v20 =	vld [tilespmem:s10+$0x6690]  }
0x15c: {  	v10 =	vadd.f32 v14, v10;
	v14 =	vld [tilespmem:s10+$0x66A0]  }
0x15d: {  	v6 =	vmax.f32 v6, $0.0e+00;
	v7 =	vadd.f32 v17, v7;
	v17 =	vld [tilespmem:s10+$0x66B0]  }
0x15e: {  	[tilespmem:s10+$0x7A00] =	vst v6;
	v6 =	vmax.f32 v10, $0.0e+00;
	v8 =	vadd.f32 v19, v8;
	v10 =	vld [tilespmem:s10+$0x6700]  }
0x15f: {  	[tilespmem:s10+$0x7A10] =	vst v6;
	v6 =	vmax.f32 v7, $0.0e+00;
	v7 =	vadd.f32 v22, v12;
	v12 =	vld [tilespmem:s10+$0x6710]  }
0x160: {  	[tilespmem:s10+$0x7A20] =	vst v6;
	v6 =	vmax.f32 v8, $0.0e+00;
	v8 =	vadd.f32 v20, v13;
	v19 =	vld [tilespmem:s10+$0x6720]  }
.Ltmp2:
0x161: {  	[tilespmem:s10+$0x7A30] =	vst v6;
	v7 =	vmax.f32 v7, $0.0e+00;
	v9 =	vadd.f32 v14, v9;
	v6 =	vld [tilespmem:s10+$0x6730];
	(pc) =	sbr.rel @p0 .LBB2_7-.Ltmp2, $4  }
0x162: {  	[tilespmem:s10+$0x7A80] =	vst v7;
	v8 =	vmax.f32 v8, $0.0e+00;
	v13 =	vadd.f32 v17, v15;
	v7 =	vld [tilespmem:s10+$0x6780]  }
0x163: {  	[tilespmem:s10+$0x7A90] =	vst v8;
	v8 =	vmax.f32 v9, $0.0e+00;
	v14 =	vadd.f32 v10, v16;
	v9 =	vld [tilespmem:s10+$0x6790]  }
0x164: {  	s20 =	sshra.s32 s17, $0x2;
	[tilespmem:s10+$0x7AA0] =	vst v8;
	v13 =	vmax.f32 v13, $0.0e+00;
	v11 =	vadd.f32 v12, v11;
	v10 =	vld [tilespmem:s10+$0x67A0]  }
0x165: {  	s17 =	sadd.s32 $0x800, s17;
	v8 =	vld [tilespmem:s20+$0x17B0];
	[tilespmem:s10+$0x7AB0] =	vst v13;
	v13 =	vmax.f32 v14, $0.0e+00;
	v12 =	vadd.f32 v19, v18  }
0x166: {  	v14 =	vld [tilespmem:s20+$0x3FF0];
	[tilespmem:s10+$0x7B00] =	vst v13;
	v11 =	vmax.f32 v11, $0.0e+00;
	v3 =	vadd.f32 v6, v3  }
0x167: {  	v13 =	vld [tilespmem:s20+$0x1600];
	[tilespmem:s10+$0x7B10] =	vst v11;
	v59 =	vmax.f32 v12, $0.0e+00  }
0x168: {  	v4 =	vadd.f32 v7, v4;
	v11 =	vld [tilespmem:s20+$0x67B0];
	[tilespmem:s10+$0x7B20] =	vst v59;
	v3 =	vmax.f32 v3, $0.0e+00  }
0x169: {  	v6 =	vld [tilespmem:s20+$0x3E40];
	[tilespmem:s10+$0x7B30] =	vst v3;
	v3 =	vadd.f32 v9, v5  }
0x16a: {  	v4 =	vmax.f32 v4, $0.0e+00;
	v2 =	vadd.f32 v10, v2  }
0x16b: {  	v60 =	vld [tilespmem:s20+$0x1610];
	[tilespmem:s10+$0x7B80] =	vst v4;
	v3 =	vmax.f32 v3, $0.0e+00  }
0x16c: {  	v4 =	vld [tilespmem:s20+$0x3E50];
	v2 =	vmax.f32 v2, $0.0e+00;
	[tilespmem:s10+$0x7B90] =	vst v3  }
0x16d: {  	v3 =	vld [tilespmem:s20+$0x1620];
	[tilespmem:s10+$0x7BA0] =	vst v2  }
0x16e: {  	v2 =	vld [tilespmem:s20+$0x3E60]  }
0x16f: {  	v62 =	vld [tilespmem:s20+$0x1630]  }
0x170: {  	v63 =	vld [tilespmem:s20+$0x3E70]  }
0x171: {  	v36 =	vld [tilespmem:s20+$0x1680]  }
0x172: {  	v37 =	vld [tilespmem:s20+$0x3EC0]  }
0x173: {  	v38 =	vld [tilespmem:s20+$0x1690]  }
0x174: {  	v39 =	vld [tilespmem:s20+$0x3ED0]  }
0x175: {  	v40 =	vld [tilespmem:s20+$0x16A0]  }
0x176: {  	v15 =	vld [tilespmem:s20+$0x3EE0]  }
0x177: {  	v16 =	vld [tilespmem:s20+$0x16B0]  }
0x178: {  	v17 =	vld [tilespmem:s20+$0x3EF0]  }
0x179: {  	v18 =	vld [tilespmem:s20+$0x1700]  }
0x17a: {  	v19 =	vld [tilespmem:s20+$0x3F40]  }
0x17b: {  	v20 =	vld [tilespmem:s20+$0x1710]  }
0x17c: {  	v21 =	vld [tilespmem:s20+$0x3F50]  }
0x17d: {  	v22 =	vld [tilespmem:s20+$0x1720]  }
0x17e: {  	v23 =	vld [tilespmem:s20+$0x3F60]  }
0x17f: {  	v24 =	vld [tilespmem:s20+$0x1730]  }
0x180: {  	v25 =	vld [tilespmem:s20+$0x3F70]  }
0x181: {  	v26 =	vld [tilespmem:s20+$0x1780]  }
0x182: {  	v27 =	vld [tilespmem:s20+$0x3FC0]  }
0x183: {  	v28 =	vld [tilespmem:s20+$0x1790]  }
0x184: {  	v33 =	vld [tilespmem:s20+$0x6610]  }
0x185: {  	v29 =	vld [tilespmem:s20+$0x3FD0]  }
0x186: {  	v34 =	vld [tilespmem:s20+$0x6620]  }
0x187: {  	v30 =	vld [tilespmem:s20+$0x17A0];
	v4 =	vadd.f32 v4, v60  }
0x188: {  	v31 =	vld [tilespmem:s20+$0x3FE0]  }
0x189: {  	v35 =	vld [tilespmem:s20+$0x6680];
	v2 =	vadd.f32 v2, v3;
	v3 =	vadd.f32 v33, v4  }
0x18a: {  	v41 =	vld [tilespmem:s20+$0x6630]  }
0x18b: {  	v61 =	vadd.f32 v14, v8;
	v43 =	vld [tilespmem:s20+$0x6690];
	v2 =	vadd.f32 v34, v2;
	v3 =	vmax.f32 v3, $0.0e+00  }
0x18c: {  	v32 =	vld [tilespmem:s20+$0x6600];
	[tilespmem:s20+$0x7A10] =	vst v3;
	v3 =	vadd.f32 v37, v36  }
0x18d: {  	v7 =	vadd.f32 v11, v61;
	v44 =	vld [tilespmem:s20+$0x66A0];
	v47 =	vadd.f32 v63, v62;
	v2 =	vmax.f32 v2, $0.0e+00  }
0x18e: {  	v46 =	vld [tilespmem:s20+$0x66B0];
	[tilespmem:s20+$0x7A20] =	vst v2;
	v2 =	vadd.f32 v39, v38;
	v3 =	vadd.f32 v35, v3  }
0x18f: {  	v6 =	vadd.f32 v6, v13;
	v48 =	vld [tilespmem:s20+$0x6700];
	v7 =	vmax.f32 v7, $0.0e+00;
	v4 =	vadd.f32 v41, v47  }
0x190: {  	v49 =	vld [tilespmem:s20+$0x6710];
	[tilespmem:s20+$0x7BB0] =	vst v7;
	v51 =	vadd.f32 v15, v40;
	v2 =	vadd.f32 v43, v2;
	v3 =	vmax.f32 v3, $0.0e+00  }
0x191: {  	v50 =	vld [tilespmem:s20+$0x6720];
	v42 =	vadd.f32 v32, v6;
	v4 =	vmax.f32 v4, $0.0e+00;
	[tilespmem:s20+$0x7A80] =	vst v3;
	v3 =	vadd.f32 v17, v16  }
0x192: {  	v52 =	vld [tilespmem:s20+$0x6730];
	v54 =	vadd.f32 v19, v18;
	[tilespmem:s20+$0x7A30] =	vst v4;
	v4 =	vadd.f32 v44, v51;
	v2 =	vmax.f32 v2, $0.0e+00  }
0x193: {  	v53 =	vld [tilespmem:s20+$0x6780];
	v45 =	vmax.f32 v42, $0.0e+00;
	[tilespmem:s20+$0x7A90] =	vst v2;
	v2 =	vadd.f32 v21, v20;
	v3 =	vadd.f32 v46, v3  }
0x194: {  	v55 =	vld [tilespmem:s20+$0x6790];
	v56 =	vadd.f32 v23, v22;
	v8 =	vadd.f32 v48, v54;
	[tilespmem:s20+$0x7A00] =	vst v45;
	v4 =	vmax.f32 v4, $0.0e+00  }
0x195: {  	v58 =	vld [tilespmem:s20+$0x67A0];
	v57 =	vadd.f32 v25, v24;
	[tilespmem:s20+$0x7AA0] =	vst v4;
	v3 =	vmax.f32 v3, $0.0e+00;
	v2 =	vadd.f32 v49, v2  }
0x196: {  	v59 =	vadd.f32 v27, v26;
	v60 =	vadd.f32 v50, v56;
	[tilespmem:s20+$0x7AB0] =	vst v3;
	v3 =	vmax.f32 v8, $0.0e+00  }
0x197: {  	v61 =	vadd.f32 v29, v28;
	[tilespmem:s20+$0x7B00] =	vst v3;
	v2 =	vmax.f32 v2, $0.0e+00;
	v3 =	vadd.f32 v52, v57  }
0x198: {  	v62 =	vadd.f32 v31, v30;
	v63 =	vadd.f32 v53, v59;
	[tilespmem:s20+$0x7B10] =	vst v2;
	v2 =	vmax.f32 v60, $0.0e+00  }
0x199: {  	[tilespmem:s20+$0x7B20] =	vst v2;
	v2 =	vmax.f32 v3, $0.0e+00;
	v3 =	vadd.f32 v55, v61  }
0x19a: {  	v4 =	vadd.f32 v58, v62;
	[tilespmem:s20+$0x7B30] =	vst v2;
	v2 =	vmax.f32 v63, $0.0e+00  }
0x19b: {  	s10 =	sadd.s32 s19, s11;
	[tilespmem:s20+$0x7B80] =	vst v2;
	v2 =	vmax.f32 v3, $0.0e+00  }
0x19c: {  	p0 =	slt.s32 s10, $0x4E188;
	[tilespmem:s20+$0x7B90] =	vst v2;
	v2 =	vmax.f32 v4, $0.0e+00  }
0x19d: {  	s10 =	simm.s32 @!p0 $0x4E188;
	[tilespmem:s20+$0x7BA0] =	vst v2  }
0x19e: {  	[spmem:s2] =	stream.indirect.scatter.add.f32 [tilespmem:s13], [sflag:$0x7], $0x80, s29, s23, $0xb8;
	[tilespmem:$0x1CA00] =	vst v63  }
0x19f: {  	s10 =	sadd.s32 $0x50, s10;
	_ =	swait.ge [sflag:s21], $0x1400  }
0x1a0: {  	s17 =	sshrl.u32 s10, $0x3;
	[sflag:s21] =	ssyncset.done $0x0  }
0x1a1: {  	s20 =	sadd.s32 s6, s17;
	[sflag:s21] =	ssyncadd.s32 $0xFFFFEC00  }
0x1a2: {  	[tilespmem:s28], [sflag:$0x7] =	stream.linear.gather [hbm4b:s20+s3], $0x28, $0x38;
	[tilespmem:$0x1CA00] =	vst v63  }
0x1a3: {  	_ =	swait.ge [sflag:s21], $0x28  }
0x1a4: {  	[sflag:s21] =	ssyncset.done $0x0  }
0x1a5: {  	s17 =	sadd.s32 s7, s17;
	[sflag:s21] =	ssyncadd.s32 $0xFFFFFFD8  }
0x1a6: {  	[tilespmem:s29], [sflag:$0x7] =	stream.linear.gather [hbm4b:s17+s3], $0x28, $0x38;
	[tilespmem:$0x1CA00] =	vst v63  }
0x1a7: {  	_ =	swait.ge [sflag:s21], $0x28  }
0x1a8: {  	s18 =	sadd.s32 $0x1, s18;
	[sflag:s21] =	ssyncset.done $0x0  }
0x1a9: {  	p0 =	sne.s32 s18, $0x7D;
	[sflag:s21] =	ssyncadd.s32 $0xFFFFFFD8  }
0x1aa: {  	[tilespmem:s30], [sflag:$0x4] =	stream.indirect.gather [hbm4b:s4+s23], $0x80, s29, s23, $0xb8;
	[tilespmem:$0x1CA00] =	vst v63  }
.Ltmp3:
0x1ab: {  	_ = 	snop;
	(pc) =	sbr.rel @p0 .LBB2_4-.Ltmp3, $4  }
0x1ac: {  	s10 =	sshll.u32 s10, $0x4  }
0x1ad: {  	[tilespmem:s31], [sflag:$0x5] =	stream.indirect.gather [hbm4b:s4+s23], $0x80, s28, s23, $0xb8;
	[tilespmem:$0x1CA00] =	vst v63  }
0x1ae: {  	s10 =	sadd.s32 s5, s10  }
0x1af: {  	[tilespmem:s0], [sflag:$0x6] =	stream.linear.gather [hbm4b:s10+s3], $0x1400, $0x38;
	[tilespmem:$0x1CA00] =	vst v63  }
0x1b0: {  	_ =	swait.ge [sflag:s1], $0x1400  }
0x1b1: {  	[sflag:s1] =	ssyncset.done $0x0  }
0x1b2: {  	[sflag:s1] =	ssyncadd.s32 $0xFFFFEC00  }
0x1b3: {  	_ =	swait.ge [sflag:s9], $0x1400  }
0x1b4: {  	[sflag:s9] =	ssyncset.done $0x0  }
0x1b5: {  	[sflag:s9] =	ssyncadd.s32 $0xFFFFEC00  }
0x1b6: {  	_ =	swait.ge [sflag:s12], $0x1400  }
0x1b7: {  	[sflag:s12] =	ssyncset.done $0x0  }
0x1b8: {  	[sflag:s12] =	ssyncadd.s32 $0xFFFFEC00  }
0x1b9: {  	_ =	swait.ge [sflag:s14], $0x1400  }
0x1ba: {  	[sflag:s14] =	ssyncset.done $0x0  }
0x1bb: {  	[sflag:s14] =	ssyncadd.s32 $0xFFFFEC00  }
0x1bc: {  	_ =	swait.ge [sflag:s15], $0x1400  }
0x1bd: {  	[sflag:s15] =	ssyncset.done $0x0  }
0x1be: {  	[sflag:s15] =	ssyncadd.s32 $0xFFFFEC00  }
0x1bf: {  	_ =	swait.ge [sflag:s16], $0x1400  }
0x1c0: {  	[sflag:s16] =	ssyncset.done $0x0  }
0x1c1: {  	[sflag:s16] =	ssyncadd.s32 $0xFFFFEC00  }
0x1c2: {  	[bflag:$0x0] =	sbarrier.arrive $0xFFFF  }
0x1c3: {  	s17 =	rddreg [dreg:$0x4]  }
0x1c4: {  	s10 =	rddreg [dreg:$0xb]  }
0x1c5: {  	s18 =	rddreg [dreg:$0xd]  }
0x1c6: {  	[hbm:s10], [sflag:s17] =	dma.local [spmem:s18], $0x2780  }
0x1c7: {  	_ =	swait.ge [sflag:s21], $0x2780  }
0x1c8: {  	s19 =	rddreg [dreg:$0xe]  }
0x1c9: {  	s20 =	rddreg [dreg:$0xc];
	s19 =	sadd.s32 $0x1, s19  }
0x1ca: {  	p0 =	sne.s32 s19, s20  }
.Ltmp4:
0x1cb: {  	_ = 	snop;
	(pc) =	sbr.rel @p0 .LBB2_1-.Ltmp4, $3  }
0x1cc: {  	_ =	sdelay $0x1  }
0x1cd: {  	[sflag:s21] =	ssyncset.done $0x0  }
0x1ce: {  	[sflag:s21] =	ssyncadd.s32 $0xFFFFD880  }
0x1cf: {  	_ =	sfence.sel $0x180000  }
0x1d0: {  	[bflag:$0x0] =	sbarrier.arrive $0xFFFF  }
0x1d1: {  	_ =	strace $0x90000047  }
0x1d2: {  	s0 =	stileid.u32;
	[bflag:$0x2] =	sbarrier.arrive $0xFFFF  }
0x1d3: {  	p0 =	sne.s32 s0, $0x0;
	s0 =	rddreg [dreg:$0x2]  }
0x1d4: {  	s0 =	sadd.s32 @!p0 $0x100000, s0  }
0x1d5: {  	[sflag:s0] =	ssyncadd.tile.s32 @!p0 $0x1;
	_ =	shalt  }
.Lfunc_end2:
_tile_overlayer_lowered:
.L_overlay_start_2:
0x1d6: {  	(tag) =	ssettag $0x2  }
0x1d7: {  	s0 =	rddreg [dreg:$0x0];
	s2 =	stileid.u32  }
0x1d8: {  	s1 =	rddreg [dreg:$0x1];
	p0 =	sne.s32 s2, $0x0  }
0x1d9: {  	s3 =	rddreg [dreg:$0x2];
	[bflag:$0x3] =	sbarrier.arrive $0xFFFF;
	s2 =	simm.s32 @!p0 $0x1C07  }
0x1da: {  	[timem:s3], [sflag:s2] =	dma.local @!p0 [hbm:s0], s1  }
0x1db: {  	s0 =	simm.s32 @!p0 $0x7  }
0x1dc: {  	_ =	swait.ge @!p0 [sflag:s0], s1  }
0x1dd: {  	s1 =	ssub.s32 @!p0 $0x0, s1;
	[sflag:s0] =	ssyncset.done @!p0 $0x0  }
0x1de: {  	[sflag:s0] =	ssyncadd.s32 @!p0 s1  }
0x1df: {  	[bflag:$0x3] =	sbarrier.arrive $0xFFFF  }
0x1e0: {  	_ =	shalt  }

</sc_bundles>
